<compile_context>
chip_gen: v7x
topology: tpu7x:2x2x1
jax: 0.10.2.dev20260603
libtpu: 0.0.44.dev20260713+nightly
codegen_flags: <defaults>
</compile_context>

<pallas_src>
import jax
import jax.numpy as jnp
import numpy as np
from jax.experimental import pallas as pl
from jax.experimental.pallas import tpu as pltpu
from jax.experimental.pallas import tpu_sc as plsc

N = 16384
K = 64

_LR_EDGE = np.float32(0.05)
_ONE_MINUS_LR_EDGE = np.float32(1.0 - 0.05)
_ENERGY = np.float32(0.98)
_EPS = np.float32(1e-6)

_E_CACHE = None


def _gumbel_exp():
    global _E_CACHE
    if _E_CACHE is None:
        keys = jax.random.split(jax.random.key(1), K)
        g = jax.vmap(lambda k: jax.random.gumbel(k, (N,), jnp.float32))(keys)
        _E_CACHE = jnp.exp(g)
    return _E_CACHE



_NW = 16
_RPW = K // _NW
_SL = N // _NW
_L = 16


def _sc_iota():
    return jax.lax.broadcasted_iota(jnp.int32, (_L,), 0)


def _scalar0(x):
    return jax.lax.squeeze(jax.lax.slice(x, (0,), (1,)), (0,))


def _bf_allmax(x, buf_ref):
    for st in (8, 4, 2, 1):
        buf_ref[pl.ds(0, _L)] = x
        buf_ref[pl.ds(_L, _L)] = x
        x = jnp.maximum(x, buf_ref[pl.ds(st, _L)])
    return x


def _bf_allmin(x, buf_ref):
    for st in (8, 4, 2, 1):
        buf_ref[pl.ds(0, _L)] = x
        buf_ref[pl.ds(_L, _L)] = x
        x = jnp.minimum(x, buf_ref[pl.ds(st, _L)])
    return x


_U = 4


def _sc_scan_row(wrow_ref, erow_ref, buf_ref, bufi_ref):
    io = _sc_iota()

    def chunk(c, carry):
        out = []
        base = c * (_U * _L)
        for u in range(_U):
            rm, ri = carry[2 * u], carry[2 * u + 1]
            off = base + u * _L
            wv = wrow_ref[pl.ds(off, _L)]
            ev = erow_ref[pl.ds(off, _L)]
            sc = (jnp.maximum(wv, 0.0) + _EPS) * ev
            upd = sc > rm
            out.append(jnp.where(upd, sc, rm))
            out.append(jnp.where(upd, off + io, ri))
        return tuple(out)

    init = (jnp.full((_L,), -1.0, jnp.float32), jnp.zeros((_L,), jnp.int32)) * _U
    carry = jax.lax.fori_loop(0, N // (_U * _L), chunk, init)
    rm, ri = carry[0], carry[1]
    for u in range(1, _U):
        rmb, rib = carry[2 * u], carry[2 * u + 1]
        upd = (rmb > rm) | ((rmb == rm) & (rib < ri))
        rm = jnp.where(upd, rmb, rm)
        ri = jnp.where(upd, rib, ri)
    gm = _bf_allmax(rm, buf_ref)
    cand = jnp.where(rm == gm, ri, N)
    return _scalar0(_bf_allmin(cand, bufi_ref))


def _sc_kernel(w_hbm, e_hbm, noise_hbm, pos_out, s_out,
               wrow, erow, wrow2, erow2, nchunk, schunk, cand16, wtoploc,
               wtopf, candall, posv, posl, buf, bufi, dsem,
               sh_cand, sh_wtop, sh_pos,
               cnt, sflag, modval, posarr, candarr):
    c = jax.lax.axis_index("c")
    wid = jax.lax.axis_index("s")
    io = _sc_iota()

    @pl.when(c == 0)
    def _phase_a():
        bufs = [(wrow, erow), (wrow2, erow2)]
        r0 = wid * _RPW
        pend = [pltpu.async_copy(w_hbm.at[r0], wrow, dsem),
                pltpu.async_copy(e_hbm.at[r0], erow, dsem)]
        cands = []
        for k in range(_RPW):
            r = wid * _RPW + k
            wb, eb = bufs[k % 2]
            for h in pend:
                h.wait()
            if k + 1 < _RPW:
                nwb, neb = bufs[(k + 1) % 2]
                pend = [pltpu.async_copy(w_hbm.at[r + 1], nwb, dsem),
                        pltpu.async_copy(e_hbm.at[r + 1], neb, dsem)]
            for c4 in range(K // _L):
                wtoploc[pl.ds(c4 * _L, _L)] = wb[pl.ds(c4 * _L, _L)]
            pltpu.sync_copy(wtoploc, sh_wtop.at[pl.ds(r * K, K)])
            cands.append(_sc_scan_row(wb, eb, buf, bufi))
        cv = jnp.zeros((_L,), jnp.int32)
        for k in range(_RPW):
            cv = jnp.where(io == k, cands[k], cv)
        cand16[...] = cv
        pltpu.sync_copy(cand16, sh_cand.at[pl.ds(wid * _L, _L)])

        base = wid * _SL
        pltpu.sync_copy(noise_hbm.at[pl.ds(base, _SL)], nchunk)

        def sig_body(cc, _):
            off = cc * _L
            x = nchunk[pl.ds(off, _L)]
            sv = 1.0 / (1.0 + jnp.exp(-x))
            gidx = base + off + io
            schunk[pl.ds(off, _L)] = jnp.where(gidx < K, 1.0, sv)
            return 0

        jax.lax.fori_loop(0, _SL // _L, sig_body, 0)

    plsc.subcore_barrier()

    @pl.when((c == 0) & (wid == 0))
    def _walk():
        pltpu.sync_copy(sh_cand, candall)
        pltpu.sync_copy(sh_wtop, wtopf)
        for r in range(K):
            candarr[r] = _scalar0(
                candall[pl.ds((r // _RPW) * _L + (r % _RPW), _L)])

        def initb(j, _):
            cnt[j] = 0
            sflag[j] = jnp.float32(1.0)
            return 0

        jax.lax.fori_loop(0, K, initb, 0)

        def wbody(i, _):
            @pl.when(cnt[i] > 0)
            def _rescan():
                pltpu.sync_copy(w_hbm.at[i], wrow)
                pltpu.sync_copy(e_hbm.at[i], erow)

                def modb(j, _):
                    @pl.when((j < i) & (posarr[j] == i))
                    def _patch():
                        off = (j // _L) * _L
                        ch = wrow[pl.ds(off, _L)]
                        wrow[pl.ds(off, _L)] = jnp.where(
                            io == j - off, modval[j], ch)
                    return 0

                jax.lax.fori_loop(0, K, modb, 0)
                candarr[i] = _sc_scan_row(wrow, erow, buf, bufi)

            nxt = candarr[i]
            posarr[i] = nxt

            @pl.when(nxt < K)
            def _mod():
                wni = _scalar0(wtopf[pl.ds(nxt * K + i, _L)])
                modval[i] = wni * _ONE_MINUS_LR_EDGE + sflag[i] * _LR_EDGE
                cnt[nxt] = cnt[nxt] + 1
                sflag[nxt] = _ENERGY

            return 0

        jax.lax.fori_loop(0, K, wbody, 0)

        for c4 in range(K // _L):
            v = jnp.zeros((_L,), jnp.int32)
            for l in range(_L):
                v = jnp.where(io == l, posarr[c4 * _L + l], v)
            posv[pl.ds(c4 * _L, _L)] = v
        pltpu.sync_copy(posv, pos_out)
        pltpu.sync_copy(posv, sh_pos.at[pl.ds(0, K)])

    plsc.subcore_barrier()

    @pl.when(c == 0)
    def _phase_c():
        pltpu.sync_copy(sh_pos, posl)
        base = wid * _SL

        def pc(j, _):
            p = _scalar0(posl[pl.ds(j, _L)])
            rel = p - base

            @pl.when((rel >= 0) & (rel < _SL))
            def _patch():
                o2 = (rel // _L) * _L
                sch = schunk[pl.ds(o2, _L)]
                schunk[pl.ds(o2, _L)] = jnp.where(io == rel - o2, _ENERGY, sch)
            return 0

        jax.lax.fori_loop(0, K, pc, 0)
        pltpu.sync_copy(schunk, s_out.at[pl.ds(base, _SL)])


@jax.jit
def _run_sc(W, noise):
    e = _gumbel_exp()
    mesh = plsc.VectorSubcoreMesh(core_axis_name="c", subcore_axis_name="s",
                                  num_cores=2, num_subcores=16)
    f = pl.kernel(
        _sc_kernel,
        out_type=[
            jax.ShapeDtypeStruct((K,), jnp.int32),
            jax.ShapeDtypeStruct((N,), jnp.float32),
        ],
        mesh=mesh,
        scratch_types=[
            pltpu.VMEM((N,), jnp.float32),
            pltpu.VMEM((N,), jnp.float32),
            pltpu.VMEM((N,), jnp.float32),
            pltpu.VMEM((N,), jnp.float32),
            pltpu.VMEM((_SL,), jnp.float32),
            pltpu.VMEM((_SL,), jnp.float32),
            pltpu.VMEM((_L,), jnp.int32),
            pltpu.VMEM((K,), jnp.float32),
            pltpu.VMEM((K * K + _L,), jnp.float32),
            pltpu.VMEM((_NW * _L + _L,), jnp.int32),
            pltpu.VMEM((K,), jnp.int32),
            pltpu.VMEM((K + _L,), jnp.int32),
            pltpu.VMEM((2 * _L,), jnp.float32),
            pltpu.VMEM((2 * _L,), jnp.int32),
            pltpu.SemaphoreType.DMA,
            pltpu.VMEM_SHARED((_NW * _L + _L,), jnp.int32),
            pltpu.VMEM_SHARED((K * K + _L,), jnp.float32),
            pltpu.VMEM_SHARED((K + _L,), jnp.int32),
            pltpu.SMEM((K,), jnp.int32),
            pltpu.SMEM((K,), jnp.float32),
            pltpu.SMEM((K,), jnp.float32),
            pltpu.SMEM((K,), jnp.int32),
            pltpu.SMEM((K,), jnp.int32),
        ],
    )
    pos, s = f(W, e, noise)
    return pos, s


def kernel(W, s, noise, spark_pos, spark_energy, spark_age):
    return _run_sc(W, noise)

# --- scband reference (transcript-rebuilt; emitter-appended) ---
"""Pipeline reference for scband-multi-spark-19997367730506 (READ-ONLY COPY).

The authoritative reference and input builder live on the scoring server;
editing this copy changes nothing except your own understanding.
"""

import jax, jax.numpy as jnp
import numpy as np

LR_EDGE = 0.05
LR_GLOBAL_DECAY = 0.001
NOISE_STD = 0.05
SPARK_ENERGY_DECAY = 0.98
SPARK_FORCE_STEPS = 5
SPARK_MIN_ENERGY = 0.05
STATE_DECAY = 0.95

N = 16384
K = 64


def setup_inputs(seed: int = 0) -> dict:
    key = jax.random.key(seed)
    k1, k2 = jax.random.split(key)
    W = 0.1 * jax.random.normal(k1, (N, N), dtype=jnp.float32)
    s = jnp.zeros((N,), dtype=jnp.float32)
    noise = NOISE_STD * jax.random.normal(k2, (N,), dtype=jnp.float32)
    spark_pos = (jnp.arange(K) % N).astype(jnp.int32)
    spark_energy = jnp.ones((K,), dtype=jnp.float32)
    spark_age = jnp.zeros((K,), dtype=jnp.int32)
    return {"W": W, "s": s, "noise": noise, "spark_pos": spark_pos,
            "spark_energy": spark_energy, "spark_age": spark_age}


def reference(W, s, noise, spark_pos, spark_energy, spark_age):
    # state decay + noisy recurrent update
    s = s * STATE_DECAY
    s = jax.nn.sigmoid(W @ s + noise)
    # force young sparks to 1.0 (sequential, matching torch loop semantics)
    for i in range(K):
        s = jnp.where(spark_age[i] < SPARK_FORCE_STEPS,
                      s.at[spark_pos[i]].set(1.0), s)
    keys = jax.random.split(jax.random.key(1), K)
    for i in range(K):
        prev = spark_pos[i]
        row = W[prev, :]
        weights = jax.nn.relu(row) + 1e-6
        probs = weights / weights.sum()
        nxt = jax.random.categorical(keys[i], jnp.log(probs))
        new_w = W[nxt, prev] * (1 - LR_EDGE) + s[prev] * LR_EDGE
        W = W.at[nxt, prev].set(new_w)
        e = spark_energy[i] * SPARK_ENERGY_DECAY
        s = s.at[nxt].set(e)
        new_age = spark_age[i] + 1
        reset = e < SPARK_MIN_ENERGY
        spark_pos = spark_pos.at[i].set(jnp.where(reset, jnp.int32(i % N), nxt.astype(jnp.int32)))
        spark_energy = spark_energy.at[i].set(jnp.where(reset, 1.0, e))
        spark_age = spark_age.at[i].set(jnp.where(reset, 0, new_age))
    W = W * (1 - LR_GLOBAL_DECAY)
    W = jnp.clip(W, -2.0, 2.0)
    return (spark_pos, s)

if __name__ == "__main__":
    import jax
    _d = setup_inputs()
    print(jax.jit(kernel)(*tuple(_d.values())))

</pallas_src>

<mosaic_0001>
#map = affine_map<(d0, d1) -> (0, 0)>
#map1 = affine_map<(d0, d1) -> (0)>
module attributes {stable_mosaic.version = 14 : i64} {
  func.func @_sc_kernel(%arg0: i32, %arg1: i32, %arg2: memref<16384x16384xf32, #tpu.memory_space<hbm>>, %arg3: memref<64x16384xf32, #tpu.memory_space<hbm>>, %arg4: memref<16384xf32, #tpu.memory_space<hbm>>, %arg5: memref<64xi32, #tpu.memory_space<hbm>>, %arg6: memref<16384xf32, #tpu.memory_space<hbm>>, %arg7: memref<16384xf32, #tpu.memory_space<vmem>>, %arg8: memref<16384xf32, #tpu.memory_space<vmem>>, %arg9: memref<16384xf32, #tpu.memory_space<vmem>>, %arg10: memref<16384xf32, #tpu.memory_space<vmem>>, %arg11: memref<1024xf32, #tpu.memory_space<vmem>>, %arg12: memref<1024xf32, #tpu.memory_space<vmem>>, %arg13: memref<16xi32, #tpu.memory_space<vmem>>, %arg14: memref<64xf32, #tpu.memory_space<vmem>>, %arg15: memref<4112xf32, #tpu.memory_space<vmem>>, %arg16: memref<272xi32, #tpu.memory_space<vmem>>, %arg17: memref<64xi32, #tpu.memory_space<vmem>>, %arg18: memref<80xi32, #tpu.memory_space<vmem>>, %arg19: memref<32xf32, #tpu.memory_space<vmem>>, %arg20: memref<32xi32, #tpu.memory_space<vmem>>, %arg21: memref<!tpu.dma_semaphore, #tpu.memory_space<semaphore_mem>>, %arg22: memref<272xi32, #tpu.memory_space<vmem_shared>>, %arg23: memref<4112xf32, #tpu.memory_space<vmem_shared>>, %arg24: memref<80xi32, #tpu.memory_space<vmem_shared>>, %arg25: memref<64xi32, #tpu.memory_space<smem>>, %arg26: memref<64xf32, #tpu.memory_space<smem>>, %arg27: memref<64xf32, #tpu.memory_space<smem>>, %arg28: memref<64xi32, #tpu.memory_space<smem>>, %arg29: memref<64xi32, #tpu.memory_space<smem>>) attributes {dimension_semantics = [#tpu.dimension_semantics<core_parallel>, #tpu.dimension_semantics<subcore_parallel>], iteration_bounds = array<i64: 2, 16>, scalar_prefetch = 0 : i64, scratch_operands = 23 : i64, tpu.core_type = #tpu.core_type<sc_vector_subcore>, window_params = [{transform_indices = #map}, {transform_indices = #map}, {transform_indices = #map1}, {transform_indices = #map1}, {transform_indices = #map1}]} {
    %iota3A = tpu.iota {dimensions = array<i32: 0>} : vector<16xi32>
    %eq3A = arith.constant 0 : i32
    %eq3A_0 = arith.cmpi eq, %arg0, %eq3A : i32
    %convert_element_type3A = arith.extui %eq3A_0 : i1 to i32
    %cond3A = arith.constant 0 : i32
    %cond3A_1 = arith.cmpi ne, %convert_element_type3A, %cond3A : i32
    scf.if %cond3A_1 {
      %mul3A = arith.constant 4 : i32
      %mul3A_15 = arith.muli %arg1, %mul3A : i32
      %dma_start3A = arith.constant 0 : i32
      %dma_start3A_16 = tpu.memref_slice %arg2[%mul3A_15, %dma_start3A] : memref<16384x16384xf32, #tpu.memory_space<hbm>> -> memref<1x16384xf32, #tpu.memory_space<hbm>>
      %dma_start3A_17 = tpu.memref_squeeze %dma_start3A_16 : memref<1x16384xf32, #tpu.memory_space<hbm>> -> memref<16384xf32, #tpu.memory_space<hbm>>
      %dma_start3A_18 = arith.constant 0 : i32
      %dma_start3A_19 = tpu.memref_slice %arg2[%mul3A_15, %dma_start3A_18] : memref<16384x16384xf32, #tpu.memory_space<hbm>> -> memref<1x16384xf32, #tpu.memory_space<hbm>>
      %dma_start3A_20 = tpu.memref_squeeze %dma_start3A_19 : memref<1x16384xf32, #tpu.memory_space<hbm>> -> memref<16384xf32, #tpu.memory_space<hbm>>
      tpu.enqueue_dma source(%dma_start3A_20 : memref<16384xf32, #tpu.memory_space<hbm>>) target(%arg7 : memref<16384xf32, #tpu.memory_space<vmem>>) target_semaphore(%arg21 : memref<!tpu.dma_semaphore, #tpu.memory_space<semaphore_mem>>)
      %dma_start3A_21 = arith.constant 0 : i32
      %dma_start3A_22 = tpu.memref_slice %arg3[%mul3A_15, %dma_start3A_21] : memref<64x16384xf32, #tpu.memory_space<hbm>> -> memref<1x16384xf32, #tpu.memory_space<hbm>>
      %dma_start3A_23 = tpu.memref_squeeze %dma_start3A_22 : memref<1x16384xf32, #tpu.memory_space<hbm>> -> memref<16384xf32, #tpu.memory_space<hbm>>
      %dma_start3A_24 = arith.constant 0 : i32
      %dma_start3A_25 = tpu.memref_slice %arg3[%mul3A_15, %dma_start3A_24] : memref<64x16384xf32, #tpu.memory_space<hbm>> -> memref<1x16384xf32, #tpu.memory_space<hbm>>
      %dma_start3A_26 = tpu.memref_squeeze %dma_start3A_25 : memref<1x16384xf32, #tpu.memory_space<hbm>> -> memref<16384xf32, #tpu.memory_space<hbm>>
      tpu.enqueue_dma source(%dma_start3A_26 : memref<16384xf32, #tpu.memory_space<hbm>>) target(%arg8 : memref<16384xf32, #tpu.memory_space<vmem>>) target_semaphore(%arg21 : memref<!tpu.dma_semaphore, #tpu.memory_space<semaphore_mem>>)
      %mul3A_27 = arith.constant 4 : i32
      %mul3A_28 = arith.muli %arg1, %mul3A_27 : i32
      %add3A = arith.constant 0 : i32
      %add3A_29 = arith.addi %mul3A_28, %add3A : i32
      %dma_wait3A = arith.constant 0 : i32
      %dma_wait3A_30 = tpu.memref_slice %arg2[%mul3A_15, %dma_wait3A] : memref<16384x16384xf32, #tpu.memory_space<hbm>> -> memref<1x16384xf32, #tpu.memory_space<hbm>>
      %dma_wait3A_31 = tpu.memref_squeeze %dma_wait3A_30 : memref<1x16384xf32, #tpu.memory_space<hbm>> -> memref<16384xf32, #tpu.memory_space<hbm>>
      %dma_wait3A_32 = arith.constant 0 : i32
      %dma_wait3A_33 = tpu.memref_slice %arg2[%mul3A_15, %dma_wait3A_32] : memref<16384x16384xf32, #tpu.memory_space<hbm>> -> memref<1x16384xf32, #tpu.memory_space<hbm>>
      %dma_wait3A_34 = tpu.memref_squeeze %dma_wait3A_33 : memref<1x16384xf32, #tpu.memory_space<hbm>> -> memref<16384xf32, #tpu.memory_space<hbm>>
      tpu.wait_dma2 semaphore(%arg21 : memref<!tpu.dma_semaphore, #tpu.memory_space<semaphore_mem>>) src(%dma_wait3A_34 : memref<16384xf32, #tpu.memory_space<hbm>>) dst(%arg7 : memref<16384xf32, #tpu.memory_space<vmem>>)
      %dma_wait3A_35 = arith.constant 0 : i32
      %dma_wait3A_36 = tpu.memref_slice %arg3[%mul3A_15, %dma_wait3A_35] : memref<64x16384xf32, #tpu.memory_space<hbm>> -> memref<1x16384xf32, #tpu.memory_space<hbm>>
      %dma_wait3A_37 = tpu.memref_squeeze %dma_wait3A_36 : memref<1x16384xf32, #tpu.memory_space<hbm>> -> memref<16384xf32, #tpu.memory_space<hbm>>
      %dma_wait3A_38 = arith.constant 0 : i32
      %dma_wait3A_39 = tpu.memref_slice %arg3[%mul3A_15, %dma_wait3A_38] : memref<64x16384xf32, #tpu.memory_space<hbm>> -> memref<1x16384xf32, #tpu.memory_space<hbm>>
      %dma_wait3A_40 = tpu.memref_squeeze %dma_wait3A_39 : memref<1x16384xf32, #tpu.memory_space<hbm>> -> memref<16384xf32, #tpu.memory_space<hbm>>
      tpu.wait_dma2 semaphore(%arg21 : memref<!tpu.dma_semaphore, #tpu.memory_space<semaphore_mem>>) src(%dma_wait3A_40 : memref<16384xf32, #tpu.memory_space<hbm>>) dst(%arg8 : memref<16384xf32, #tpu.memory_space<vmem>>)
      %add3A_41 = arith.constant 1 : i32
      %add3A_42 = arith.addi %add3A_29, %add3A_41 : i32
      %dma_start3A_43 = arith.constant 0 : i32
      %dma_start3A_44 = tpu.memref_slice %arg2[%add3A_42, %dma_start3A_43] : memref<16384x16384xf32, #tpu.memory_space<hbm>> -> memref<1x16384xf32, #tpu.memory_space<hbm>>
      %dma_start3A_45 = tpu.memref_squeeze %dma_start3A_44 : memref<1x16384xf32, #tpu.memory_space<hbm>> -> memref<16384xf32, #tpu.memory_space<hbm>>
      %dma_start3A_46 = arith.constant 0 : i32
      %dma_start3A_47 = tpu.memref_slice %arg2[%add3A_42, %dma_start3A_46] : memref<16384x16384xf32, #tpu.memory_space<hbm>> -> memref<1x16384xf32, #tpu.memory_space<hbm>>
      %dma_start3A_48 = tpu.memref_squeeze %dma_start3A_47 : memref<1x16384xf32, #tpu.memory_space<hbm>> -> memref<16384xf32, #tpu.memory_space<hbm>>
      tpu.enqueue_dma source(%dma_start3A_48 : memref<16384xf32, #tpu.memory_space<hbm>>) target(%arg9 : memref<16384xf32, #tpu.memory_space<vmem>>) target_semaphore(%arg21 : memref<!tpu.dma_semaphore, #tpu.memory_space<semaphore_mem>>)
      %add3A_49 = arith.constant 1 : i32
      %add3A_50 = arith.addi %add3A_29, %add3A_49 : i32
      %dma_start3A_51 = arith.constant 0 : i32
      %dma_start3A_52 = tpu.memref_slice %arg3[%add3A_50, %dma_start3A_51] : memref<64x16384xf32, #tpu.memory_space<hbm>> -> memref<1x16384xf32, #tpu.memory_space<hbm>>
      %dma_start3A_53 = tpu.memref_squeeze %dma_start3A_52 : memref<1x16384xf32, #tpu.memory_space<hbm>> -> memref<16384xf32, #tpu.memory_space<hbm>>
      %dma_start3A_54 = arith.constant 0 : i32
      %dma_start3A_55 = tpu.memref_slice %arg3[%add3A_50, %dma_start3A_54] : memref<64x16384xf32, #tpu.memory_space<hbm>> -> memref<1x16384xf32, #tpu.memory_space<hbm>>
      %dma_start3A_56 = tpu.memref_squeeze %dma_start3A_55 : memref<1x16384xf32, #tpu.memory_space<hbm>> -> memref<16384xf32, #tpu.memory_space<hbm>>
      tpu.enqueue_dma source(%dma_start3A_56 : memref<16384xf32, #tpu.memory_space<hbm>>) target(%arg10 : memref<16384xf32, #tpu.memory_space<vmem>>) target_semaphore(%arg21 : memref<!tpu.dma_semaphore, #tpu.memory_space<semaphore_mem>>)
      %get3A = arith.constant 0 : index
      %get3A_57 = tpu.vector_load %arg7[%get3A] {strides = array<i32>} : memref<16384xf32, #tpu.memory_space<vmem>>, vector<16xf32>,
      %get3A_58 = vector.shape_cast %get3A_57 : vector<16xf32> to vector<16xf32>
      %swap3A = arith.constant 0 : index
      %swap3A_59 = tpu.vector_load %arg14[%swap3A] {strides = array<i32>} : memref<64xf32, #tpu.memory_space<vmem>>, vector<16xf32>,
      %swap3A_60 = vector.shape_cast %swap3A_59 : vector<16xf32> to vector<16xf32>
      %swap3A_61 = vector.shape_cast %get3A_58 : vector<16xf32> to vector<16xf32>
      tpu.vector_store %arg14[%swap3A], %swap3A_61 {strides = array<i32>} : memref<64xf32, #tpu.memory_space<vmem>>, vector<16xf32>,
      %get3A_62 = arith.constant 16 : index
      %get3A_63 = tpu.vector_load %arg7[%get3A_62] {strides = array<i32>} : memref<16384xf32, #tpu.memory_space<vmem>>, vector<16xf32>,
      %get3A_64 = vector.shape_cast %get3A_63 : vector<16xf32> to vector<16xf32>
      %swap3A_65 = arith.constant 16 : index
      %swap3A_66 = tpu.vector_load %arg14[%swap3A_65] {strides = array<i32>} : memref<64xf32, #tpu.memory_space<vmem>>, vector<16xf32>,
      %swap3A_67 = vector.shape_cast %swap3A_66 : vector<16xf32> to vector<16xf32>
      %swap3A_68 = vector.shape_cast %get3A_64 : vector<16xf32> to vector<16xf32>
      tpu.vector_store %arg14[%swap3A_65], %swap3A_68 {strides = array<i32>} : memref<64xf32, #tpu.memory_space<vmem>>, vector<16xf32>,
      %get3A_69 = arith.constant 32 : index
      %get3A_70 = tpu.vector_load %arg7[%get3A_69] {strides = array<i32>} : memref<16384xf32, #tpu.memory_space<vmem>>, vector<16xf32>,
      %get3A_71 = vector.shape_cast %get3A_70 : vector<16xf32> to vector<16xf32>
      %swap3A_72 = arith.constant 32 : index
      %swap3A_73 = tpu.vector_load %arg14[%swap3A_72] {strides = array<i32>} : memref<64xf32, #tpu.memory_space<vmem>>, vector<16xf32>,
      %swap3A_74 = vector.shape_cast %swap3A_73 : vector<16xf32> to vector<16xf32>
      %swap3A_75 = vector.shape_cast %get3A_71 : vector<16xf32> to vector<16xf32>
      tpu.vector_store %arg14[%swap3A_72], %swap3A_75 {strides = array<i32>} : memref<64xf32, #tpu.memory_space<vmem>>, vector<16xf32>,
      %get3A_76 = arith.constant 48 : index
      %get3A_77 = tpu.vector_load %arg7[%get3A_76] {strides = array<i32>} : memref<16384xf32, #tpu.memory_space<vmem>>, vector<16xf32>,
      %get3A_78 = vector.shape_cast %get3A_77 : vector<16xf32> to vector<16xf32>
      %swap3A_79 = arith.constant 48 : index
      %swap3A_80 = tpu.vector_load %arg14[%swap3A_79] {strides = array<i32>} : memref<64xf32, #tpu.memory_space<vmem>>, vector<16xf32>,
      %swap3A_81 = vector.shape_cast %swap3A_80 : vector<16xf32> to vector<16xf32>
      %swap3A_82 = vector.shape_cast %get3A_78 : vector<16xf32> to vector<16xf32>
      tpu.vector_store %arg14[%swap3A_79], %swap3A_82 {strides = array<i32>} : memref<64xf32, #tpu.memory_space<vmem>>, vector<16xf32>,
      %mul3A_83 = arith.constant 64 : i32
      %mul3A_84 = arith.muli %add3A_29, %mul3A_83 : i32
      "tpu.region"() ({
        %run_scoped3A = tpu.sem_alloc : memref<!tpu.dma_semaphore, #tpu.memory_space<semaphore_mem>>
        %dma_start3A_817 = tpu.memref_slice %arg23[%mul3A_84] : memref<4112xf32, #tpu.memory_space<vmem_shared>> -> memref<64xf32, #tpu.memory_space<vmem_shared>>
        %dma_start3A_818 = tpu.memref_slice %arg23[%mul3A_84] : memref<4112xf32, #tpu.memory_space<vmem_shared>> -> memref<64xf32, #tpu.memory_space<vmem_shared>>
        tpu.enqueue_dma source(%arg14 : memref<64xf32, #tpu.memory_space<vmem>>) target(%dma_start3A_818 : memref<64xf32, #tpu.memory_space<vmem_shared>>) target_semaphore(%run_scoped3A : memref<!tpu.dma_semaphore, #tpu.memory_space<semaphore_mem>>)
        %dma_wait3A_819 = tpu.memref_slice %arg23[%mul3A_84] : memref<4112xf32, #tpu.memory_space<vmem_shared>> -> memref<64xf32, #tpu.memory_space<vmem_shared>>
        %dma_wait3A_820 = tpu.memref_slice %arg23[%mul3A_84] : memref<4112xf32, #tpu.memory_space<vmem_shared>> -> memref<64xf32, #tpu.memory_space<vmem_shared>>
        tpu.wait_dma2 semaphore(%run_scoped3A : memref<!tpu.dma_semaphore, #tpu.memory_space<semaphore_mem>>) src(%arg14 : memref<64xf32, #tpu.memory_space<vmem>>) dst(%dma_wait3A_820 : memref<64xf32, #tpu.memory_space<vmem_shared>>)
        tpu.yield
      }) : () -> ()
      %iota3A_85 = tpu.iota {dimensions = array<i32: 0>} : vector<16xi32>
      %broadcast_in_dim3A = arith.constant -1.000000e+00 : f32
      %broadcast_in_dim3A_86 = vector.broadcast %broadcast_in_dim3A : f32 to vector<16xf32>
      %broadcast_in_dim3A_87 = arith.constant 0 : i32
      %broadcast_in_dim3A_88 = vector.broadcast %broadcast_in_dim3A_87 : i32 to vector<16xi32>
      %scan3A = arith.constant 0 : i32
      %scan3A_89 = arith.constant 256 : i32
      %scan3A_90 = arith.addi %scan3A, %scan3A_89 : i32
      %scan3A_91 = arith.constant 1 : i32
      %scan3A_92:8 = scf.for %scan3A_817 = %scan3A to %scan3A_90 step %scan3A_91 iter_args(%scan3A_818 = %broadcast_in_dim3A_86, %scan3A_819 = %broadcast_in_dim3A_88, %scan3A_820 = %broadcast_in_dim3A_86, %scan3A_821 = %broadcast_in_dim3A_88, %scan3A_822 = %broadcast_in_dim3A_86, %scan3A_823 = %broadcast_in_dim3A_88, %scan3A_824 = %broadcast_in_dim3A_86, %scan3A_825 = %broadcast_in_dim3A_88) -> (vector<16xf32>, vector<16xi32>, vector<16xf32>, vector<16xi32>, vector<16xf32>, vector<16xi32>, vector<16xf32>, vector<16xi32>)  : i32 {
        %mul3A_826 = arith.constant 64 : i32
        %mul3A_827 = arith.muli %scan3A_817, %mul3A_826 : i32
        %add3A_828 = arith.constant 0 : i32
        %add3A_829 = arith.addi %mul3A_827, %add3A_828 : i32
        %get3A_830 = arith.index_cast %add3A_829 : i32 to index
        %get3A_831 = tpu.vector_load %arg7[%get3A_830] {strides = array<i32>} : memref<16384xf32, #tpu.memory_space<vmem>>, vector<16xf32>,
        %get3A_832 = vector.shape_cast %get3A_831 : vector<16xf32> to vector<16xf32>
        %get3A_833 = arith.index_cast %add3A_829 : i32 to index
        %get3A_834 = tpu.vector_load %arg8[%get3A_833] {strides = array<i32>} : memref<16384xf32, #tpu.memory_space<vmem>>, vector<16xf32>,
        %get3A_835 = vector.shape_cast %get3A_834 : vector<16xf32> to vector<16xf32>
        %max3A_836 = arith.constant 0.000000e+00 : f32
        %max3A_837 = vector.broadcast %max3A_836 : f32 to vector<16xf32>
        %max3A_838 = arith.maximumf %get3A_832, %max3A_837 : vector<16xf32>
        %add3A_839 = arith.constant 9.99999997E-7 : f32
        %add3A_840 = vector.broadcast %add3A_839 : f32 to vector<16xf32>
        %add3A_841 = arith.addf %max3A_838, %add3A_840 : vector<16xf32>
        %mul3A_842 = arith.mulf %add3A_841, %get3A_835 : vector<16xf32>
        %gt3A_843 = arith.cmpf ogt, %mul3A_842, %scan3A_818 : vector<16xf32>
        %select_n3A_844 = arith.select %gt3A_843, %mul3A_842, %scan3A_818 : vector<16xi1>, vector<16xf32>
        %add3A_845 = vector.broadcast %add3A_829 : i32 to vector<16xi32>
        %add3A_846 = arith.addi %add3A_845, %iota3A_85 : vector<16xi32>
        %select_n3A_847 = arith.select %gt3A_843, %add3A_846, %scan3A_819 : vector<16xi1>, vector<16xi32>
        %add3A_848 = arith.constant 16 : i32
        %add3A_849 = arith.addi %mul3A_827, %add3A_848 : i32
        %get3A_850 = arith.index_cast %add3A_849 : i32 to index
        %get3A_851 = tpu.vector_load %arg7[%get3A_850] {strides = array<i32>} : memref<16384xf32, #tpu.memory_space<vmem>>, vector<16xf32>,
        %get3A_852 = vector.shape_cast %get3A_851 : vector<16xf32> to vector<16xf32>
        %get3A_853 = arith.index_cast %add3A_849 : i32 to index
        %get3A_854 = tpu.vector_load %arg8[%get3A_853] {strides = array<i32>} : memref<16384xf32, #tpu.memory_space<vmem>>, vector<16xf32>,
        %get3A_855 = vector.shape_cast %get3A_854 : vector<16xf32> to vector<16xf32>
        %max3A_856 = arith.constant 0.000000e+00 : f32
        %max3A_857 = vector.broadcast %max3A_856 : f32 to vector<16xf32>
        %max3A_858 = arith.maximumf %get3A_852, %max3A_857 : vector<16xf32>
        %add3A_859 = arith.constant 9.99999997E-7 : f32
        %add3A_860 = vector.broadcast %add3A_859 : f32 to vector<16xf32>
        %add3A_861 = arith.addf %max3A_858, %add3A_860 : vector<16xf32>
        %mul3A_862 = arith.mulf %add3A_861, %get3A_855 : vector<16xf32>
        %gt3A_863 = arith.cmpf ogt, %mul3A_862, %scan3A_820 : vector<16xf32>
        %select_n3A_864 = arith.select %gt3A_863, %mul3A_862, %scan3A_820 : vector<16xi1>, vector<16xf32>
        %add3A_865 = vector.broadcast %add3A_849 : i32 to vector<16xi32>
        %add3A_866 = arith.addi %add3A_865, %iota3A_85 : vector<16xi32>
        %select_n3A_867 = arith.select %gt3A_863, %add3A_866, %scan3A_821 : vector<16xi1>, vector<16xi32>
        %add3A_868 = arith.constant 32 : i32
        %add3A_869 = arith.addi %mul3A_827, %add3A_868 : i32
        %get3A_870 = arith.index_cast %add3A_869 : i32 to index
        %get3A_871 = tpu.vector_load %arg7[%get3A_870] {strides = array<i32>} : memref<16384xf32, #tpu.memory_space<vmem>>, vector<16xf32>,
        %get3A_872 = vector.shape_cast %get3A_871 : vector<16xf32> to vector<16xf32>
        %get3A_873 = arith.index_cast %add3A_869 : i32 to index
        %get3A_874 = tpu.vector_load %arg8[%get3A_873] {strides = array<i32>} : memref<16384xf32, #tpu.memory_space<vmem>>, vector<16xf32>,
        %get3A_875 = vector.shape_cast %get3A_874 : vector<16xf32> to vector<16xf32>
        %max3A_876 = arith.constant 0.000000e+00 : f32
        %max3A_877 = vector.broadcast %max3A_876 : f32 to vector<16xf32>
        %max3A_878 = arith.maximumf %get3A_872, %max3A_877 : vector<16xf32>
        %add3A_879 = arith.constant 9.99999997E-7 : f32
        %add3A_880 = vector.broadcast %add3A_879 : f32 to vector<16xf32>
        %add3A_881 = arith.addf %max3A_878, %add3A_880 : vector<16xf32>
        %mul3A_882 = arith.mulf %add3A_881, %get3A_875 : vector<16xf32>
        %gt3A_883 = arith.cmpf ogt, %mul3A_882, %scan3A_822 : vector<16xf32>
        %select_n3A_884 = arith.select %gt3A_883, %mul3A_882, %scan3A_822 : vector<16xi1>, vector<16xf32>
        %add3A_885 = vector.broadcast %add3A_869 : i32 to vector<16xi32>
        %add3A_886 = arith.addi %add3A_885, %iota3A_85 : vector<16xi32>
        %select_n3A_887 = arith.select %gt3A_883, %add3A_886, %scan3A_823 : vector<16xi1>, vector<16xi32>
        %add3A_888 = arith.constant 48 : i32
        %add3A_889 = arith.addi %mul3A_827, %add3A_888 : i32
        %get3A_890 = arith.index_cast %add3A_889 : i32 to index
        %get3A_891 = tpu.vector_load %arg7[%get3A_890] {strides = array<i32>} : memref<16384xf32, #tpu.memory_space<vmem>>, vector<16xf32>,
        %get3A_892 = vector.shape_cast %get3A_891 : vector<16xf32> to vector<16xf32>
        %get3A_893 = arith.index_cast %add3A_889 : i32 to index
        %get3A_894 = tpu.vector_load %arg8[%get3A_893] {strides = array<i32>} : memref<16384xf32, #tpu.memory_space<vmem>>, vector<16xf32>,
        %get3A_895 = vector.shape_cast %get3A_894 : vector<16xf32> to vector<16xf32>
        %max3A_896 = arith.constant 0.000000e+00 : f32
        %max3A_897 = vector.broadcast %max3A_896 : f32 to vector<16xf32>
        %max3A_898 = arith.maximumf %get3A_892, %max3A_897 : vector<16xf32>
        %add3A_899 = arith.constant 9.99999997E-7 : f32
        %add3A_900 = vector.broadcast %add3A_899 : f32 to vector<16xf32>
        %add3A_901 = arith.addf %max3A_898, %add3A_900 : vector<16xf32>
        %mul3A_902 = arith.mulf %add3A_901, %get3A_895 : vector<16xf32>
        %gt3A_903 = arith.cmpf ogt, %mul3A_902, %scan3A_824 : vector<16xf32>
        %select_n3A_904 = arith.select %gt3A_903, %mul3A_902, %scan3A_824 : vector<16xi1>, vector<16xf32>
        %add3A_905 = vector.broadcast %add3A_889 : i32 to vector<16xi32>
        %add3A_906 = arith.addi %add3A_905, %iota3A_85 : vector<16xi32>
        %select_n3A_907 = arith.select %gt3A_903, %add3A_906, %scan3A_825 : vector<16xi1>, vector<16xi32>
        scf.yield %select_n3A_844, %select_n3A_847, %select_n3A_864, %select_n3A_867, %select_n3A_884, %select_n3A_887, %select_n3A_904, %select_n3A_907 : vector<16xf32>, vector<16xi32>, vector<16xf32>, vector<16xi32>, vector<16xf32>, vector<16xi32>, vector<16xf32>, vector<16xi32>
      }
      %scan3A_93 = arith.constant 256 : i32
      %gt3A = arith.cmpf ogt, %scan3A_92#2, %scan3A_92#0 : vector<16xf32>
      %eq3A_94 = arith.cmpf oeq, %scan3A_92#2, %scan3A_92#0 : vector<16xf32>
      %lt3A = arith.cmpi slt, %scan3A_92#3, %scan3A_92#1 : vector<16xi32>
      %and3A_95 = arith.andi %eq3A_94, %lt3A : vector<16xi1>
      %or3A = arith.ori %gt3A, %and3A_95 : vector<16xi1>
      %select_n3A = arith.select %or3A, %scan3A_92#2, %scan3A_92#0 : vector<16xi1>, vector<16xf32>
      %select_n3A_96 = arith.select %or3A, %scan3A_92#3, %scan3A_92#1 : vector<16xi1>, vector<16xi32>
      %gt3A_97 = arith.cmpf ogt, %scan3A_92#4, %select_n3A : vector<16xf32>
      %eq3A_98 = arith.cmpf oeq, %scan3A_92#4, %select_n3A : vector<16xf32>
      %lt3A_99 = arith.cmpi slt, %scan3A_92#5, %select_n3A_96 : vector<16xi32>
      %and3A_100 = arith.andi %eq3A_98, %lt3A_99 : vector<16xi1>
      %or3A_101 = arith.ori %gt3A_97, %and3A_100 : vector<16xi1>
      %select_n3A_102 = arith.select %or3A_101, %scan3A_92#4, %select_n3A : vector<16xi1>, vector<16xf32>
      %select_n3A_103 = arith.select %or3A_101, %scan3A_92#5, %select_n3A_96 : vector<16xi1>, vector<16xi32>
      %gt3A_104 = arith.cmpf ogt, %scan3A_92#6, %select_n3A_102 : vector<16xf32>
      %eq3A_105 = arith.cmpf oeq, %scan3A_92#6, %select_n3A_102 : vector<16xf32>
      %lt3A_106 = arith.cmpi slt, %scan3A_92#7, %select_n3A_103 : vector<16xi32>
      %and3A_107 = arith.andi %eq3A_105, %lt3A_106 : vector<16xi1>
      %or3A_108 = arith.ori %gt3A_104, %and3A_107 : vector<16xi1>
      %select_n3A_109 = arith.select %or3A_108, %scan3A_92#6, %select_n3A_102 : vector<16xi1>, vector<16xf32>
      %select_n3A_110 = arith.select %or3A_108, %scan3A_92#7, %select_n3A_103 : vector<16xi1>, vector<16xi32>
      %swap3A_111 = arith.constant 0 : index
      %swap3A_112 = tpu.vector_load %arg19[%swap3A_111] {strides = array<i32>} : memref<32xf32, #tpu.memory_space<vmem>>, vector<16xf32>,
      %swap3A_113 = vector.shape_cast %swap3A_112 : vector<16xf32> to vector<16xf32>
      %swap3A_114 = vector.shape_cast %select_n3A_109 : vector<16xf32> to vector<16xf32>
      tpu.vector_store %arg19[%swap3A_111], %swap3A_114 {strides = array<i32>} : memref<32xf32, #tpu.memory_space<vmem>>, vector<16xf32>,
      %swap3A_115 = arith.constant 16 : index
      %swap3A_116 = tpu.vector_load %arg19[%swap3A_115] {strides = array<i32>} : memref<32xf32, #tpu.memory_space<vmem>>, vector<16xf32>,
      %swap3A_117 = vector.shape_cast %swap3A_116 : vector<16xf32> to vector<16xf32>
      %swap3A_118 = vector.shape_cast %select_n3A_109 : vector<16xf32> to vector<16xf32>
      tpu.vector_store %arg19[%swap3A_115], %swap3A_118 {strides = array<i32>} : memref<32xf32, #tpu.memory_space<vmem>>, vector<16xf32>,
      %get3A_119 = arith.constant 8 : index
      %get3A_120 = tpu.vector_load %arg19[%get3A_119] {strides = array<i32>} : memref<32xf32, #tpu.memory_space<vmem>>, vector<16xf32>,
      %get3A_121 = vector.shape_cast %get3A_120 : vector<16xf32> to vector<16xf32>
      %max3A = arith.maximumf %select_n3A_109, %get3A_121 : vector<16xf32>
      %swap3A_122 = arith.constant 0 : index
      %swap3A_123 = tpu.vector_load %arg19[%swap3A_122] {strides = array<i32>} : memref<32xf32, #tpu.memory_space<vmem>>, vector<16xf32>,
      %swap3A_124 = vector.shape_cast %swap3A_123 : vector<16xf32> to vector<16xf32>
      %swap3A_125 = vector.shape_cast %max3A : vector<16xf32> to vector<16xf32>
      tpu.vector_store %arg19[%swap3A_122], %swap3A_125 {strides = array<i32>} : memref<32xf32, #tpu.memory_space<vmem>>, vector<16xf32>,
      %swap3A_126 = arith.constant 16 : index
      %swap3A_127 = tpu.vector_load %arg19[%swap3A_126] {strides = array<i32>} : memref<32xf32, #tpu.memory_space<vmem>>, vector<16xf32>,
      %swap3A_128 = vector.shape_cast %swap3A_127 : vector<16xf32> to vector<16xf32>
      %swap3A_129 = vector.shape_cast %max3A : vector<16xf32> to vector<16xf32>
      tpu.vector_store %arg19[%swap3A_126], %swap3A_129 {strides = array<i32>} : memref<32xf32, #tpu.memory_space<vmem>>, vector<16xf32>,
      %get3A_130 = arith.constant 4 : index
      %get3A_131 = tpu.vector_load %arg19[%get3A_130] {strides = array<i32>} : memref<32xf32, #tpu.memory_space<vmem>>, vector<16xf32>,
      %get3A_132 = vector.shape_cast %get3A_131 : vector<16xf32> to vector<16xf32>
      %max3A_133 = arith.maximumf %max3A, %get3A_132 : vector<16xf32>
      %swap3A_134 = arith.constant 0 : index
      %swap3A_135 = tpu.vector_load %arg19[%swap3A_134] {strides = array<i32>} : memref<32xf32, #tpu.memory_space<vmem>>, vector<16xf32>,
      %swap3A_136 = vector.shape_cast %swap3A_135 : vector<16xf32> to vector<16xf32>
      %swap3A_137 = vector.shape_cast %max3A_133 : vector<16xf32> to vector<16xf32>
      tpu.vector_store %arg19[%swap3A_134], %swap3A_137 {strides = array<i32>} : memref<32xf32, #tpu.memory_space<vmem>>, vector<16xf32>,
      %swap3A_138 = arith.constant 16 : index
      %swap3A_139 = tpu.vector_load %arg19[%swap3A_138] {strides = array<i32>} : memref<32xf32, #tpu.memory_space<vmem>>, vector<16xf32>,
      %swap3A_140 = vector.shape_cast %swap3A_139 : vector<16xf32> to vector<16xf32>
      %swap3A_141 = vector.shape_cast %max3A_133 : vector<16xf32> to vector<16xf32>
      tpu.vector_store %arg19[%swap3A_138], %swap3A_141 {strides = array<i32>} : memref<32xf32, #tpu.memory_space<vmem>>, vector<16xf32>,
      %get3A_142 = arith.constant 2 : index
      %get3A_143 = tpu.vector_load %arg19[%get3A_142] {strides = array<i32>} : memref<32xf32, #tpu.memory_space<vmem>>, vector<16xf32>,
      %get3A_144 = vector.shape_cast %get3A_143 : vector<16xf32> to vector<16xf32>
      %max3A_145 = arith.maximumf %max3A_133, %get3A_144 : vector<16xf32>
      %swap3A_146 = arith.constant 0 : index
      %swap3A_147 = tpu.vector_load %arg19[%swap3A_146] {strides = array<i32>} : memref<32xf32, #tpu.memory_space<vmem>>, vector<16xf32>,
      %swap3A_148 = vector.shape_cast %swap3A_147 : vector<16xf32> to vector<16xf32>
      %swap3A_149 = vector.shape_cast %max3A_145 : vector<16xf32> to vector<16xf32>
      tpu.vector_store %arg19[%swap3A_146], %swap3A_149 {strides = array<i32>} : memref<32xf32, #tpu.memory_space<vmem>>, vector<16xf32>,
      %swap3A_150 = arith.constant 16 : index
      %swap3A_151 = tpu.vector_load %arg19[%swap3A_150] {strides = array<i32>} : memref<32xf32, #tpu.memory_space<vmem>>, vector<16xf32>,
      %swap3A_152 = vector.shape_cast %swap3A_151 : vector<16xf32> to vector<16xf32>
      %swap3A_153 = vector.shape_cast %max3A_145 : vector<16xf32> to vector<16xf32>
      tpu.vector_store %arg19[%swap3A_150], %swap3A_153 {strides = array<i32>} : memref<32xf32, #tpu.memory_space<vmem>>, vector<16xf32>,
      %get3A_154 = arith.constant 1 : index
      %get3A_155 = tpu.vector_load %arg19[%get3A_154] {strides = array<i32>} : memref<32xf32, #tpu.memory_space<vmem>>, vector<16xf32>,
      %get3A_156 = vector.shape_cast %get3A_155 : vector<16xf32> to vector<16xf32>
      %max3A_157 = arith.maximumf %max3A_145, %get3A_156 : vector<16xf32>
      %eq3A_158 = arith.cmpf oeq, %select_n3A_109, %max3A_157 : vector<16xf32>
      %jit3A = arith.constant 16384 : i32
      %broadcast_in_dim3A_159 = vector.broadcast %jit3A : i32 to vector<16xi32>
      %select_n3A_160 = arith.select %eq3A_158, %select_n3A_110, %broadcast_in_dim3A_159 : vector<16xi1>, vector<16xi32>
      %swap3A_161 = arith.constant 0 : index
      %swap3A_162 = tpu.vector_load %arg20[%swap3A_161] {strides = array<i32>} : memref<32xi32, #tpu.memory_space<vmem>>, vector<16xi32>,
      %swap3A_163 = vector.shape_cast %swap3A_162 : vector<16xi32> to vector<16xi32>
      %swap3A_164 = vector.shape_cast %select_n3A_160 : vector<16xi32> to vector<16xi32>
      tpu.vector_store %arg20[%swap3A_161], %swap3A_164 {strides = array<i32>} : memref<32xi32, #tpu.memory_space<vmem>>, vector<16xi32>,
      %swap3A_165 = arith.constant 16 : index
      %swap3A_166 = tpu.vector_load %arg20[%swap3A_165] {strides = array<i32>} : memref<32xi32, #tpu.memory_space<vmem>>, vector<16xi32>,
      %swap3A_167 = vector.shape_cast %swap3A_166 : vector<16xi32> to vector<16xi32>
      %swap3A_168 = vector.shape_cast %select_n3A_160 : vector<16xi32> to vector<16xi32>
      tpu.vector_store %arg20[%swap3A_165], %swap3A_168 {strides = array<i32>} : memref<32xi32, #tpu.memory_space<vmem>>, vector<16xi32>,
      %get3A_169 = arith.constant 8 : index
      %get3A_170 = tpu.vector_load %arg20[%get3A_169] {strides = array<i32>} : memref<32xi32, #tpu.memory_space<vmem>>, vector<16xi32>,
      %get3A_171 = vector.shape_cast %get3A_170 : vector<16xi32> to vector<16xi32>
      %min3A = arith.minsi %select_n3A_160, %get3A_171 : vector<16xi32>
      %swap3A_172 = arith.constant 0 : index
      %swap3A_173 = tpu.vector_load %arg20[%swap3A_172] {strides = array<i32>} : memref<32xi32, #tpu.memory_space<vmem>>, vector<16xi32>,
      %swap3A_174 = vector.shape_cast %swap3A_173 : vector<16xi32> to vector<16xi32>
      %swap3A_175 = vector.shape_cast %min3A : vector<16xi32> to vector<16xi32>
      tpu.vector_store %arg20[%swap3A_172], %swap3A_175 {strides = array<i32>} : memref<32xi32, #tpu.memory_space<vmem>>, vector<16xi32>,
      %swap3A_176 = arith.constant 16 : index
      %swap3A_177 = tpu.vector_load %arg20[%swap3A_176] {strides = array<i32>} : memref<32xi32, #tpu.memory_space<vmem>>, vector<16xi32>,
      %swap3A_178 = vector.shape_cast %swap3A_177 : vector<16xi32> to vector<16xi32>
      %swap3A_179 = vector.shape_cast %min3A : vector<16xi32> to vector<16xi32>
      tpu.vector_store %arg20[%swap3A_176], %swap3A_179 {strides = array<i32>} : memref<32xi32, #tpu.memory_space<vmem>>, vector<16xi32>,
      %get3A_180 = arith.constant 4 : index
      %get3A_181 = tpu.vector_load %arg20[%get3A_180] {strides = array<i32>} : memref<32xi32, #tpu.memory_space<vmem>>, vector<16xi32>,
      %get3A_182 = vector.shape_cast %get3A_181 : vector<16xi32> to vector<16xi32>
      %min3A_183 = arith.minsi %min3A, %get3A_182 : vector<16xi32>
      %swap3A_184 = arith.constant 0 : index
      %swap3A_185 = tpu.vector_load %arg20[%swap3A_184] {strides = array<i32>} : memref<32xi32, #tpu.memory_space<vmem>>, vector<16xi32>,
      %swap3A_186 = vector.shape_cast %swap3A_185 : vector<16xi32> to vector<16xi32>
      %swap3A_187 = vector.shape_cast %min3A_183 : vector<16xi32> to vector<16xi32>
      tpu.vector_store %arg20[%swap3A_184], %swap3A_187 {strides = array<i32>} : memref<32xi32, #tpu.memory_space<vmem>>, vector<16xi32>,
      %swap3A_188 = arith.constant 16 : index
      %swap3A_189 = tpu.vector_load %arg20[%swap3A_188] {strides = array<i32>} : memref<32xi32, #tpu.memory_space<vmem>>, vector<16xi32>,
      %swap3A_190 = vector.shape_cast %swap3A_189 : vector<16xi32> to vector<16xi32>
      %swap3A_191 = vector.shape_cast %min3A_183 : vector<16xi32> to vector<16xi32>
      tpu.vector_store %arg20[%swap3A_188], %swap3A_191 {strides = array<i32>} : memref<32xi32, #tpu.memory_space<vmem>>, vector<16xi32>,
      %get3A_192 = arith.constant 2 : index
      %get3A_193 = tpu.vector_load %arg20[%get3A_192] {strides = array<i32>} : memref<32xi32, #tpu.memory_space<vmem>>, vector<16xi32>,
      %get3A_194 = vector.shape_cast %get3A_193 : vector<16xi32> to vector<16xi32>
      %min3A_195 = arith.minsi %min3A_183, %get3A_194 : vector<16xi32>
      %swap3A_196 = arith.constant 0 : index
      %swap3A_197 = tpu.vector_load %arg20[%swap3A_196] {strides = array<i32>} : memref<32xi32, #tpu.memory_space<vmem>>, vector<16xi32>,
      %swap3A_198 = vector.shape_cast %swap3A_197 : vector<16xi32> to vector<16xi32>
      %swap3A_199 = vector.shape_cast %min3A_195 : vector<16xi32> to vector<16xi32>
      tpu.vector_store %arg20[%swap3A_196], %swap3A_199 {strides = array<i32>} : memref<32xi32, #tpu.memory_space<vmem>>, vector<16xi32>,
      %swap3A_200 = arith.constant 16 : index
      %swap3A_201 = tpu.vector_load %arg20[%swap3A_200] {strides = array<i32>} : memref<32xi32, #tpu.memory_space<vmem>>, vector<16xi32>,
      %swap3A_202 = vector.shape_cast %swap3A_201 : vector<16xi32> to vector<16xi32>
      %swap3A_203 = vector.shape_cast %min3A_195 : vector<16xi32> to vector<16xi32>
      tpu.vector_store %arg20[%swap3A_200], %swap3A_203 {strides = array<i32>} : memref<32xi32, #tpu.memory_space<vmem>>, vector<16xi32>,
      %get3A_204 = arith.constant 1 : index
      %get3A_205 = tpu.vector_load %arg20[%get3A_204] {strides = array<i32>} : memref<32xi32, #tpu.memory_space<vmem>>, vector<16xi32>,
      %get3A_206 = vector.shape_cast %get3A_205 : vector<16xi32> to vector<16xi32>
      %min3A_207 = arith.minsi %min3A_195, %get3A_206 : vector<16xi32>
      %slice3A = vector.extract_strided_slice %min3A_207 {offsets = [0], sizes = [1], strides = [1]} : vector<16xi32> to vector<1xi32>
      %squeeze3A = vector.extract %slice3A[0] : i32 from vector<1xi32>
      %mul3A_208 = arith.constant 4 : i32
      %mul3A_209 = arith.muli %arg1, %mul3A_208 : i32
      %add3A_210 = arith.constant 1 : i32
      %add3A_211 = arith.addi %mul3A_209, %add3A_210 : i32
      %dma_wait3A_212 = arith.constant 0 : i32
      %dma_wait3A_213 = tpu.memref_slice %arg2[%add3A_42, %dma_wait3A_212] : memref<16384x16384xf32, #tpu.memory_space<hbm>> -> memref<1x16384xf32, #tpu.memory_space<hbm>>
      %dma_wait3A_214 = tpu.memref_squeeze %dma_wait3A_213 : memref<1x16384xf32, #tpu.memory_space<hbm>> -> memref<16384xf32, #tpu.memory_space<hbm>>
      %dma_wait3A_215 = arith.constant 0 : i32
      %dma_wait3A_216 = tpu.memref_slice %arg2[%add3A_42, %dma_wait3A_215] : memref<16384x16384xf32, #tpu.memory_space<hbm>> -> memref<1x16384xf32, #tpu.memory_space<hbm>>
      %dma_wait3A_217 = tpu.memref_squeeze %dma_wait3A_216 : memref<1x16384xf32, #tpu.memory_space<hbm>> -> memref<16384xf32, #tpu.memory_space<hbm>>
      tpu.wait_dma2 semaphore(%arg21 : memref<!tpu.dma_semaphore, #tpu.memory_space<semaphore_mem>>) src(%dma_wait3A_217 : memref<16384xf32, #tpu.memory_space<hbm>>) dst(%arg9 : memref<16384xf32, #tpu.memory_space<vmem>>)
      %dma_wait3A_218 = arith.constant 0 : i32
      %dma_wait3A_219 = tpu.memref_slice %arg3[%add3A_50, %dma_wait3A_218] : memref<64x16384xf32, #tpu.memory_space<hbm>> -> memref<1x16384xf32, #tpu.memory_space<hbm>>
      %dma_wait3A_220 = tpu.memref_squeeze %dma_wait3A_219 : memref<1x16384xf32, #tpu.memory_space<hbm>> -> memref<16384xf32, #tpu.memory_space<hbm>>
      %dma_wait3A_221 = arith.constant 0 : i32
      %dma_wait3A_222 = tpu.memref_slice %arg3[%add3A_50, %dma_wait3A_221] : memref<64x16384xf32, #tpu.memory_space<hbm>> -> memref<1x16384xf32, #tpu.memory_space<hbm>>
      %dma_wait3A_223 = tpu.memref_squeeze %dma_wait3A_222 : memref<1x16384xf32, #tpu.memory_space<hbm>> -> memref<16384xf32, #tpu.memory_space<hbm>>
      tpu.wait_dma2 semaphore(%arg21 : memref<!tpu.dma_semaphore, #tpu.memory_space<semaphore_mem>>) src(%dma_wait3A_223 : memref<16384xf32, #tpu.memory_space<hbm>>) dst(%arg10 : memref<16384xf32, #tpu.memory_space<vmem>>)
      %add3A_224 = arith.constant 1 : i32
      %add3A_225 = arith.addi %add3A_211, %add3A_224 : i32
      %dma_start3A_226 = arith.constant 0 : i32
      %dma_start3A_227 = tpu.memref_slice %arg2[%add3A_225, %dma_start3A_226] : memref<16384x16384xf32, #tpu.memory_space<hbm>> -> memref<1x16384xf32, #tpu.memory_space<hbm>>
      %dma_start3A_228 = tpu.memref_squeeze %dma_start3A_227 : memref<1x16384xf32, #tpu.memory_space<hbm>> -> memref<16384xf32, #tpu.memory_space<hbm>>
      %dma_start3A_229 = arith.constant 0 : i32
      %dma_start3A_230 = tpu.memref_slice %arg2[%add3A_225, %dma_start3A_229] : memref<16384x16384xf32, #tpu.memory_space<hbm>> -> memref<1x16384xf32, #tpu.memory_space<hbm>>
      %dma_start3A_231 = tpu.memref_squeeze %dma_start3A_230 : memref<1x16384xf32, #tpu.memory_space<hbm>> -> memref<16384xf32, #tpu.memory_space<hbm>>
      tpu.enqueue_dma source(%dma_start3A_231 : memref<16384xf32, #tpu.memory_space<hbm>>) target(%arg7 : memref<16384xf32, #tpu.memory_space<vmem>>) target_semaphore(%arg21 : memref<!tpu.dma_semaphore, #tpu.memory_space<semaphore_mem>>)
      %add3A_232 = arith.constant 1 : i32
      %add3A_233 = arith.addi %add3A_211, %add3A_232 : i32
      %dma_start3A_234 = arith.constant 0 : i32
      %dma_start3A_235 = tpu.memref_slice %arg3[%add3A_233, %dma_start3A_234] : memref<64x16384xf32, #tpu.memory_space<hbm>> -> memref<1x16384xf32, #tpu.memory_space<hbm>>
      %dma_start3A_236 = tpu.memref_squeeze %dma_start3A_235 : memref<1x16384xf32, #tpu.memory_space<hbm>> -> memref<16384xf32, #tpu.memory_space<hbm>>
      %dma_start3A_237 = arith.constant 0 : i32
      %dma_start3A_238 = tpu.memref_slice %arg3[%add3A_233, %dma_start3A_237] : memref<64x16384xf32, #tpu.memory_space<hbm>> -> memref<1x16384xf32, #tpu.memory_space<hbm>>
      %dma_start3A_239 = tpu.memref_squeeze %dma_start3A_238 : memref<1x16384xf32, #tpu.memory_space<hbm>> -> memref<16384xf32, #tpu.memory_space<hbm>>
      tpu.enqueue_dma source(%dma_start3A_239 : memref<16384xf32, #tpu.memory_space<hbm>>) target(%arg8 : memref<16384xf32, #tpu.memory_space<vmem>>) target_semaphore(%arg21 : memref<!tpu.dma_semaphore, #tpu.memory_space<semaphore_mem>>)
      %get3A_240 = arith.constant 0 : index
      %get3A_241 = tpu.vector_load %arg9[%get3A_240] {strides = array<i32>} : memref<16384xf32, #tpu.memory_space<vmem>>, vector<16xf32>,
      %get3A_242 = vector.shape_cast %get3A_241 : vector<16xf32> to vector<16xf32>
      %swap3A_243 = arith.constant 0 : index
      %swap3A_244 = tpu.vector_load %arg14[%swap3A_243] {strides = array<i32>} : memref<64xf32, #tpu.memory_space<vmem>>, vector<16xf32>,
      %swap3A_245 = vector.shape_cast %swap3A_244 : vector<16xf32> to vector<16xf32>
      %swap3A_246 = vector.shape_cast %get3A_242 : vector<16xf32> to vector<16xf32>
      tpu.vector_store %arg14[%swap3A_243], %swap3A_246 {strides = array<i32>} : memref<64xf32, #tpu.memory_space<vmem>>, vector<16xf32>,
      %get3A_247 = arith.constant 16 : index
      %get3A_248 = tpu.vector_load %arg9[%get3A_247] {strides = array<i32>} : memref<16384xf32, #tpu.memory_space<vmem>>, vector<16xf32>,
      %get3A_249 = vector.shape_cast %get3A_248 : vector<16xf32> to vector<16xf32>
      %swap3A_250 = arith.constant 16 : index
      %swap3A_251 = tpu.vector_load %arg14[%swap3A_250] {strides = array<i32>} : memref<64xf32, #tpu.memory_space<vmem>>, vector<16xf32>,
      %swap3A_252 = vector.shape_cast %swap3A_251 : vector<16xf32> to vector<16xf32>
      %swap3A_253 = vector.shape_cast %get3A_249 : vector<16xf32> to vector<16xf32>
      tpu.vector_store %arg14[%swap3A_250], %swap3A_253 {strides = array<i32>} : memref<64xf32, #tpu.memory_space<vmem>>, vector<16xf32>,
      %get3A_254 = arith.constant 32 : index
      %get3A_255 = tpu.vector_load %arg9[%get3A_254] {strides = array<i32>} : memref<16384xf32, #tpu.memory_space<vmem>>, vector<16xf32>,
      %get3A_256 = vector.shape_cast %get3A_255 : vector<16xf32> to vector<16xf32>
      %swap3A_257 = arith.constant 32 : index
      %swap3A_258 = tpu.vector_load %arg14[%swap3A_257] {strides = array<i32>} : memref<64xf32, #tpu.memory_space<vmem>>, vector<16xf32>,
      %swap3A_259 = vector.shape_cast %swap3A_258 : vector<16xf32> to vector<16xf32>
      %swap3A_260 = vector.shape_cast %get3A_256 : vector<16xf32> to vector<16xf32>
      tpu.vector_store %arg14[%swap3A_257], %swap3A_260 {strides = array<i32>} : memref<64xf32, #tpu.memory_space<vmem>>, vector<16xf32>,
      %get3A_261 = arith.constant 48 : index
      %get3A_262 = tpu.vector_load %arg9[%get3A_261] {strides = array<i32>} : memref<16384xf32, #tpu.memory_space<vmem>>, vector<16xf32>,
      %get3A_263 = vector.shape_cast %get3A_262 : vector<16xf32> to vector<16xf32>
      %swap3A_264 = arith.constant 48 : index
      %swap3A_265 = tpu.vector_load %arg14[%swap3A_264] {strides = array<i32>} : memref<64xf32, #tpu.memory_space<vmem>>, vector<16xf32>,
      %swap3A_266 = vector.shape_cast %swap3A_265 : vector<16xf32> to vector<16xf32>
      %swap3A_267 = vector.shape_cast %get3A_263 : vector<16xf32> to vector<16xf32>
      tpu.vector_store %arg14[%swap3A_264], %swap3A_267 {strides = array<i32>} : memref<64xf32, #tpu.memory_space<vmem>>, vector<16xf32>,
      %mul3A_268 = arith.constant 64 : i32
      %mul3A_269 = arith.muli %add3A_211, %mul3A_268 : i32
      "tpu.region"() ({
        %run_scoped3A = tpu.sem_alloc : memref<!tpu.dma_semaphore, #tpu.memory_space<semaphore_mem>>
        %dma_start3A_817 = tpu.memref_slice %arg23[%mul3A_269] : memref<4112xf32, #tpu.memory_space<vmem_shared>> -> memref<64xf32, #tpu.memory_space<vmem_shared>>
        %dma_start3A_818 = tpu.memref_slice %arg23[%mul3A_269] : memref<4112xf32, #tpu.memory_space<vmem_shared>> -> memref<64xf32, #tpu.memory_space<vmem_shared>>
        tpu.enqueue_dma source(%arg14 : memref<64xf32, #tpu.memory_space<vmem>>) target(%dma_start3A_818 : memref<64xf32, #tpu.memory_space<vmem_shared>>) target_semaphore(%run_scoped3A : memref<!tpu.dma_semaphore, #tpu.memory_space<semaphore_mem>>)
        %dma_wait3A_819 = tpu.memref_slice %arg23[%mul3A_269] : memref<4112xf32, #tpu.memory_space<vmem_shared>> -> memref<64xf32, #tpu.memory_space<vmem_shared>>
        %dma_wait3A_820 = tpu.memref_slice %arg23[%mul3A_269] : memref<4112xf32, #tpu.memory_space<vmem_shared>> -> memref<64xf32, #tpu.memory_space<vmem_shared>>
        tpu.wait_dma2 semaphore(%run_scoped3A : memref<!tpu.dma_semaphore, #tpu.memory_space<semaphore_mem>>) src(%arg14 : memref<64xf32, #tpu.memory_space<vmem>>) dst(%dma_wait3A_820 : memref<64xf32, #tpu.memory_space<vmem_shared>>)
        tpu.yield
      }) : () -> ()
      %iota3A_270 = tpu.iota {dimensions = array<i32: 0>} : vector<16xi32>
      %broadcast_in_dim3A_271 = arith.constant -1.000000e+00 : f32
      %broadcast_in_dim3A_272 = vector.broadcast %broadcast_in_dim3A_271 : f32 to vector<16xf32>
      %broadcast_in_dim3A_273 = arith.constant 0 : i32
      %broadcast_in_dim3A_274 = vector.broadcast %broadcast_in_dim3A_273 : i32 to vector<16xi32>
      %scan3A_275 = arith.constant 0 : i32
      %scan3A_276 = arith.constant 256 : i32
      %scan3A_277 = arith.addi %scan3A_275, %scan3A_276 : i32
      %scan3A_278 = arith.constant 1 : i32
      %scan3A_279:8 = scf.for %scan3A_817 = %scan3A_275 to %scan3A_277 step %scan3A_278 iter_args(%scan3A_818 = %broadcast_in_dim3A_272, %scan3A_819 = %broadcast_in_dim3A_274, %scan3A_820 = %broadcast_in_dim3A_272, %scan3A_821 = %broadcast_in_dim3A_274, %scan3A_822 = %broadcast_in_dim3A_272, %scan3A_823 = %broadcast_in_dim3A_274, %scan3A_824 = %broadcast_in_dim3A_272, %scan3A_825 = %broadcast_in_dim3A_274) -> (vector<16xf32>, vector<16xi32>, vector<16xf32>, vector<16xi32>, vector<16xf32>, vector<16xi32>, vector<16xf32>, vector<16xi32>)  : i32 {
        %mul3A_826 = arith.constant 64 : i32
        %mul3A_827 = arith.muli %scan3A_817, %mul3A_826 : i32
        %add3A_828 = arith.constant 0 : i32
        %add3A_829 = arith.addi %mul3A_827, %add3A_828 : i32
        %get3A_830 = arith.index_cast %add3A_829 : i32 to index
        %get3A_831 = tpu.vector_load %arg9[%get3A_830] {strides = array<i32>} : memref<16384xf32, #tpu.memory_space<vmem>>, vector<16xf32>,
        %get3A_832 = vector.shape_cast %get3A_831 : vector<16xf32> to vector<16xf32>
        %get3A_833 = arith.index_cast %add3A_829 : i32 to index
        %get3A_834 = tpu.vector_load %arg10[%get3A_833] {strides = array<i32>} : memref<16384xf32, #tpu.memory_space<vmem>>, vector<16xf32>,
        %get3A_835 = vector.shape_cast %get3A_834 : vector<16xf32> to vector<16xf32>
        %max3A_836 = arith.constant 0.000000e+00 : f32
        %max3A_837 = vector.broadcast %max3A_836 : f32 to vector<16xf32>
        %max3A_838 = arith.maximumf %get3A_832, %max3A_837 : vector<16xf32>
        %add3A_839 = arith.constant 9.99999997E-7 : f32
        %add3A_840 = vector.broadcast %add3A_839 : f32 to vector<16xf32>
        %add3A_841 = arith.addf %max3A_838, %add3A_840 : vector<16xf32>
        %mul3A_842 = arith.mulf %add3A_841, %get3A_835 : vector<16xf32>
        %gt3A_843 = arith.cmpf ogt, %mul3A_842, %scan3A_818 : vector<16xf32>
        %select_n3A_844 = arith.select %gt3A_843, %mul3A_842, %scan3A_818 : vector<16xi1>, vector<16xf32>
        %add3A_845 = vector.broadcast %add3A_829 : i32 to vector<16xi32>
        %add3A_846 = arith.addi %add3A_845, %iota3A_270 : vector<16xi32>
        %select_n3A_847 = arith.select %gt3A_843, %add3A_846, %scan3A_819 : vector<16xi1>, vector<16xi32>
        %add3A_848 = arith.constant 16 : i32
        %add3A_849 = arith.addi %mul3A_827, %add3A_848 : i32
        %get3A_850 = arith.index_cast %add3A_849 : i32 to index
        %get3A_851 = tpu.vector_load %arg9[%get3A_850] {strides = array<i32>} : memref<16384xf32, #tpu.memory_space<vmem>>, vector<16xf32>,
        %get3A_852 = vector.shape_cast %get3A_851 : vector<16xf32> to vector<16xf32>
        %get3A_853 = arith.index_cast %add3A_849 : i32 to index
        %get3A_854 = tpu.vector_load %arg10[%get3A_853] {strides = array<i32>} : memref<16384xf32, #tpu.memory_space<vmem>>, vector<16xf32>,
        %get3A_855 = vector.shape_cast %get3A_854 : vector<16xf32> to vector<16xf32>
        %max3A_856 = arith.constant 0.000000e+00 : f32
        %max3A_857 = vector.broadcast %max3A_856 : f32 to vector<16xf32>
        %max3A_858 = arith.maximumf %get3A_852, %max3A_857 : vector<16xf32>
        %add3A_859 = arith.constant 9.99999997E-7 : f32
        %add3A_860 = vector.broadcast %add3A_859 : f32 to vector<16xf32>
        %add3A_861 = arith.addf %max3A_858, %add3A_860 : vector<16xf32>
        %mul3A_862 = arith.mulf %add3A_861, %get3A_855 : vector<16xf32>
        %gt3A_863 = arith.cmpf ogt, %mul3A_862, %scan3A_820 : vector<16xf32>
        %select_n3A_864 = arith.select %gt3A_863, %mul3A_862, %scan3A_820 : vector<16xi1>, vector<16xf32>
        %add3A_865 = vector.broadcast %add3A_849 : i32 to vector<16xi32>
        %add3A_866 = arith.addi %add3A_865, %iota3A_270 : vector<16xi32>
        %select_n3A_867 = arith.select %gt3A_863, %add3A_866, %scan3A_821 : vector<16xi1>, vector<16xi32>
        %add3A_868 = arith.constant 32 : i32
        %add3A_869 = arith.addi %mul3A_827, %add3A_868 : i32
        %get3A_870 = arith.index_cast %add3A_869 : i32 to index
        %get3A_871 = tpu.vector_load %arg9[%get3A_870] {strides = array<i32>} : memref<16384xf32, #tpu.memory_space<vmem>>, vector<16xf32>,
        %get3A_872 = vector.shape_cast %get3A_871 : vector<16xf32> to vector<16xf32>
        %get3A_873 = arith.index_cast %add3A_869 : i32 to index
        %get3A_874 = tpu.vector_load %arg10[%get3A_873] {strides = array<i32>} : memref<16384xf32, #tpu.memory_space<vmem>>, vector<16xf32>,
        %get3A_875 = vector.shape_cast %get3A_874 : vector<16xf32> to vector<16xf32>
        %max3A_876 = arith.constant 0.000000e+00 : f32
        %max3A_877 = vector.broadcast %max3A_876 : f32 to vector<16xf32>
        %max3A_878 = arith.maximumf %get3A_872, %max3A_877 : vector<16xf32>
        %add3A_879 = arith.constant 9.99999997E-7 : f32
        %add3A_880 = vector.broadcast %add3A_879 : f32 to vector<16xf32>
        %add3A_881 = arith.addf %max3A_878, %add3A_880 : vector<16xf32>
        %mul3A_882 = arith.mulf %add3A_881, %get3A_875 : vector<16xf32>
        %gt3A_883 = arith.cmpf ogt, %mul3A_882, %scan3A_822 : vector<16xf32>
        %select_n3A_884 = arith.select %gt3A_883, %mul3A_882, %scan3A_822 : vector<16xi1>, vector<16xf32>
        %add3A_885 = vector.broadcast %add3A_869 : i32 to vector<16xi32>
        %add3A_886 = arith.addi %add3A_885, %iota3A_270 : vector<16xi32>
        %select_n3A_887 = arith.select %gt3A_883, %add3A_886, %scan3A_823 : vector<16xi1>, vector<16xi32>
        %add3A_888 = arith.constant 48 : i32
        %add3A_889 = arith.addi %mul3A_827, %add3A_888 : i32
        %get3A_890 = arith.index_cast %add3A_889 : i32 to index
        %get3A_891 = tpu.vector_load %arg9[%get3A_890] {strides = array<i32>} : memref<16384xf32, #tpu.memory_space<vmem>>, vector<16xf32>,
        %get3A_892 = vector.shape_cast %get3A_891 : vector<16xf32> to vector<16xf32>
        %get3A_893 = arith.index_cast %add3A_889 : i32 to index
        %get3A_894 = tpu.vector_load %arg10[%get3A_893] {strides = array<i32>} : memref<16384xf32, #tpu.memory_space<vmem>>, vector<16xf32>,
        %get3A_895 = vector.shape_cast %get3A_894 : vector<16xf32> to vector<16xf32>
        %max3A_896 = arith.constant 0.000000e+00 : f32
        %max3A_897 = vector.broadcast %max3A_896 : f32 to vector<16xf32>
        %max3A_898 = arith.maximumf %get3A_892, %max3A_897 : vector<16xf32>
        %add3A_899 = arith.constant 9.99999997E-7 : f32
        %add3A_900 = vector.broadcast %add3A_899 : f32 to vector<16xf32>
        %add3A_901 = arith.addf %max3A_898, %add3A_900 : vector<16xf32>
        %mul3A_902 = arith.mulf %add3A_901, %get3A_895 : vector<16xf32>
        %gt3A_903 = arith.cmpf ogt, %mul3A_902, %scan3A_824 : vector<16xf32>
        %select_n3A_904 = arith.select %gt3A_903, %mul3A_902, %scan3A_824 : vector<16xi1>, vector<16xf32>
        %add3A_905 = vector.broadcast %add3A_889 : i32 to vector<16xi32>
        %add3A_906 = arith.addi %add3A_905, %iota3A_270 : vector<16xi32>
        %select_n3A_907 = arith.select %gt3A_903, %add3A_906, %scan3A_825 : vector<16xi1>, vector<16xi32>
        scf.yield %select_n3A_844, %select_n3A_847, %select_n3A_864, %select_n3A_867, %select_n3A_884, %select_n3A_887, %select_n3A_904, %select_n3A_907 : vector<16xf32>, vector<16xi32>, vector<16xf32>, vector<16xi32>, vector<16xf32>, vector<16xi32>, vector<16xf32>, vector<16xi32>
      }
      %scan3A_280 = arith.constant 256 : i32
      %gt3A_281 = arith.cmpf ogt, %scan3A_279#2, %scan3A_279#0 : vector<16xf32>
      %eq3A_282 = arith.cmpf oeq, %scan3A_279#2, %scan3A_279#0 : vector<16xf32>
      %lt3A_283 = arith.cmpi slt, %scan3A_279#3, %scan3A_279#1 : vector<16xi32>
      %and3A_284 = arith.andi %eq3A_282, %lt3A_283 : vector<16xi1>
      %or3A_285 = arith.ori %gt3A_281, %and3A_284 : vector<16xi1>
      %select_n3A_286 = arith.select %or3A_285, %scan3A_279#2, %scan3A_279#0 : vector<16xi1>, vector<16xf32>
      %select_n3A_287 = arith.select %or3A_285, %scan3A_279#3, %scan3A_279#1 : vector<16xi1>, vector<16xi32>
      %gt3A_288 = arith.cmpf ogt, %scan3A_279#4, %select_n3A_286 : vector<16xf32>
      %eq3A_289 = arith.cmpf oeq, %scan3A_279#4, %select_n3A_286 : vector<16xf32>
      %lt3A_290 = arith.cmpi slt, %scan3A_279#5, %select_n3A_287 : vector<16xi32>
      %and3A_291 = arith.andi %eq3A_289, %lt3A_290 : vector<16xi1>
      %or3A_292 = arith.ori %gt3A_288, %and3A_291 : vector<16xi1>
      %select_n3A_293 = arith.select %or3A_292, %scan3A_279#4, %select_n3A_286 : vector<16xi1>, vector<16xf32>
      %select_n3A_294 = arith.select %or3A_292, %scan3A_279#5, %select_n3A_287 : vector<16xi1>, vector<16xi32>
      %gt3A_295 = arith.cmpf ogt, %scan3A_279#6, %select_n3A_293 : vector<16xf32>
      %eq3A_296 = arith.cmpf oeq, %scan3A_279#6, %select_n3A_293 : vector<16xf32>
      %lt3A_297 = arith.cmpi slt, %scan3A_279#7, %select_n3A_294 : vector<16xi32>
      %and3A_298 = arith.andi %eq3A_296, %lt3A_297 : vector<16xi1>
      %or3A_299 = arith.ori %gt3A_295, %and3A_298 : vector<16xi1>
      %select_n3A_300 = arith.select %or3A_299, %scan3A_279#6, %select_n3A_293 : vector<16xi1>, vector<16xf32>
      %select_n3A_301 = arith.select %or3A_299, %scan3A_279#7, %select_n3A_294 : vector<16xi1>, vector<16xi32>
      %swap3A_302 = arith.constant 0 : index
      %swap3A_303 = tpu.vector_load %arg19[%swap3A_302] {strides = array<i32>} : memref<32xf32, #tpu.memory_space<vmem>>, vector<16xf32>,
      %swap3A_304 = vector.shape_cast %swap3A_303 : vector<16xf32> to vector<16xf32>
      %swap3A_305 = vector.shape_cast %select_n3A_300 : vector<16xf32> to vector<16xf32>
      tpu.vector_store %arg19[%swap3A_302], %swap3A_305 {strides = array<i32>} : memref<32xf32, #tpu.memory_space<vmem>>, vector<16xf32>,
      %swap3A_306 = arith.constant 16 : index
      %swap3A_307 = tpu.vector_load %arg19[%swap3A_306] {strides = array<i32>} : memref<32xf32, #tpu.memory_space<vmem>>, vector<16xf32>,
      %swap3A_308 = vector.shape_cast %swap3A_307 : vector<16xf32> to vector<16xf32>
      %swap3A_309 = vector.shape_cast %select_n3A_300 : vector<16xf32> to vector<16xf32>
      tpu.vector_store %arg19[%swap3A_306], %swap3A_309 {strides = array<i32>} : memref<32xf32, #tpu.memory_space<vmem>>, vector<16xf32>,
      %get3A_310 = arith.constant 8 : index
      %get3A_311 = tpu.vector_load %arg19[%get3A_310] {strides = array<i32>} : memref<32xf32, #tpu.memory_space<vmem>>, vector<16xf32>,
      %get3A_312 = vector.shape_cast %get3A_311 : vector<16xf32> to vector<16xf32>
      %max3A_313 = arith.maximumf %select_n3A_300, %get3A_312 : vector<16xf32>
      %swap3A_314 = arith.constant 0 : index
      %swap3A_315 = tpu.vector_load %arg19[%swap3A_314] {strides = array<i32>} : memref<32xf32, #tpu.memory_space<vmem>>, vector<16xf32>,
      %swap3A_316 = vector.shape_cast %swap3A_315 : vector<16xf32> to vector<16xf32>
      %swap3A_317 = vector.shape_cast %max3A_313 : vector<16xf32> to vector<16xf32>
      tpu.vector_store %arg19[%swap3A_314], %swap3A_317 {strides = array<i32>} : memref<32xf32, #tpu.memory_space<vmem>>, vector<16xf32>,
      %swap3A_318 = arith.constant 16 : index
      %swap3A_319 = tpu.vector_load %arg19[%swap3A_318] {strides = array<i32>} : memref<32xf32, #tpu.memory_space<vmem>>, vector<16xf32>,
      %swap3A_320 = vector.shape_cast %swap3A_319 : vector<16xf32> to vector<16xf32>
      %swap3A_321 = vector.shape_cast %max3A_313 : vector<16xf32> to vector<16xf32>
      tpu.vector_store %arg19[%swap3A_318], %swap3A_321 {strides = array<i32>} : memref<32xf32, #tpu.memory_space<vmem>>, vector<16xf32>,
      %get3A_322 = arith.constant 4 : index
      %get3A_323 = tpu.vector_load %arg19[%get3A_322] {strides = array<i32>} : memref<32xf32, #tpu.memory_space<vmem>>, vector<16xf32>,
      %get3A_324 = vector.shape_cast %get3A_323 : vector<16xf32> to vector<16xf32>
      %max3A_325 = arith.maximumf %max3A_313, %get3A_324 : vector<16xf32>
      %swap3A_326 = arith.constant 0 : index
      %swap3A_327 = tpu.vector_load %arg19[%swap3A_326] {strides = array<i32>} : memref<32xf32, #tpu.memory_space<vmem>>, vector<16xf32>,
      %swap3A_328 = vector.shape_cast %swap3A_327 : vector<16xf32> to vector<16xf32>
      %swap3A_329 = vector.shape_cast %max3A_325 : vector<16xf32> to vector<16xf32>
      tpu.vector_store %arg19[%swap3A_326], %swap3A_329 {strides = array<i32>} : memref<32xf32, #tpu.memory_space<vmem>>, vector<16xf32>,
      %swap3A_330 = arith.constant 16 : index
      %swap3A_331 = tpu.vector_load %arg19[%swap3A_330] {strides = array<i32>} : memref<32xf32, #tpu.memory_space<vmem>>, vector<16xf32>,
      %swap3A_332 = vector.shape_cast %swap3A_331 : vector<16xf32> to vector<16xf32>
      %swap3A_333 = vector.shape_cast %max3A_325 : vector<16xf32> to vector<16xf32>
      tpu.vector_store %arg19[%swap3A_330], %swap3A_333 {strides = array<i32>} : memref<32xf32, #tpu.memory_space<vmem>>, vector<16xf32>,
      %get3A_334 = arith.constant 2 : index
      %get3A_335 = tpu.vector_load %arg19[%get3A_334] {strides = array<i32>} : memref<32xf32, #tpu.memory_space<vmem>>, vector<16xf32>,
      %get3A_336 = vector.shape_cast %get3A_335 : vector<16xf32> to vector<16xf32>
      %max3A_337 = arith.maximumf %max3A_325, %get3A_336 : vector<16xf32>
      %swap3A_338 = arith.constant 0 : index
      %swap3A_339 = tpu.vector_load %arg19[%swap3A_338] {strides = array<i32>} : memref<32xf32, #tpu.memory_space<vmem>>, vector<16xf32>,
      %swap3A_340 = vector.shape_cast %swap3A_339 : vector<16xf32> to vector<16xf32>
      %swap3A_341 = vector.shape_cast %max3A_337 : vector<16xf32> to vector<16xf32>
      tpu.vector_store %arg19[%swap3A_338], %swap3A_341 {strides = array<i32>} : memref<32xf32, #tpu.memory_space<vmem>>, vector<16xf32>,
      %swap3A_342 = arith.constant 16 : index
      %swap3A_343 = tpu.vector_load %arg19[%swap3A_342] {strides = array<i32>} : memref<32xf32, #tpu.memory_space<vmem>>, vector<16xf32>,
      %swap3A_344 = vector.shape_cast %swap3A_343 : vector<16xf32> to vector<16xf32>
      %swap3A_345 = vector.shape_cast %max3A_337 : vector<16xf32> to vector<16xf32>
      tpu.vector_store %arg19[%swap3A_342], %swap3A_345 {strides = array<i32>} : memref<32xf32, #tpu.memory_space<vmem>>, vector<16xf32>,
      %get3A_346 = arith.constant 1 : index
      %get3A_347 = tpu.vector_load %arg19[%get3A_346] {strides = array<i32>} : memref<32xf32, #tpu.memory_space<vmem>>, vector<16xf32>,
      %get3A_348 = vector.shape_cast %get3A_347 : vector<16xf32> to vector<16xf32>
      %max3A_349 = arith.maximumf %max3A_337, %get3A_348 : vector<16xf32>
      %eq3A_350 = arith.cmpf oeq, %select_n3A_300, %max3A_349 : vector<16xf32>
      %jit3A_351 = arith.constant 16384 : i32
      %broadcast_in_dim3A_352 = vector.broadcast %jit3A_351 : i32 to vector<16xi32>
      %select_n3A_353 = arith.select %eq3A_350, %select_n3A_301, %broadcast_in_dim3A_352 : vector<16xi1>, vector<16xi32>
      %swap3A_354 = arith.constant 0 : index
      %swap3A_355 = tpu.vector_load %arg20[%swap3A_354] {strides = array<i32>} : memref<32xi32, #tpu.memory_space<vmem>>, vector<16xi32>,
      %swap3A_356 = vector.shape_cast %swap3A_355 : vector<16xi32> to vector<16xi32>
      %swap3A_357 = vector.shape_cast %select_n3A_353 : vector<16xi32> to vector<16xi32>
      tpu.vector_store %arg20[%swap3A_354], %swap3A_357 {strides = array<i32>} : memref<32xi32, #tpu.memory_space<vmem>>, vector<16xi32>,
      %swap3A_358 = arith.constant 16 : index
      %swap3A_359 = tpu.vector_load %arg20[%swap3A_358] {strides = array<i32>} : memref<32xi32, #tpu.memory_space<vmem>>, vector<16xi32>,
      %swap3A_360 = vector.shape_cast %swap3A_359 : vector<16xi32> to vector<16xi32>
      %swap3A_361 = vector.shape_cast %select_n3A_353 : vector<16xi32> to vector<16xi32>
      tpu.vector_store %arg20[%swap3A_358], %swap3A_361 {strides = array<i32>} : memref<32xi32, #tpu.memory_space<vmem>>, vector<16xi32>,
      %get3A_362 = arith.constant 8 : index
      %get3A_363 = tpu.vector_load %arg20[%get3A_362] {strides = array<i32>} : memref<32xi32, #tpu.memory_space<vmem>>, vector<16xi32>,
      %get3A_364 = vector.shape_cast %get3A_363 : vector<16xi32> to vector<16xi32>
      %min3A_365 = arith.minsi %select_n3A_353, %get3A_364 : vector<16xi32>
      %swap3A_366 = arith.constant 0 : index
      %swap3A_367 = tpu.vector_load %arg20[%swap3A_366] {strides = array<i32>} : memref<32xi32, #tpu.memory_space<vmem>>, vector<16xi32>,
      %swap3A_368 = vector.shape_cast %swap3A_367 : vector<16xi32> to vector<16xi32>
      %swap3A_369 = vector.shape_cast %min3A_365 : vector<16xi32> to vector<16xi32>
      tpu.vector_store %arg20[%swap3A_366], %swap3A_369 {strides = array<i32>} : memref<32xi32, #tpu.memory_space<vmem>>, vector<16xi32>,
      %swap3A_370 = arith.constant 16 : index
      %swap3A_371 = tpu.vector_load %arg20[%swap3A_370] {strides = array<i32>} : memref<32xi32, #tpu.memory_space<vmem>>, vector<16xi32>,
      %swap3A_372 = vector.shape_cast %swap3A_371 : vector<16xi32> to vector<16xi32>
      %swap3A_373 = vector.shape_cast %min3A_365 : vector<16xi32> to vector<16xi32>
      tpu.vector_store %arg20[%swap3A_370], %swap3A_373 {strides = array<i32>} : memref<32xi32, #tpu.memory_space<vmem>>, vector<16xi32>,
      %get3A_374 = arith.constant 4 : index
      %get3A_375 = tpu.vector_load %arg20[%get3A_374] {strides = array<i32>} : memref<32xi32, #tpu.memory_space<vmem>>, vector<16xi32>,
      %get3A_376 = vector.shape_cast %get3A_375 : vector<16xi32> to vector<16xi32>
      %min3A_377 = arith.minsi %min3A_365, %get3A_376 : vector<16xi32>
      %swap3A_378 = arith.constant 0 : index
      %swap3A_379 = tpu.vector_load %arg20[%swap3A_378] {strides = array<i32>} : memref<32xi32, #tpu.memory_space<vmem>>, vector<16xi32>,
      %swap3A_380 = vector.shape_cast %swap3A_379 : vector<16xi32> to vector<16xi32>
      %swap3A_381 = vector.shape_cast %min3A_377 : vector<16xi32> to vector<16xi32>
      tpu.vector_store %arg20[%swap3A_378], %swap3A_381 {strides = array<i32>} : memref<32xi32, #tpu.memory_space<vmem>>, vector<16xi32>,
      %swap3A_382 = arith.constant 16 : index
      %swap3A_383 = tpu.vector_load %arg20[%swap3A_382] {strides = array<i32>} : memref<32xi32, #tpu.memory_space<vmem>>, vector<16xi32>,
      %swap3A_384 = vector.shape_cast %swap3A_383 : vector<16xi32> to vector<16xi32>
      %swap3A_385 = vector.shape_cast %min3A_377 : vector<16xi32> to vector<16xi32>
      tpu.vector_store %arg20[%swap3A_382], %swap3A_385 {strides = array<i32>} : memref<32xi32, #tpu.memory_space<vmem>>, vector<16xi32>,
      %get3A_386 = arith.constant 2 : index
      %get3A_387 = tpu.vector_load %arg20[%get3A_386] {strides = array<i32>} : memref<32xi32, #tpu.memory_space<vmem>>, vector<16xi32>,
      %get3A_388 = vector.shape_cast %get3A_387 : vector<16xi32> to vector<16xi32>
      %min3A_389 = arith.minsi %min3A_377, %get3A_388 : vector<16xi32>
      %swap3A_390 = arith.constant 0 : index
      %swap3A_391 = tpu.vector_load %arg20[%swap3A_390] {strides = array<i32>} : memref<32xi32, #tpu.memory_space<vmem>>, vector<16xi32>,
      %swap3A_392 = vector.shape_cast %swap3A_391 : vector<16xi32> to vector<16xi32>
      %swap3A_393 = vector.shape_cast %min3A_389 : vector<16xi32> to vector<16xi32>
      tpu.vector_store %arg20[%swap3A_390], %swap3A_393 {strides = array<i32>} : memref<32xi32, #tpu.memory_space<vmem>>, vector<16xi32>,
      %swap3A_394 = arith.constant 16 : index
      %swap3A_395 = tpu.vector_load %arg20[%swap3A_394] {strides = array<i32>} : memref<32xi32, #tpu.memory_space<vmem>>, vector<16xi32>,
      %swap3A_396 = vector.shape_cast %swap3A_395 : vector<16xi32> to vector<16xi32>
      %swap3A_397 = vector.shape_cast %min3A_389 : vector<16xi32> to vector<16xi32>
      tpu.vector_store %arg20[%swap3A_394], %swap3A_397 {strides = array<i32>} : memref<32xi32, #tpu.memory_space<vmem>>, vector<16xi32>,
      %get3A_398 = arith.constant 1 : index
      %get3A_399 = tpu.vector_load %arg20[%get3A_398] {strides = array<i32>} : memref<32xi32, #tpu.memory_space<vmem>>, vector<16xi32>,
      %get3A_400 = vector.shape_cast %get3A_399 : vector<16xi32> to vector<16xi32>
      %min3A_401 = arith.minsi %min3A_389, %get3A_400 : vector<16xi32>
      %slice3A_402 = vector.extract_strided_slice %min3A_401 {offsets = [0], sizes = [1], strides = [1]} : vector<16xi32> to vector<1xi32>
      %squeeze3A_403 = vector.extract %slice3A_402[0] : i32 from vector<1xi32>
      %mul3A_404 = arith.constant 4 : i32
      %mul3A_405 = arith.muli %arg1, %mul3A_404 : i32
      %add3A_406 = arith.constant 2 : i32
      %add3A_407 = arith.addi %mul3A_405, %add3A_406 : i32
      %dma_wait3A_408 = arith.constant 0 : i32
      %dma_wait3A_409 = tpu.memref_slice %arg2[%add3A_225, %dma_wait3A_408] : memref<16384x16384xf32, #tpu.memory_space<hbm>> -> memref<1x16384xf32, #tpu.memory_space<hbm>>
      %dma_wait3A_410 = tpu.memref_squeeze %dma_wait3A_409 : memref<1x16384xf32, #tpu.memory_space<hbm>> -> memref<16384xf32, #tpu.memory_space<hbm>>
      %dma_wait3A_411 = arith.constant 0 : i32
      %dma_wait3A_412 = tpu.memref_slice %arg2[%add3A_225, %dma_wait3A_411] : memref<16384x16384xf32, #tpu.memory_space<hbm>> -> memref<1x16384xf32, #tpu.memory_space<hbm>>
      %dma_wait3A_413 = tpu.memref_squeeze %dma_wait3A_412 : memref<1x16384xf32, #tpu.memory_space<hbm>> -> memref<16384xf32, #tpu.memory_space<hbm>>
      tpu.wait_dma2 semaphore(%arg21 : memref<!tpu.dma_semaphore, #tpu.memory_space<semaphore_mem>>) src(%dma_wait3A_413 : memref<16384xf32, #tpu.memory_space<hbm>>) dst(%arg7 : memref<16384xf32, #tpu.memory_space<vmem>>)
      %dma_wait3A_414 = arith.constant 0 : i32
      %dma_wait3A_415 = tpu.memref_slice %arg3[%add3A_233, %dma_wait3A_414] : memref<64x16384xf32, #tpu.memory_space<hbm>> -> memref<1x16384xf32, #tpu.memory_space<hbm>>
      %dma_wait3A_416 = tpu.memref_squeeze %dma_wait3A_415 : memref<1x16384xf32, #tpu.memory_space<hbm>> -> memref<16384xf32, #tpu.memory_space<hbm>>
      %dma_wait3A_417 = arith.constant 0 : i32
      %dma_wait3A_418 = tpu.memref_slice %arg3[%add3A_233, %dma_wait3A_417] : memref<64x16384xf32, #tpu.memory_space<hbm>> -> memref<1x16384xf32, #tpu.memory_space<hbm>>
      %dma_wait3A_419 = tpu.memref_squeeze %dma_wait3A_418 : memref<1x16384xf32, #tpu.memory_space<hbm>> -> memref<16384xf32, #tpu.memory_space<hbm>>
      tpu.wait_dma2 semaphore(%arg21 : memref<!tpu.dma_semaphore, #tpu.memory_space<semaphore_mem>>) src(%dma_wait3A_419 : memref<16384xf32, #tpu.memory_space<hbm>>) dst(%arg8 : memref<16384xf32, #tpu.memory_space<vmem>>)
      %add3A_420 = arith.constant 1 : i32
      %add3A_421 = arith.addi %add3A_407, %add3A_420 : i32
      %dma_start3A_422 = arith.constant 0 : i32
      %dma_start3A_423 = tpu.memref_slice %arg2[%add3A_421, %dma_start3A_422] : memref<16384x16384xf32, #tpu.memory_space<hbm>> -> memref<1x16384xf32, #tpu.memory_space<hbm>>
      %dma_start3A_424 = tpu.memref_squeeze %dma_start3A_423 : memref<1x16384xf32, #tpu.memory_space<hbm>> -> memref<16384xf32, #tpu.memory_space<hbm>>
      %dma_start3A_425 = arith.constant 0 : i32
      %dma_start3A_426 = tpu.memref_slice %arg2[%add3A_421, %dma_start3A_425] : memref<16384x16384xf32, #tpu.memory_space<hbm>> -> memref<1x16384xf32, #tpu.memory_space<hbm>>
      %dma_start3A_427 = tpu.memref_squeeze %dma_start3A_426 : memref<1x16384xf32, #tpu.memory_space<hbm>> -> memref<16384xf32, #tpu.memory_space<hbm>>
      tpu.enqueue_dma source(%dma_start3A_427 : memref<16384xf32, #tpu.memory_space<hbm>>) target(%arg9 : memref<16384xf32, #tpu.memory_space<vmem>>) target_semaphore(%arg21 : memref<!tpu.dma_semaphore, #tpu.memory_space<semaphore_mem>>)
      %add3A_428 = arith.constant 1 : i32
      %add3A_429 = arith.addi %add3A_407, %add3A_428 : i32
      %dma_start3A_430 = arith.constant 0 : i32
      %dma_start3A_431 = tpu.memref_slice %arg3[%add3A_429, %dma_start3A_430] : memref<64x16384xf32, #tpu.memory_space<hbm>> -> memref<1x16384xf32, #tpu.memory_space<hbm>>
      %dma_start3A_432 = tpu.memref_squeeze %dma_start3A_431 : memref<1x16384xf32, #tpu.memory_space<hbm>> -> memref<16384xf32, #tpu.memory_space<hbm>>
      %dma_start3A_433 = arith.constant 0 : i32
      %dma_start3A_434 = tpu.memref_slice %arg3[%add3A_429, %dma_start3A_433] : memref<64x16384xf32, #tpu.memory_space<hbm>> -> memref<1x16384xf32, #tpu.memory_space<hbm>>
      %dma_start3A_435 = tpu.memref_squeeze %dma_start3A_434 : memref<1x16384xf32, #tpu.memory_space<hbm>> -> memref<16384xf32, #tpu.memory_space<hbm>>
      tpu.enqueue_dma source(%dma_start3A_435 : memref<16384xf32, #tpu.memory_space<hbm>>) target(%arg10 : memref<16384xf32, #tpu.memory_space<vmem>>) target_semaphore(%arg21 : memref<!tpu.dma_semaphore, #tpu.memory_space<semaphore_mem>>)
      %get3A_436 = arith.constant 0 : index
      %get3A_437 = tpu.vector_load %arg7[%get3A_436] {strides = array<i32>} : memref<16384xf32, #tpu.memory_space<vmem>>, vector<16xf32>,
      %get3A_438 = vector.shape_cast %get3A_437 : vector<16xf32> to vector<16xf32>
      %swap3A_439 = arith.constant 0 : index
      %swap3A_440 = tpu.vector_load %arg14[%swap3A_439] {strides = array<i32>} : memref<64xf32, #tpu.memory_space<vmem>>, vector<16xf32>,
      %swap3A_441 = vector.shape_cast %swap3A_440 : vector<16xf32> to vector<16xf32>
      %swap3A_442 = vector.shape_cast %get3A_438 : vector<16xf32> to vector<16xf32>
      tpu.vector_store %arg14[%swap3A_439], %swap3A_442 {strides = array<i32>} : memref<64xf32, #tpu.memory_space<vmem>>, vector<16xf32>,
      %get3A_443 = arith.constant 16 : index
      %get3A_444 = tpu.vector_load %arg7[%get3A_443] {strides = array<i32>} : memref<16384xf32, #tpu.memory_space<vmem>>, vector<16xf32>,
      %get3A_445 = vector.shape_cast %get3A_444 : vector<16xf32> to vector<16xf32>
      %swap3A_446 = arith.constant 16 : index
      %swap3A_447 = tpu.vector_load %arg14[%swap3A_446] {strides = array<i32>} : memref<64xf32, #tpu.memory_space<vmem>>, vector<16xf32>,
      %swap3A_448 = vector.shape_cast %swap3A_447 : vector<16xf32> to vector<16xf32>
      %swap3A_449 = vector.shape_cast %get3A_445 : vector<16xf32> to vector<16xf32>
      tpu.vector_store %arg14[%swap3A_446], %swap3A_449 {strides = array<i32>} : memref<64xf32, #tpu.memory_space<vmem>>, vector<16xf32>,
      %get3A_450 = arith.constant 32 : index
      %get3A_451 = tpu.vector_load %arg7[%get3A_450] {strides = array<i32>} : memref<16384xf32, #tpu.memory_space<vmem>>, vector<16xf32>,
      %get3A_452 = vector.shape_cast %get3A_451 : vector<16xf32> to vector<16xf32>
      %swap3A_453 = arith.constant 32 : index
      %swap3A_454 = tpu.vector_load %arg14[%swap3A_453] {strides = array<i32>} : memref<64xf32, #tpu.memory_space<vmem>>, vector<16xf32>,
      %swap3A_455 = vector.shape_cast %swap3A_454 : vector<16xf32> to vector<16xf32>
      %swap3A_456 = vector.shape_cast %get3A_452 : vector<16xf32> to vector<16xf32>
      tpu.vector_store %arg14[%swap3A_453], %swap3A_456 {strides = array<i32>} : memref<64xf32, #tpu.memory_space<vmem>>, vector<16xf32>,
      %get3A_457 = arith.constant 48 : index
      %get3A_458 = tpu.vector_load %arg7[%get3A_457] {strides = array<i32>} : memref<16384xf32, #tpu.memory_space<vmem>>, vector<16xf32>,
      %get3A_459 = vector.shape_cast %get3A_458 : vector<16xf32> to vector<16xf32>
      %swap3A_460 = arith.constant 48 : index
      %swap3A_461 = tpu.vector_load %arg14[%swap3A_460] {strides = array<i32>} : memref<64xf32, #tpu.memory_space<vmem>>, vector<16xf32>,
      %swap3A_462 = vector.shape_cast %swap3A_461 : vector<16xf32> to vector<16xf32>
      %swap3A_463 = vector.shape_cast %get3A_459 : vector<16xf32> to vector<16xf32>
      tpu.vector_store %arg14[%swap3A_460], %swap3A_463 {strides = array<i32>} : memref<64xf32, #tpu.memory_space<vmem>>, vector<16xf32>,
      %mul3A_464 = arith.constant 64 : i32
      %mul3A_465 = arith.muli %add3A_407, %mul3A_464 : i32
      "tpu.region"() ({
        %run_scoped3A = tpu.sem_alloc : memref<!tpu.dma_semaphore, #tpu.memory_space<semaphore_mem>>
        %dma_start3A_817 = tpu.memref_slice %arg23[%mul3A_465] : memref<4112xf32, #tpu.memory_space<vmem_shared>> -> memref<64xf32, #tpu.memory_space<vmem_shared>>
        %dma_start3A_818 = tpu.memref_slice %arg23[%mul3A_465] : memref<4112xf32, #tpu.memory_space<vmem_shared>> -> memref<64xf32, #tpu.memory_space<vmem_shared>>
        tpu.enqueue_dma source(%arg14 : memref<64xf32, #tpu.memory_space<vmem>>) target(%dma_start3A_818 : memref<64xf32, #tpu.memory_space<vmem_shared>>) target_semaphore(%run_scoped3A : memref<!tpu.dma_semaphore, #tpu.memory_space<semaphore_mem>>)
        %dma_wait3A_819 = tpu.memref_slice %arg23[%mul3A_465] : memref<4112xf32, #tpu.memory_space<vmem_shared>> -> memref<64xf32, #tpu.memory_space<vmem_shared>>
        %dma_wait3A_820 = tpu.memref_slice %arg23[%mul3A_465] : memref<4112xf32, #tpu.memory_space<vmem_shared>> -> memref<64xf32, #tpu.memory_space<vmem_shared>>
        tpu.wait_dma2 semaphore(%run_scoped3A : memref<!tpu.dma_semaphore, #tpu.memory_space<semaphore_mem>>) src(%arg14 : memref<64xf32, #tpu.memory_space<vmem>>) dst(%dma_wait3A_820 : memref<64xf32, #tpu.memory_space<vmem_shared>>)
        tpu.yield
      }) : () -> ()
      %iota3A_466 = tpu.iota {dimensions = array<i32: 0>} : vector<16xi32>
      %broadcast_in_dim3A_467 = arith.constant -1.000000e+00 : f32
      %broadcast_in_dim3A_468 = vector.broadcast %broadcast_in_dim3A_467 : f32 to vector<16xf32>
      %broadcast_in_dim3A_469 = arith.constant 0 : i32
      %broadcast_in_dim3A_470 = vector.broadcast %broadcast_in_dim3A_469 : i32 to vector<16xi32>
      %scan3A_471 = arith.constant 0 : i32
      %scan3A_472 = arith.constant 256 : i32
      %scan3A_473 = arith.addi %scan3A_471, %scan3A_472 : i32
      %scan3A_474 = arith.constant 1 : i32
      %scan3A_475:8 = scf.for %scan3A_817 = %scan3A_471 to %scan3A_473 step %scan3A_474 iter_args(%scan3A_818 = %broadcast_in_dim3A_468, %scan3A_819 = %broadcast_in_dim3A_470, %scan3A_820 = %broadcast_in_dim3A_468, %scan3A_821 = %broadcast_in_dim3A_470, %scan3A_822 = %broadcast_in_dim3A_468, %scan3A_823 = %broadcast_in_dim3A_470, %scan3A_824 = %broadcast_in_dim3A_468, %scan3A_825 = %broadcast_in_dim3A_470) -> (vector<16xf32>, vector<16xi32>, vector<16xf32>, vector<16xi32>, vector<16xf32>, vector<16xi32>, vector<16xf32>, vector<16xi32>)  : i32 {
        %mul3A_826 = arith.constant 64 : i32
        %mul3A_827 = arith.muli %scan3A_817, %mul3A_826 : i32
        %add3A_828 = arith.constant 0 : i32
        %add3A_829 = arith.addi %mul3A_827, %add3A_828 : i32
        %get3A_830 = arith.index_cast %add3A_829 : i32 to index
        %get3A_831 = tpu.vector_load %arg7[%get3A_830] {strides = array<i32>} : memref<16384xf32, #tpu.memory_space<vmem>>, vector<16xf32>,
        %get3A_832 = vector.shape_cast %get3A_831 : vector<16xf32> to vector<16xf32>
        %get3A_833 = arith.index_cast %add3A_829 : i32 to index
        %get3A_834 = tpu.vector_load %arg8[%get3A_833] {strides = array<i32>} : memref<16384xf32, #tpu.memory_space<vmem>>, vector<16xf32>,
        %get3A_835 = vector.shape_cast %get3A_834 : vector<16xf32> to vector<16xf32>
        %max3A_836 = arith.constant 0.000000e+00 : f32
        %max3A_837 = vector.broadcast %max3A_836 : f32 to vector<16xf32>
        %max3A_838 = arith.maximumf %get3A_832, %max3A_837 : vector<16xf32>
        %add3A_839 = arith.constant 9.99999997E-7 : f32
        %add3A_840 = vector.broadcast %add3A_839 : f32 to vector<16xf32>
        %add3A_841 = arith.addf %max3A_838, %add3A_840 : vector<16xf32>
        %mul3A_842 = arith.mulf %add3A_841, %get3A_835 : vector<16xf32>
        %gt3A_843 = arith.cmpf ogt, %mul3A_842, %scan3A_818 : vector<16xf32>
        %select_n3A_844 = arith.select %gt3A_843, %mul3A_842, %scan3A_818 : vector<16xi1>, vector<16xf32>
        %add3A_845 = vector.broadcast %add3A_829 : i32 to vector<16xi32>
        %add3A_846 = arith.addi %add3A_845, %iota3A_466 : vector<16xi32>
        %select_n3A_847 = arith.select %gt3A_843, %add3A_846, %scan3A_819 : vector<16xi1>, vector<16xi32>
        %add3A_848 = arith.constant 16 : i32
        %add3A_849 = arith.addi %mul3A_827, %add3A_848 : i32
        %get3A_850 = arith.index_cast %add3A_849 : i32 to index
        %get3A_851 = tpu.vector_load %arg7[%get3A_850] {strides = array<i32>} : memref<16384xf32, #tpu.memory_space<vmem>>, vector<16xf32>,
        %get3A_852 = vector.shape_cast %get3A_851 : vector<16xf32> to vector<16xf32>
        %get3A_853 = arith.index_cast %add3A_849 : i32 to index
        %get3A_854 = tpu.vector_load %arg8[%get3A_853] {strides = array<i32>} : memref<16384xf32, #tpu.memory_space<vmem>>, vector<16xf32>,
        %get3A_855 = vector.shape_cast %get3A_854 : vector<16xf32> to vector<16xf32>
        %max3A_856 = arith.constant 0.000000e+00 : f32
        %max3A_857 = vector.broadcast %max3A_856 : f32 to vector<16xf32>
        %max3A_858 = arith.maximumf %get3A_852, %max3A_857 : vector<16xf32>
        %add3A_859 = arith.constant 9.99999997E-7 : f32
        %add3A_860 = vector.broadcast %add3A_859 : f32 to vector<16xf32>
        %add3A_861 = arith.addf %max3A_858, %add3A_860 : vector<16xf32>
        %mul3A_862 = arith.mulf %add3A_861, %get3A_855 : vector<16xf32>
        %gt3A_863 = arith.cmpf ogt, %mul3A_862, %scan3A_820 : vector<16xf32>
        %select_n3A_864 = arith.select %gt3A_863, %mul3A_862, %scan3A_820 : vector<16xi1>, vector<16xf32>
        %add3A_865 = vector.broadcast %add3A_849 : i32 to vector<16xi32>
        %add3A_866 = arith.addi %add3A_865, %iota3A_466 : vector<16xi32>
        %select_n3A_867 = arith.select %gt3A_863, %add3A_866, %scan3A_821 : vector<16xi1>, vector<16xi32>
        %add3A_868 = arith.constant 32 : i32
        %add3A_869 = arith.addi %mul3A_827, %add3A_868 : i32
        %get3A_870 = arith.index_cast %add3A_869 : i32 to index
        %get3A_871 = tpu.vector_load %arg7[%get3A_870] {strides = array<i32>} : memref<16384xf32, #tpu.memory_space<vmem>>, vector<16xf32>,
        %get3A_872 = vector.shape_cast %get3A_871 : vector<16xf32> to vector<16xf32>
        %get3A_873 = arith.index_cast %add3A_869 : i32 to index
        %get3A_874 = tpu.vector_load %arg8[%get3A_873] {strides = array<i32>} : memref<16384xf32, #tpu.memory_space<vmem>>, vector<16xf32>,
        %get3A_875 = vector.shape_cast %get3A_874 : vector<16xf32> to vector<16xf32>
        %max3A_876 = arith.constant 0.000000e+00 : f32
        %max3A_877 = vector.broadcast %max3A_876 : f32 to vector<16xf32>
        %max3A_878 = arith.maximumf %get3A_872, %max3A_877 : vector<16xf32>
        %add3A_879 = arith.constant 9.99999997E-7 : f32
        %add3A_880 = vector.broadcast %add3A_879 : f32 to vector<16xf32>
        %add3A_881 = arith.addf %max3A_878, %add3A_880 : vector<16xf32>
        %mul3A_882 = arith.mulf %add3A_881, %get3A_875 : vector<16xf32>
        %gt3A_883 = arith.cmpf ogt, %mul3A_882, %scan3A_822 : vector<16xf32>
        %select_n3A_884 = arith.select %gt3A_883, %mul3A_882, %scan3A_822 : vector<16xi1>, vector<16xf32>
        %add3A_885 = vector.broadcast %add3A_869 : i32 to vector<16xi32>
        %add3A_886 = arith.addi %add3A_885, %iota3A_466 : vector<16xi32>
        %select_n3A_887 = arith.select %gt3A_883, %add3A_886, %scan3A_823 : vector<16xi1>, vector<16xi32>
        %add3A_888 = arith.constant 48 : i32
        %add3A_889 = arith.addi %mul3A_827, %add3A_888 : i32
        %get3A_890 = arith.index_cast %add3A_889 : i32 to index
        %get3A_891 = tpu.vector_load %arg7[%get3A_890] {strides = array<i32>} : memref<16384xf32, #tpu.memory_space<vmem>>, vector<16xf32>,
        %get3A_892 = vector.shape_cast %get3A_891 : vector<16xf32> to vector<16xf32>
        %get3A_893 = arith.index_cast %add3A_889 : i32 to index
        %get3A_894 = tpu.vector_load %arg8[%get3A_893] {strides = array<i32>} : memref<16384xf32, #tpu.memory_space<vmem>>, vector<16xf32>,
        %get3A_895 = vector.shape_cast %get3A_894 : vector<16xf32> to vector<16xf32>
        %max3A_896 = arith.constant 0.000000e+00 : f32
        %max3A_897 = vector.broadcast %max3A_896 : f32 to vector<16xf32>
        %max3A_898 = arith.maximumf %get3A_892, %max3A_897 : vector<16xf32>
        %add3A_899 = arith.constant 9.99999997E-7 : f32
        %add3A_900 = vector.broadcast %add3A_899 : f32 to vector<16xf32>
        %add3A_901 = arith.addf %max3A_898, %add3A_900 : vector<16xf32>
        %mul3A_902 = arith.mulf %add3A_901, %get3A_895 : vector<16xf32>
        %gt3A_903 = arith.cmpf ogt, %mul3A_902, %scan3A_824 : vector<16xf32>
        %select_n3A_904 = arith.select %gt3A_903, %mul3A_902, %scan3A_824 : vector<16xi1>, vector<16xf32>
        %add3A_905 = vector.broadcast %add3A_889 : i32 to vector<16xi32>
        %add3A_906 = arith.addi %add3A_905, %iota3A_466 : vector<16xi32>
        %select_n3A_907 = arith.select %gt3A_903, %add3A_906, %scan3A_825 : vector<16xi1>, vector<16xi32>
        scf.yield %select_n3A_844, %select_n3A_847, %select_n3A_864, %select_n3A_867, %select_n3A_884, %select_n3A_887, %select_n3A_904, %select_n3A_907 : vector<16xf32>, vector<16xi32>, vector<16xf32>, vector<16xi32>, vector<16xf32>, vector<16xi32>, vector<16xf32>, vector<16xi32>
      }
      %scan3A_476 = arith.constant 256 : i32
      %gt3A_477 = arith.cmpf ogt, %scan3A_475#2, %scan3A_475#0 : vector<16xf32>
      %eq3A_478 = arith.cmpf oeq, %scan3A_475#2, %scan3A_475#0 : vector<16xf32>
      %lt3A_479 = arith.cmpi slt, %scan3A_475#3, %scan3A_475#1 : vector<16xi32>
      %and3A_480 = arith.andi %eq3A_478, %lt3A_479 : vector<16xi1>
      %or3A_481 = arith.ori %gt3A_477, %and3A_480 : vector<16xi1>
      %select_n3A_482 = arith.select %or3A_481, %scan3A_475#2, %scan3A_475#0 : vector<16xi1>, vector<16xf32>
      %select_n3A_483 = arith.select %or3A_481, %scan3A_475#3, %scan3A_475#1 : vector<16xi1>, vector<16xi32>
      %gt3A_484 = arith.cmpf ogt, %scan3A_475#4, %select_n3A_482 : vector<16xf32>
      %eq3A_485 = arith.cmpf oeq, %scan3A_475#4, %select_n3A_482 : vector<16xf32>
      %lt3A_486 = arith.cmpi slt, %scan3A_475#5, %select_n3A_483 : vector<16xi32>
      %and3A_487 = arith.andi %eq3A_485, %lt3A_486 : vector<16xi1>
      %or3A_488 = arith.ori %gt3A_484, %and3A_487 : vector<16xi1>
      %select_n3A_489 = arith.select %or3A_488, %scan3A_475#4, %select_n3A_482 : vector<16xi1>, vector<16xf32>
      %select_n3A_490 = arith.select %or3A_488, %scan3A_475#5, %select_n3A_483 : vector<16xi1>, vector<16xi32>
      %gt3A_491 = arith.cmpf ogt, %scan3A_475#6, %select_n3A_489 : vector<16xf32>
      %eq3A_492 = arith.cmpf oeq, %scan3A_475#6, %select_n3A_489 : vector<16xf32>
      %lt3A_493 = arith.cmpi slt, %scan3A_475#7, %select_n3A_490 : vector<16xi32>
      %and3A_494 = arith.andi %eq3A_492, %lt3A_493 : vector<16xi1>
      %or3A_495 = arith.ori %gt3A_491, %and3A_494 : vector<16xi1>
      %select_n3A_496 = arith.select %or3A_495, %scan3A_475#6, %select_n3A_489 : vector<16xi1>, vector<16xf32>
      %select_n3A_497 = arith.select %or3A_495, %scan3A_475#7, %select_n3A_490 : vector<16xi1>, vector<16xi32>
      %swap3A_498 = arith.constant 0 : index
      %swap3A_499 = tpu.vector_load %arg19[%swap3A_498] {strides = array<i32>} : memref<32xf32, #tpu.memory_space<vmem>>, vector<16xf32>,
      %swap3A_500 = vector.shape_cast %swap3A_499 : vector<16xf32> to vector<16xf32>
      %swap3A_501 = vector.shape_cast %select_n3A_496 : vector<16xf32> to vector<16xf32>
      tpu.vector_store %arg19[%swap3A_498], %swap3A_501 {strides = array<i32>} : memref<32xf32, #tpu.memory_space<vmem>>, vector<16xf32>,
      %swap3A_502 = arith.constant 16 : index
      %swap3A_503 = tpu.vector_load %arg19[%swap3A_502] {strides = array<i32>} : memref<32xf32, #tpu.memory_space<vmem>>, vector<16xf32>,
      %swap3A_504 = vector.shape_cast %swap3A_503 : vector<16xf32> to vector<16xf32>
      %swap3A_505 = vector.shape_cast %select_n3A_496 : vector<16xf32> to vector<16xf32>
      tpu.vector_store %arg19[%swap3A_502], %swap3A_505 {strides = array<i32>} : memref<32xf32, #tpu.memory_space<vmem>>, vector<16xf32>,
      %get3A_506 = arith.constant 8 : index
      %get3A_507 = tpu.vector_load %arg19[%get3A_506] {strides = array<i32>} : memref<32xf32, #tpu.memory_space<vmem>>, vector<16xf32>,
      %get3A_508 = vector.shape_cast %get3A_507 : vector<16xf32> to vector<16xf32>
      %max3A_509 = arith.maximumf %select_n3A_496, %get3A_508 : vector<16xf32>
      %swap3A_510 = arith.constant 0 : index
      %swap3A_511 = tpu.vector_load %arg19[%swap3A_510] {strides = array<i32>} : memref<32xf32, #tpu.memory_space<vmem>>, vector<16xf32>,
      %swap3A_512 = vector.shape_cast %swap3A_511 : vector<16xf32> to vector<16xf32>
      %swap3A_513 = vector.shape_cast %max3A_509 : vector<16xf32> to vector<16xf32>
      tpu.vector_store %arg19[%swap3A_510], %swap3A_513 {strides = array<i32>} : memref<32xf32, #tpu.memory_space<vmem>>, vector<16xf32>,
      %swap3A_514 = arith.constant 16 : index
      %swap3A_515 = tpu.vector_load %arg19[%swap3A_514] {strides = array<i32>} : memref<32xf32, #tpu.memory_space<vmem>>, vector<16xf32>,
      %swap3A_516 = vector.shape_cast %swap3A_515 : vector<16xf32> to vector<16xf32>
      %swap3A_517 = vector.shape_cast %max3A_509 : vector<16xf32> to vector<16xf32>
      tpu.vector_store %arg19[%swap3A_514], %swap3A_517 {strides = array<i32>} : memref<32xf32, #tpu.memory_space<vmem>>, vector<16xf32>,
      %get3A_518 = arith.constant 4 : index
      %get3A_519 = tpu.vector_load %arg19[%get3A_518] {strides = array<i32>} : memref<32xf32, #tpu.memory_space<vmem>>, vector<16xf32>,
      %get3A_520 = vector.shape_cast %get3A_519 : vector<16xf32> to vector<16xf32>
      %max3A_521 = arith.maximumf %max3A_509, %get3A_520 : vector<16xf32>
      %swap3A_522 = arith.constant 0 : index
      %swap3A_523 = tpu.vector_load %arg19[%swap3A_522] {strides = array<i32>} : memref<32xf32, #tpu.memory_space<vmem>>, vector<16xf32>,
      %swap3A_524 = vector.shape_cast %swap3A_523 : vector<16xf32> to vector<16xf32>
      %swap3A_525 = vector.shape_cast %max3A_521 : vector<16xf32> to vector<16xf32>
      tpu.vector_store %arg19[%swap3A_522], %swap3A_525 {strides = array<i32>} : memref<32xf32, #tpu.memory_space<vmem>>, vector<16xf32>,
      %swap3A_526 = arith.constant 16 : index
      %swap3A_527 = tpu.vector_load %arg19[%swap3A_526] {strides = array<i32>} : memref<32xf32, #tpu.memory_space<vmem>>, vector<16xf32>,
      %swap3A_528 = vector.shape_cast %swap3A_527 : vector<16xf32> to vector<16xf32>
      %swap3A_529 = vector.shape_cast %max3A_521 : vector<16xf32> to vector<16xf32>
      tpu.vector_store %arg19[%swap3A_526], %swap3A_529 {strides = array<i32>} : memref<32xf32, #tpu.memory_space<vmem>>, vector<16xf32>,
      %get3A_530 = arith.constant 2 : index
      %get3A_531 = tpu.vector_load %arg19[%get3A_530] {strides = array<i32>} : memref<32xf32, #tpu.memory_space<vmem>>, vector<16xf32>,
      %get3A_532 = vector.shape_cast %get3A_531 : vector<16xf32> to vector<16xf32>
      %max3A_533 = arith.maximumf %max3A_521, %get3A_532 : vector<16xf32>
      %swap3A_534 = arith.constant 0 : index
      %swap3A_535 = tpu.vector_load %arg19[%swap3A_534] {strides = array<i32>} : memref<32xf32, #tpu.memory_space<vmem>>, vector<16xf32>,
      %swap3A_536 = vector.shape_cast %swap3A_535 : vector<16xf32> to vector<16xf32>
      %swap3A_537 = vector.shape_cast %max3A_533 : vector<16xf32> to vector<16xf32>
      tpu.vector_store %arg19[%swap3A_534], %swap3A_537 {strides = array<i32>} : memref<32xf32, #tpu.memory_space<vmem>>, vector<16xf32>,
      %swap3A_538 = arith.constant 16 : index
      %swap3A_539 = tpu.vector_load %arg19[%swap3A_538] {strides = array<i32>} : memref<32xf32, #tpu.memory_space<vmem>>, vector<16xf32>,
      %swap3A_540 = vector.shape_cast %swap3A_539 : vector<16xf32> to vector<16xf32>
      %swap3A_541 = vector.shape_cast %max3A_533 : vector<16xf32> to vector<16xf32>
      tpu.vector_store %arg19[%swap3A_538], %swap3A_541 {strides = array<i32>} : memref<32xf32, #tpu.memory_space<vmem>>, vector<16xf32>,
      %get3A_542 = arith.constant 1 : index
      %get3A_543 = tpu.vector_load %arg19[%get3A_542] {strides = array<i32>} : memref<32xf32, #tpu.memory_space<vmem>>, vector<16xf32>,
      %get3A_544 = vector.shape_cast %get3A_543 : vector<16xf32> to vector<16xf32>
      %max3A_545 = arith.maximumf %max3A_533, %get3A_544 : vector<16xf32>
      %eq3A_546 = arith.cmpf oeq, %select_n3A_496, %max3A_545 : vector<16xf32>
      %jit3A_547 = arith.constant 16384 : i32
      %broadcast_in_dim3A_548 = vector.broadcast %jit3A_547 : i32 to vector<16xi32>
      %select_n3A_549 = arith.select %eq3A_546, %select_n3A_497, %broadcast_in_dim3A_548 : vector<16xi1>, vector<16xi32>
      %swap3A_550 = arith.constant 0 : index
      %swap3A_551 = tpu.vector_load %arg20[%swap3A_550] {strides = array<i32>} : memref<32xi32, #tpu.memory_space<vmem>>, vector<16xi32>,
      %swap3A_552 = vector.shape_cast %swap3A_551 : vector<16xi32> to vector<16xi32>
      %swap3A_553 = vector.shape_cast %select_n3A_549 : vector<16xi32> to vector<16xi32>
      tpu.vector_store %arg20[%swap3A_550], %swap3A_553 {strides = array<i32>} : memref<32xi32, #tpu.memory_space<vmem>>, vector<16xi32>,
      %swap3A_554 = arith.constant 16 : index
      %swap3A_555 = tpu.vector_load %arg20[%swap3A_554] {strides = array<i32>} : memref<32xi32, #tpu.memory_space<vmem>>, vector<16xi32>,
      %swap3A_556 = vector.shape_cast %swap3A_555 : vector<16xi32> to vector<16xi32>
      %swap3A_557 = vector.shape_cast %select_n3A_549 : vector<16xi32> to vector<16xi32>
      tpu.vector_store %arg20[%swap3A_554], %swap3A_557 {strides = array<i32>} : memref<32xi32, #tpu.memory_space<vmem>>, vector<16xi32>,
      %get3A_558 = arith.constant 8 : index
      %get3A_559 = tpu.vector_load %arg20[%get3A_558] {strides = array<i32>} : memref<32xi32, #tpu.memory_space<vmem>>, vector<16xi32>,
      %get3A_560 = vector.shape_cast %get3A_559 : vector<16xi32> to vector<16xi32>
      %min3A_561 = arith.minsi %select_n3A_549, %get3A_560 : vector<16xi32>
      %swap3A_562 = arith.constant 0 : index
      %swap3A_563 = tpu.vector_load %arg20[%swap3A_562] {strides = array<i32>} : memref<32xi32, #tpu.memory_space<vmem>>, vector<16xi32>,
      %swap3A_564 = vector.shape_cast %swap3A_563 : vector<16xi32> to vector<16xi32>
      %swap3A_565 = vector.shape_cast %min3A_561 : vector<16xi32> to vector<16xi32>
      tpu.vector_store %arg20[%swap3A_562], %swap3A_565 {strides = array<i32>} : memref<32xi32, #tpu.memory_space<vmem>>, vector<16xi32>,
      %swap3A_566 = arith.constant 16 : index
      %swap3A_567 = tpu.vector_load %arg20[%swap3A_566] {strides = array<i32>} : memref<32xi32, #tpu.memory_space<vmem>>, vector<16xi32>,
      %swap3A_568 = vector.shape_cast %swap3A_567 : vector<16xi32> to vector<16xi32>
      %swap3A_569 = vector.shape_cast %min3A_561 : vector<16xi32> to vector<16xi32>
      tpu.vector_store %arg20[%swap3A_566], %swap3A_569 {strides = array<i32>} : memref<32xi32, #tpu.memory_space<vmem>>, vector<16xi32>,
      %get3A_570 = arith.constant 4 : index
      %get3A_571 = tpu.vector_load %arg20[%get3A_570] {strides = array<i32>} : memref<32xi32, #tpu.memory_space<vmem>>, vector<16xi32>,
      %get3A_572 = vector.shape_cast %get3A_571 : vector<16xi32> to vector<16xi32>
      %min3A_573 = arith.minsi %min3A_561, %get3A_572 : vector<16xi32>
      %swap3A_574 = arith.constant 0 : index
      %swap3A_575 = tpu.vector_load %arg20[%swap3A_574] {strides = array<i32>} : memref<32xi32, #tpu.memory_space<vmem>>, vector<16xi32>,
      %swap3A_576 = vector.shape_cast %swap3A_575 : vector<16xi32> to vector<16xi32>
      %swap3A_577 = vector.shape_cast %min3A_573 : vector<16xi32> to vector<16xi32>
      tpu.vector_store %arg20[%swap3A_574], %swap3A_577 {strides = array<i32>} : memref<32xi32, #tpu.memory_space<vmem>>, vector<16xi32>,
      %swap3A_578 = arith.constant 16 : index
      %swap3A_579 = tpu.vector_load %arg20[%swap3A_578] {strides = array<i32>} : memref<32xi32, #tpu.memory_space<vmem>>, vector<16xi32>,
      %swap3A_580 = vector.shape_cast %swap3A_579 : vector<16xi32> to vector<16xi32>
      %swap3A_581 = vector.shape_cast %min3A_573 : vector<16xi32> to vector<16xi32>
      tpu.vector_store %arg20[%swap3A_578], %swap3A_581 {strides = array<i32>} : memref<32xi32, #tpu.memory_space<vmem>>, vector<16xi32>,
      %get3A_582 = arith.constant 2 : index
      %get3A_583 = tpu.vector_load %arg20[%get3A_582] {strides = array<i32>} : memref<32xi32, #tpu.memory_space<vmem>>, vector<16xi32>,
      %get3A_584 = vector.shape_cast %get3A_583 : vector<16xi32> to vector<16xi32>
      %min3A_585 = arith.minsi %min3A_573, %get3A_584 : vector<16xi32>
      %swap3A_586 = arith.constant 0 : index
      %swap3A_587 = tpu.vector_load %arg20[%swap3A_586] {strides = array<i32>} : memref<32xi32, #tpu.memory_space<vmem>>, vector<16xi32>,
      %swap3A_588 = vector.shape_cast %swap3A_587 : vector<16xi32> to vector<16xi32>
      %swap3A_589 = vector.shape_cast %min3A_585 : vector<16xi32> to vector<16xi32>
      tpu.vector_store %arg20[%swap3A_586], %swap3A_589 {strides = array<i32>} : memref<32xi32, #tpu.memory_space<vmem>>, vector<16xi32>,
      %swap3A_590 = arith.constant 16 : index
      %swap3A_591 = tpu.vector_load %arg20[%swap3A_590] {strides = array<i32>} : memref<32xi32, #tpu.memory_space<vmem>>, vector<16xi32>,
      %swap3A_592 = vector.shape_cast %swap3A_591 : vector<16xi32> to vector<16xi32>
      %swap3A_593 = vector.shape_cast %min3A_585 : vector<16xi32> to vector<16xi32>
      tpu.vector_store %arg20[%swap3A_590], %swap3A_593 {strides = array<i32>} : memref<32xi32, #tpu.memory_space<vmem>>, vector<16xi32>,
      %get3A_594 = arith.constant 1 : index
      %get3A_595 = tpu.vector_load %arg20[%get3A_594] {strides = array<i32>} : memref<32xi32, #tpu.memory_space<vmem>>, vector<16xi32>,
      %get3A_596 = vector.shape_cast %get3A_595 : vector<16xi32> to vector<16xi32>
      %min3A_597 = arith.minsi %min3A_585, %get3A_596 : vector<16xi32>
      %slice3A_598 = vector.extract_strided_slice %min3A_597 {offsets = [0], sizes = [1], strides = [1]} : vector<16xi32> to vector<1xi32>
      %squeeze3A_599 = vector.extract %slice3A_598[0] : i32 from vector<1xi32>
      %mul3A_600 = arith.constant 4 : i32
      %mul3A_601 = arith.muli %arg1, %mul3A_600 : i32
      %add3A_602 = arith.constant 3 : i32
      %add3A_603 = arith.addi %mul3A_601, %add3A_602 : i32
      %dma_wait3A_604 = arith.constant 0 : i32
      %dma_wait3A_605 = tpu.memref_slice %arg2[%add3A_421, %dma_wait3A_604] : memref<16384x16384xf32, #tpu.memory_space<hbm>> -> memref<1x16384xf32, #tpu.memory_space<hbm>>
      %dma_wait3A_606 = tpu.memref_squeeze %dma_wait3A_605 : memref<1x16384xf32, #tpu.memory_space<hbm>> -> memref<16384xf32, #tpu.memory_space<hbm>>
      %dma_wait3A_607 = arith.constant 0 : i32
      %dma_wait3A_608 = tpu.memref_slice %arg2[%add3A_421, %dma_wait3A_607] : memref<16384x16384xf32, #tpu.memory_space<hbm>> -> memref<1x16384xf32, #tpu.memory_space<hbm>>
      %dma_wait3A_609 = tpu.memref_squeeze %dma_wait3A_608 : memref<1x16384xf32, #tpu.memory_space<hbm>> -> memref<16384xf32, #tpu.memory_space<hbm>>
      tpu.wait_dma2 semaphore(%arg21 : memref<!tpu.dma_semaphore, #tpu.memory_space<semaphore_mem>>) src(%dma_wait3A_609 : memref<16384xf32, #tpu.memory_space<hbm>>) dst(%arg9 : memref<16384xf32, #tpu.memory_space<vmem>>)
      %dma_wait3A_610 = arith.constant 0 : i32
      %dma_wait3A_611 = tpu.memref_slice %arg3[%add3A_429, %dma_wait3A_610] : memref<64x16384xf32, #tpu.memory_space<hbm>> -> memref<1x16384xf32, #tpu.memory_space<hbm>>
      %dma_wait3A_612 = tpu.memref_squeeze %dma_wait3A_611 : memref<1x16384xf32, #tpu.memory_space<hbm>> -> memref<16384xf32, #tpu.memory_space<hbm>>
      %dma_wait3A_613 = arith.constant 0 : i32
      %dma_wait3A_614 = tpu.memref_slice %arg3[%add3A_429, %dma_wait3A_613] : memref<64x16384xf32, #tpu.memory_space<hbm>> -> memref<1x16384xf32, #tpu.memory_space<hbm>>
      %dma_wait3A_615 = tpu.memref_squeeze %dma_wait3A_614 : memref<1x16384xf32, #tpu.memory_space<hbm>> -> memref<16384xf32, #tpu.memory_space<hbm>>
      tpu.wait_dma2 semaphore(%arg21 : memref<!tpu.dma_semaphore, #tpu.memory_space<semaphore_mem>>) src(%dma_wait3A_615 : memref<16384xf32, #tpu.memory_space<hbm>>) dst(%arg10 : memref<16384xf32, #tpu.memory_space<vmem>>)
      %get3A_616 = arith.constant 0 : index
      %get3A_617 = tpu.vector_load %arg9[%get3A_616] {strides = array<i32>} : memref<16384xf32, #tpu.memory_space<vmem>>, vector<16xf32>,
      %get3A_618 = vector.shape_cast %get3A_617 : vector<16xf32> to vector<16xf32>
      %swap3A_619 = arith.constant 0 : index
      %swap3A_620 = tpu.vector_load %arg14[%swap3A_619] {strides = array<i32>} : memref<64xf32, #tpu.memory_space<vmem>>, vector<16xf32>,
      %swap3A_621 = vector.shape_cast %swap3A_620 : vector<16xf32> to vector<16xf32>
      %swap3A_622 = vector.shape_cast %get3A_618 : vector<16xf32> to vector<16xf32>
      tpu.vector_store %arg14[%swap3A_619], %swap3A_622 {strides = array<i32>} : memref<64xf32, #tpu.memory_space<vmem>>, vector<16xf32>,
      %get3A_623 = arith.constant 16 : index
      %get3A_624 = tpu.vector_load %arg9[%get3A_623] {strides = array<i32>} : memref<16384xf32, #tpu.memory_space<vmem>>, vector<16xf32>,
      %get3A_625 = vector.shape_cast %get3A_624 : vector<16xf32> to vector<16xf32>
      %swap3A_626 = arith.constant 16 : index
      %swap3A_627 = tpu.vector_load %arg14[%swap3A_626] {strides = array<i32>} : memref<64xf32, #tpu.memory_space<vmem>>, vector<16xf32>,
      %swap3A_628 = vector.shape_cast %swap3A_627 : vector<16xf32> to vector<16xf32>
      %swap3A_629 = vector.shape_cast %get3A_625 : vector<16xf32> to vector<16xf32>
      tpu.vector_store %arg14[%swap3A_626], %swap3A_629 {strides = array<i32>} : memref<64xf32, #tpu.memory_space<vmem>>, vector<16xf32>,
      %get3A_630 = arith.constant 32 : index
      %get3A_631 = tpu.vector_load %arg9[%get3A_630] {strides = array<i32>} : memref<16384xf32, #tpu.memory_space<vmem>>, vector<16xf32>,
      %get3A_632 = vector.shape_cast %get3A_631 : vector<16xf32> to vector<16xf32>
      %swap3A_633 = arith.constant 32 : index
      %swap3A_634 = tpu.vector_load %arg14[%swap3A_633] {strides = array<i32>} : memref<64xf32, #tpu.memory_space<vmem>>, vector<16xf32>,
      %swap3A_635 = vector.shape_cast %swap3A_634 : vector<16xf32> to vector<16xf32>
      %swap3A_636 = vector.shape_cast %get3A_632 : vector<16xf32> to vector<16xf32>
      tpu.vector_store %arg14[%swap3A_633], %swap3A_636 {strides = array<i32>} : memref<64xf32, #tpu.memory_space<vmem>>, vector<16xf32>,
      %get3A_637 = arith.constant 48 : index
      %get3A_638 = tpu.vector_load %arg9[%get3A_637] {strides = array<i32>} : memref<16384xf32, #tpu.memory_space<vmem>>, vector<16xf32>,
      %get3A_639 = vector.shape_cast %get3A_638 : vector<16xf32> to vector<16xf32>
      %swap3A_640 = arith.constant 48 : index
      %swap3A_641 = tpu.vector_load %arg14[%swap3A_640] {strides = array<i32>} : memref<64xf32, #tpu.memory_space<vmem>>, vector<16xf32>,
      %swap3A_642 = vector.shape_cast %swap3A_641 : vector<16xf32> to vector<16xf32>
      %swap3A_643 = vector.shape_cast %get3A_639 : vector<16xf32> to vector<16xf32>
      tpu.vector_store %arg14[%swap3A_640], %swap3A_643 {strides = array<i32>} : memref<64xf32, #tpu.memory_space<vmem>>, vector<16xf32>,
      %mul3A_644 = arith.constant 64 : i32
      %mul3A_645 = arith.muli %add3A_603, %mul3A_644 : i32
      "tpu.region"() ({
        %run_scoped3A = tpu.sem_alloc : memref<!tpu.dma_semaphore, #tpu.memory_space<semaphore_mem>>
        %dma_start3A_817 = tpu.memref_slice %arg23[%mul3A_645] : memref<4112xf32, #tpu.memory_space<vmem_shared>> -> memref<64xf32, #tpu.memory_space<vmem_shared>>
        %dma_start3A_818 = tpu.memref_slice %arg23[%mul3A_645] : memref<4112xf32, #tpu.memory_space<vmem_shared>> -> memref<64xf32, #tpu.memory_space<vmem_shared>>
        tpu.enqueue_dma source(%arg14 : memref<64xf32, #tpu.memory_space<vmem>>) target(%dma_start3A_818 : memref<64xf32, #tpu.memory_space<vmem_shared>>) target_semaphore(%run_scoped3A : memref<!tpu.dma_semaphore, #tpu.memory_space<semaphore_mem>>)
        %dma_wait3A_819 = tpu.memref_slice %arg23[%mul3A_645] : memref<4112xf32, #tpu.memory_space<vmem_shared>> -> memref<64xf32, #tpu.memory_space<vmem_shared>>
        %dma_wait3A_820 = tpu.memref_slice %arg23[%mul3A_645] : memref<4112xf32, #tpu.memory_space<vmem_shared>> -> memref<64xf32, #tpu.memory_space<vmem_shared>>
        tpu.wait_dma2 semaphore(%run_scoped3A : memref<!tpu.dma_semaphore, #tpu.memory_space<semaphore_mem>>) src(%arg14 : memref<64xf32, #tpu.memory_space<vmem>>) dst(%dma_wait3A_820 : memref<64xf32, #tpu.memory_space<vmem_shared>>)
        tpu.yield
      }) : () -> ()
      %iota3A_646 = tpu.iota {dimensions = array<i32: 0>} : vector<16xi32>
      %broadcast_in_dim3A_647 = arith.constant -1.000000e+00 : f32
      %broadcast_in_dim3A_648 = vector.broadcast %broadcast_in_dim3A_647 : f32 to vector<16xf32>
      %broadcast_in_dim3A_649 = arith.constant 0 : i32
      %broadcast_in_dim3A_650 = vector.broadcast %broadcast_in_dim3A_649 : i32 to vector<16xi32>
      %scan3A_651 = arith.constant 0 : i32
      %scan3A_652 = arith.constant 256 : i32
      %scan3A_653 = arith.addi %scan3A_651, %scan3A_652 : i32
      %scan3A_654 = arith.constant 1 : i32
      %scan3A_655:8 = scf.for %scan3A_817 = %scan3A_651 to %scan3A_653 step %scan3A_654 iter_args(%scan3A_818 = %broadcast_in_dim3A_648, %scan3A_819 = %broadcast_in_dim3A_650, %scan3A_820 = %broadcast_in_dim3A_648, %scan3A_821 = %broadcast_in_dim3A_650, %scan3A_822 = %broadcast_in_dim3A_648, %scan3A_823 = %broadcast_in_dim3A_650, %scan3A_824 = %broadcast_in_dim3A_648, %scan3A_825 = %broadcast_in_dim3A_650) -> (vector<16xf32>, vector<16xi32>, vector<16xf32>, vector<16xi32>, vector<16xf32>, vector<16xi32>, vector<16xf32>, vector<16xi32>)  : i32 {
        %mul3A_826 = arith.constant 64 : i32
        %mul3A_827 = arith.muli %scan3A_817, %mul3A_826 : i32
        %add3A_828 = arith.constant 0 : i32
        %add3A_829 = arith.addi %mul3A_827, %add3A_828 : i32
        %get3A_830 = arith.index_cast %add3A_829 : i32 to index
        %get3A_831 = tpu.vector_load %arg9[%get3A_830] {strides = array<i32>} : memref<16384xf32, #tpu.memory_space<vmem>>, vector<16xf32>,
        %get3A_832 = vector.shape_cast %get3A_831 : vector<16xf32> to vector<16xf32>
        %get3A_833 = arith.index_cast %add3A_829 : i32 to index
        %get3A_834 = tpu.vector_load %arg10[%get3A_833] {strides = array<i32>} : memref<16384xf32, #tpu.memory_space<vmem>>, vector<16xf32>,
        %get3A_835 = vector.shape_cast %get3A_834 : vector<16xf32> to vector<16xf32>
        %max3A_836 = arith.constant 0.000000e+00 : f32
        %max3A_837 = vector.broadcast %max3A_836 : f32 to vector<16xf32>
        %max3A_838 = arith.maximumf %get3A_832, %max3A_837 : vector<16xf32>
        %add3A_839 = arith.constant 9.99999997E-7 : f32
        %add3A_840 = vector.broadcast %add3A_839 : f32 to vector<16xf32>
        %add3A_841 = arith.addf %max3A_838, %add3A_840 : vector<16xf32>
        %mul3A_842 = arith.mulf %add3A_841, %get3A_835 : vector<16xf32>
        %gt3A_843 = arith.cmpf ogt, %mul3A_842, %scan3A_818 : vector<16xf32>
        %select_n3A_844 = arith.select %gt3A_843, %mul3A_842, %scan3A_818 : vector<16xi1>, vector<16xf32>
        %add3A_845 = vector.broadcast %add3A_829 : i32 to vector<16xi32>
        %add3A_846 = arith.addi %add3A_845, %iota3A_646 : vector<16xi32>
        %select_n3A_847 = arith.select %gt3A_843, %add3A_846, %scan3A_819 : vector<16xi1>, vector<16xi32>
        %add3A_848 = arith.constant 16 : i32
        %add3A_849 = arith.addi %mul3A_827, %add3A_848 : i32
        %get3A_850 = arith.index_cast %add3A_849 : i32 to index
        %get3A_851 = tpu.vector_load %arg9[%get3A_850] {strides = array<i32>} : memref<16384xf32, #tpu.memory_space<vmem>>, vector<16xf32>,
        %get3A_852 = vector.shape_cast %get3A_851 : vector<16xf32> to vector<16xf32>
        %get3A_853 = arith.index_cast %add3A_849 : i32 to index
        %get3A_854 = tpu.vector_load %arg10[%get3A_853] {strides = array<i32>} : memref<16384xf32, #tpu.memory_space<vmem>>, vector<16xf32>,
        %get3A_855 = vector.shape_cast %get3A_854 : vector<16xf32> to vector<16xf32>
        %max3A_856 = arith.constant 0.000000e+00 : f32
        %max3A_857 = vector.broadcast %max3A_856 : f32 to vector<16xf32>
        %max3A_858 = arith.maximumf %get3A_852, %max3A_857 : vector<16xf32>
        %add3A_859 = arith.constant 9.99999997E-7 : f32
        %add3A_860 = vector.broadcast %add3A_859 : f32 to vector<16xf32>
        %add3A_861 = arith.addf %max3A_858, %add3A_860 : vector<16xf32>
        %mul3A_862 = arith.mulf %add3A_861, %get3A_855 : vector<16xf32>
        %gt3A_863 = arith.cmpf ogt, %mul3A_862, %scan3A_820 : vector<16xf32>
        %select_n3A_864 = arith.select %gt3A_863, %mul3A_862, %scan3A_820 : vector<16xi1>, vector<16xf32>
        %add3A_865 = vector.broadcast %add3A_849 : i32 to vector<16xi32>
        %add3A_866 = arith.addi %add3A_865, %iota3A_646 : vector<16xi32>
        %select_n3A_867 = arith.select %gt3A_863, %add3A_866, %scan3A_821 : vector<16xi1>, vector<16xi32>
        %add3A_868 = arith.constant 32 : i32
        %add3A_869 = arith.addi %mul3A_827, %add3A_868 : i32
        %get3A_870 = arith.index_cast %add3A_869 : i32 to index
        %get3A_871 = tpu.vector_load %arg9[%get3A_870] {strides = array<i32>} : memref<16384xf32, #tpu.memory_space<vmem>>, vector<16xf32>,
        %get3A_872 = vector.shape_cast %get3A_871 : vector<16xf32> to vector<16xf32>
        %get3A_873 = arith.index_cast %add3A_869 : i32 to index
        %get3A_874 = tpu.vector_load %arg10[%get3A_873] {strides = array<i32>} : memref<16384xf32, #tpu.memory_space<vmem>>, vector<16xf32>,
        %get3A_875 = vector.shape_cast %get3A_874 : vector<16xf32> to vector<16xf32>
        %max3A_876 = arith.constant 0.000000e+00 : f32
        %max3A_877 = vector.broadcast %max3A_876 : f32 to vector<16xf32>
        %max3A_878 = arith.maximumf %get3A_872, %max3A_877 : vector<16xf32>
        %add3A_879 = arith.constant 9.99999997E-7 : f32
        %add3A_880 = vector.broadcast %add3A_879 : f32 to vector<16xf32>
        %add3A_881 = arith.addf %max3A_878, %add3A_880 : vector<16xf32>
        %mul3A_882 = arith.mulf %add3A_881, %get3A_875 : vector<16xf32>
        %gt3A_883 = arith.cmpf ogt, %mul3A_882, %scan3A_822 : vector<16xf32>
        %select_n3A_884 = arith.select %gt3A_883, %mul3A_882, %scan3A_822 : vector<16xi1>, vector<16xf32>
        %add3A_885 = vector.broadcast %add3A_869 : i32 to vector<16xi32>
        %add3A_886 = arith.addi %add3A_885, %iota3A_646 : vector<16xi32>
        %select_n3A_887 = arith.select %gt3A_883, %add3A_886, %scan3A_823 : vector<16xi1>, vector<16xi32>
        %add3A_888 = arith.constant 48 : i32
        %add3A_889 = arith.addi %mul3A_827, %add3A_888 : i32
        %get3A_890 = arith.index_cast %add3A_889 : i32 to index
        %get3A_891 = tpu.vector_load %arg9[%get3A_890] {strides = array<i32>} : memref<16384xf32, #tpu.memory_space<vmem>>, vector<16xf32>,
        %get3A_892 = vector.shape_cast %get3A_891 : vector<16xf32> to vector<16xf32>
        %get3A_893 = arith.index_cast %add3A_889 : i32 to index
        %get3A_894 = tpu.vector_load %arg10[%get3A_893] {strides = array<i32>} : memref<16384xf32, #tpu.memory_space<vmem>>, vector<16xf32>,
        %get3A_895 = vector.shape_cast %get3A_894 : vector<16xf32> to vector<16xf32>
        %max3A_896 = arith.constant 0.000000e+00 : f32
        %max3A_897 = vector.broadcast %max3A_896 : f32 to vector<16xf32>
        %max3A_898 = arith.maximumf %get3A_892, %max3A_897 : vector<16xf32>
        %add3A_899 = arith.constant 9.99999997E-7 : f32
        %add3A_900 = vector.broadcast %add3A_899 : f32 to vector<16xf32>
        %add3A_901 = arith.addf %max3A_898, %add3A_900 : vector<16xf32>
        %mul3A_902 = arith.mulf %add3A_901, %get3A_895 : vector<16xf32>
        %gt3A_903 = arith.cmpf ogt, %mul3A_902, %scan3A_824 : vector<16xf32>
        %select_n3A_904 = arith.select %gt3A_903, %mul3A_902, %scan3A_824 : vector<16xi1>, vector<16xf32>
        %add3A_905 = vector.broadcast %add3A_889 : i32 to vector<16xi32>
        %add3A_906 = arith.addi %add3A_905, %iota3A_646 : vector<16xi32>
        %select_n3A_907 = arith.select %gt3A_903, %add3A_906, %scan3A_825 : vector<16xi1>, vector<16xi32>
        scf.yield %select_n3A_844, %select_n3A_847, %select_n3A_864, %select_n3A_867, %select_n3A_884, %select_n3A_887, %select_n3A_904, %select_n3A_907 : vector<16xf32>, vector<16xi32>, vector<16xf32>, vector<16xi32>, vector<16xf32>, vector<16xi32>, vector<16xf32>, vector<16xi32>
      }
      %scan3A_656 = arith.constant 256 : i32
      %gt3A_657 = arith.cmpf ogt, %scan3A_655#2, %scan3A_655#0 : vector<16xf32>
      %eq3A_658 = arith.cmpf oeq, %scan3A_655#2, %scan3A_655#0 : vector<16xf32>
      %lt3A_659 = arith.cmpi slt, %scan3A_655#3, %scan3A_655#1 : vector<16xi32>
      %and3A_660 = arith.andi %eq3A_658, %lt3A_659 : vector<16xi1>
      %or3A_661 = arith.ori %gt3A_657, %and3A_660 : vector<16xi1>
      %select_n3A_662 = arith.select %or3A_661, %scan3A_655#2, %scan3A_655#0 : vector<16xi1>, vector<16xf32>
      %select_n3A_663 = arith.select %or3A_661, %scan3A_655#3, %scan3A_655#1 : vector<16xi1>, vector<16xi32>
      %gt3A_664 = arith.cmpf ogt, %scan3A_655#4, %select_n3A_662 : vector<16xf32>
      %eq3A_665 = arith.cmpf oeq, %scan3A_655#4, %select_n3A_662 : vector<16xf32>
      %lt3A_666 = arith.cmpi slt, %scan3A_655#5, %select_n3A_663 : vector<16xi32>
      %and3A_667 = arith.andi %eq3A_665, %lt3A_666 : vector<16xi1>
      %or3A_668 = arith.ori %gt3A_664, %and3A_667 : vector<16xi1>
      %select_n3A_669 = arith.select %or3A_668, %scan3A_655#4, %select_n3A_662 : vector<16xi1>, vector<16xf32>
      %select_n3A_670 = arith.select %or3A_668, %scan3A_655#5, %select_n3A_663 : vector<16xi1>, vector<16xi32>
      %gt3A_671 = arith.cmpf ogt, %scan3A_655#6, %select_n3A_669 : vector<16xf32>
      %eq3A_672 = arith.cmpf oeq, %scan3A_655#6, %select_n3A_669 : vector<16xf32>
      %lt3A_673 = arith.cmpi slt, %scan3A_655#7, %select_n3A_670 : vector<16xi32>
      %and3A_674 = arith.andi %eq3A_672, %lt3A_673 : vector<16xi1>
      %or3A_675 = arith.ori %gt3A_671, %and3A_674 : vector<16xi1>
      %select_n3A_676 = arith.select %or3A_675, %scan3A_655#6, %select_n3A_669 : vector<16xi1>, vector<16xf32>
      %select_n3A_677 = arith.select %or3A_675, %scan3A_655#7, %select_n3A_670 : vector<16xi1>, vector<16xi32>
      %swap3A_678 = arith.constant 0 : index
      %swap3A_679 = tpu.vector_load %arg19[%swap3A_678] {strides = array<i32>} : memref<32xf32, #tpu.memory_space<vmem>>, vector<16xf32>,
      %swap3A_680 = vector.shape_cast %swap3A_679 : vector<16xf32> to vector<16xf32>
      %swap3A_681 = vector.shape_cast %select_n3A_676 : vector<16xf32> to vector<16xf32>
      tpu.vector_store %arg19[%swap3A_678], %swap3A_681 {strides = array<i32>} : memref<32xf32, #tpu.memory_space<vmem>>, vector<16xf32>,
      %swap3A_682 = arith.constant 16 : index
      %swap3A_683 = tpu.vector_load %arg19[%swap3A_682] {strides = array<i32>} : memref<32xf32, #tpu.memory_space<vmem>>, vector<16xf32>,
      %swap3A_684 = vector.shape_cast %swap3A_683 : vector<16xf32> to vector<16xf32>
      %swap3A_685 = vector.shape_cast %select_n3A_676 : vector<16xf32> to vector<16xf32>
      tpu.vector_store %arg19[%swap3A_682], %swap3A_685 {strides = array<i32>} : memref<32xf32, #tpu.memory_space<vmem>>, vector<16xf32>,
      %get3A_686 = arith.constant 8 : index
      %get3A_687 = tpu.vector_load %arg19[%get3A_686] {strides = array<i32>} : memref<32xf32, #tpu.memory_space<vmem>>, vector<16xf32>,
      %get3A_688 = vector.shape_cast %get3A_687 : vector<16xf32> to vector<16xf32>
      %max3A_689 = arith.maximumf %select_n3A_676, %get3A_688 : vector<16xf32>
      %swap3A_690 = arith.constant 0 : index
      %swap3A_691 = tpu.vector_load %arg19[%swap3A_690] {strides = array<i32>} : memref<32xf32, #tpu.memory_space<vmem>>, vector<16xf32>,
      %swap3A_692 = vector.shape_cast %swap3A_691 : vector<16xf32> to vector<16xf32>
      %swap3A_693 = vector.shape_cast %max3A_689 : vector<16xf32> to vector<16xf32>
      tpu.vector_store %arg19[%swap3A_690], %swap3A_693 {strides = array<i32>} : memref<32xf32, #tpu.memory_space<vmem>>, vector<16xf32>,
      %swap3A_694 = arith.constant 16 : index
      %swap3A_695 = tpu.vector_load %arg19[%swap3A_694] {strides = array<i32>} : memref<32xf32, #tpu.memory_space<vmem>>, vector<16xf32>,
      %swap3A_696 = vector.shape_cast %swap3A_695 : vector<16xf32> to vector<16xf32>
      %swap3A_697 = vector.shape_cast %max3A_689 : vector<16xf32> to vector<16xf32>
      tpu.vector_store %arg19[%swap3A_694], %swap3A_697 {strides = array<i32>} : memref<32xf32, #tpu.memory_space<vmem>>, vector<16xf32>,
      %get3A_698 = arith.constant 4 : index
      %get3A_699 = tpu.vector_load %arg19[%get3A_698] {strides = array<i32>} : memref<32xf32, #tpu.memory_space<vmem>>, vector<16xf32>,
      %get3A_700 = vector.shape_cast %get3A_699 : vector<16xf32> to vector<16xf32>
      %max3A_701 = arith.maximumf %max3A_689, %get3A_700 : vector<16xf32>
      %swap3A_702 = arith.constant 0 : index
      %swap3A_703 = tpu.vector_load %arg19[%swap3A_702] {strides = array<i32>} : memref<32xf32, #tpu.memory_space<vmem>>, vector<16xf32>,
      %swap3A_704 = vector.shape_cast %swap3A_703 : vector<16xf32> to vector<16xf32>
      %swap3A_705 = vector.shape_cast %max3A_701 : vector<16xf32> to vector<16xf32>
      tpu.vector_store %arg19[%swap3A_702], %swap3A_705 {strides = array<i32>} : memref<32xf32, #tpu.memory_space<vmem>>, vector<16xf32>,
      %swap3A_706 = arith.constant 16 : index
      %swap3A_707 = tpu.vector_load %arg19[%swap3A_706] {strides = array<i32>} : memref<32xf32, #tpu.memory_space<vmem>>, vector<16xf32>,
      %swap3A_708 = vector.shape_cast %swap3A_707 : vector<16xf32> to vector<16xf32>
      %swap3A_709 = vector.shape_cast %max3A_701 : vector<16xf32> to vector<16xf32>
      tpu.vector_store %arg19[%swap3A_706], %swap3A_709 {strides = array<i32>} : memref<32xf32, #tpu.memory_space<vmem>>, vector<16xf32>,
      %get3A_710 = arith.constant 2 : index
      %get3A_711 = tpu.vector_load %arg19[%get3A_710] {strides = array<i32>} : memref<32xf32, #tpu.memory_space<vmem>>, vector<16xf32>,
      %get3A_712 = vector.shape_cast %get3A_711 : vector<16xf32> to vector<16xf32>
      %max3A_713 = arith.maximumf %max3A_701, %get3A_712 : vector<16xf32>
      %swap3A_714 = arith.constant 0 : index
      %swap3A_715 = tpu.vector_load %arg19[%swap3A_714] {strides = array<i32>} : memref<32xf32, #tpu.memory_space<vmem>>, vector<16xf32>,
      %swap3A_716 = vector.shape_cast %swap3A_715 : vector<16xf32> to vector<16xf32>
      %swap3A_717 = vector.shape_cast %max3A_713 : vector<16xf32> to vector<16xf32>
      tpu.vector_store %arg19[%swap3A_714], %swap3A_717 {strides = array<i32>} : memref<32xf32, #tpu.memory_space<vmem>>, vector<16xf32>,
      %swap3A_718 = arith.constant 16 : index
      %swap3A_719 = tpu.vector_load %arg19[%swap3A_718] {strides = array<i32>} : memref<32xf32, #tpu.memory_space<vmem>>, vector<16xf32>,
      %swap3A_720 = vector.shape_cast %swap3A_719 : vector<16xf32> to vector<16xf32>
      %swap3A_721 = vector.shape_cast %max3A_713 : vector<16xf32> to vector<16xf32>
      tpu.vector_store %arg19[%swap3A_718], %swap3A_721 {strides = array<i32>} : memref<32xf32, #tpu.memory_space<vmem>>, vector<16xf32>,
      %get3A_722 = arith.constant 1 : index
      %get3A_723 = tpu.vector_load %arg19[%get3A_722] {strides = array<i32>} : memref<32xf32, #tpu.memory_space<vmem>>, vector<16xf32>,
      %get3A_724 = vector.shape_cast %get3A_723 : vector<16xf32> to vector<16xf32>
      %max3A_725 = arith.maximumf %max3A_713, %get3A_724 : vector<16xf32>
      %eq3A_726 = arith.cmpf oeq, %select_n3A_676, %max3A_725 : vector<16xf32>
      %jit3A_727 = arith.constant 16384 : i32
      %broadcast_in_dim3A_728 = vector.broadcast %jit3A_727 : i32 to vector<16xi32>
      %select_n3A_729 = arith.select %eq3A_726, %select_n3A_677, %broadcast_in_dim3A_728 : vector<16xi1>, vector<16xi32>
      %swap3A_730 = arith.constant 0 : index
      %swap3A_731 = tpu.vector_load %arg20[%swap3A_730] {strides = array<i32>} : memref<32xi32, #tpu.memory_space<vmem>>, vector<16xi32>,
      %swap3A_732 = vector.shape_cast %swap3A_731 : vector<16xi32> to vector<16xi32>
      %swap3A_733 = vector.shape_cast %select_n3A_729 : vector<16xi32> to vector<16xi32>
      tpu.vector_store %arg20[%swap3A_730], %swap3A_733 {strides = array<i32>} : memref<32xi32, #tpu.memory_space<vmem>>, vector<16xi32>,
      %swap3A_734 = arith.constant 16 : index
      %swap3A_735 = tpu.vector_load %arg20[%swap3A_734] {strides = array<i32>} : memref<32xi32, #tpu.memory_space<vmem>>, vector<16xi32>,
      %swap3A_736 = vector.shape_cast %swap3A_735 : vector<16xi32> to vector<16xi32>
      %swap3A_737 = vector.shape_cast %select_n3A_729 : vector<16xi32> to vector<16xi32>
      tpu.vector_store %arg20[%swap3A_734], %swap3A_737 {strides = array<i32>} : memref<32xi32, #tpu.memory_space<vmem>>, vector<16xi32>,
      %get3A_738 = arith.constant 8 : index
      %get3A_739 = tpu.vector_load %arg20[%get3A_738] {strides = array<i32>} : memref<32xi32, #tpu.memory_space<vmem>>, vector<16xi32>,
      %get3A_740 = vector.shape_cast %get3A_739 : vector<16xi32> to vector<16xi32>
      %min3A_741 = arith.minsi %select_n3A_729, %get3A_740 : vector<16xi32>
      %swap3A_742 = arith.constant 0 : index
      %swap3A_743 = tpu.vector_load %arg20[%swap3A_742] {strides = array<i32>} : memref<32xi32, #tpu.memory_space<vmem>>, vector<16xi32>,
      %swap3A_744 = vector.shape_cast %swap3A_743 : vector<16xi32> to vector<16xi32>
      %swap3A_745 = vector.shape_cast %min3A_741 : vector<16xi32> to vector<16xi32>
      tpu.vector_store %arg20[%swap3A_742], %swap3A_745 {strides = array<i32>} : memref<32xi32, #tpu.memory_space<vmem>>, vector<16xi32>,
      %swap3A_746 = arith.constant 16 : index
      %swap3A_747 = tpu.vector_load %arg20[%swap3A_746] {strides = array<i32>} : memref<32xi32, #tpu.memory_space<vmem>>, vector<16xi32>,
      %swap3A_748 = vector.shape_cast %swap3A_747 : vector<16xi32> to vector<16xi32>
      %swap3A_749 = vector.shape_cast %min3A_741 : vector<16xi32> to vector<16xi32>
      tpu.vector_store %arg20[%swap3A_746], %swap3A_749 {strides = array<i32>} : memref<32xi32, #tpu.memory_space<vmem>>, vector<16xi32>,
      %get3A_750 = arith.constant 4 : index
      %get3A_751 = tpu.vector_load %arg20[%get3A_750] {strides = array<i32>} : memref<32xi32, #tpu.memory_space<vmem>>, vector<16xi32>,
      %get3A_752 = vector.shape_cast %get3A_751 : vector<16xi32> to vector<16xi32>
      %min3A_753 = arith.minsi %min3A_741, %get3A_752 : vector<16xi32>
      %swap3A_754 = arith.constant 0 : index
      %swap3A_755 = tpu.vector_load %arg20[%swap3A_754] {strides = array<i32>} : memref<32xi32, #tpu.memory_space<vmem>>, vector<16xi32>,
      %swap3A_756 = vector.shape_cast %swap3A_755 : vector<16xi32> to vector<16xi32>
      %swap3A_757 = vector.shape_cast %min3A_753 : vector<16xi32> to vector<16xi32>
      tpu.vector_store %arg20[%swap3A_754], %swap3A_757 {strides = array<i32>} : memref<32xi32, #tpu.memory_space<vmem>>, vector<16xi32>,
      %swap3A_758 = arith.constant 16 : index
      %swap3A_759 = tpu.vector_load %arg20[%swap3A_758] {strides = array<i32>} : memref<32xi32, #tpu.memory_space<vmem>>, vector<16xi32>,
      %swap3A_760 = vector.shape_cast %swap3A_759 : vector<16xi32> to vector<16xi32>
      %swap3A_761 = vector.shape_cast %min3A_753 : vector<16xi32> to vector<16xi32>
      tpu.vector_store %arg20[%swap3A_758], %swap3A_761 {strides = array<i32>} : memref<32xi32, #tpu.memory_space<vmem>>, vector<16xi32>,
      %get3A_762 = arith.constant 2 : index
      %get3A_763 = tpu.vector_load %arg20[%get3A_762] {strides = array<i32>} : memref<32xi32, #tpu.memory_space<vmem>>, vector<16xi32>,
      %get3A_764 = vector.shape_cast %get3A_763 : vector<16xi32> to vector<16xi32>
      %min3A_765 = arith.minsi %min3A_753, %get3A_764 : vector<16xi32>
      %swap3A_766 = arith.constant 0 : index
      %swap3A_767 = tpu.vector_load %arg20[%swap3A_766] {strides = array<i32>} : memref<32xi32, #tpu.memory_space<vmem>>, vector<16xi32>,
      %swap3A_768 = vector.shape_cast %swap3A_767 : vector<16xi32> to vector<16xi32>
      %swap3A_769 = vector.shape_cast %min3A_765 : vector<16xi32> to vector<16xi32>
      tpu.vector_store %arg20[%swap3A_766], %swap3A_769 {strides = array<i32>} : memref<32xi32, #tpu.memory_space<vmem>>, vector<16xi32>,
      %swap3A_770 = arith.constant 16 : index
      %swap3A_771 = tpu.vector_load %arg20[%swap3A_770] {strides = array<i32>} : memref<32xi32, #tpu.memory_space<vmem>>, vector<16xi32>,
      %swap3A_772 = vector.shape_cast %swap3A_771 : vector<16xi32> to vector<16xi32>
      %swap3A_773 = vector.shape_cast %min3A_765 : vector<16xi32> to vector<16xi32>
      tpu.vector_store %arg20[%swap3A_770], %swap3A_773 {strides = array<i32>} : memref<32xi32, #tpu.memory_space<vmem>>, vector<16xi32>,
      %get3A_774 = arith.constant 1 : index
      %get3A_775 = tpu.vector_load %arg20[%get3A_774] {strides = array<i32>} : memref<32xi32, #tpu.memory_space<vmem>>, vector<16xi32>,
      %get3A_776 = vector.shape_cast %get3A_775 : vector<16xi32> to vector<16xi32>
      %min3A_777 = arith.minsi %min3A_765, %get3A_776 : vector<16xi32>
      %slice3A_778 = vector.extract_strided_slice %min3A_777 {offsets = [0], sizes = [1], strides = [1]} : vector<16xi32> to vector<1xi32>
      %squeeze3A_779 = vector.extract %slice3A_778[0] : i32 from vector<1xi32>
      %broadcast_in_dim3A_780 = arith.constant 0 : i32
      %broadcast_in_dim3A_781 = vector.broadcast %broadcast_in_dim3A_780 : i32 to vector<16xi32>
      %eq3A_782 = arith.constant 0 : i32
      %eq3A_783 = vector.broadcast %eq3A_782 : i32 to vector<16xi32>
      %eq3A_784 = arith.cmpi eq, %iota3A, %eq3A_783 : vector<16xi32>
      %broadcast_in_dim3A_785 = vector.broadcast %squeeze3A : i32 to vector<16xi32>
      %select_n3A_786 = arith.select %eq3A_784, %broadcast_in_dim3A_785, %broadcast_in_dim3A_781 : vector<16xi1>, vector<16xi32>
      %eq3A_787 = arith.constant 1 : i32
      %eq3A_788 = vector.broadcast %eq3A_787 : i32 to vector<16xi32>
      %eq3A_789 = arith.cmpi eq, %iota3A, %eq3A_788 : vector<16xi32>
      %broadcast_in_dim3A_790 = vector.broadcast %squeeze3A_403 : i32 to vector<16xi32>
      %select_n3A_791 = arith.select %eq3A_789, %broadcast_in_dim3A_790, %select_n3A_786 : vector<16xi1>, vector<16xi32>
      %eq3A_792 = arith.constant 2 : i32
      %eq3A_793 = vector.broadcast %eq3A_792 : i32 to vector<16xi32>
      %eq3A_794 = arith.cmpi eq, %iota3A, %eq3A_793 : vector<16xi32>
      %broadcast_in_dim3A_795 = vector.broadcast %squeeze3A_599 : i32 to vector<16xi32>
      %select_n3A_796 = arith.select %eq3A_794, %broadcast_in_dim3A_795, %select_n3A_791 : vector<16xi1>, vector<16xi32>
      %eq3A_797 = arith.constant 3 : i32
      %eq3A_798 = vector.broadcast %eq3A_797 : i32 to vector<16xi32>
      %eq3A_799 = arith.cmpi eq, %iota3A, %eq3A_798 : vector<16xi32>
      %broadcast_in_dim3A_800 = vector.broadcast %squeeze3A_779 : i32 to vector<16xi32>
      %select_n3A_801 = arith.select %eq3A_799, %broadcast_in_dim3A_800, %select_n3A_796 : vector<16xi1>, vector<16xi32>
      %swap3A_802 = arith.constant 0 : index
      %swap3A_803 = tpu.vector_load %arg13[%swap3A_802] {strides = array<i32>} : memref<16xi32, #tpu.memory_space<vmem>>, vector<16xi32>,
      %swap3A_804 = vector.shape_cast %swap3A_803 : vector<16xi32> to vector<16xi32>
      %swap3A_805 = vector.shape_cast %select_n3A_801 : vector<16xi32> to vector<16xi32>
      tpu.vector_store %arg13[%swap3A_802], %swap3A_805 {strides = array<i32>} : memref<16xi32, #tpu.memory_space<vmem>>, vector<16xi32>,
      %mul3A_806 = arith.constant 16 : i32
      %mul3A_807 = arith.muli %arg1, %mul3A_806 : i32
      "tpu.region"() ({
        %run_scoped3A = tpu.sem_alloc : memref<!tpu.dma_semaphore, #tpu.memory_space<semaphore_mem>>
        %dma_start3A_817 = tpu.memref_slice %arg22[%mul3A_807] : memref<272xi32, #tpu.memory_space<vmem_shared>> -> memref<16xi32, #tpu.memory_space<vmem_shared>>
        %dma_start3A_818 = tpu.memref_slice %arg22[%mul3A_807] : memref<272xi32, #tpu.memory_space<vmem_shared>> -> memref<16xi32, #tpu.memory_space<vmem_shared>>
        tpu.enqueue_dma source(%arg13 : memref<16xi32, #tpu.memory_space<vmem>>) target(%dma_start3A_818 : memref<16xi32, #tpu.memory_space<vmem_shared>>) target_semaphore(%run_scoped3A : memref<!tpu.dma_semaphore, #tpu.memory_space<semaphore_mem>>)
        %dma_wait3A_819 = tpu.memref_slice %arg22[%mul3A_807] : memref<272xi32, #tpu.memory_space<vmem_shared>> -> memref<16xi32, #tpu.memory_space<vmem_shared>>
        %dma_wait3A_820 = tpu.memref_slice %arg22[%mul3A_807] : memref<272xi32, #tpu.memory_space<vmem_shared>> -> memref<16xi32, #tpu.memory_space<vmem_shared>>
        tpu.wait_dma2 semaphore(%run_scoped3A : memref<!tpu.dma_semaphore, #tpu.memory_space<semaphore_mem>>) src(%arg13 : memref<16xi32, #tpu.memory_space<vmem>>) dst(%dma_wait3A_820 : memref<16xi32, #tpu.memory_space<vmem_shared>>)
        tpu.yield
      }) : () -> ()
      %mul3A_808 = arith.constant 1024 : i32
      %mul3A_809 = arith.muli %arg1, %mul3A_808 : i32
      "tpu.region"() ({
        %run_scoped3A = tpu.sem_alloc : memref<!tpu.dma_semaphore, #tpu.memory_space<semaphore_mem>>
        %dma_start3A_817 = tpu.memref_slice %arg4[%mul3A_809] : memref<16384xf32, #tpu.memory_space<hbm>> -> memref<1024xf32, #tpu.memory_space<hbm>>
        %dma_start3A_818 = tpu.memref_slice %arg4[%mul3A_809] : memref<16384xf32, #tpu.memory_space<hbm>> -> memref<1024xf32, #tpu.memory_space<hbm>>
        tpu.enqueue_dma source(%dma_start3A_818 : memref<1024xf32, #tpu.memory_space<hbm>>) target(%arg11 : memref<1024xf32, #tpu.memory_space<vmem>>) target_semaphore(%run_scoped3A : memref<!tpu.dma_semaphore, #tpu.memory_space<semaphore_mem>>)
        %dma_wait3A_819 = tpu.memref_slice %arg4[%mul3A_809] : memref<16384xf32, #tpu.memory_space<hbm>> -> memref<1024xf32, #tpu.memory_space<hbm>>
        %dma_wait3A_820 = tpu.memref_slice %arg4[%mul3A_809] : memref<16384xf32, #tpu.memory_space<hbm>> -> memref<1024xf32, #tpu.memory_space<hbm>>
        tpu.wait_dma2 semaphore(%run_scoped3A : memref<!tpu.dma_semaphore, #tpu.memory_space<semaphore_mem>>) src(%dma_wait3A_820 : memref<1024xf32, #tpu.memory_space<hbm>>) dst(%arg11 : memref<1024xf32, #tpu.memory_space<vmem>>)
        tpu.yield
      }) : () -> ()
      %scan3A_810 = arith.constant 0 : i32
      %scan3A_811 = arith.constant 0 : i32
      %scan3A_812 = arith.constant 64 : i32
      %scan3A_813 = arith.addi %scan3A_811, %scan3A_812 : i32
      %scan3A_814 = arith.constant 1 : i32
      %scan3A_815 = scf.for %scan3A_817 = %scan3A_811 to %scan3A_813 step %scan3A_814 iter_args(%scan3A_818 = %scan3A_810) -> (i32)  : i32 {
        %mul3A_819 = arith.constant 16 : i32
        %mul3A_820 = arith.muli %scan3A_817, %mul3A_819 : i32
        %get3A_821 = arith.index_cast %mul3A_820 : i32 to index
        %get3A_822 = tpu.vector_load %arg11[%get3A_821] {strides = array<i32>} : memref<1024xf32, #tpu.memory_space<vmem>>, vector<16xf32>,
        %get3A_823 = vector.shape_cast %get3A_822 : vector<16xf32> to vector<16xf32>
        %neg3A = arith.constant 0.000000e+00 : f32
        %neg3A_824 = vector.broadcast %neg3A : f32 to vector<16xf32>
        %neg3A_825 = arith.subf %neg3A_824, %get3A_823 : vector<16xf32>
        %exp3A = math.exp %neg3A_825 : vector<16xf32>
        %add3A_826 = arith.constant 1.000000e+00 : f32
        %add3A_827 = vector.broadcast %add3A_826 : f32 to vector<16xf32>
        %add3A_828 = arith.addf %add3A_827, %exp3A : vector<16xf32>
        %div3A = arith.constant 1.000000e+00 : f32
        %div3A_829 = vector.broadcast %div3A : f32 to vector<16xf32>
        %div3A_830 = arith.divf %div3A_829, %add3A_828 : vector<16xf32>
        %add3A_831 = arith.addi %mul3A_809, %mul3A_820 : i32
        %add3A_832 = vector.broadcast %add3A_831 : i32 to vector<16xi32>
        %add3A_833 = arith.addi %add3A_832, %iota3A : vector<16xi32>
        %lt3A_834 = arith.constant 64 : i32
        %lt3A_835 = vector.broadcast %lt3A_834 : i32 to vector<16xi32>
        %lt3A_836 = arith.cmpi slt, %add3A_833, %lt3A_835 : vector<16xi32>
        %jit3A_837 = arith.constant 1.000000e+00 : f32
        %broadcast_in_dim3A_838 = vector.broadcast %jit3A_837 : f32 to vector<16xf32>
        %select_n3A_839 = arith.select %lt3A_836, %broadcast_in_dim3A_838, %div3A_830 : vector<16xi1>, vector<16xf32>
        %swap3A_840 = arith.index_cast %mul3A_820 : i32 to index
        %swap3A_841 = tpu.vector_load %arg12[%swap3A_840] {strides = array<i32>} : memref<1024xf32, #tpu.memory_space<vmem>>, vector<16xf32>,
        %swap3A_842 = vector.shape_cast %swap3A_841 : vector<16xf32> to vector<16xf32>
        %swap3A_843 = vector.shape_cast %select_n3A_839 : vector<16xf32> to vector<16xf32>
        tpu.vector_store %arg12[%swap3A_840], %swap3A_843 {strides = array<i32>} : memref<1024xf32, #tpu.memory_space<vmem>>, vector<16xf32>,
        %scan3A_844 = arith.constant 0 : i32
        scf.yield %scan3A_844 : i32
      }
      %scan3A_816 = arith.constant 64 : i32
    } else {
    }
    %barrier3A = arith.constant 0 : index
    tpu.barrier barrier_id(%barrier3A)
    %eq3A_2 = arith.constant 0 : i32
    %eq3A_3 = arith.cmpi eq, %arg0, %eq3A_2 : i32
    %eq3A_4 = arith.constant 0 : i32
    %eq3A_5 = arith.cmpi eq, %arg1, %eq3A_4 : i32
    %and3A = arith.andi %eq3A_3, %eq3A_5 : i1
    %convert_element_type3A_6 = arith.extui %and3A : i1 to i32
    %cond3A_7 = arith.constant 0 : i32
    %cond3A_8 = arith.cmpi ne, %convert_element_type3A_6, %cond3A_7 : i32
    scf.if %cond3A_8 {
      "tpu.region"() ({
        %run_scoped3A = tpu.sem_alloc : memref<!tpu.dma_semaphore, #tpu.memory_space<semaphore_mem>>
        tpu.enqueue_dma source(%arg22 : memref<272xi32, #tpu.memory_space<vmem_shared>>) target(%arg16 : memref<272xi32, #tpu.memory_space<vmem>>) target_semaphore(%run_scoped3A : memref<!tpu.dma_semaphore, #tpu.memory_space<semaphore_mem>>)
        tpu.wait_dma2 semaphore(%run_scoped3A : memref<!tpu.dma_semaphore, #tpu.memory_space<semaphore_mem>>) src(%arg22 : memref<272xi32, #tpu.memory_space<vmem_shared>>) dst(%arg16 : memref<272xi32, #tpu.memory_space<vmem>>)
        tpu.yield
      }) : () -> ()
      "tpu.region"() ({
        %run_scoped3A = tpu.sem_alloc : memref<!tpu.dma_semaphore, #tpu.memory_space<semaphore_mem>>
        tpu.enqueue_dma source(%arg23 : memref<4112xf32, #tpu.memory_space<vmem_shared>>) target(%arg15 : memref<4112xf32, #tpu.memory_space<vmem>>) target_semaphore(%run_scoped3A : memref<!tpu.dma_semaphore, #tpu.memory_space<semaphore_mem>>)
        tpu.wait_dma2 semaphore(%run_scoped3A : memref<!tpu.dma_semaphore, #tpu.memory_space<semaphore_mem>>) src(%arg23 : memref<4112xf32, #tpu.memory_space<vmem_shared>>) dst(%arg15 : memref<4112xf32, #tpu.memory_space<vmem>>)
        tpu.yield
      }) : () -> ()
      %get3A = arith.constant 0 : index
      %get3A_15 = tpu.vector_load %arg16[%get3A] {strides = array<i32>} : memref<272xi32, #tpu.memory_space<vmem>>, vector<16xi32>,
      %get3A_16 = vector.shape_cast %get3A_15 : vector<16xi32> to vector<16xi32>
      %slice3A = vector.extract_strided_slice %get3A_16 {offsets = [0], sizes = [1], strides = [1]} : vector<16xi32> to vector<1xi32>
      %squeeze3A = vector.extract %slice3A[0] : i32 from vector<1xi32>
      %swap3A = arith.constant 0 : i32
      %swap3A_17 = arith.index_cast %swap3A : i32 to index
      %swap3A_18 = memref.load %arg29[%swap3A_17] : memref<64xi32, #tpu.memory_space<smem>>
      memref.store %squeeze3A, %arg29[%swap3A_17] : memref<64xi32, #tpu.memory_space<smem>>
      %get3A_19 = arith.constant 1 : index
      %get3A_20 = tpu.vector_load %arg16[%get3A_19] {strides = array<i32>} : memref<272xi32, #tpu.memory_space<vmem>>, vector<16xi32>,
      %get3A_21 = vector.shape_cast %get3A_20 : vector<16xi32> to vector<16xi32>
      %slice3A_22 = vector.extract_strided_slice %get3A_21 {offsets = [0], sizes = [1], strides = [1]} : vector<16xi32> to vector<1xi32>
      %squeeze3A_23 = vector.extract %slice3A_22[0] : i32 from vector<1xi32>
      %swap3A_24 = arith.constant 1 : i32
      %swap3A_25 = arith.index_cast %swap3A_24 : i32 to index
      %swap3A_26 = memref.load %arg29[%swap3A_25] : memref<64xi32, #tpu.memory_space<smem>>
      memref.store %squeeze3A_23, %arg29[%swap3A_25] : memref<64xi32, #tpu.memory_space<smem>>
      %get3A_27 = arith.constant 2 : index
      %get3A_28 = tpu.vector_load %arg16[%get3A_27] {strides = array<i32>} : memref<272xi32, #tpu.memory_space<vmem>>, vector<16xi32>,
      %get3A_29 = vector.shape_cast %get3A_28 : vector<16xi32> to vector<16xi32>
      %slice3A_30 = vector.extract_strided_slice %get3A_29 {offsets = [0], sizes = [1], strides = [1]} : vector<16xi32> to vector<1xi32>
      %squeeze3A_31 = vector.extract %slice3A_30[0] : i32 from vector<1xi32>
      %swap3A_32 = arith.constant 2 : i32
      %swap3A_33 = arith.index_cast %swap3A_32 : i32 to index
      %swap3A_34 = memref.load %arg29[%swap3A_33] : memref<64xi32, #tpu.memory_space<smem>>
      memref.store %squeeze3A_31, %arg29[%swap3A_33] : memref<64xi32, #tpu.memory_space<smem>>
      %get3A_35 = arith.constant 3 : index
      %get3A_36 = tpu.vector_load %arg16[%get3A_35] {strides = array<i32>} : memref<272xi32, #tpu.memory_space<vmem>>, vector<16xi32>,
      %get3A_37 = vector.shape_cast %get3A_36 : vector<16xi32> to vector<16xi32>
      %slice3A_38 = vector.extract_strided_slice %get3A_37 {offsets = [0], sizes = [1], strides = [1]} : vector<16xi32> to vector<1xi32>
      %squeeze3A_39 = vector.extract %slice3A_38[0] : i32 from vector<1xi32>
      %swap3A_40 = arith.constant 3 : i32
      %swap3A_41 = arith.index_cast %swap3A_40 : i32 to index
      %swap3A_42 = memref.load %arg29[%swap3A_41] : memref<64xi32, #tpu.memory_space<smem>>
      memref.store %squeeze3A_39, %arg29[%swap3A_41] : memref<64xi32, #tpu.memory_space<smem>>
      %get3A_43 = arith.constant 16 : index
      %get3A_44 = tpu.vector_load %arg16[%get3A_43] {strides = array<i32>} : memref<272xi32, #tpu.memory_space<vmem>>, vector<16xi32>,
      %get3A_45 = vector.shape_cast %get3A_44 : vector<16xi32> to vector<16xi32>
      %slice3A_46 = vector.extract_strided_slice %get3A_45 {offsets = [0], sizes = [1], strides = [1]} : vector<16xi32> to vector<1xi32>
      %squeeze3A_47 = vector.extract %slice3A_46[0] : i32 from vector<1xi32>
      %swap3A_48 = arith.constant 4 : i32
      %swap3A_49 = arith.index_cast %swap3A_48 : i32 to index
      %swap3A_50 = memref.load %arg29[%swap3A_49] : memref<64xi32, #tpu.memory_space<smem>>
      memref.store %squeeze3A_47, %arg29[%swap3A_49] : memref<64xi32, #tpu.memory_space<smem>>
      %get3A_51 = arith.constant 17 : index
      %get3A_52 = tpu.vector_load %arg16[%get3A_51] {strides = array<i32>} : memref<272xi32, #tpu.memory_space<vmem>>, vector<16xi32>,
      %get3A_53 = vector.shape_cast %get3A_52 : vector<16xi32> to vector<16xi32>
      %slice3A_54 = vector.extract_strided_slice %get3A_53 {offsets = [0], sizes = [1], strides = [1]} : vector<16xi32> to vector<1xi32>
      %squeeze3A_55 = vector.extract %slice3A_54[0] : i32 from vector<1xi32>
      %swap3A_56 = arith.constant 5 : i32
      %swap3A_57 = arith.index_cast %swap3A_56 : i32 to index
      %swap3A_58 = memref.load %arg29[%swap3A_57] : memref<64xi32, #tpu.memory_space<smem>>
      memref.store %squeeze3A_55, %arg29[%swap3A_57] : memref<64xi32, #tpu.memory_space<smem>>
      %get3A_59 = arith.constant 18 : index
      %get3A_60 = tpu.vector_load %arg16[%get3A_59] {strides = array<i32>} : memref<272xi32, #tpu.memory_space<vmem>>, vector<16xi32>,
      %get3A_61 = vector.shape_cast %get3A_60 : vector<16xi32> to vector<16xi32>
      %slice3A_62 = vector.extract_strided_slice %get3A_61 {offsets = [0], sizes = [1], strides = [1]} : vector<16xi32> to vector<1xi32>
      %squeeze3A_63 = vector.extract %slice3A_62[0] : i32 from vector<1xi32>
      %swap3A_64 = arith.constant 6 : i32
      %swap3A_65 = arith.index_cast %swap3A_64 : i32 to index
      %swap3A_66 = memref.load %arg29[%swap3A_65] : memref<64xi32, #tpu.memory_space<smem>>
      memref.store %squeeze3A_63, %arg29[%swap3A_65] : memref<64xi32, #tpu.memory_space<smem>>
      %get3A_67 = arith.constant 19 : index
      %get3A_68 = tpu.vector_load %arg16[%get3A_67] {strides = array<i32>} : memref<272xi32, #tpu.memory_space<vmem>>, vector<16xi32>,
      %get3A_69 = vector.shape_cast %get3A_68 : vector<16xi32> to vector<16xi32>
      %slice3A_70 = vector.extract_strided_slice %get3A_69 {offsets = [0], sizes = [1], strides = [1]} : vector<16xi32> to vector<1xi32>
      %squeeze3A_71 = vector.extract %slice3A_70[0] : i32 from vector<1xi32>
      %swap3A_72 = arith.constant 7 : i32
      %swap3A_73 = arith.index_cast %swap3A_72 : i32 to index
      %swap3A_74 = memref.load %arg29[%swap3A_73] : memref<64xi32, #tpu.memory_space<smem>>
      memref.store %squeeze3A_71, %arg29[%swap3A_73] : memref<64xi32, #tpu.memory_space<smem>>
      %get3A_75 = arith.constant 32 : index
      %get3A_76 = tpu.vector_load %arg16[%get3A_75] {strides = array<i32>} : memref<272xi32, #tpu.memory_space<vmem>>, vector<16xi32>,
      %get3A_77 = vector.shape_cast %get3A_76 : vector<16xi32> to vector<16xi32>
      %slice3A_78 = vector.extract_strided_slice %get3A_77 {offsets = [0], sizes = [1], strides = [1]} : vector<16xi32> to vector<1xi32>
      %squeeze3A_79 = vector.extract %slice3A_78[0] : i32 from vector<1xi32>
      %swap3A_80 = arith.constant 8 : i32
      %swap3A_81 = arith.index_cast %swap3A_80 : i32 to index
      %swap3A_82 = memref.load %arg29[%swap3A_81] : memref<64xi32, #tpu.memory_space<smem>>
      memref.store %squeeze3A_79, %arg29[%swap3A_81] : memref<64xi32, #tpu.memory_space<smem>>
      %get3A_83 = arith.constant 33 : index
      %get3A_84 = tpu.vector_load %arg16[%get3A_83] {strides = array<i32>} : memref<272xi32, #tpu.memory_space<vmem>>, vector<16xi32>,
      %get3A_85 = vector.shape_cast %get3A_84 : vector<16xi32> to vector<16xi32>
      %slice3A_86 = vector.extract_strided_slice %get3A_85 {offsets = [0], sizes = [1], strides = [1]} : vector<16xi32> to vector<1xi32>
      %squeeze3A_87 = vector.extract %slice3A_86[0] : i32 from vector<1xi32>
      %swap3A_88 = arith.constant 9 : i32
      %swap3A_89 = arith.index_cast %swap3A_88 : i32 to index
      %swap3A_90 = memref.load %arg29[%swap3A_89] : memref<64xi32, #tpu.memory_space<smem>>
      memref.store %squeeze3A_87, %arg29[%swap3A_89] : memref<64xi32, #tpu.memory_space<smem>>
      %get3A_91 = arith.constant 34 : index
      %get3A_92 = tpu.vector_load %arg16[%get3A_91] {strides = array<i32>} : memref<272xi32, #tpu.memory_space<vmem>>, vector<16xi32>,
      %get3A_93 = vector.shape_cast %get3A_92 : vector<16xi32> to vector<16xi32>
      %slice3A_94 = vector.extract_strided_slice %get3A_93 {offsets = [0], sizes = [1], strides = [1]} : vector<16xi32> to vector<1xi32>
      %squeeze3A_95 = vector.extract %slice3A_94[0] : i32 from vector<1xi32>
      %swap3A_96 = arith.constant 10 : i32
      %swap3A_97 = arith.index_cast %swap3A_96 : i32 to index
      %swap3A_98 = memref.load %arg29[%swap3A_97] : memref<64xi32, #tpu.memory_space<smem>>
      memref.store %squeeze3A_95, %arg29[%swap3A_97] : memref<64xi32, #tpu.memory_space<smem>>
      %get3A_99 = arith.constant 35 : index
      %get3A_100 = tpu.vector_load %arg16[%get3A_99] {strides = array<i32>} : memref<272xi32, #tpu.memory_space<vmem>>, vector<16xi32>,
      %get3A_101 = vector.shape_cast %get3A_100 : vector<16xi32> to vector<16xi32>
      %slice3A_102 = vector.extract_strided_slice %get3A_101 {offsets = [0], sizes = [1], strides = [1]} : vector<16xi32> to vector<1xi32>
      %squeeze3A_103 = vector.extract %slice3A_102[0] : i32 from vector<1xi32>
      %swap3A_104 = arith.constant 11 : i32
      %swap3A_105 = arith.index_cast %swap3A_104 : i32 to index
      %swap3A_106 = memref.load %arg29[%swap3A_105] : memref<64xi32, #tpu.memory_space<smem>>
      memref.store %squeeze3A_103, %arg29[%swap3A_105] : memref<64xi32, #tpu.memory_space<smem>>
      %get3A_107 = arith.constant 48 : index
      %get3A_108 = tpu.vector_load %arg16[%get3A_107] {strides = array<i32>} : memref<272xi32, #tpu.memory_space<vmem>>, vector<16xi32>,
      %get3A_109 = vector.shape_cast %get3A_108 : vector<16xi32> to vector<16xi32>
      %slice3A_110 = vector.extract_strided_slice %get3A_109 {offsets = [0], sizes = [1], strides = [1]} : vector<16xi32> to vector<1xi32>
      %squeeze3A_111 = vector.extract %slice3A_110[0] : i32 from vector<1xi32>
      %swap3A_112 = arith.constant 12 : i32
      %swap3A_113 = arith.index_cast %swap3A_112 : i32 to index
      %swap3A_114 = memref.load %arg29[%swap3A_113] : memref<64xi32, #tpu.memory_space<smem>>
      memref.store %squeeze3A_111, %arg29[%swap3A_113] : memref<64xi32, #tpu.memory_space<smem>>
      %get3A_115 = arith.constant 49 : index
      %get3A_116 = tpu.vector_load %arg16[%get3A_115] {strides = array<i32>} : memref<272xi32, #tpu.memory_space<vmem>>, vector<16xi32>,
      %get3A_117 = vector.shape_cast %get3A_116 : vector<16xi32> to vector<16xi32>
      %slice3A_118 = vector.extract_strided_slice %get3A_117 {offsets = [0], sizes = [1], strides = [1]} : vector<16xi32> to vector<1xi32>
      %squeeze3A_119 = vector.extract %slice3A_118[0] : i32 from vector<1xi32>
      %swap3A_120 = arith.constant 13 : i32
      %swap3A_121 = arith.index_cast %swap3A_120 : i32 to index
      %swap3A_122 = memref.load %arg29[%swap3A_121] : memref<64xi32, #tpu.memory_space<smem>>
      memref.store %squeeze3A_119, %arg29[%swap3A_121] : memref<64xi32, #tpu.memory_space<smem>>
      %get3A_123 = arith.constant 50 : index
      %get3A_124 = tpu.vector_load %arg16[%get3A_123] {strides = array<i32>} : memref<272xi32, #tpu.memory_space<vmem>>, vector<16xi32>,
      %get3A_125 = vector.shape_cast %get3A_124 : vector<16xi32> to vector<16xi32>
      %slice3A_126 = vector.extract_strided_slice %get3A_125 {offsets = [0], sizes = [1], strides = [1]} : vector<16xi32> to vector<1xi32>
      %squeeze3A_127 = vector.extract %slice3A_126[0] : i32 from vector<1xi32>
      %swap3A_128 = arith.constant 14 : i32
      %swap3A_129 = arith.index_cast %swap3A_128 : i32 to index
      %swap3A_130 = memref.load %arg29[%swap3A_129] : memref<64xi32, #tpu.memory_space<smem>>
      memref.store %squeeze3A_127, %arg29[%swap3A_129] : memref<64xi32, #tpu.memory_space<smem>>
      %get3A_131 = arith.constant 51 : index
      %get3A_132 = tpu.vector_load %arg16[%get3A_131] {strides = array<i32>} : memref<272xi32, #tpu.memory_space<vmem>>, vector<16xi32>,
      %get3A_133 = vector.shape_cast %get3A_132 : vector<16xi32> to vector<16xi32>
      %slice3A_134 = vector.extract_strided_slice %get3A_133 {offsets = [0], sizes = [1], strides = [1]} : vector<16xi32> to vector<1xi32>
      %squeeze3A_135 = vector.extract %slice3A_134[0] : i32 from vector<1xi32>
      %swap3A_136 = arith.constant 15 : i32
      %swap3A_137 = arith.index_cast %swap3A_136 : i32 to index
      %swap3A_138 = memref.load %arg29[%swap3A_137] : memref<64xi32, #tpu.memory_space<smem>>
      memref.store %squeeze3A_135, %arg29[%swap3A_137] : memref<64xi32, #tpu.memory_space<smem>>
      %get3A_139 = arith.constant 64 : index
      %get3A_140 = tpu.vector_load %arg16[%get3A_139] {strides = array<i32>} : memref<272xi32, #tpu.memory_space<vmem>>, vector<16xi32>,
      %get3A_141 = vector.shape_cast %get3A_140 : vector<16xi32> to vector<16xi32>
      %slice3A_142 = vector.extract_strided_slice %get3A_141 {offsets = [0], sizes = [1], strides = [1]} : vector<16xi32> to vector<1xi32>
      %squeeze3A_143 = vector.extract %slice3A_142[0] : i32 from vector<1xi32>
      %swap3A_144 = arith.constant 16 : i32
      %swap3A_145 = arith.index_cast %swap3A_144 : i32 to index
      %swap3A_146 = memref.load %arg29[%swap3A_145] : memref<64xi32, #tpu.memory_space<smem>>
      memref.store %squeeze3A_143, %arg29[%swap3A_145] : memref<64xi32, #tpu.memory_space<smem>>
      %get3A_147 = arith.constant 65 : index
      %get3A_148 = tpu.vector_load %arg16[%get3A_147] {strides = array<i32>} : memref<272xi32, #tpu.memory_space<vmem>>, vector<16xi32>,
      %get3A_149 = vector.shape_cast %get3A_148 : vector<16xi32> to vector<16xi32>
      %slice3A_150 = vector.extract_strided_slice %get3A_149 {offsets = [0], sizes = [1], strides = [1]} : vector<16xi32> to vector<1xi32>
      %squeeze3A_151 = vector.extract %slice3A_150[0] : i32 from vector<1xi32>
      %swap3A_152 = arith.constant 17 : i32
      %swap3A_153 = arith.index_cast %swap3A_152 : i32 to index
      %swap3A_154 = memref.load %arg29[%swap3A_153] : memref<64xi32, #tpu.memory_space<smem>>
      memref.store %squeeze3A_151, %arg29[%swap3A_153] : memref<64xi32, #tpu.memory_space<smem>>
      %get3A_155 = arith.constant 66 : index
      %get3A_156 = tpu.vector_load %arg16[%get3A_155] {strides = array<i32>} : memref<272xi32, #tpu.memory_space<vmem>>, vector<16xi32>,
      %get3A_157 = vector.shape_cast %get3A_156 : vector<16xi32> to vector<16xi32>
      %slice3A_158 = vector.extract_strided_slice %get3A_157 {offsets = [0], sizes = [1], strides = [1]} : vector<16xi32> to vector<1xi32>
      %squeeze3A_159 = vector.extract %slice3A_158[0] : i32 from vector<1xi32>
      %swap3A_160 = arith.constant 18 : i32
      %swap3A_161 = arith.index_cast %swap3A_160 : i32 to index
      %swap3A_162 = memref.load %arg29[%swap3A_161] : memref<64xi32, #tpu.memory_space<smem>>
      memref.store %squeeze3A_159, %arg29[%swap3A_161] : memref<64xi32, #tpu.memory_space<smem>>
      %get3A_163 = arith.constant 67 : index
      %get3A_164 = tpu.vector_load %arg16[%get3A_163] {strides = array<i32>} : memref<272xi32, #tpu.memory_space<vmem>>, vector<16xi32>,
      %get3A_165 = vector.shape_cast %get3A_164 : vector<16xi32> to vector<16xi32>
      %slice3A_166 = vector.extract_strided_slice %get3A_165 {offsets = [0], sizes = [1], strides = [1]} : vector<16xi32> to vector<1xi32>
      %squeeze3A_167 = vector.extract %slice3A_166[0] : i32 from vector<1xi32>
      %swap3A_168 = arith.constant 19 : i32
      %swap3A_169 = arith.index_cast %swap3A_168 : i32 to index
      %swap3A_170 = memref.load %arg29[%swap3A_169] : memref<64xi32, #tpu.memory_space<smem>>
      memref.store %squeeze3A_167, %arg29[%swap3A_169] : memref<64xi32, #tpu.memory_space<smem>>
      %get3A_171 = arith.constant 80 : index
      %get3A_172 = tpu.vector_load %arg16[%get3A_171] {strides = array<i32>} : memref<272xi32, #tpu.memory_space<vmem>>, vector<16xi32>,
      %get3A_173 = vector.shape_cast %get3A_172 : vector<16xi32> to vector<16xi32>
      %slice3A_174 = vector.extract_strided_slice %get3A_173 {offsets = [0], sizes = [1], strides = [1]} : vector<16xi32> to vector<1xi32>
      %squeeze3A_175 = vector.extract %slice3A_174[0] : i32 from vector<1xi32>
      %swap3A_176 = arith.constant 20 : i32
      %swap3A_177 = arith.index_cast %swap3A_176 : i32 to index
      %swap3A_178 = memref.load %arg29[%swap3A_177] : memref<64xi32, #tpu.memory_space<smem>>
      memref.store %squeeze3A_175, %arg29[%swap3A_177] : memref<64xi32, #tpu.memory_space<smem>>
      %get3A_179 = arith.constant 81 : index
      %get3A_180 = tpu.vector_load %arg16[%get3A_179] {strides = array<i32>} : memref<272xi32, #tpu.memory_space<vmem>>, vector<16xi32>,
      %get3A_181 = vector.shape_cast %get3A_180 : vector<16xi32> to vector<16xi32>
      %slice3A_182 = vector.extract_strided_slice %get3A_181 {offsets = [0], sizes = [1], strides = [1]} : vector<16xi32> to vector<1xi32>
      %squeeze3A_183 = vector.extract %slice3A_182[0] : i32 from vector<1xi32>
      %swap3A_184 = arith.constant 21 : i32
      %swap3A_185 = arith.index_cast %swap3A_184 : i32 to index
      %swap3A_186 = memref.load %arg29[%swap3A_185] : memref<64xi32, #tpu.memory_space<smem>>
      memref.store %squeeze3A_183, %arg29[%swap3A_185] : memref<64xi32, #tpu.memory_space<smem>>
      %get3A_187 = arith.constant 82 : index
      %get3A_188 = tpu.vector_load %arg16[%get3A_187] {strides = array<i32>} : memref<272xi32, #tpu.memory_space<vmem>>, vector<16xi32>,
      %get3A_189 = vector.shape_cast %get3A_188 : vector<16xi32> to vector<16xi32>
      %slice3A_190 = vector.extract_strided_slice %get3A_189 {offsets = [0], sizes = [1], strides = [1]} : vector<16xi32> to vector<1xi32>
      %squeeze3A_191 = vector.extract %slice3A_190[0] : i32 from vector<1xi32>
      %swap3A_192 = arith.constant 22 : i32
      %swap3A_193 = arith.index_cast %swap3A_192 : i32 to index
      %swap3A_194 = memref.load %arg29[%swap3A_193] : memref<64xi32, #tpu.memory_space<smem>>
      memref.store %squeeze3A_191, %arg29[%swap3A_193] : memref<64xi32, #tpu.memory_space<smem>>
      %get3A_195 = arith.constant 83 : index
      %get3A_196 = tpu.vector_load %arg16[%get3A_195] {strides = array<i32>} : memref<272xi32, #tpu.memory_space<vmem>>, vector<16xi32>,
      %get3A_197 = vector.shape_cast %get3A_196 : vector<16xi32> to vector<16xi32>
      %slice3A_198 = vector.extract_strided_slice %get3A_197 {offsets = [0], sizes = [1], strides = [1]} : vector<16xi32> to vector<1xi32>
      %squeeze3A_199 = vector.extract %slice3A_198[0] : i32 from vector<1xi32>
      %swap3A_200 = arith.constant 23 : i32
      %swap3A_201 = arith.index_cast %swap3A_200 : i32 to index
      %swap3A_202 = memref.load %arg29[%swap3A_201] : memref<64xi32, #tpu.memory_space<smem>>
      memref.store %squeeze3A_199, %arg29[%swap3A_201] : memref<64xi32, #tpu.memory_space<smem>>
      %get3A_203 = arith.constant 96 : index
      %get3A_204 = tpu.vector_load %arg16[%get3A_203] {strides = array<i32>} : memref<272xi32, #tpu.memory_space<vmem>>, vector<16xi32>,
      %get3A_205 = vector.shape_cast %get3A_204 : vector<16xi32> to vector<16xi32>
      %slice3A_206 = vector.extract_strided_slice %get3A_205 {offsets = [0], sizes = [1], strides = [1]} : vector<16xi32> to vector<1xi32>
      %squeeze3A_207 = vector.extract %slice3A_206[0] : i32 from vector<1xi32>
      %swap3A_208 = arith.constant 24 : i32
      %swap3A_209 = arith.index_cast %swap3A_208 : i32 to index
      %swap3A_210 = memref.load %arg29[%swap3A_209] : memref<64xi32, #tpu.memory_space<smem>>
      memref.store %squeeze3A_207, %arg29[%swap3A_209] : memref<64xi32, #tpu.memory_space<smem>>
      %get3A_211 = arith.constant 97 : index
      %get3A_212 = tpu.vector_load %arg16[%get3A_211] {strides = array<i32>} : memref<272xi32, #tpu.memory_space<vmem>>, vector<16xi32>,
      %get3A_213 = vector.shape_cast %get3A_212 : vector<16xi32> to vector<16xi32>
      %slice3A_214 = vector.extract_strided_slice %get3A_213 {offsets = [0], sizes = [1], strides = [1]} : vector<16xi32> to vector<1xi32>
      %squeeze3A_215 = vector.extract %slice3A_214[0] : i32 from vector<1xi32>
      %swap3A_216 = arith.constant 25 : i32
      %swap3A_217 = arith.index_cast %swap3A_216 : i32 to index
      %swap3A_218 = memref.load %arg29[%swap3A_217] : memref<64xi32, #tpu.memory_space<smem>>
      memref.store %squeeze3A_215, %arg29[%swap3A_217] : memref<64xi32, #tpu.memory_space<smem>>
      %get3A_219 = arith.constant 98 : index
      %get3A_220 = tpu.vector_load %arg16[%get3A_219] {strides = array<i32>} : memref<272xi32, #tpu.memory_space<vmem>>, vector<16xi32>,
      %get3A_221 = vector.shape_cast %get3A_220 : vector<16xi32> to vector<16xi32>
      %slice3A_222 = vector.extract_strided_slice %get3A_221 {offsets = [0], sizes = [1], strides = [1]} : vector<16xi32> to vector<1xi32>
      %squeeze3A_223 = vector.extract %slice3A_222[0] : i32 from vector<1xi32>
      %swap3A_224 = arith.constant 26 : i32
      %swap3A_225 = arith.index_cast %swap3A_224 : i32 to index
      %swap3A_226 = memref.load %arg29[%swap3A_225] : memref<64xi32, #tpu.memory_space<smem>>
      memref.store %squeeze3A_223, %arg29[%swap3A_225] : memref<64xi32, #tpu.memory_space<smem>>
      %get3A_227 = arith.constant 99 : index
      %get3A_228 = tpu.vector_load %arg16[%get3A_227] {strides = array<i32>} : memref<272xi32, #tpu.memory_space<vmem>>, vector<16xi32>,
      %get3A_229 = vector.shape_cast %get3A_228 : vector<16xi32> to vector<16xi32>
      %slice3A_230 = vector.extract_strided_slice %get3A_229 {offsets = [0], sizes = [1], strides = [1]} : vector<16xi32> to vector<1xi32>
      %squeeze3A_231 = vector.extract %slice3A_230[0] : i32 from vector<1xi32>
      %swap3A_232 = arith.constant 27 : i32
      %swap3A_233 = arith.index_cast %swap3A_232 : i32 to index
      %swap3A_234 = memref.load %arg29[%swap3A_233] : memref<64xi32, #tpu.memory_space<smem>>
      memref.store %squeeze3A_231, %arg29[%swap3A_233] : memref<64xi32, #tpu.memory_space<smem>>
      %get3A_235 = arith.constant 112 : index
      %get3A_236 = tpu.vector_load %arg16[%get3A_235] {strides = array<i32>} : memref<272xi32, #tpu.memory_space<vmem>>, vector<16xi32>,
      %get3A_237 = vector.shape_cast %get3A_236 : vector<16xi32> to vector<16xi32>
      %slice3A_238 = vector.extract_strided_slice %get3A_237 {offsets = [0], sizes = [1], strides = [1]} : vector<16xi32> to vector<1xi32>
      %squeeze3A_239 = vector.extract %slice3A_238[0] : i32 from vector<1xi32>
      %swap3A_240 = arith.constant 28 : i32
      %swap3A_241 = arith.index_cast %swap3A_240 : i32 to index
      %swap3A_242 = memref.load %arg29[%swap3A_241] : memref<64xi32, #tpu.memory_space<smem>>
      memref.store %squeeze3A_239, %arg29[%swap3A_241] : memref<64xi32, #tpu.memory_space<smem>>
      %get3A_243 = arith.constant 113 : index
      %get3A_244 = tpu.vector_load %arg16[%get3A_243] {strides = array<i32>} : memref<272xi32, #tpu.memory_space<vmem>>, vector<16xi32>,
      %get3A_245 = vector.shape_cast %get3A_244 : vector<16xi32> to vector<16xi32>
      %slice3A_246 = vector.extract_strided_slice %get3A_245 {offsets = [0], sizes = [1], strides = [1]} : vector<16xi32> to vector<1xi32>
      %squeeze3A_247 = vector.extract %slice3A_246[0] : i32 from vector<1xi32>
      %swap3A_248 = arith.constant 29 : i32
      %swap3A_249 = arith.index_cast %swap3A_248 : i32 to index
      %swap3A_250 = memref.load %arg29[%swap3A_249] : memref<64xi32, #tpu.memory_space<smem>>
      memref.store %squeeze3A_247, %arg29[%swap3A_249] : memref<64xi32, #tpu.memory_space<smem>>
      %get3A_251 = arith.constant 114 : index
      %get3A_252 = tpu.vector_load %arg16[%get3A_251] {strides = array<i32>} : memref<272xi32, #tpu.memory_space<vmem>>, vector<16xi32>,
      %get3A_253 = vector.shape_cast %get3A_252 : vector<16xi32> to vector<16xi32>
      %slice3A_254 = vector.extract_strided_slice %get3A_253 {offsets = [0], sizes = [1], strides = [1]} : vector<16xi32> to vector<1xi32>
      %squeeze3A_255 = vector.extract %slice3A_254[0] : i32 from vector<1xi32>
      %swap3A_256 = arith.constant 30 : i32
      %swap3A_257 = arith.index_cast %swap3A_256 : i32 to index
      %swap3A_258 = memref.load %arg29[%swap3A_257] : memref<64xi32, #tpu.memory_space<smem>>
      memref.store %squeeze3A_255, %arg29[%swap3A_257] : memref<64xi32, #tpu.memory_space<smem>>
      %get3A_259 = arith.constant 115 : index
      %get3A_260 = tpu.vector_load %arg16[%get3A_259] {strides = array<i32>} : memref<272xi32, #tpu.memory_space<vmem>>, vector<16xi32>,
      %get3A_261 = vector.shape_cast %get3A_260 : vector<16xi32> to vector<16xi32>
      %slice3A_262 = vector.extract_strided_slice %get3A_261 {offsets = [0], sizes = [1], strides = [1]} : vector<16xi32> to vector<1xi32>
      %squeeze3A_263 = vector.extract %slice3A_262[0] : i32 from vector<1xi32>
      %swap3A_264 = arith.constant 31 : i32
      %swap3A_265 = arith.index_cast %swap3A_264 : i32 to index
      %swap3A_266 = memref.load %arg29[%swap3A_265] : memref<64xi32, #tpu.memory_space<smem>>
      memref.store %squeeze3A_263, %arg29[%swap3A_265] : memref<64xi32, #tpu.memory_space<smem>>
      %get3A_267 = arith.constant 128 : index
      %get3A_268 = tpu.vector_load %arg16[%get3A_267] {strides = array<i32>} : memref<272xi32, #tpu.memory_space<vmem>>, vector<16xi32>,
      %get3A_269 = vector.shape_cast %get3A_268 : vector<16xi32> to vector<16xi32>
      %slice3A_270 = vector.extract_strided_slice %get3A_269 {offsets = [0], sizes = [1], strides = [1]} : vector<16xi32> to vector<1xi32>
      %squeeze3A_271 = vector.extract %slice3A_270[0] : i32 from vector<1xi32>
      %swap3A_272 = arith.constant 32 : i32
      %swap3A_273 = arith.index_cast %swap3A_272 : i32 to index
      %swap3A_274 = memref.load %arg29[%swap3A_273] : memref<64xi32, #tpu.memory_space<smem>>
      memref.store %squeeze3A_271, %arg29[%swap3A_273] : memref<64xi32, #tpu.memory_space<smem>>
      %get3A_275 = arith.constant 129 : index
      %get3A_276 = tpu.vector_load %arg16[%get3A_275] {strides = array<i32>} : memref<272xi32, #tpu.memory_space<vmem>>, vector<16xi32>,
      %get3A_277 = vector.shape_cast %get3A_276 : vector<16xi32> to vector<16xi32>
      %slice3A_278 = vector.extract_strided_slice %get3A_277 {offsets = [0], sizes = [1], strides = [1]} : vector<16xi32> to vector<1xi32>
      %squeeze3A_279 = vector.extract %slice3A_278[0] : i32 from vector<1xi32>
      %swap3A_280 = arith.constant 33 : i32
      %swap3A_281 = arith.index_cast %swap3A_280 : i32 to index
      %swap3A_282 = memref.load %arg29[%swap3A_281] : memref<64xi32, #tpu.memory_space<smem>>
      memref.store %squeeze3A_279, %arg29[%swap3A_281] : memref<64xi32, #tpu.memory_space<smem>>
      %get3A_283 = arith.constant 130 : index
      %get3A_284 = tpu.vector_load %arg16[%get3A_283] {strides = array<i32>} : memref<272xi32, #tpu.memory_space<vmem>>, vector<16xi32>,
      %get3A_285 = vector.shape_cast %get3A_284 : vector<16xi32> to vector<16xi32>
      %slice3A_286 = vector.extract_strided_slice %get3A_285 {offsets = [0], sizes = [1], strides = [1]} : vector<16xi32> to vector<1xi32>
      %squeeze3A_287 = vector.extract %slice3A_286[0] : i32 from vector<1xi32>
      %swap3A_288 = arith.constant 34 : i32
      %swap3A_289 = arith.index_cast %swap3A_288 : i32 to index
      %swap3A_290 = memref.load %arg29[%swap3A_289] : memref<64xi32, #tpu.memory_space<smem>>
      memref.store %squeeze3A_287, %arg29[%swap3A_289] : memref<64xi32, #tpu.memory_space<smem>>
      %get3A_291 = arith.constant 131 : index
      %get3A_292 = tpu.vector_load %arg16[%get3A_291] {strides = array<i32>} : memref<272xi32, #tpu.memory_space<vmem>>, vector<16xi32>,
      %get3A_293 = vector.shape_cast %get3A_292 : vector<16xi32> to vector<16xi32>
      %slice3A_294 = vector.extract_strided_slice %get3A_293 {offsets = [0], sizes = [1], strides = [1]} : vector<16xi32> to vector<1xi32>
      %squeeze3A_295 = vector.extract %slice3A_294[0] : i32 from vector<1xi32>
      %swap3A_296 = arith.constant 35 : i32
      %swap3A_297 = arith.index_cast %swap3A_296 : i32 to index
      %swap3A_298 = memref.load %arg29[%swap3A_297] : memref<64xi32, #tpu.memory_space<smem>>
      memref.store %squeeze3A_295, %arg29[%swap3A_297] : memref<64xi32, #tpu.memory_space<smem>>
      %get3A_299 = arith.constant 144 : index
      %get3A_300 = tpu.vector_load %arg16[%get3A_299] {strides = array<i32>} : memref<272xi32, #tpu.memory_space<vmem>>, vector<16xi32>,
      %get3A_301 = vector.shape_cast %get3A_300 : vector<16xi32> to vector<16xi32>
      %slice3A_302 = vector.extract_strided_slice %get3A_301 {offsets = [0], sizes = [1], strides = [1]} : vector<16xi32> to vector<1xi32>
      %squeeze3A_303 = vector.extract %slice3A_302[0] : i32 from vector<1xi32>
      %swap3A_304 = arith.constant 36 : i32
      %swap3A_305 = arith.index_cast %swap3A_304 : i32 to index
      %swap3A_306 = memref.load %arg29[%swap3A_305] : memref<64xi32, #tpu.memory_space<smem>>
      memref.store %squeeze3A_303, %arg29[%swap3A_305] : memref<64xi32, #tpu.memory_space<smem>>
      %get3A_307 = arith.constant 145 : index
      %get3A_308 = tpu.vector_load %arg16[%get3A_307] {strides = array<i32>} : memref<272xi32, #tpu.memory_space<vmem>>, vector<16xi32>,
      %get3A_309 = vector.shape_cast %get3A_308 : vector<16xi32> to vector<16xi32>
      %slice3A_310 = vector.extract_strided_slice %get3A_309 {offsets = [0], sizes = [1], strides = [1]} : vector<16xi32> to vector<1xi32>
      %squeeze3A_311 = vector.extract %slice3A_310[0] : i32 from vector<1xi32>
      %swap3A_312 = arith.constant 37 : i32
      %swap3A_313 = arith.index_cast %swap3A_312 : i32 to index
      %swap3A_314 = memref.load %arg29[%swap3A_313] : memref<64xi32, #tpu.memory_space<smem>>
      memref.store %squeeze3A_311, %arg29[%swap3A_313] : memref<64xi32, #tpu.memory_space<smem>>
      %get3A_315 = arith.constant 146 : index
      %get3A_316 = tpu.vector_load %arg16[%get3A_315] {strides = array<i32>} : memref<272xi32, #tpu.memory_space<vmem>>, vector<16xi32>,
      %get3A_317 = vector.shape_cast %get3A_316 : vector<16xi32> to vector<16xi32>
      %slice3A_318 = vector.extract_strided_slice %get3A_317 {offsets = [0], sizes = [1], strides = [1]} : vector<16xi32> to vector<1xi32>
      %squeeze3A_319 = vector.extract %slice3A_318[0] : i32 from vector<1xi32>
      %swap3A_320 = arith.constant 38 : i32
      %swap3A_321 = arith.index_cast %swap3A_320 : i32 to index
      %swap3A_322 = memref.load %arg29[%swap3A_321] : memref<64xi32, #tpu.memory_space<smem>>
      memref.store %squeeze3A_319, %arg29[%swap3A_321] : memref<64xi32, #tpu.memory_space<smem>>
      %get3A_323 = arith.constant 147 : index
      %get3A_324 = tpu.vector_load %arg16[%get3A_323] {strides = array<i32>} : memref<272xi32, #tpu.memory_space<vmem>>, vector<16xi32>,
      %get3A_325 = vector.shape_cast %get3A_324 : vector<16xi32> to vector<16xi32>
      %slice3A_326 = vector.extract_strided_slice %get3A_325 {offsets = [0], sizes = [1], strides = [1]} : vector<16xi32> to vector<1xi32>
      %squeeze3A_327 = vector.extract %slice3A_326[0] : i32 from vector<1xi32>
      %swap3A_328 = arith.constant 39 : i32
      %swap3A_329 = arith.index_cast %swap3A_328 : i32 to index
      %swap3A_330 = memref.load %arg29[%swap3A_329] : memref<64xi32, #tpu.memory_space<smem>>
      memref.store %squeeze3A_327, %arg29[%swap3A_329] : memref<64xi32, #tpu.memory_space<smem>>
      %get3A_331 = arith.constant 160 : index
      %get3A_332 = tpu.vector_load %arg16[%get3A_331] {strides = array<i32>} : memref<272xi32, #tpu.memory_space<vmem>>, vector<16xi32>,
      %get3A_333 = vector.shape_cast %get3A_332 : vector<16xi32> to vector<16xi32>
      %slice3A_334 = vector.extract_strided_slice %get3A_333 {offsets = [0], sizes = [1], strides = [1]} : vector<16xi32> to vector<1xi32>
      %squeeze3A_335 = vector.extract %slice3A_334[0] : i32 from vector<1xi32>
      %swap3A_336 = arith.constant 40 : i32
      %swap3A_337 = arith.index_cast %swap3A_336 : i32 to index
      %swap3A_338 = memref.load %arg29[%swap3A_337] : memref<64xi32, #tpu.memory_space<smem>>
      memref.store %squeeze3A_335, %arg29[%swap3A_337] : memref<64xi32, #tpu.memory_space<smem>>
      %get3A_339 = arith.constant 161 : index
      %get3A_340 = tpu.vector_load %arg16[%get3A_339] {strides = array<i32>} : memref<272xi32, #tpu.memory_space<vmem>>, vector<16xi32>,
      %get3A_341 = vector.shape_cast %get3A_340 : vector<16xi32> to vector<16xi32>
      %slice3A_342 = vector.extract_strided_slice %get3A_341 {offsets = [0], sizes = [1], strides = [1]} : vector<16xi32> to vector<1xi32>
      %squeeze3A_343 = vector.extract %slice3A_342[0] : i32 from vector<1xi32>
      %swap3A_344 = arith.constant 41 : i32
      %swap3A_345 = arith.index_cast %swap3A_344 : i32 to index
      %swap3A_346 = memref.load %arg29[%swap3A_345] : memref<64xi32, #tpu.memory_space<smem>>
      memref.store %squeeze3A_343, %arg29[%swap3A_345] : memref<64xi32, #tpu.memory_space<smem>>
      %get3A_347 = arith.constant 162 : index
      %get3A_348 = tpu.vector_load %arg16[%get3A_347] {strides = array<i32>} : memref<272xi32, #tpu.memory_space<vmem>>, vector<16xi32>,
      %get3A_349 = vector.shape_cast %get3A_348 : vector<16xi32> to vector<16xi32>
      %slice3A_350 = vector.extract_strided_slice %get3A_349 {offsets = [0], sizes = [1], strides = [1]} : vector<16xi32> to vector<1xi32>
      %squeeze3A_351 = vector.extract %slice3A_350[0] : i32 from vector<1xi32>
      %swap3A_352 = arith.constant 42 : i32
      %swap3A_353 = arith.index_cast %swap3A_352 : i32 to index
      %swap3A_354 = memref.load %arg29[%swap3A_353] : memref<64xi32, #tpu.memory_space<smem>>
      memref.store %squeeze3A_351, %arg29[%swap3A_353] : memref<64xi32, #tpu.memory_space<smem>>
      %get3A_355 = arith.constant 163 : index
      %get3A_356 = tpu.vector_load %arg16[%get3A_355] {strides = array<i32>} : memref<272xi32, #tpu.memory_space<vmem>>, vector<16xi32>,
      %get3A_357 = vector.shape_cast %get3A_356 : vector<16xi32> to vector<16xi32>
      %slice3A_358 = vector.extract_strided_slice %get3A_357 {offsets = [0], sizes = [1], strides = [1]} : vector<16xi32> to vector<1xi32>
      %squeeze3A_359 = vector.extract %slice3A_358[0] : i32 from vector<1xi32>
      %swap3A_360 = arith.constant 43 : i32
      %swap3A_361 = arith.index_cast %swap3A_360 : i32 to index
      %swap3A_362 = memref.load %arg29[%swap3A_361] : memref<64xi32, #tpu.memory_space<smem>>
      memref.store %squeeze3A_359, %arg29[%swap3A_361] : memref<64xi32, #tpu.memory_space<smem>>
      %get3A_363 = arith.constant 176 : index
      %get3A_364 = tpu.vector_load %arg16[%get3A_363] {strides = array<i32>} : memref<272xi32, #tpu.memory_space<vmem>>, vector<16xi32>,
      %get3A_365 = vector.shape_cast %get3A_364 : vector<16xi32> to vector<16xi32>
      %slice3A_366 = vector.extract_strided_slice %get3A_365 {offsets = [0], sizes = [1], strides = [1]} : vector<16xi32> to vector<1xi32>
      %squeeze3A_367 = vector.extract %slice3A_366[0] : i32 from vector<1xi32>
      %swap3A_368 = arith.constant 44 : i32
      %swap3A_369 = arith.index_cast %swap3A_368 : i32 to index
      %swap3A_370 = memref.load %arg29[%swap3A_369] : memref<64xi32, #tpu.memory_space<smem>>
      memref.store %squeeze3A_367, %arg29[%swap3A_369] : memref<64xi32, #tpu.memory_space<smem>>
      %get3A_371 = arith.constant 177 : index
      %get3A_372 = tpu.vector_load %arg16[%get3A_371] {strides = array<i32>} : memref<272xi32, #tpu.memory_space<vmem>>, vector<16xi32>,
      %get3A_373 = vector.shape_cast %get3A_372 : vector<16xi32> to vector<16xi32>
      %slice3A_374 = vector.extract_strided_slice %get3A_373 {offsets = [0], sizes = [1], strides = [1]} : vector<16xi32> to vector<1xi32>
      %squeeze3A_375 = vector.extract %slice3A_374[0] : i32 from vector<1xi32>
      %swap3A_376 = arith.constant 45 : i32
      %swap3A_377 = arith.index_cast %swap3A_376 : i32 to index
      %swap3A_378 = memref.load %arg29[%swap3A_377] : memref<64xi32, #tpu.memory_space<smem>>
      memref.store %squeeze3A_375, %arg29[%swap3A_377] : memref<64xi32, #tpu.memory_space<smem>>
      %get3A_379 = arith.constant 178 : index
      %get3A_380 = tpu.vector_load %arg16[%get3A_379] {strides = array<i32>} : memref<272xi32, #tpu.memory_space<vmem>>, vector<16xi32>,
      %get3A_381 = vector.shape_cast %get3A_380 : vector<16xi32> to vector<16xi32>
      %slice3A_382 = vector.extract_strided_slice %get3A_381 {offsets = [0], sizes = [1], strides = [1]} : vector<16xi32> to vector<1xi32>
      %squeeze3A_383 = vector.extract %slice3A_382[0] : i32 from vector<1xi32>
      %swap3A_384 = arith.constant 46 : i32
      %swap3A_385 = arith.index_cast %swap3A_384 : i32 to index
      %swap3A_386 = memref.load %arg29[%swap3A_385] : memref<64xi32, #tpu.memory_space<smem>>
      memref.store %squeeze3A_383, %arg29[%swap3A_385] : memref<64xi32, #tpu.memory_space<smem>>
      %get3A_387 = arith.constant 179 : index
      %get3A_388 = tpu.vector_load %arg16[%get3A_387] {strides = array<i32>} : memref<272xi32, #tpu.memory_space<vmem>>, vector<16xi32>,
      %get3A_389 = vector.shape_cast %get3A_388 : vector<16xi32> to vector<16xi32>
      %slice3A_390 = vector.extract_strided_slice %get3A_389 {offsets = [0], sizes = [1], strides = [1]} : vector<16xi32> to vector<1xi32>
      %squeeze3A_391 = vector.extract %slice3A_390[0] : i32 from vector<1xi32>
      %swap3A_392 = arith.constant 47 : i32
      %swap3A_393 = arith.index_cast %swap3A_392 : i32 to index
      %swap3A_394 = memref.load %arg29[%swap3A_393] : memref<64xi32, #tpu.memory_space<smem>>
      memref.store %squeeze3A_391, %arg29[%swap3A_393] : memref<64xi32, #tpu.memory_space<smem>>
      %get3A_395 = arith.constant 192 : index
      %get3A_396 = tpu.vector_load %arg16[%get3A_395] {strides = array<i32>} : memref<272xi32, #tpu.memory_space<vmem>>, vector<16xi32>,
      %get3A_397 = vector.shape_cast %get3A_396 : vector<16xi32> to vector<16xi32>
      %slice3A_398 = vector.extract_strided_slice %get3A_397 {offsets = [0], sizes = [1], strides = [1]} : vector<16xi32> to vector<1xi32>
      %squeeze3A_399 = vector.extract %slice3A_398[0] : i32 from vector<1xi32>
      %swap3A_400 = arith.constant 48 : i32
      %swap3A_401 = arith.index_cast %swap3A_400 : i32 to index
      %swap3A_402 = memref.load %arg29[%swap3A_401] : memref<64xi32, #tpu.memory_space<smem>>
      memref.store %squeeze3A_399, %arg29[%swap3A_401] : memref<64xi32, #tpu.memory_space<smem>>
      %get3A_403 = arith.constant 193 : index
      %get3A_404 = tpu.vector_load %arg16[%get3A_403] {strides = array<i32>} : memref<272xi32, #tpu.memory_space<vmem>>, vector<16xi32>,
      %get3A_405 = vector.shape_cast %get3A_404 : vector<16xi32> to vector<16xi32>
      %slice3A_406 = vector.extract_strided_slice %get3A_405 {offsets = [0], sizes = [1], strides = [1]} : vector<16xi32> to vector<1xi32>
      %squeeze3A_407 = vector.extract %slice3A_406[0] : i32 from vector<1xi32>
      %swap3A_408 = arith.constant 49 : i32
      %swap3A_409 = arith.index_cast %swap3A_408 : i32 to index
      %swap3A_410 = memref.load %arg29[%swap3A_409] : memref<64xi32, #tpu.memory_space<smem>>
      memref.store %squeeze3A_407, %arg29[%swap3A_409] : memref<64xi32, #tpu.memory_space<smem>>
      %get3A_411 = arith.constant 194 : index
      %get3A_412 = tpu.vector_load %arg16[%get3A_411] {strides = array<i32>} : memref<272xi32, #tpu.memory_space<vmem>>, vector<16xi32>,
      %get3A_413 = vector.shape_cast %get3A_412 : vector<16xi32> to vector<16xi32>
      %slice3A_414 = vector.extract_strided_slice %get3A_413 {offsets = [0], sizes = [1], strides = [1]} : vector<16xi32> to vector<1xi32>
      %squeeze3A_415 = vector.extract %slice3A_414[0] : i32 from vector<1xi32>
      %swap3A_416 = arith.constant 50 : i32
      %swap3A_417 = arith.index_cast %swap3A_416 : i32 to index
      %swap3A_418 = memref.load %arg29[%swap3A_417] : memref<64xi32, #tpu.memory_space<smem>>
      memref.store %squeeze3A_415, %arg29[%swap3A_417] : memref<64xi32, #tpu.memory_space<smem>>
      %get3A_419 = arith.constant 195 : index
      %get3A_420 = tpu.vector_load %arg16[%get3A_419] {strides = array<i32>} : memref<272xi32, #tpu.memory_space<vmem>>, vector<16xi32>,
      %get3A_421 = vector.shape_cast %get3A_420 : vector<16xi32> to vector<16xi32>
      %slice3A_422 = vector.extract_strided_slice %get3A_421 {offsets = [0], sizes = [1], strides = [1]} : vector<16xi32> to vector<1xi32>
      %squeeze3A_423 = vector.extract %slice3A_422[0] : i32 from vector<1xi32>
      %swap3A_424 = arith.constant 51 : i32
      %swap3A_425 = arith.index_cast %swap3A_424 : i32 to index
      %swap3A_426 = memref.load %arg29[%swap3A_425] : memref<64xi32, #tpu.memory_space<smem>>
      memref.store %squeeze3A_423, %arg29[%swap3A_425] : memref<64xi32, #tpu.memory_space<smem>>
      %get3A_427 = arith.constant 208 : index
      %get3A_428 = tpu.vector_load %arg16[%get3A_427] {strides = array<i32>} : memref<272xi32, #tpu.memory_space<vmem>>, vector<16xi32>,
      %get3A_429 = vector.shape_cast %get3A_428 : vector<16xi32> to vector<16xi32>
      %slice3A_430 = vector.extract_strided_slice %get3A_429 {offsets = [0], sizes = [1], strides = [1]} : vector<16xi32> to vector<1xi32>
      %squeeze3A_431 = vector.extract %slice3A_430[0] : i32 from vector<1xi32>
      %swap3A_432 = arith.constant 52 : i32
      %swap3A_433 = arith.index_cast %swap3A_432 : i32 to index
      %swap3A_434 = memref.load %arg29[%swap3A_433] : memref<64xi32, #tpu.memory_space<smem>>
      memref.store %squeeze3A_431, %arg29[%swap3A_433] : memref<64xi32, #tpu.memory_space<smem>>
      %get3A_435 = arith.constant 209 : index
      %get3A_436 = tpu.vector_load %arg16[%get3A_435] {strides = array<i32>} : memref<272xi32, #tpu.memory_space<vmem>>, vector<16xi32>,
      %get3A_437 = vector.shape_cast %get3A_436 : vector<16xi32> to vector<16xi32>
      %slice3A_438 = vector.extract_strided_slice %get3A_437 {offsets = [0], sizes = [1], strides = [1]} : vector<16xi32> to vector<1xi32>
      %squeeze3A_439 = vector.extract %slice3A_438[0] : i32 from vector<1xi32>
      %swap3A_440 = arith.constant 53 : i32
      %swap3A_441 = arith.index_cast %swap3A_440 : i32 to index
      %swap3A_442 = memref.load %arg29[%swap3A_441] : memref<64xi32, #tpu.memory_space<smem>>
      memref.store %squeeze3A_439, %arg29[%swap3A_441] : memref<64xi32, #tpu.memory_space<smem>>
      %get3A_443 = arith.constant 210 : index
      %get3A_444 = tpu.vector_load %arg16[%get3A_443] {strides = array<i32>} : memref<272xi32, #tpu.memory_space<vmem>>, vector<16xi32>,
      %get3A_445 = vector.shape_cast %get3A_444 : vector<16xi32> to vector<16xi32>
      %slice3A_446 = vector.extract_strided_slice %get3A_445 {offsets = [0], sizes = [1], strides = [1]} : vector<16xi32> to vector<1xi32>
      %squeeze3A_447 = vector.extract %slice3A_446[0] : i32 from vector<1xi32>
      %swap3A_448 = arith.constant 54 : i32
      %swap3A_449 = arith.index_cast %swap3A_448 : i32 to index
      %swap3A_450 = memref.load %arg29[%swap3A_449] : memref<64xi32, #tpu.memory_space<smem>>
      memref.store %squeeze3A_447, %arg29[%swap3A_449] : memref<64xi32, #tpu.memory_space<smem>>
      %get3A_451 = arith.constant 211 : index
      %get3A_452 = tpu.vector_load %arg16[%get3A_451] {strides = array<i32>} : memref<272xi32, #tpu.memory_space<vmem>>, vector<16xi32>,
      %get3A_453 = vector.shape_cast %get3A_452 : vector<16xi32> to vector<16xi32>
      %slice3A_454 = vector.extract_strided_slice %get3A_453 {offsets = [0], sizes = [1], strides = [1]} : vector<16xi32> to vector<1xi32>
      %squeeze3A_455 = vector.extract %slice3A_454[0] : i32 from vector<1xi32>
      %swap3A_456 = arith.constant 55 : i32
      %swap3A_457 = arith.index_cast %swap3A_456 : i32 to index
      %swap3A_458 = memref.load %arg29[%swap3A_457] : memref<64xi32, #tpu.memory_space<smem>>
      memref.store %squeeze3A_455, %arg29[%swap3A_457] : memref<64xi32, #tpu.memory_space<smem>>
      %get3A_459 = arith.constant 224 : index
      %get3A_460 = tpu.vector_load %arg16[%get3A_459] {strides = array<i32>} : memref<272xi32, #tpu.memory_space<vmem>>, vector<16xi32>,
      %get3A_461 = vector.shape_cast %get3A_460 : vector<16xi32> to vector<16xi32>
      %slice3A_462 = vector.extract_strided_slice %get3A_461 {offsets = [0], sizes = [1], strides = [1]} : vector<16xi32> to vector<1xi32>
      %squeeze3A_463 = vector.extract %slice3A_462[0] : i32 from vector<1xi32>
      %swap3A_464 = arith.constant 56 : i32
      %swap3A_465 = arith.index_cast %swap3A_464 : i32 to index
      %swap3A_466 = memref.load %arg29[%swap3A_465] : memref<64xi32, #tpu.memory_space<smem>>
      memref.store %squeeze3A_463, %arg29[%swap3A_465] : memref<64xi32, #tpu.memory_space<smem>>
      %get3A_467 = arith.constant 225 : index
      %get3A_468 = tpu.vector_load %arg16[%get3A_467] {strides = array<i32>} : memref<272xi32, #tpu.memory_space<vmem>>, vector<16xi32>,
      %get3A_469 = vector.shape_cast %get3A_468 : vector<16xi32> to vector<16xi32>
      %slice3A_470 = vector.extract_strided_slice %get3A_469 {offsets = [0], sizes = [1], strides = [1]} : vector<16xi32> to vector<1xi32>
      %squeeze3A_471 = vector.extract %slice3A_470[0] : i32 from vector<1xi32>
      %swap3A_472 = arith.constant 57 : i32
      %swap3A_473 = arith.index_cast %swap3A_472 : i32 to index
      %swap3A_474 = memref.load %arg29[%swap3A_473] : memref<64xi32, #tpu.memory_space<smem>>
      memref.store %squeeze3A_471, %arg29[%swap3A_473] : memref<64xi32, #tpu.memory_space<smem>>
      %get3A_475 = arith.constant 226 : index
      %get3A_476 = tpu.vector_load %arg16[%get3A_475] {strides = array<i32>} : memref<272xi32, #tpu.memory_space<vmem>>, vector<16xi32>,
      %get3A_477 = vector.shape_cast %get3A_476 : vector<16xi32> to vector<16xi32>
      %slice3A_478 = vector.extract_strided_slice %get3A_477 {offsets = [0], sizes = [1], strides = [1]} : vector<16xi32> to vector<1xi32>
      %squeeze3A_479 = vector.extract %slice3A_478[0] : i32 from vector<1xi32>
      %swap3A_480 = arith.constant 58 : i32
      %swap3A_481 = arith.index_cast %swap3A_480 : i32 to index
      %swap3A_482 = memref.load %arg29[%swap3A_481] : memref<64xi32, #tpu.memory_space<smem>>
      memref.store %squeeze3A_479, %arg29[%swap3A_481] : memref<64xi32, #tpu.memory_space<smem>>
      %get3A_483 = arith.constant 227 : index
      %get3A_484 = tpu.vector_load %arg16[%get3A_483] {strides = array<i32>} : memref<272xi32, #tpu.memory_space<vmem>>, vector<16xi32>,
      %get3A_485 = vector.shape_cast %get3A_484 : vector<16xi32> to vector<16xi32>
      %slice3A_486 = vector.extract_strided_slice %get3A_485 {offsets = [0], sizes = [1], strides = [1]} : vector<16xi32> to vector<1xi32>
      %squeeze3A_487 = vector.extract %slice3A_486[0] : i32 from vector<1xi32>
      %swap3A_488 = arith.constant 59 : i32
      %swap3A_489 = arith.index_cast %swap3A_488 : i32 to index
      %swap3A_490 = memref.load %arg29[%swap3A_489] : memref<64xi32, #tpu.memory_space<smem>>
      memref.store %squeeze3A_487, %arg29[%swap3A_489] : memref<64xi32, #tpu.memory_space<smem>>
      %get3A_491 = arith.constant 240 : index
      %get3A_492 = tpu.vector_load %arg16[%get3A_491] {strides = array<i32>} : memref<272xi32, #tpu.memory_space<vmem>>, vector<16xi32>,
      %get3A_493 = vector.shape_cast %get3A_492 : vector<16xi32> to vector<16xi32>
      %slice3A_494 = vector.extract_strided_slice %get3A_493 {offsets = [0], sizes = [1], strides = [1]} : vector<16xi32> to vector<1xi32>
      %squeeze3A_495 = vector.extract %slice3A_494[0] : i32 from vector<1xi32>
      %swap3A_496 = arith.constant 60 : i32
      %swap3A_497 = arith.index_cast %swap3A_496 : i32 to index
      %swap3A_498 = memref.load %arg29[%swap3A_497] : memref<64xi32, #tpu.memory_space<smem>>
      memref.store %squeeze3A_495, %arg29[%swap3A_497] : memref<64xi32, #tpu.memory_space<smem>>
      %get3A_499 = arith.constant 241 : index
      %get3A_500 = tpu.vector_load %arg16[%get3A_499] {strides = array<i32>} : memref<272xi32, #tpu.memory_space<vmem>>, vector<16xi32>,
      %get3A_501 = vector.shape_cast %get3A_500 : vector<16xi32> to vector<16xi32>
      %slice3A_502 = vector.extract_strided_slice %get3A_501 {offsets = [0], sizes = [1], strides = [1]} : vector<16xi32> to vector<1xi32>
      %squeeze3A_503 = vector.extract %slice3A_502[0] : i32 from vector<1xi32>
      %swap3A_504 = arith.constant 61 : i32
      %swap3A_505 = arith.index_cast %swap3A_504 : i32 to index
      %swap3A_506 = memref.load %arg29[%swap3A_505] : memref<64xi32, #tpu.memory_space<smem>>
      memref.store %squeeze3A_503, %arg29[%swap3A_505] : memref<64xi32, #tpu.memory_space<smem>>
      %get3A_507 = arith.constant 242 : index
      %get3A_508 = tpu.vector_load %arg16[%get3A_507] {strides = array<i32>} : memref<272xi32, #tpu.memory_space<vmem>>, vector<16xi32>,
      %get3A_509 = vector.shape_cast %get3A_508 : vector<16xi32> to vector<16xi32>
      %slice3A_510 = vector.extract_strided_slice %get3A_509 {offsets = [0], sizes = [1], strides = [1]} : vector<16xi32> to vector<1xi32>
      %squeeze3A_511 = vector.extract %slice3A_510[0] : i32 from vector<1xi32>
      %swap3A_512 = arith.constant 62 : i32
      %swap3A_513 = arith.index_cast %swap3A_512 : i32 to index
      %swap3A_514 = memref.load %arg29[%swap3A_513] : memref<64xi32, #tpu.memory_space<smem>>
      memref.store %squeeze3A_511, %arg29[%swap3A_513] : memref<64xi32, #tpu.memory_space<smem>>
      %get3A_515 = arith.constant 243 : index
      %get3A_516 = tpu.vector_load %arg16[%get3A_515] {strides = array<i32>} : memref<272xi32, #tpu.memory_space<vmem>>, vector<16xi32>,
      %get3A_517 = vector.shape_cast %get3A_516 : vector<16xi32> to vector<16xi32>
      %slice3A_518 = vector.extract_strided_slice %get3A_517 {offsets = [0], sizes = [1], strides = [1]} : vector<16xi32> to vector<1xi32>
      %squeeze3A_519 = vector.extract %slice3A_518[0] : i32 from vector<1xi32>
      %swap3A_520 = arith.constant 63 : i32
      %swap3A_521 = arith.index_cast %swap3A_520 : i32 to index
      %swap3A_522 = memref.load %arg29[%swap3A_521] : memref<64xi32, #tpu.memory_space<smem>>
      memref.store %squeeze3A_519, %arg29[%swap3A_521] : memref<64xi32, #tpu.memory_space<smem>>
      %scan3A = arith.constant 0 : i32
      %scan3A_523 = arith.constant 0 : i32
      %scan3A_524 = arith.constant 64 : i32
      %scan3A_525 = arith.addi %scan3A_523, %scan3A_524 : i32
      %scan3A_526 = arith.constant 1 : i32
      %scan3A_527 = scf.for %scan3A_1070 = %scan3A_523 to %scan3A_525 step %scan3A_526 iter_args(%scan3A_1071 = %scan3A) -> (i32)  : i32 {
        %swap3A_1072 = arith.constant 0 : i32
        %swap3A_1073 = arith.index_cast %scan3A_1070 : i32 to index
        %swap3A_1074 = memref.load %arg25[%swap3A_1073] : memref<64xi32, #tpu.memory_space<smem>>
        memref.store %swap3A_1072, %arg25[%swap3A_1073] : memref<64xi32, #tpu.memory_space<smem>>
        %swap3A_1075 = arith.constant 1.000000e+00 : f32
        %swap3A_1076 = arith.index_cast %scan3A_1070 : i32 to index
        %swap3A_1077 = memref.load %arg26[%swap3A_1076] : memref<64xf32, #tpu.memory_space<smem>>
        memref.store %swap3A_1075, %arg26[%swap3A_1076] : memref<64xf32, #tpu.memory_space<smem>>
        %scan3A_1078 = arith.constant 0 : i32
        scf.yield %scan3A_1078 : i32
      }
      %scan3A_528 = arith.constant 64 : i32
      %scan3A_529 = arith.constant 0 : i32
      %scan3A_530 = arith.constant 0 : i32
      %scan3A_531 = arith.constant 64 : i32
      %scan3A_532 = arith.addi %scan3A_530, %scan3A_531 : i32
      %scan3A_533 = arith.constant 1 : i32
      %scan3A_534 = scf.for %scan3A_1070 = %scan3A_530 to %scan3A_532 step %scan3A_533 iter_args(%scan3A_1071 = %scan3A_529) -> (i32)  : i32 {
        %get3A_1072 = arith.index_cast %scan3A_1070 : i32 to index
        %get3A_1073 = memref.load %arg25[%get3A_1072] : memref<64xi32, #tpu.memory_space<smem>>
        %gt3A = arith.constant 0 : i32
        %gt3A_1074 = arith.cmpi sgt, %get3A_1073, %gt3A : i32
        %convert_element_type3A_1075 = arith.extui %gt3A_1074 : i1 to i32
        %cond3A_1076 = arith.constant 0 : i32
        %cond3A_1077 = arith.cmpi ne, %convert_element_type3A_1075, %cond3A_1076 : i32
        scf.if %cond3A_1077 {
          "tpu.region"() ({
            %run_scoped3A = tpu.sem_alloc : memref<!tpu.dma_semaphore, #tpu.memory_space<semaphore_mem>>
            %dma_start3A = arith.constant 0 : i32
            %dma_start3A_1226 = tpu.memref_slice %arg2[%scan3A_1070, %dma_start3A] : memref<16384x16384xf32, #tpu.memory_space<hbm>> -> memref<1x16384xf32, #tpu.memory_space<hbm>>
            %dma_start3A_1227 = tpu.memref_squeeze %dma_start3A_1226 : memref<1x16384xf32, #tpu.memory_space<hbm>> -> memref<16384xf32, #tpu.memory_space<hbm>>
            %dma_start3A_1228 = arith.constant 0 : i32
            %dma_start3A_1229 = tpu.memref_slice %arg2[%scan3A_1070, %dma_start3A_1228] : memref<16384x16384xf32, #tpu.memory_space<hbm>> -> memref<1x16384xf32, #tpu.memory_space<hbm>>
            %dma_start3A_1230 = tpu.memref_squeeze %dma_start3A_1229 : memref<1x16384xf32, #tpu.memory_space<hbm>> -> memref<16384xf32, #tpu.memory_space<hbm>>
            tpu.enqueue_dma source(%dma_start3A_1230 : memref<16384xf32, #tpu.memory_space<hbm>>) target(%arg7 : memref<16384xf32, #tpu.memory_space<vmem>>) target_semaphore(%run_scoped3A : memref<!tpu.dma_semaphore, #tpu.memory_space<semaphore_mem>>)
            %dma_wait3A = arith.constant 0 : i32
            %dma_wait3A_1231 = tpu.memref_slice %arg2[%scan3A_1070, %dma_wait3A] : memref<16384x16384xf32, #tpu.memory_space<hbm>> -> memref<1x16384xf32, #tpu.memory_space<hbm>>
            %dma_wait3A_1232 = tpu.memref_squeeze %dma_wait3A_1231 : memref<1x16384xf32, #tpu.memory_space<hbm>> -> memref<16384xf32, #tpu.memory_space<hbm>>
            %dma_wait3A_1233 = arith.constant 0 : i32
            %dma_wait3A_1234 = tpu.memref_slice %arg2[%scan3A_1070, %dma_wait3A_1233] : memref<16384x16384xf32, #tpu.memory_space<hbm>> -> memref<1x16384xf32, #tpu.memory_space<hbm>>
            %dma_wait3A_1235 = tpu.memref_squeeze %dma_wait3A_1234 : memref<1x16384xf32, #tpu.memory_space<hbm>> -> memref<16384xf32, #tpu.memory_space<hbm>>
            tpu.wait_dma2 semaphore(%run_scoped3A : memref<!tpu.dma_semaphore, #tpu.memory_space<semaphore_mem>>) src(%dma_wait3A_1235 : memref<16384xf32, #tpu.memory_space<hbm>>) dst(%arg7 : memref<16384xf32, #tpu.memory_space<vmem>>)
            tpu.yield
          }) : () -> ()
          "tpu.region"() ({
            %run_scoped3A = tpu.sem_alloc : memref<!tpu.dma_semaphore, #tpu.memory_space<semaphore_mem>>
            %dma_start3A = arith.constant 0 : i32
            %dma_start3A_1226 = tpu.memref_slice %arg3[%scan3A_1070, %dma_start3A] : memref<64x16384xf32, #tpu.memory_space<hbm>> -> memref<1x16384xf32, #tpu.memory_space<hbm>>
            %dma_start3A_1227 = tpu.memref_squeeze %dma_start3A_1226 : memref<1x16384xf32, #tpu.memory_space<hbm>> -> memref<16384xf32, #tpu.memory_space<hbm>>
            %dma_start3A_1228 = arith.constant 0 : i32
            %dma_start3A_1229 = tpu.memref_slice %arg3[%scan3A_1070, %dma_start3A_1228] : memref<64x16384xf32, #tpu.memory_space<hbm>> -> memref<1x16384xf32, #tpu.memory_space<hbm>>
            %dma_start3A_1230 = tpu.memref_squeeze %dma_start3A_1229 : memref<1x16384xf32, #tpu.memory_space<hbm>> -> memref<16384xf32, #tpu.memory_space<hbm>>
            tpu.enqueue_dma source(%dma_start3A_1230 : memref<16384xf32, #tpu.memory_space<hbm>>) target(%arg8 : memref<16384xf32, #tpu.memory_space<vmem>>) target_semaphore(%run_scoped3A : memref<!tpu.dma_semaphore, #tpu.memory_space<semaphore_mem>>)
            %dma_wait3A = arith.constant 0 : i32
            %dma_wait3A_1231 = tpu.memref_slice %arg3[%scan3A_1070, %dma_wait3A] : memref<64x16384xf32, #tpu.memory_space<hbm>> -> memref<1x16384xf32, #tpu.memory_space<hbm>>
            %dma_wait3A_1232 = tpu.memref_squeeze %dma_wait3A_1231 : memref<1x16384xf32, #tpu.memory_space<hbm>> -> memref<16384xf32, #tpu.memory_space<hbm>>
            %dma_wait3A_1233 = arith.constant 0 : i32
            %dma_wait3A_1234 = tpu.memref_slice %arg3[%scan3A_1070, %dma_wait3A_1233] : memref<64x16384xf32, #tpu.memory_space<hbm>> -> memref<1x16384xf32, #tpu.memory_space<hbm>>
            %dma_wait3A_1235 = tpu.memref_squeeze %dma_wait3A_1234 : memref<1x16384xf32, #tpu.memory_space<hbm>> -> memref<16384xf32, #tpu.memory_space<hbm>>
            tpu.wait_dma2 semaphore(%run_scoped3A : memref<!tpu.dma_semaphore, #tpu.memory_space<semaphore_mem>>) src(%dma_wait3A_1235 : memref<16384xf32, #tpu.memory_space<hbm>>) dst(%arg8 : memref<16384xf32, #tpu.memory_space<vmem>>)
            tpu.yield
          }) : () -> ()
          %scan3A_1087 = arith.constant 0 : i32
          %scan3A_1088 = arith.constant 0 : i32
          %scan3A_1089 = arith.constant 64 : i32
          %scan3A_1090 = arith.addi %scan3A_1088, %scan3A_1089 : i32
          %scan3A_1091 = arith.constant 1 : i32
          %scan3A_1092 = scf.for %scan3A_1226 = %scan3A_1088 to %scan3A_1090 step %scan3A_1091 iter_args(%scan3A_1227 = %scan3A_1087) -> (i32)  : i32 {
            %lt3A_1228 = arith.cmpi slt, %scan3A_1226, %scan3A_1070 : i32
            %get3A_1229 = arith.index_cast %scan3A_1226 : i32 to index
            %get3A_1230 = memref.load %arg28[%get3A_1229] : memref<64xi32, #tpu.memory_space<smem>>
            %eq3A_1231 = arith.cmpi eq, %get3A_1230, %scan3A_1070 : i32
            %and3A_1232 = arith.andi %lt3A_1228, %eq3A_1231 : i1
            %convert_element_type3A_1233 = arith.extui %and3A_1232 : i1 to i32
            %cond3A_1234 = arith.constant 0 : i32
            %cond3A_1235 = arith.cmpi ne, %convert_element_type3A_1233, %cond3A_1234 : i32
            scf.if %cond3A_1235 {
              %jit3A_1237 = arith.constant 16 : i32
              %div3A = arith.divsi %scan3A_1226, %jit3A_1237 : i32
              %sign3A = arith.constant 0 : i32
              %sign3A_1238 = arith.cmpi sgt, %scan3A_1226, %sign3A : i32
              %sign3A_1239 = arith.extui %sign3A_1238 : i1 to i32
              %sign3A_1240 = arith.constant 0 : i32
              %sign3A_1241 = arith.cmpi slt, %scan3A_1226, %sign3A_1240 : i32
              %sign3A_1242 = arith.extui %sign3A_1241 : i1 to i32
              %sign3A_1243 = arith.subi %sign3A_1239, %sign3A_1242 : i32
              %sign3A_1244 = arith.constant 0 : i32
              %sign3A_1245 = arith.cmpi sgt, %jit3A_1237, %sign3A_1244 : i32
              %sign3A_1246 = arith.extui %sign3A_1245 : i1 to i32
              %sign3A_1247 = arith.constant 0 : i32
              %sign3A_1248 = arith.cmpi slt, %jit3A_1237, %sign3A_1247 : i32
              %sign3A_1249 = arith.extui %sign3A_1248 : i1 to i32
              %sign3A_1250 = arith.subi %sign3A_1246, %sign3A_1249 : i32
              %ne3A = arith.cmpi ne, %sign3A_1243, %sign3A_1250 : i32
              %rem3A = arith.remsi %scan3A_1226, %jit3A_1237 : i32
              %ne3A_1251 = arith.constant 0 : i32
              %ne3A_1252 = arith.cmpi ne, %rem3A, %ne3A_1251 : i32
              %and3A_1253 = arith.andi %ne3A, %ne3A_1252 : i1
              %sub3A = arith.constant 1 : i32
              %sub3A_1254 = arith.subi %div3A, %sub3A : i32
              %select_n3A_1255 = arith.select %and3A_1253, %sub3A_1254, %div3A : i32
              %mul3A = arith.constant 16 : i32
              %mul3A_1256 = arith.muli %select_n3A_1255, %mul3A : i32
              %get3A_1257 = arith.index_cast %mul3A_1256 : i32 to index
              %get3A_1258 = tpu.vector_load %arg7[%get3A_1257] {strides = array<i32>} : memref<16384xf32, #tpu.memory_space<vmem>>, vector<16xf32>,
              %get3A_1259 = vector.shape_cast %get3A_1258 : vector<16xf32> to vector<16xf32>
              %sub3A_1260 = arith.subi %scan3A_1226, %mul3A_1256 : i32
              %eq3A_1261 = vector.broadcast %sub3A_1260 : i32 to vector<16xi32>
              %eq3A_1262 = arith.cmpi eq, %iota3A, %eq3A_1261 : vector<16xi32>
              %get3A_1263 = arith.index_cast %scan3A_1226 : i32 to index
              %get3A_1264 = memref.load %arg27[%get3A_1263] : memref<64xf32, #tpu.memory_space<smem>>
              %broadcast_in_dim3A_1265 = vector.broadcast %get3A_1264 : f32 to vector<16xf32>
              %select_n3A_1266 = arith.select %eq3A_1262, %broadcast_in_dim3A_1265, %get3A_1259 : vector<16xi1>, vector<16xf32>
              %swap3A_1267 = arith.index_cast %mul3A_1256 : i32 to index
              %swap3A_1268 = tpu.vector_load %arg7[%swap3A_1267] {strides = array<i32>} : memref<16384xf32, #tpu.memory_space<vmem>>, vector<16xf32>,
              %swap3A_1269 = vector.shape_cast %swap3A_1268 : vector<16xf32> to vector<16xf32>
              %swap3A_1270 = vector.shape_cast %select_n3A_1266 : vector<16xf32> to vector<16xf32>
              tpu.vector_store %arg7[%swap3A_1267], %swap3A_1270 {strides = array<i32>} : memref<16384xf32, #tpu.memory_space<vmem>>, vector<16xf32>,
            } else {
            }
            %scan3A_1236 = arith.constant 0 : i32
            scf.yield %scan3A_1236 : i32
          }
          %scan3A_1093 = arith.constant 64 : i32
          %iota3A_1094 = tpu.iota {dimensions = array<i32: 0>} : vector<16xi32>
          %broadcast_in_dim3A_1095 = arith.constant -1.000000e+00 : f32
          %broadcast_in_dim3A_1096 = vector.broadcast %broadcast_in_dim3A_1095 : f32 to vector<16xf32>
          %broadcast_in_dim3A_1097 = arith.constant 0 : i32
          %broadcast_in_dim3A_1098 = vector.broadcast %broadcast_in_dim3A_1097 : i32 to vector<16xi32>
          %scan3A_1099 = arith.constant 0 : i32
          %scan3A_1100 = arith.constant 256 : i32
          %scan3A_1101 = arith.addi %scan3A_1099, %scan3A_1100 : i32
          %scan3A_1102 = arith.constant 1 : i32
          %scan3A_1103:8 = scf.for %scan3A_1226 = %scan3A_1099 to %scan3A_1101 step %scan3A_1102 iter_args(%scan3A_1227 = %broadcast_in_dim3A_1096, %scan3A_1228 = %broadcast_in_dim3A_1098, %scan3A_1229 = %broadcast_in_dim3A_1096, %scan3A_1230 = %broadcast_in_dim3A_1098, %scan3A_1231 = %broadcast_in_dim3A_1096, %scan3A_1232 = %broadcast_in_dim3A_1098, %scan3A_1233 = %broadcast_in_dim3A_1096, %scan3A_1234 = %broadcast_in_dim3A_1098) -> (vector<16xf32>, vector<16xi32>, vector<16xf32>, vector<16xi32>, vector<16xf32>, vector<16xi32>, vector<16xf32>, vector<16xi32>)  : i32 {
            %mul3A = arith.constant 64 : i32
            %mul3A_1235 = arith.muli %scan3A_1226, %mul3A : i32
            %add3A = arith.constant 0 : i32
            %add3A_1236 = arith.addi %mul3A_1235, %add3A : i32
            %get3A_1237 = arith.index_cast %add3A_1236 : i32 to index
            %get3A_1238 = tpu.vector_load %arg7[%get3A_1237] {strides = array<i32>} : memref<16384xf32, #tpu.memory_space<vmem>>, vector<16xf32>,
            %get3A_1239 = vector.shape_cast %get3A_1238 : vector<16xf32> to vector<16xf32>
            %get3A_1240 = arith.index_cast %add3A_1236 : i32 to index
            %get3A_1241 = tpu.vector_load %arg8[%get3A_1240] {strides = array<i32>} : memref<16384xf32, #tpu.memory_space<vmem>>, vector<16xf32>,
            %get3A_1242 = vector.shape_cast %get3A_1241 : vector<16xf32> to vector<16xf32>
            %max3A_1243 = arith.constant 0.000000e+00 : f32
            %max3A_1244 = vector.broadcast %max3A_1243 : f32 to vector<16xf32>
            %max3A_1245 = arith.maximumf %get3A_1239, %max3A_1244 : vector<16xf32>
            %add3A_1246 = arith.constant 9.99999997E-7 : f32
            %add3A_1247 = vector.broadcast %add3A_1246 : f32 to vector<16xf32>
            %add3A_1248 = arith.addf %max3A_1245, %add3A_1247 : vector<16xf32>
            %mul3A_1249 = arith.mulf %add3A_1248, %get3A_1242 : vector<16xf32>
            %gt3A_1250 = arith.cmpf ogt, %mul3A_1249, %scan3A_1227 : vector<16xf32>
            %select_n3A_1251 = arith.select %gt3A_1250, %mul3A_1249, %scan3A_1227 : vector<16xi1>, vector<16xf32>
            %add3A_1252 = vector.broadcast %add3A_1236 : i32 to vector<16xi32>
            %add3A_1253 = arith.addi %add3A_1252, %iota3A_1094 : vector<16xi32>
            %select_n3A_1254 = arith.select %gt3A_1250, %add3A_1253, %scan3A_1228 : vector<16xi1>, vector<16xi32>
            %add3A_1255 = arith.constant 16 : i32
            %add3A_1256 = arith.addi %mul3A_1235, %add3A_1255 : i32
            %get3A_1257 = arith.index_cast %add3A_1256 : i32 to index
            %get3A_1258 = tpu.vector_load %arg7[%get3A_1257] {strides = array<i32>} : memref<16384xf32, #tpu.memory_space<vmem>>, vector<16xf32>,
            %get3A_1259 = vector.shape_cast %get3A_1258 : vector<16xf32> to vector<16xf32>
            %get3A_1260 = arith.index_cast %add3A_1256 : i32 to index
            %get3A_1261 = tpu.vector_load %arg8[%get3A_1260] {strides = array<i32>} : memref<16384xf32, #tpu.memory_space<vmem>>, vector<16xf32>,
            %get3A_1262 = vector.shape_cast %get3A_1261 : vector<16xf32> to vector<16xf32>
            %max3A_1263 = arith.constant 0.000000e+00 : f32
            %max3A_1264 = vector.broadcast %max3A_1263 : f32 to vector<16xf32>
            %max3A_1265 = arith.maximumf %get3A_1259, %max3A_1264 : vector<16xf32>
            %add3A_1266 = arith.constant 9.99999997E-7 : f32
            %add3A_1267 = vector.broadcast %add3A_1266 : f32 to vector<16xf32>
            %add3A_1268 = arith.addf %max3A_1265, %add3A_1267 : vector<16xf32>
            %mul3A_1269 = arith.mulf %add3A_1268, %get3A_1262 : vector<16xf32>
            %gt3A_1270 = arith.cmpf ogt, %mul3A_1269, %scan3A_1229 : vector<16xf32>
            %select_n3A_1271 = arith.select %gt3A_1270, %mul3A_1269, %scan3A_1229 : vector<16xi1>, vector<16xf32>
            %add3A_1272 = vector.broadcast %add3A_1256 : i32 to vector<16xi32>
            %add3A_1273 = arith.addi %add3A_1272, %iota3A_1094 : vector<16xi32>
            %select_n3A_1274 = arith.select %gt3A_1270, %add3A_1273, %scan3A_1230 : vector<16xi1>, vector<16xi32>
            %add3A_1275 = arith.constant 32 : i32
            %add3A_1276 = arith.addi %mul3A_1235, %add3A_1275 : i32
            %get3A_1277 = arith.index_cast %add3A_1276 : i32 to index
            %get3A_1278 = tpu.vector_load %arg7[%get3A_1277] {strides = array<i32>} : memref<16384xf32, #tpu.memory_space<vmem>>, vector<16xf32>,
            %get3A_1279 = vector.shape_cast %get3A_1278 : vector<16xf32> to vector<16xf32>
            %get3A_1280 = arith.index_cast %add3A_1276 : i32 to index
            %get3A_1281 = tpu.vector_load %arg8[%get3A_1280] {strides = array<i32>} : memref<16384xf32, #tpu.memory_space<vmem>>, vector<16xf32>,
            %get3A_1282 = vector.shape_cast %get3A_1281 : vector<16xf32> to vector<16xf32>
            %max3A_1283 = arith.constant 0.000000e+00 : f32
            %max3A_1284 = vector.broadcast %max3A_1283 : f32 to vector<16xf32>
            %max3A_1285 = arith.maximumf %get3A_1279, %max3A_1284 : vector<16xf32>
            %add3A_1286 = arith.constant 9.99999997E-7 : f32
            %add3A_1287 = vector.broadcast %add3A_1286 : f32 to vector<16xf32>
            %add3A_1288 = arith.addf %max3A_1285, %add3A_1287 : vector<16xf32>
            %mul3A_1289 = arith.mulf %add3A_1288, %get3A_1282 : vector<16xf32>
            %gt3A_1290 = arith.cmpf ogt, %mul3A_1289, %scan3A_1231 : vector<16xf32>
            %select_n3A_1291 = arith.select %gt3A_1290, %mul3A_1289, %scan3A_1231 : vector<16xi1>, vector<16xf32>
            %add3A_1292 = vector.broadcast %add3A_1276 : i32 to vector<16xi32>
            %add3A_1293 = arith.addi %add3A_1292, %iota3A_1094 : vector<16xi32>
            %select_n3A_1294 = arith.select %gt3A_1290, %add3A_1293, %scan3A_1232 : vector<16xi1>, vector<16xi32>
            %add3A_1295 = arith.constant 48 : i32
            %add3A_1296 = arith.addi %mul3A_1235, %add3A_1295 : i32
            %get3A_1297 = arith.index_cast %add3A_1296 : i32 to index
            %get3A_1298 = tpu.vector_load %arg7[%get3A_1297] {strides = array<i32>} : memref<16384xf32, #tpu.memory_space<vmem>>, vector<16xf32>,
            %get3A_1299 = vector.shape_cast %get3A_1298 : vector<16xf32> to vector<16xf32>
            %get3A_1300 = arith.index_cast %add3A_1296 : i32 to index
            %get3A_1301 = tpu.vector_load %arg8[%get3A_1300] {strides = array<i32>} : memref<16384xf32, #tpu.memory_space<vmem>>, vector<16xf32>,
            %get3A_1302 = vector.shape_cast %get3A_1301 : vector<16xf32> to vector<16xf32>
            %max3A_1303 = arith.constant 0.000000e+00 : f32
            %max3A_1304 = vector.broadcast %max3A_1303 : f32 to vector<16xf32>
            %max3A_1305 = arith.maximumf %get3A_1299, %max3A_1304 : vector<16xf32>
            %add3A_1306 = arith.constant 9.99999997E-7 : f32
            %add3A_1307 = vector.broadcast %add3A_1306 : f32 to vector<16xf32>
            %add3A_1308 = arith.addf %max3A_1305, %add3A_1307 : vector<16xf32>
            %mul3A_1309 = arith.mulf %add3A_1308, %get3A_1302 : vector<16xf32>
            %gt3A_1310 = arith.cmpf ogt, %mul3A_1309, %scan3A_1233 : vector<16xf32>
            %select_n3A_1311 = arith.select %gt3A_1310, %mul3A_1309, %scan3A_1233 : vector<16xi1>, vector<16xf32>
            %add3A_1312 = vector.broadcast %add3A_1296 : i32 to vector<16xi32>
            %add3A_1313 = arith.addi %add3A_1312, %iota3A_1094 : vector<16xi32>
            %select_n3A_1314 = arith.select %gt3A_1310, %add3A_1313, %scan3A_1234 : vector<16xi1>, vector<16xi32>
            scf.yield %select_n3A_1251, %select_n3A_1254, %select_n3A_1271, %select_n3A_1274, %select_n3A_1291, %select_n3A_1294, %select_n3A_1311, %select_n3A_1314 : vector<16xf32>, vector<16xi32>, vector<16xf32>, vector<16xi32>, vector<16xf32>, vector<16xi32>, vector<16xf32>, vector<16xi32>
          }
          %scan3A_1104 = arith.constant 256 : i32
          %gt3A_1105 = arith.cmpf ogt, %scan3A_1103#2, %scan3A_1103#0 : vector<16xf32>
          %eq3A_1106 = arith.cmpf oeq, %scan3A_1103#2, %scan3A_1103#0 : vector<16xf32>
          %lt3A_1107 = arith.cmpi slt, %scan3A_1103#3, %scan3A_1103#1 : vector<16xi32>
          %and3A_1108 = arith.andi %eq3A_1106, %lt3A_1107 : vector<16xi1>
          %or3A = arith.ori %gt3A_1105, %and3A_1108 : vector<16xi1>
          %select_n3A_1109 = arith.select %or3A, %scan3A_1103#2, %scan3A_1103#0 : vector<16xi1>, vector<16xf32>
          %select_n3A_1110 = arith.select %or3A, %scan3A_1103#3, %scan3A_1103#1 : vector<16xi1>, vector<16xi32>
          %gt3A_1111 = arith.cmpf ogt, %scan3A_1103#4, %select_n3A_1109 : vector<16xf32>
          %eq3A_1112 = arith.cmpf oeq, %scan3A_1103#4, %select_n3A_1109 : vector<16xf32>
          %lt3A_1113 = arith.cmpi slt, %scan3A_1103#5, %select_n3A_1110 : vector<16xi32>
          %and3A_1114 = arith.andi %eq3A_1112, %lt3A_1113 : vector<16xi1>
          %or3A_1115 = arith.ori %gt3A_1111, %and3A_1114 : vector<16xi1>
          %select_n3A_1116 = arith.select %or3A_1115, %scan3A_1103#4, %select_n3A_1109 : vector<16xi1>, vector<16xf32>
          %select_n3A_1117 = arith.select %or3A_1115, %scan3A_1103#5, %select_n3A_1110 : vector<16xi1>, vector<16xi32>
          %gt3A_1118 = arith.cmpf ogt, %scan3A_1103#6, %select_n3A_1116 : vector<16xf32>
          %eq3A_1119 = arith.cmpf oeq, %scan3A_1103#6, %select_n3A_1116 : vector<16xf32>
          %lt3A_1120 = arith.cmpi slt, %scan3A_1103#7, %select_n3A_1117 : vector<16xi32>
          %and3A_1121 = arith.andi %eq3A_1119, %lt3A_1120 : vector<16xi1>
          %or3A_1122 = arith.ori %gt3A_1118, %and3A_1121 : vector<16xi1>
          %select_n3A_1123 = arith.select %or3A_1122, %scan3A_1103#6, %select_n3A_1116 : vector<16xi1>, vector<16xf32>
          %select_n3A_1124 = arith.select %or3A_1122, %scan3A_1103#7, %select_n3A_1117 : vector<16xi1>, vector<16xi32>
          %swap3A_1125 = arith.constant 0 : index
          %swap3A_1126 = tpu.vector_load %arg19[%swap3A_1125] {strides = array<i32>} : memref<32xf32, #tpu.memory_space<vmem>>, vector<16xf32>,
          %swap3A_1127 = vector.shape_cast %swap3A_1126 : vector<16xf32> to vector<16xf32>
          %swap3A_1128 = vector.shape_cast %select_n3A_1123 : vector<16xf32> to vector<16xf32>
          tpu.vector_store %arg19[%swap3A_1125], %swap3A_1128 {strides = array<i32>} : memref<32xf32, #tpu.memory_space<vmem>>, vector<16xf32>,
          %swap3A_1129 = arith.constant 16 : index
          %swap3A_1130 = tpu.vector_load %arg19[%swap3A_1129] {strides = array<i32>} : memref<32xf32, #tpu.memory_space<vmem>>, vector<16xf32>,
          %swap3A_1131 = vector.shape_cast %swap3A_1130 : vector<16xf32> to vector<16xf32>
          %swap3A_1132 = vector.shape_cast %select_n3A_1123 : vector<16xf32> to vector<16xf32>
          tpu.vector_store %arg19[%swap3A_1129], %swap3A_1132 {strides = array<i32>} : memref<32xf32, #tpu.memory_space<vmem>>, vector<16xf32>,
          %get3A_1133 = arith.constant 8 : index
          %get3A_1134 = tpu.vector_load %arg19[%get3A_1133] {strides = array<i32>} : memref<32xf32, #tpu.memory_space<vmem>>, vector<16xf32>,
          %get3A_1135 = vector.shape_cast %get3A_1134 : vector<16xf32> to vector<16xf32>
          %max3A = arith.maximumf %select_n3A_1123, %get3A_1135 : vector<16xf32>
          %swap3A_1136 = arith.constant 0 : index
          %swap3A_1137 = tpu.vector_load %arg19[%swap3A_1136] {strides = array<i32>} : memref<32xf32, #tpu.memory_space<vmem>>, vector<16xf32>,
          %swap3A_1138 = vector.shape_cast %swap3A_1137 : vector<16xf32> to vector<16xf32>
          %swap3A_1139 = vector.shape_cast %max3A : vector<16xf32> to vector<16xf32>
          tpu.vector_store %arg19[%swap3A_1136], %swap3A_1139 {strides = array<i32>} : memref<32xf32, #tpu.memory_space<vmem>>, vector<16xf32>,
          %swap3A_1140 = arith.constant 16 : index
          %swap3A_1141 = tpu.vector_load %arg19[%swap3A_1140] {strides = array<i32>} : memref<32xf32, #tpu.memory_space<vmem>>, vector<16xf32>,
          %swap3A_1142 = vector.shape_cast %swap3A_1141 : vector<16xf32> to vector<16xf32>
          %swap3A_1143 = vector.shape_cast %max3A : vector<16xf32> to vector<16xf32>
          tpu.vector_store %arg19[%swap3A_1140], %swap3A_1143 {strides = array<i32>} : memref<32xf32, #tpu.memory_space<vmem>>, vector<16xf32>,
          %get3A_1144 = arith.constant 4 : index
          %get3A_1145 = tpu.vector_load %arg19[%get3A_1144] {strides = array<i32>} : memref<32xf32, #tpu.memory_space<vmem>>, vector<16xf32>,
          %get3A_1146 = vector.shape_cast %get3A_1145 : vector<16xf32> to vector<16xf32>
          %max3A_1147 = arith.maximumf %max3A, %get3A_1146 : vector<16xf32>
          %swap3A_1148 = arith.constant 0 : index
          %swap3A_1149 = tpu.vector_load %arg19[%swap3A_1148] {strides = array<i32>} : memref<32xf32, #tpu.memory_space<vmem>>, vector<16xf32>,
          %swap3A_1150 = vector.shape_cast %swap3A_1149 : vector<16xf32> to vector<16xf32>
          %swap3A_1151 = vector.shape_cast %max3A_1147 : vector<16xf32> to vector<16xf32>
          tpu.vector_store %arg19[%swap3A_1148], %swap3A_1151 {strides = array<i32>} : memref<32xf32, #tpu.memory_space<vmem>>, vector<16xf32>,
          %swap3A_1152 = arith.constant 16 : index
          %swap3A_1153 = tpu.vector_load %arg19[%swap3A_1152] {strides = array<i32>} : memref<32xf32, #tpu.memory_space<vmem>>, vector<16xf32>,
          %swap3A_1154 = vector.shape_cast %swap3A_1153 : vector<16xf32> to vector<16xf32>
          %swap3A_1155 = vector.shape_cast %max3A_1147 : vector<16xf32> to vector<16xf32>
          tpu.vector_store %arg19[%swap3A_1152], %swap3A_1155 {strides = array<i32>} : memref<32xf32, #tpu.memory_space<vmem>>, vector<16xf32>,
          %get3A_1156 = arith.constant 2 : index
          %get3A_1157 = tpu.vector_load %arg19[%get3A_1156] {strides = array<i32>} : memref<32xf32, #tpu.memory_space<vmem>>, vector<16xf32>,
          %get3A_1158 = vector.shape_cast %get3A_1157 : vector<16xf32> to vector<16xf32>
          %max3A_1159 = arith.maximumf %max3A_1147, %get3A_1158 : vector<16xf32>
          %swap3A_1160 = arith.constant 0 : index
          %swap3A_1161 = tpu.vector_load %arg19[%swap3A_1160] {strides = array<i32>} : memref<32xf32, #tpu.memory_space<vmem>>, vector<16xf32>,
          %swap3A_1162 = vector.shape_cast %swap3A_1161 : vector<16xf32> to vector<16xf32>
          %swap3A_1163 = vector.shape_cast %max3A_1159 : vector<16xf32> to vector<16xf32>
          tpu.vector_store %arg19[%swap3A_1160], %swap3A_1163 {strides = array<i32>} : memref<32xf32, #tpu.memory_space<vmem>>, vector<16xf32>,
          %swap3A_1164 = arith.constant 16 : index
          %swap3A_1165 = tpu.vector_load %arg19[%swap3A_1164] {strides = array<i32>} : memref<32xf32, #tpu.memory_space<vmem>>, vector<16xf32>,
          %swap3A_1166 = vector.shape_cast %swap3A_1165 : vector<16xf32> to vector<16xf32>
          %swap3A_1167 = vector.shape_cast %max3A_1159 : vector<16xf32> to vector<16xf32>
          tpu.vector_store %arg19[%swap3A_1164], %swap3A_1167 {strides = array<i32>} : memref<32xf32, #tpu.memory_space<vmem>>, vector<16xf32>,
          %get3A_1168 = arith.constant 1 : index
          %get3A_1169 = tpu.vector_load %arg19[%get3A_1168] {strides = array<i32>} : memref<32xf32, #tpu.memory_space<vmem>>, vector<16xf32>,
          %get3A_1170 = vector.shape_cast %get3A_1169 : vector<16xf32> to vector<16xf32>
          %max3A_1171 = arith.maximumf %max3A_1159, %get3A_1170 : vector<16xf32>
          %eq3A_1172 = arith.cmpf oeq, %select_n3A_1123, %max3A_1171 : vector<16xf32>
          %jit3A = arith.constant 16384 : i32
          %broadcast_in_dim3A_1173 = vector.broadcast %jit3A : i32 to vector<16xi32>
          %select_n3A_1174 = arith.select %eq3A_1172, %select_n3A_1124, %broadcast_in_dim3A_1173 : vector<16xi1>, vector<16xi32>
          %swap3A_1175 = arith.constant 0 : index
          %swap3A_1176 = tpu.vector_load %arg20[%swap3A_1175] {strides = array<i32>} : memref<32xi32, #tpu.memory_space<vmem>>, vector<16xi32>,
          %swap3A_1177 = vector.shape_cast %swap3A_1176 : vector<16xi32> to vector<16xi32>
          %swap3A_1178 = vector.shape_cast %select_n3A_1174 : vector<16xi32> to vector<16xi32>
          tpu.vector_store %arg20[%swap3A_1175], %swap3A_1178 {strides = array<i32>} : memref<32xi32, #tpu.memory_space<vmem>>, vector<16xi32>,
          %swap3A_1179 = arith.constant 16 : index
          %swap3A_1180 = tpu.vector_load %arg20[%swap3A_1179] {strides = array<i32>} : memref<32xi32, #tpu.memory_space<vmem>>, vector<16xi32>,
          %swap3A_1181 = vector.shape_cast %swap3A_1180 : vector<16xi32> to vector<16xi32>
          %swap3A_1182 = vector.shape_cast %select_n3A_1174 : vector<16xi32> to vector<16xi32>
          tpu.vector_store %arg20[%swap3A_1179], %swap3A_1182 {strides = array<i32>} : memref<32xi32, #tpu.memory_space<vmem>>, vector<16xi32>,
          %get3A_1183 = arith.constant 8 : index
          %get3A_1184 = tpu.vector_load %arg20[%get3A_1183] {strides = array<i32>} : memref<32xi32, #tpu.memory_space<vmem>>, vector<16xi32>,
          %get3A_1185 = vector.shape_cast %get3A_1184 : vector<16xi32> to vector<16xi32>
          %min3A = arith.minsi %select_n3A_1174, %get3A_1185 : vector<16xi32>
          %swap3A_1186 = arith.constant 0 : index
          %swap3A_1187 = tpu.vector_load %arg20[%swap3A_1186] {strides = array<i32>} : memref<32xi32, #tpu.memory_space<vmem>>, vector<16xi32>,
          %swap3A_1188 = vector.shape_cast %swap3A_1187 : vector<16xi32> to vector<16xi32>
          %swap3A_1189 = vector.shape_cast %min3A : vector<16xi32> to vector<16xi32>
          tpu.vector_store %arg20[%swap3A_1186], %swap3A_1189 {strides = array<i32>} : memref<32xi32, #tpu.memory_space<vmem>>, vector<16xi32>,
          %swap3A_1190 = arith.constant 16 : index
          %swap3A_1191 = tpu.vector_load %arg20[%swap3A_1190] {strides = array<i32>} : memref<32xi32, #tpu.memory_space<vmem>>, vector<16xi32>,
          %swap3A_1192 = vector.shape_cast %swap3A_1191 : vector<16xi32> to vector<16xi32>
          %swap3A_1193 = vector.shape_cast %min3A : vector<16xi32> to vector<16xi32>
          tpu.vector_store %arg20[%swap3A_1190], %swap3A_1193 {strides = array<i32>} : memref<32xi32, #tpu.memory_space<vmem>>, vector<16xi32>,
          %get3A_1194 = arith.constant 4 : index
          %get3A_1195 = tpu.vector_load %arg20[%get3A_1194] {strides = array<i32>} : memref<32xi32, #tpu.memory_space<vmem>>, vector<16xi32>,
          %get3A_1196 = vector.shape_cast %get3A_1195 : vector<16xi32> to vector<16xi32>
          %min3A_1197 = arith.minsi %min3A, %get3A_1196 : vector<16xi32>
          %swap3A_1198 = arith.constant 0 : index
          %swap3A_1199 = tpu.vector_load %arg20[%swap3A_1198] {strides = array<i32>} : memref<32xi32, #tpu.memory_space<vmem>>, vector<16xi32>,
          %swap3A_1200 = vector.shape_cast %swap3A_1199 : vector<16xi32> to vector<16xi32>
          %swap3A_1201 = vector.shape_cast %min3A_1197 : vector<16xi32> to vector<16xi32>
          tpu.vector_store %arg20[%swap3A_1198], %swap3A_1201 {strides = array<i32>} : memref<32xi32, #tpu.memory_space<vmem>>, vector<16xi32>,
          %swap3A_1202 = arith.constant 16 : index
          %swap3A_1203 = tpu.vector_load %arg20[%swap3A_1202] {strides = array<i32>} : memref<32xi32, #tpu.memory_space<vmem>>, vector<16xi32>,
          %swap3A_1204 = vector.shape_cast %swap3A_1203 : vector<16xi32> to vector<16xi32>
          %swap3A_1205 = vector.shape_cast %min3A_1197 : vector<16xi32> to vector<16xi32>
          tpu.vector_store %arg20[%swap3A_1202], %swap3A_1205 {strides = array<i32>} : memref<32xi32, #tpu.memory_space<vmem>>, vector<16xi32>,
          %get3A_1206 = arith.constant 2 : index
          %get3A_1207 = tpu.vector_load %arg20[%get3A_1206] {strides = array<i32>} : memref<32xi32, #tpu.memory_space<vmem>>, vector<16xi32>,
          %get3A_1208 = vector.shape_cast %get3A_1207 : vector<16xi32> to vector<16xi32>
          %min3A_1209 = arith.minsi %min3A_1197, %get3A_1208 : vector<16xi32>
          %swap3A_1210 = arith.constant 0 : index
          %swap3A_1211 = tpu.vector_load %arg20[%swap3A_1210] {strides = array<i32>} : memref<32xi32, #tpu.memory_space<vmem>>, vector<16xi32>,
          %swap3A_1212 = vector.shape_cast %swap3A_1211 : vector<16xi32> to vector<16xi32>
          %swap3A_1213 = vector.shape_cast %min3A_1209 : vector<16xi32> to vector<16xi32>
          tpu.vector_store %arg20[%swap3A_1210], %swap3A_1213 {strides = array<i32>} : memref<32xi32, #tpu.memory_space<vmem>>, vector<16xi32>,
          %swap3A_1214 = arith.constant 16 : index
          %swap3A_1215 = tpu.vector_load %arg20[%swap3A_1214] {strides = array<i32>} : memref<32xi32, #tpu.memory_space<vmem>>, vector<16xi32>,
          %swap3A_1216 = vector.shape_cast %swap3A_1215 : vector<16xi32> to vector<16xi32>
          %swap3A_1217 = vector.shape_cast %min3A_1209 : vector<16xi32> to vector<16xi32>
          tpu.vector_store %arg20[%swap3A_1214], %swap3A_1217 {strides = array<i32>} : memref<32xi32, #tpu.memory_space<vmem>>, vector<16xi32>,
          %get3A_1218 = arith.constant 1 : index
          %get3A_1219 = tpu.vector_load %arg20[%get3A_1218] {strides = array<i32>} : memref<32xi32, #tpu.memory_space<vmem>>, vector<16xi32>,
          %get3A_1220 = vector.shape_cast %get3A_1219 : vector<16xi32> to vector<16xi32>
          %min3A_1221 = arith.minsi %min3A_1209, %get3A_1220 : vector<16xi32>
          %slice3A_1222 = vector.extract_strided_slice %min3A_1221 {offsets = [0], sizes = [1], strides = [1]} : vector<16xi32> to vector<1xi32>
          %squeeze3A_1223 = vector.extract %slice3A_1222[0] : i32 from vector<1xi32>
          %swap3A_1224 = arith.index_cast %scan3A_1070 : i32 to index
          %swap3A_1225 = memref.load %arg29[%swap3A_1224] : memref<64xi32, #tpu.memory_space<smem>>
          memref.store %squeeze3A_1223, %arg29[%swap3A_1224] : memref<64xi32, #tpu.memory_space<smem>>
        } else {
        }
        %get3A_1078 = arith.index_cast %scan3A_1070 : i32 to index
        %get3A_1079 = memref.load %arg29[%get3A_1078] : memref<64xi32, #tpu.memory_space<smem>>
        %swap3A_1080 = arith.index_cast %scan3A_1070 : i32 to index
        %swap3A_1081 = memref.load %arg28[%swap3A_1080] : memref<64xi32, #tpu.memory_space<smem>>
        memref.store %get3A_1079, %arg28[%swap3A_1080] : memref<64xi32, #tpu.memory_space<smem>>
        %lt3A = arith.constant 64 : i32
        %lt3A_1082 = arith.cmpi slt, %get3A_1079, %lt3A : i32
        %convert_element_type3A_1083 = arith.extui %lt3A_1082 : i1 to i32
        %cond3A_1084 = arith.constant 0 : i32
        %cond3A_1085 = arith.cmpi ne, %convert_element_type3A_1083, %cond3A_1084 : i32
        scf.if %cond3A_1085 {
          %mul3A = arith.constant 64 : i32
          %mul3A_1087 = arith.muli %get3A_1079, %mul3A : i32
          %add3A = arith.addi %mul3A_1087, %scan3A_1070 : i32
          %get3A_1088 = arith.index_cast %add3A : i32 to index
          %get3A_1089 = tpu.vector_load %arg15[%get3A_1088] {strides = array<i32>} : memref<4112xf32, #tpu.memory_space<vmem>>, vector<16xf32>,
          %get3A_1090 = vector.shape_cast %get3A_1089 : vector<16xf32> to vector<16xf32>
          %slice3A_1091 = vector.extract_strided_slice %get3A_1090 {offsets = [0], sizes = [1], strides = [1]} : vector<16xf32> to vector<1xf32>
          %squeeze3A_1092 = vector.extract %slice3A_1091[0] : f32 from vector<1xf32>
          %mul3A_1093 = arith.constant 0.949999988 : f32
          %mul3A_1094 = arith.mulf %squeeze3A_1092, %mul3A_1093 : f32
          %get3A_1095 = arith.index_cast %scan3A_1070 : i32 to index
          %get3A_1096 = memref.load %arg26[%get3A_1095] : memref<64xf32, #tpu.memory_space<smem>>
          %mul3A_1097 = arith.constant 5.000000e-02 : f32
          %mul3A_1098 = arith.mulf %get3A_1096, %mul3A_1097 : f32
          %add3A_1099 = arith.addf %mul3A_1094, %mul3A_1098 : f32
          %swap3A_1100 = arith.index_cast %scan3A_1070 : i32 to index
          %swap3A_1101 = memref.load %arg27[%swap3A_1100] : memref<64xf32, #tpu.memory_space<smem>>
          memref.store %add3A_1099, %arg27[%swap3A_1100] : memref<64xf32, #tpu.memory_space<smem>>
          %get3A_1102 = arith.index_cast %get3A_1079 : i32 to index
          %get3A_1103 = memref.load %arg25[%get3A_1102] : memref<64xi32, #tpu.memory_space<smem>>
          %add3A_1104 = arith.constant 1 : i32
          %add3A_1105 = arith.addi %get3A_1103, %add3A_1104 : i32
          %swap3A_1106 = arith.index_cast %get3A_1079 : i32 to index
          %swap3A_1107 = memref.load %arg25[%swap3A_1106] : memref<64xi32, #tpu.memory_space<smem>>
          memref.store %add3A_1105, %arg25[%swap3A_1106] : memref<64xi32, #tpu.memory_space<smem>>
          %swap3A_1108 = arith.constant 9.800000e-01 : f32
          %swap3A_1109 = arith.index_cast %get3A_1079 : i32 to index
          %swap3A_1110 = memref.load %arg26[%swap3A_1109] : memref<64xf32, #tpu.memory_space<smem>>
          memref.store %swap3A_1108, %arg26[%swap3A_1109] : memref<64xf32, #tpu.memory_space<smem>>
        } else {
        }
        %scan3A_1086 = arith.constant 0 : i32
        scf.yield %scan3A_1086 : i32
      }
      %scan3A_535 = arith.constant 64 : i32
      %broadcast_in_dim3A = arith.constant 0 : i32
      %broadcast_in_dim3A_536 = vector.broadcast %broadcast_in_dim3A : i32 to vector<16xi32>
      %eq3A_537 = arith.constant 0 : i32
      %eq3A_538 = vector.broadcast %eq3A_537 : i32 to vector<16xi32>
      %eq3A_539 = arith.cmpi eq, %iota3A, %eq3A_538 : vector<16xi32>
      %get3A_540 = arith.constant 0 : i32
      %get3A_541 = arith.index_cast %get3A_540 : i32 to index
      %get3A_542 = memref.load %arg28[%get3A_541] : memref<64xi32, #tpu.memory_space<smem>>
      %broadcast_in_dim3A_543 = vector.broadcast %get3A_542 : i32 to vector<16xi32>
      %select_n3A = arith.select %eq3A_539, %broadcast_in_dim3A_543, %broadcast_in_dim3A_536 : vector<16xi1>, vector<16xi32>
      %eq3A_544 = arith.constant 1 : i32
      %eq3A_545 = vector.broadcast %eq3A_544 : i32 to vector<16xi32>
      %eq3A_546 = arith.cmpi eq, %iota3A, %eq3A_545 : vector<16xi32>
      %get3A_547 = arith.constant 1 : i32
      %get3A_548 = arith.index_cast %get3A_547 : i32 to index
      %get3A_549 = memref.load %arg28[%get3A_548] : memref<64xi32, #tpu.memory_space<smem>>
      %broadcast_in_dim3A_550 = vector.broadcast %get3A_549 : i32 to vector<16xi32>
      %select_n3A_551 = arith.select %eq3A_546, %broadcast_in_dim3A_550, %select_n3A : vector<16xi1>, vector<16xi32>
      %eq3A_552 = arith.constant 2 : i32
      %eq3A_553 = vector.broadcast %eq3A_552 : i32 to vector<16xi32>
      %eq3A_554 = arith.cmpi eq, %iota3A, %eq3A_553 : vector<16xi32>
      %get3A_555 = arith.constant 2 : i32
      %get3A_556 = arith.index_cast %get3A_555 : i32 to index
      %get3A_557 = memref.load %arg28[%get3A_556] : memref<64xi32, #tpu.memory_space<smem>>
      %broadcast_in_dim3A_558 = vector.broadcast %get3A_557 : i32 to vector<16xi32>
      %select_n3A_559 = arith.select %eq3A_554, %broadcast_in_dim3A_558, %select_n3A_551 : vector<16xi1>, vector<16xi32>
      %eq3A_560 = arith.constant 3 : i32
      %eq3A_561 = vector.broadcast %eq3A_560 : i32 to vector<16xi32>
      %eq3A_562 = arith.cmpi eq, %iota3A, %eq3A_561 : vector<16xi32>
      %get3A_563 = arith.constant 3 : i32
      %get3A_564 = arith.index_cast %get3A_563 : i32 to index
      %get3A_565 = memref.load %arg28[%get3A_564] : memref<64xi32, #tpu.memory_space<smem>>
      %broadcast_in_dim3A_566 = vector.broadcast %get3A_565 : i32 to vector<16xi32>
      %select_n3A_567 = arith.select %eq3A_562, %broadcast_in_dim3A_566, %select_n3A_559 : vector<16xi1>, vector<16xi32>
      %eq3A_568 = arith.constant 4 : i32
      %eq3A_569 = vector.broadcast %eq3A_568 : i32 to vector<16xi32>
      %eq3A_570 = arith.cmpi eq, %iota3A, %eq3A_569 : vector<16xi32>
      %get3A_571 = arith.constant 4 : i32
      %get3A_572 = arith.index_cast %get3A_571 : i32 to index
      %get3A_573 = memref.load %arg28[%get3A_572] : memref<64xi32, #tpu.memory_space<smem>>
      %broadcast_in_dim3A_574 = vector.broadcast %get3A_573 : i32 to vector<16xi32>
      %select_n3A_575 = arith.select %eq3A_570, %broadcast_in_dim3A_574, %select_n3A_567 : vector<16xi1>, vector<16xi32>
      %eq3A_576 = arith.constant 5 : i32
      %eq3A_577 = vector.broadcast %eq3A_576 : i32 to vector<16xi32>
      %eq3A_578 = arith.cmpi eq, %iota3A, %eq3A_577 : vector<16xi32>
      %get3A_579 = arith.constant 5 : i32
      %get3A_580 = arith.index_cast %get3A_579 : i32 to index
      %get3A_581 = memref.load %arg28[%get3A_580] : memref<64xi32, #tpu.memory_space<smem>>
      %broadcast_in_dim3A_582 = vector.broadcast %get3A_581 : i32 to vector<16xi32>
      %select_n3A_583 = arith.select %eq3A_578, %broadcast_in_dim3A_582, %select_n3A_575 : vector<16xi1>, vector<16xi32>
      %eq3A_584 = arith.constant 6 : i32
      %eq3A_585 = vector.broadcast %eq3A_584 : i32 to vector<16xi32>
      %eq3A_586 = arith.cmpi eq, %iota3A, %eq3A_585 : vector<16xi32>
      %get3A_587 = arith.constant 6 : i32
      %get3A_588 = arith.index_cast %get3A_587 : i32 to index
      %get3A_589 = memref.load %arg28[%get3A_588] : memref<64xi32, #tpu.memory_space<smem>>
      %broadcast_in_dim3A_590 = vector.broadcast %get3A_589 : i32 to vector<16xi32>
      %select_n3A_591 = arith.select %eq3A_586, %broadcast_in_dim3A_590, %select_n3A_583 : vector<16xi1>, vector<16xi32>
      %eq3A_592 = arith.constant 7 : i32
      %eq3A_593 = vector.broadcast %eq3A_592 : i32 to vector<16xi32>
      %eq3A_594 = arith.cmpi eq, %iota3A, %eq3A_593 : vector<16xi32>
      %get3A_595 = arith.constant 7 : i32
      %get3A_596 = arith.index_cast %get3A_595 : i32 to index
      %get3A_597 = memref.load %arg28[%get3A_596] : memref<64xi32, #tpu.memory_space<smem>>
      %broadcast_in_dim3A_598 = vector.broadcast %get3A_597 : i32 to vector<16xi32>
      %select_n3A_599 = arith.select %eq3A_594, %broadcast_in_dim3A_598, %select_n3A_591 : vector<16xi1>, vector<16xi32>
      %eq3A_600 = arith.constant 8 : i32
      %eq3A_601 = vector.broadcast %eq3A_600 : i32 to vector<16xi32>
      %eq3A_602 = arith.cmpi eq, %iota3A, %eq3A_601 : vector<16xi32>
      %get3A_603 = arith.constant 8 : i32
      %get3A_604 = arith.index_cast %get3A_603 : i32 to index
      %get3A_605 = memref.load %arg28[%get3A_604] : memref<64xi32, #tpu.memory_space<smem>>
      %broadcast_in_dim3A_606 = vector.broadcast %get3A_605 : i32 to vector<16xi32>
      %select_n3A_607 = arith.select %eq3A_602, %broadcast_in_dim3A_606, %select_n3A_599 : vector<16xi1>, vector<16xi32>
      %eq3A_608 = arith.constant 9 : i32
      %eq3A_609 = vector.broadcast %eq3A_608 : i32 to vector<16xi32>
      %eq3A_610 = arith.cmpi eq, %iota3A, %eq3A_609 : vector<16xi32>
      %get3A_611 = arith.constant 9 : i32
      %get3A_612 = arith.index_cast %get3A_611 : i32 to index
      %get3A_613 = memref.load %arg28[%get3A_612] : memref<64xi32, #tpu.memory_space<smem>>
      %broadcast_in_dim3A_614 = vector.broadcast %get3A_613 : i32 to vector<16xi32>
      %select_n3A_615 = arith.select %eq3A_610, %broadcast_in_dim3A_614, %select_n3A_607 : vector<16xi1>, vector<16xi32>
      %eq3A_616 = arith.constant 10 : i32
      %eq3A_617 = vector.broadcast %eq3A_616 : i32 to vector<16xi32>
      %eq3A_618 = arith.cmpi eq, %iota3A, %eq3A_617 : vector<16xi32>
      %get3A_619 = arith.constant 10 : i32
      %get3A_620 = arith.index_cast %get3A_619 : i32 to index
      %get3A_621 = memref.load %arg28[%get3A_620] : memref<64xi32, #tpu.memory_space<smem>>
      %broadcast_in_dim3A_622 = vector.broadcast %get3A_621 : i32 to vector<16xi32>
      %select_n3A_623 = arith.select %eq3A_618, %broadcast_in_dim3A_622, %select_n3A_615 : vector<16xi1>, vector<16xi32>
      %eq3A_624 = arith.constant 11 : i32
      %eq3A_625 = vector.broadcast %eq3A_624 : i32 to vector<16xi32>
      %eq3A_626 = arith.cmpi eq, %iota3A, %eq3A_625 : vector<16xi32>
      %get3A_627 = arith.constant 11 : i32
      %get3A_628 = arith.index_cast %get3A_627 : i32 to index
      %get3A_629 = memref.load %arg28[%get3A_628] : memref<64xi32, #tpu.memory_space<smem>>
      %broadcast_in_dim3A_630 = vector.broadcast %get3A_629 : i32 to vector<16xi32>
      %select_n3A_631 = arith.select %eq3A_626, %broadcast_in_dim3A_630, %select_n3A_623 : vector<16xi1>, vector<16xi32>
      %eq3A_632 = arith.constant 12 : i32
      %eq3A_633 = vector.broadcast %eq3A_632 : i32 to vector<16xi32>
      %eq3A_634 = arith.cmpi eq, %iota3A, %eq3A_633 : vector<16xi32>
      %get3A_635 = arith.constant 12 : i32
      %get3A_636 = arith.index_cast %get3A_635 : i32 to index
      %get3A_637 = memref.load %arg28[%get3A_636] : memref<64xi32, #tpu.memory_space<smem>>
      %broadcast_in_dim3A_638 = vector.broadcast %get3A_637 : i32 to vector<16xi32>
      %select_n3A_639 = arith.select %eq3A_634, %broadcast_in_dim3A_638, %select_n3A_631 : vector<16xi1>, vector<16xi32>
      %eq3A_640 = arith.constant 13 : i32
      %eq3A_641 = vector.broadcast %eq3A_640 : i32 to vector<16xi32>
      %eq3A_642 = arith.cmpi eq, %iota3A, %eq3A_641 : vector<16xi32>
      %get3A_643 = arith.constant 13 : i32
      %get3A_644 = arith.index_cast %get3A_643 : i32 to index
      %get3A_645 = memref.load %arg28[%get3A_644] : memref<64xi32, #tpu.memory_space<smem>>
      %broadcast_in_dim3A_646 = vector.broadcast %get3A_645 : i32 to vector<16xi32>
      %select_n3A_647 = arith.select %eq3A_642, %broadcast_in_dim3A_646, %select_n3A_639 : vector<16xi1>, vector<16xi32>
      %eq3A_648 = arith.constant 14 : i32
      %eq3A_649 = vector.broadcast %eq3A_648 : i32 to vector<16xi32>
      %eq3A_650 = arith.cmpi eq, %iota3A, %eq3A_649 : vector<16xi32>
      %get3A_651 = arith.constant 14 : i32
      %get3A_652 = arith.index_cast %get3A_651 : i32 to index
      %get3A_653 = memref.load %arg28[%get3A_652] : memref<64xi32, #tpu.memory_space<smem>>
      %broadcast_in_dim3A_654 = vector.broadcast %get3A_653 : i32 to vector<16xi32>
      %select_n3A_655 = arith.select %eq3A_650, %broadcast_in_dim3A_654, %select_n3A_647 : vector<16xi1>, vector<16xi32>
      %eq3A_656 = arith.constant 15 : i32
      %eq3A_657 = vector.broadcast %eq3A_656 : i32 to vector<16xi32>
      %eq3A_658 = arith.cmpi eq, %iota3A, %eq3A_657 : vector<16xi32>
      %get3A_659 = arith.constant 15 : i32
      %get3A_660 = arith.index_cast %get3A_659 : i32 to index
      %get3A_661 = memref.load %arg28[%get3A_660] : memref<64xi32, #tpu.memory_space<smem>>
      %broadcast_in_dim3A_662 = vector.broadcast %get3A_661 : i32 to vector<16xi32>
      %select_n3A_663 = arith.select %eq3A_658, %broadcast_in_dim3A_662, %select_n3A_655 : vector<16xi1>, vector<16xi32>
      %swap3A_664 = arith.constant 0 : index
      %swap3A_665 = tpu.vector_load %arg17[%swap3A_664] {strides = array<i32>} : memref<64xi32, #tpu.memory_space<vmem>>, vector<16xi32>,
      %swap3A_666 = vector.shape_cast %swap3A_665 : vector<16xi32> to vector<16xi32>
      %swap3A_667 = vector.shape_cast %select_n3A_663 : vector<16xi32> to vector<16xi32>
      tpu.vector_store %arg17[%swap3A_664], %swap3A_667 {strides = array<i32>} : memref<64xi32, #tpu.memory_space<vmem>>, vector<16xi32>,
      %broadcast_in_dim3A_668 = arith.constant 0 : i32
      %broadcast_in_dim3A_669 = vector.broadcast %broadcast_in_dim3A_668 : i32 to vector<16xi32>
      %eq3A_670 = arith.constant 0 : i32
      %eq3A_671 = vector.broadcast %eq3A_670 : i32 to vector<16xi32>
      %eq3A_672 = arith.cmpi eq, %iota3A, %eq3A_671 : vector<16xi32>
      %get3A_673 = arith.constant 16 : i32
      %get3A_674 = arith.index_cast %get3A_673 : i32 to index
      %get3A_675 = memref.load %arg28[%get3A_674] : memref<64xi32, #tpu.memory_space<smem>>
      %broadcast_in_dim3A_676 = vector.broadcast %get3A_675 : i32 to vector<16xi32>
      %select_n3A_677 = arith.select %eq3A_672, %broadcast_in_dim3A_676, %broadcast_in_dim3A_669 : vector<16xi1>, vector<16xi32>
      %eq3A_678 = arith.constant 1 : i32
      %eq3A_679 = vector.broadcast %eq3A_678 : i32 to vector<16xi32>
      %eq3A_680 = arith.cmpi eq, %iota3A, %eq3A_679 : vector<16xi32>
      %get3A_681 = arith.constant 17 : i32
      %get3A_682 = arith.index_cast %get3A_681 : i32 to index
      %get3A_683 = memref.load %arg28[%get3A_682] : memref<64xi32, #tpu.memory_space<smem>>
      %broadcast_in_dim3A_684 = vector.broadcast %get3A_683 : i32 to vector<16xi32>
      %select_n3A_685 = arith.select %eq3A_680, %broadcast_in_dim3A_684, %select_n3A_677 : vector<16xi1>, vector<16xi32>
      %eq3A_686 = arith.constant 2 : i32
      %eq3A_687 = vector.broadcast %eq3A_686 : i32 to vector<16xi32>
      %eq3A_688 = arith.cmpi eq, %iota3A, %eq3A_687 : vector<16xi32>
      %get3A_689 = arith.constant 18 : i32
      %get3A_690 = arith.index_cast %get3A_689 : i32 to index
      %get3A_691 = memref.load %arg28[%get3A_690] : memref<64xi32, #tpu.memory_space<smem>>
      %broadcast_in_dim3A_692 = vector.broadcast %get3A_691 : i32 to vector<16xi32>
      %select_n3A_693 = arith.select %eq3A_688, %broadcast_in_dim3A_692, %select_n3A_685 : vector<16xi1>, vector<16xi32>
      %eq3A_694 = arith.constant 3 : i32
      %eq3A_695 = vector.broadcast %eq3A_694 : i32 to vector<16xi32>
      %eq3A_696 = arith.cmpi eq, %iota3A, %eq3A_695 : vector<16xi32>
      %get3A_697 = arith.constant 19 : i32
      %get3A_698 = arith.index_cast %get3A_697 : i32 to index
      %get3A_699 = memref.load %arg28[%get3A_698] : memref<64xi32, #tpu.memory_space<smem>>
      %broadcast_in_dim3A_700 = vector.broadcast %get3A_699 : i32 to vector<16xi32>
      %select_n3A_701 = arith.select %eq3A_696, %broadcast_in_dim3A_700, %select_n3A_693 : vector<16xi1>, vector<16xi32>
      %eq3A_702 = arith.constant 4 : i32
      %eq3A_703 = vector.broadcast %eq3A_702 : i32 to vector<16xi32>
      %eq3A_704 = arith.cmpi eq, %iota3A, %eq3A_703 : vector<16xi32>
      %get3A_705 = arith.constant 20 : i32
      %get3A_706 = arith.index_cast %get3A_705 : i32 to index
      %get3A_707 = memref.load %arg28[%get3A_706] : memref<64xi32, #tpu.memory_space<smem>>
      %broadcast_in_dim3A_708 = vector.broadcast %get3A_707 : i32 to vector<16xi32>
      %select_n3A_709 = arith.select %eq3A_704, %broadcast_in_dim3A_708, %select_n3A_701 : vector<16xi1>, vector<16xi32>
      %eq3A_710 = arith.constant 5 : i32
      %eq3A_711 = vector.broadcast %eq3A_710 : i32 to vector<16xi32>
      %eq3A_712 = arith.cmpi eq, %iota3A, %eq3A_711 : vector<16xi32>
      %get3A_713 = arith.constant 21 : i32
      %get3A_714 = arith.index_cast %get3A_713 : i32 to index
      %get3A_715 = memref.load %arg28[%get3A_714] : memref<64xi32, #tpu.memory_space<smem>>
      %broadcast_in_dim3A_716 = vector.broadcast %get3A_715 : i32 to vector<16xi32>
      %select_n3A_717 = arith.select %eq3A_712, %broadcast_in_dim3A_716, %select_n3A_709 : vector<16xi1>, vector<16xi32>
      %eq3A_718 = arith.constant 6 : i32
      %eq3A_719 = vector.broadcast %eq3A_718 : i32 to vector<16xi32>
      %eq3A_720 = arith.cmpi eq, %iota3A, %eq3A_719 : vector<16xi32>
      %get3A_721 = arith.constant 22 : i32
      %get3A_722 = arith.index_cast %get3A_721 : i32 to index
      %get3A_723 = memref.load %arg28[%get3A_722] : memref<64xi32, #tpu.memory_space<smem>>
      %broadcast_in_dim3A_724 = vector.broadcast %get3A_723 : i32 to vector<16xi32>
      %select_n3A_725 = arith.select %eq3A_720, %broadcast_in_dim3A_724, %select_n3A_717 : vector<16xi1>, vector<16xi32>
      %eq3A_726 = arith.constant 7 : i32
      %eq3A_727 = vector.broadcast %eq3A_726 : i32 to vector<16xi32>
      %eq3A_728 = arith.cmpi eq, %iota3A, %eq3A_727 : vector<16xi32>
      %get3A_729 = arith.constant 23 : i32
      %get3A_730 = arith.index_cast %get3A_729 : i32 to index
      %get3A_731 = memref.load %arg28[%get3A_730] : memref<64xi32, #tpu.memory_space<smem>>
      %broadcast_in_dim3A_732 = vector.broadcast %get3A_731 : i32 to vector<16xi32>
      %select_n3A_733 = arith.select %eq3A_728, %broadcast_in_dim3A_732, %select_n3A_725 : vector<16xi1>, vector<16xi32>
      %eq3A_734 = arith.constant 8 : i32
      %eq3A_735 = vector.broadcast %eq3A_734 : i32 to vector<16xi32>
      %eq3A_736 = arith.cmpi eq, %iota3A, %eq3A_735 : vector<16xi32>
      %get3A_737 = arith.constant 24 : i32
      %get3A_738 = arith.index_cast %get3A_737 : i32 to index
      %get3A_739 = memref.load %arg28[%get3A_738] : memref<64xi32, #tpu.memory_space<smem>>
      %broadcast_in_dim3A_740 = vector.broadcast %get3A_739 : i32 to vector<16xi32>
      %select_n3A_741 = arith.select %eq3A_736, %broadcast_in_dim3A_740, %select_n3A_733 : vector<16xi1>, vector<16xi32>
      %eq3A_742 = arith.constant 9 : i32
      %eq3A_743 = vector.broadcast %eq3A_742 : i32 to vector<16xi32>
      %eq3A_744 = arith.cmpi eq, %iota3A, %eq3A_743 : vector<16xi32>
      %get3A_745 = arith.constant 25 : i32
      %get3A_746 = arith.index_cast %get3A_745 : i32 to index
      %get3A_747 = memref.load %arg28[%get3A_746] : memref<64xi32, #tpu.memory_space<smem>>
      %broadcast_in_dim3A_748 = vector.broadcast %get3A_747 : i32 to vector<16xi32>
      %select_n3A_749 = arith.select %eq3A_744, %broadcast_in_dim3A_748, %select_n3A_741 : vector<16xi1>, vector<16xi32>
      %eq3A_750 = arith.constant 10 : i32
      %eq3A_751 = vector.broadcast %eq3A_750 : i32 to vector<16xi32>
      %eq3A_752 = arith.cmpi eq, %iota3A, %eq3A_751 : vector<16xi32>
      %get3A_753 = arith.constant 26 : i32
      %get3A_754 = arith.index_cast %get3A_753 : i32 to index
      %get3A_755 = memref.load %arg28[%get3A_754] : memref<64xi32, #tpu.memory_space<smem>>
      %broadcast_in_dim3A_756 = vector.broadcast %get3A_755 : i32 to vector<16xi32>
      %select_n3A_757 = arith.select %eq3A_752, %broadcast_in_dim3A_756, %select_n3A_749 : vector<16xi1>, vector<16xi32>
      %eq3A_758 = arith.constant 11 : i32
      %eq3A_759 = vector.broadcast %eq3A_758 : i32 to vector<16xi32>
      %eq3A_760 = arith.cmpi eq, %iota3A, %eq3A_759 : vector<16xi32>
      %get3A_761 = arith.constant 27 : i32
      %get3A_762 = arith.index_cast %get3A_761 : i32 to index
      %get3A_763 = memref.load %arg28[%get3A_762] : memref<64xi32, #tpu.memory_space<smem>>
      %broadcast_in_dim3A_764 = vector.broadcast %get3A_763 : i32 to vector<16xi32>
      %select_n3A_765 = arith.select %eq3A_760, %broadcast_in_dim3A_764, %select_n3A_757 : vector<16xi1>, vector<16xi32>
      %eq3A_766 = arith.constant 12 : i32
      %eq3A_767 = vector.broadcast %eq3A_766 : i32 to vector<16xi32>
      %eq3A_768 = arith.cmpi eq, %iota3A, %eq3A_767 : vector<16xi32>
      %get3A_769 = arith.constant 28 : i32
      %get3A_770 = arith.index_cast %get3A_769 : i32 to index
      %get3A_771 = memref.load %arg28[%get3A_770] : memref<64xi32, #tpu.memory_space<smem>>
      %broadcast_in_dim3A_772 = vector.broadcast %get3A_771 : i32 to vector<16xi32>
      %select_n3A_773 = arith.select %eq3A_768, %broadcast_in_dim3A_772, %select_n3A_765 : vector<16xi1>, vector<16xi32>
      %eq3A_774 = arith.constant 13 : i32
      %eq3A_775 = vector.broadcast %eq3A_774 : i32 to vector<16xi32>
      %eq3A_776 = arith.cmpi eq, %iota3A, %eq3A_775 : vector<16xi32>
      %get3A_777 = arith.constant 29 : i32
      %get3A_778 = arith.index_cast %get3A_777 : i32 to index
      %get3A_779 = memref.load %arg28[%get3A_778] : memref<64xi32, #tpu.memory_space<smem>>
      %broadcast_in_dim3A_780 = vector.broadcast %get3A_779 : i32 to vector<16xi32>
      %select_n3A_781 = arith.select %eq3A_776, %broadcast_in_dim3A_780, %select_n3A_773 : vector<16xi1>, vector<16xi32>
      %eq3A_782 = arith.constant 14 : i32
      %eq3A_783 = vector.broadcast %eq3A_782 : i32 to vector<16xi32>
      %eq3A_784 = arith.cmpi eq, %iota3A, %eq3A_783 : vector<16xi32>
      %get3A_785 = arith.constant 30 : i32
      %get3A_786 = arith.index_cast %get3A_785 : i32 to index
      %get3A_787 = memref.load %arg28[%get3A_786] : memref<64xi32, #tpu.memory_space<smem>>
      %broadcast_in_dim3A_788 = vector.broadcast %get3A_787 : i32 to vector<16xi32>
      %select_n3A_789 = arith.select %eq3A_784, %broadcast_in_dim3A_788, %select_n3A_781 : vector<16xi1>, vector<16xi32>
      %eq3A_790 = arith.constant 15 : i32
      %eq3A_791 = vector.broadcast %eq3A_790 : i32 to vector<16xi32>
      %eq3A_792 = arith.cmpi eq, %iota3A, %eq3A_791 : vector<16xi32>
      %get3A_793 = arith.constant 31 : i32
      %get3A_794 = arith.index_cast %get3A_793 : i32 to index
      %get3A_795 = memref.load %arg28[%get3A_794] : memref<64xi32, #tpu.memory_space<smem>>
      %broadcast_in_dim3A_796 = vector.broadcast %get3A_795 : i32 to vector<16xi32>
      %select_n3A_797 = arith.select %eq3A_792, %broadcast_in_dim3A_796, %select_n3A_789 : vector<16xi1>, vector<16xi32>
      %swap3A_798 = arith.constant 16 : index
      %swap3A_799 = tpu.vector_load %arg17[%swap3A_798] {strides = array<i32>} : memref<64xi32, #tpu.memory_space<vmem>>, vector<16xi32>,
      %swap3A_800 = vector.shape_cast %swap3A_799 : vector<16xi32> to vector<16xi32>
      %swap3A_801 = vector.shape_cast %select_n3A_797 : vector<16xi32> to vector<16xi32>
      tpu.vector_store %arg17[%swap3A_798], %swap3A_801 {strides = array<i32>} : memref<64xi32, #tpu.memory_space<vmem>>, vector<16xi32>,
      %broadcast_in_dim3A_802 = arith.constant 0 : i32
      %broadcast_in_dim3A_803 = vector.broadcast %broadcast_in_dim3A_802 : i32 to vector<16xi32>
      %eq3A_804 = arith.constant 0 : i32
      %eq3A_805 = vector.broadcast %eq3A_804 : i32 to vector<16xi32>
      %eq3A_806 = arith.cmpi eq, %iota3A, %eq3A_805 : vector<16xi32>
      %get3A_807 = arith.constant 32 : i32
      %get3A_808 = arith.index_cast %get3A_807 : i32 to index
      %get3A_809 = memref.load %arg28[%get3A_808] : memref<64xi32, #tpu.memory_space<smem>>
      %broadcast_in_dim3A_810 = vector.broadcast %get3A_809 : i32 to vector<16xi32>
      %select_n3A_811 = arith.select %eq3A_806, %broadcast_in_dim3A_810, %broadcast_in_dim3A_803 : vector<16xi1>, vector<16xi32>
      %eq3A_812 = arith.constant 1 : i32
      %eq3A_813 = vector.broadcast %eq3A_812 : i32 to vector<16xi32>
      %eq3A_814 = arith.cmpi eq, %iota3A, %eq3A_813 : vector<16xi32>
      %get3A_815 = arith.constant 33 : i32
      %get3A_816 = arith.index_cast %get3A_815 : i32 to index
      %get3A_817 = memref.load %arg28[%get3A_816] : memref<64xi32, #tpu.memory_space<smem>>
      %broadcast_in_dim3A_818 = vector.broadcast %get3A_817 : i32 to vector<16xi32>
      %select_n3A_819 = arith.select %eq3A_814, %broadcast_in_dim3A_818, %select_n3A_811 : vector<16xi1>, vector<16xi32>
      %eq3A_820 = arith.constant 2 : i32
      %eq3A_821 = vector.broadcast %eq3A_820 : i32 to vector<16xi32>
      %eq3A_822 = arith.cmpi eq, %iota3A, %eq3A_821 : vector<16xi32>
      %get3A_823 = arith.constant 34 : i32
      %get3A_824 = arith.index_cast %get3A_823 : i32 to index
      %get3A_825 = memref.load %arg28[%get3A_824] : memref<64xi32, #tpu.memory_space<smem>>
      %broadcast_in_dim3A_826 = vector.broadcast %get3A_825 : i32 to vector<16xi32>
      %select_n3A_827 = arith.select %eq3A_822, %broadcast_in_dim3A_826, %select_n3A_819 : vector<16xi1>, vector<16xi32>
      %eq3A_828 = arith.constant 3 : i32
      %eq3A_829 = vector.broadcast %eq3A_828 : i32 to vector<16xi32>
      %eq3A_830 = arith.cmpi eq, %iota3A, %eq3A_829 : vector<16xi32>
      %get3A_831 = arith.constant 35 : i32
      %get3A_832 = arith.index_cast %get3A_831 : i32 to index
      %get3A_833 = memref.load %arg28[%get3A_832] : memref<64xi32, #tpu.memory_space<smem>>
      %broadcast_in_dim3A_834 = vector.broadcast %get3A_833 : i32 to vector<16xi32>
      %select_n3A_835 = arith.select %eq3A_830, %broadcast_in_dim3A_834, %select_n3A_827 : vector<16xi1>, vector<16xi32>
      %eq3A_836 = arith.constant 4 : i32
      %eq3A_837 = vector.broadcast %eq3A_836 : i32 to vector<16xi32>
      %eq3A_838 = arith.cmpi eq, %iota3A, %eq3A_837 : vector<16xi32>
      %get3A_839 = arith.constant 36 : i32
      %get3A_840 = arith.index_cast %get3A_839 : i32 to index
      %get3A_841 = memref.load %arg28[%get3A_840] : memref<64xi32, #tpu.memory_space<smem>>
      %broadcast_in_dim3A_842 = vector.broadcast %get3A_841 : i32 to vector<16xi32>
      %select_n3A_843 = arith.select %eq3A_838, %broadcast_in_dim3A_842, %select_n3A_835 : vector<16xi1>, vector<16xi32>
      %eq3A_844 = arith.constant 5 : i32
      %eq3A_845 = vector.broadcast %eq3A_844 : i32 to vector<16xi32>
      %eq3A_846 = arith.cmpi eq, %iota3A, %eq3A_845 : vector<16xi32>
      %get3A_847 = arith.constant 37 : i32
      %get3A_848 = arith.index_cast %get3A_847 : i32 to index
      %get3A_849 = memref.load %arg28[%get3A_848] : memref<64xi32, #tpu.memory_space<smem>>
      %broadcast_in_dim3A_850 = vector.broadcast %get3A_849 : i32 to vector<16xi32>
      %select_n3A_851 = arith.select %eq3A_846, %broadcast_in_dim3A_850, %select_n3A_843 : vector<16xi1>, vector<16xi32>
      %eq3A_852 = arith.constant 6 : i32
      %eq3A_853 = vector.broadcast %eq3A_852 : i32 to vector<16xi32>
      %eq3A_854 = arith.cmpi eq, %iota3A, %eq3A_853 : vector<16xi32>
      %get3A_855 = arith.constant 38 : i32
      %get3A_856 = arith.index_cast %get3A_855 : i32 to index
      %get3A_857 = memref.load %arg28[%get3A_856] : memref<64xi32, #tpu.memory_space<smem>>
      %broadcast_in_dim3A_858 = vector.broadcast %get3A_857 : i32 to vector<16xi32>
      %select_n3A_859 = arith.select %eq3A_854, %broadcast_in_dim3A_858, %select_n3A_851 : vector<16xi1>, vector<16xi32>
      %eq3A_860 = arith.constant 7 : i32
      %eq3A_861 = vector.broadcast %eq3A_860 : i32 to vector<16xi32>
      %eq3A_862 = arith.cmpi eq, %iota3A, %eq3A_861 : vector<16xi32>
      %get3A_863 = arith.constant 39 : i32
      %get3A_864 = arith.index_cast %get3A_863 : i32 to index
      %get3A_865 = memref.load %arg28[%get3A_864] : memref<64xi32, #tpu.memory_space<smem>>
      %broadcast_in_dim3A_866 = vector.broadcast %get3A_865 : i32 to vector<16xi32>
      %select_n3A_867 = arith.select %eq3A_862, %broadcast_in_dim3A_866, %select_n3A_859 : vector<16xi1>, vector<16xi32>
      %eq3A_868 = arith.constant 8 : i32
      %eq3A_869 = vector.broadcast %eq3A_868 : i32 to vector<16xi32>
      %eq3A_870 = arith.cmpi eq, %iota3A, %eq3A_869 : vector<16xi32>
      %get3A_871 = arith.constant 40 : i32
      %get3A_872 = arith.index_cast %get3A_871 : i32 to index
      %get3A_873 = memref.load %arg28[%get3A_872] : memref<64xi32, #tpu.memory_space<smem>>
      %broadcast_in_dim3A_874 = vector.broadcast %get3A_873 : i32 to vector<16xi32>
      %select_n3A_875 = arith.select %eq3A_870, %broadcast_in_dim3A_874, %select_n3A_867 : vector<16xi1>, vector<16xi32>
      %eq3A_876 = arith.constant 9 : i32
      %eq3A_877 = vector.broadcast %eq3A_876 : i32 to vector<16xi32>
      %eq3A_878 = arith.cmpi eq, %iota3A, %eq3A_877 : vector<16xi32>
      %get3A_879 = arith.constant 41 : i32
      %get3A_880 = arith.index_cast %get3A_879 : i32 to index
      %get3A_881 = memref.load %arg28[%get3A_880] : memref<64xi32, #tpu.memory_space<smem>>
      %broadcast_in_dim3A_882 = vector.broadcast %get3A_881 : i32 to vector<16xi32>
      %select_n3A_883 = arith.select %eq3A_878, %broadcast_in_dim3A_882, %select_n3A_875 : vector<16xi1>, vector<16xi32>
      %eq3A_884 = arith.constant 10 : i32
      %eq3A_885 = vector.broadcast %eq3A_884 : i32 to vector<16xi32>
      %eq3A_886 = arith.cmpi eq, %iota3A, %eq3A_885 : vector<16xi32>
      %get3A_887 = arith.constant 42 : i32
      %get3A_888 = arith.index_cast %get3A_887 : i32 to index
      %get3A_889 = memref.load %arg28[%get3A_888] : memref<64xi32, #tpu.memory_space<smem>>
      %broadcast_in_dim3A_890 = vector.broadcast %get3A_889 : i32 to vector<16xi32>
      %select_n3A_891 = arith.select %eq3A_886, %broadcast_in_dim3A_890, %select_n3A_883 : vector<16xi1>, vector<16xi32>
      %eq3A_892 = arith.constant 11 : i32
      %eq3A_893 = vector.broadcast %eq3A_892 : i32 to vector<16xi32>
      %eq3A_894 = arith.cmpi eq, %iota3A, %eq3A_893 : vector<16xi32>
      %get3A_895 = arith.constant 43 : i32
      %get3A_896 = arith.index_cast %get3A_895 : i32 to index
      %get3A_897 = memref.load %arg28[%get3A_896] : memref<64xi32, #tpu.memory_space<smem>>
      %broadcast_in_dim3A_898 = vector.broadcast %get3A_897 : i32 to vector<16xi32>
      %select_n3A_899 = arith.select %eq3A_894, %broadcast_in_dim3A_898, %select_n3A_891 : vector<16xi1>, vector<16xi32>
      %eq3A_900 = arith.constant 12 : i32
      %eq3A_901 = vector.broadcast %eq3A_900 : i32 to vector<16xi32>
      %eq3A_902 = arith.cmpi eq, %iota3A, %eq3A_901 : vector<16xi32>
      %get3A_903 = arith.constant 44 : i32
      %get3A_904 = arith.index_cast %get3A_903 : i32 to index
      %get3A_905 = memref.load %arg28[%get3A_904] : memref<64xi32, #tpu.memory_space<smem>>
      %broadcast_in_dim3A_906 = vector.broadcast %get3A_905 : i32 to vector<16xi32>
      %select_n3A_907 = arith.select %eq3A_902, %broadcast_in_dim3A_906, %select_n3A_899 : vector<16xi1>, vector<16xi32>
      %eq3A_908 = arith.constant 13 : i32
      %eq3A_909 = vector.broadcast %eq3A_908 : i32 to vector<16xi32>
      %eq3A_910 = arith.cmpi eq, %iota3A, %eq3A_909 : vector<16xi32>
      %get3A_911 = arith.constant 45 : i32
      %get3A_912 = arith.index_cast %get3A_911 : i32 to index
      %get3A_913 = memref.load %arg28[%get3A_912] : memref<64xi32, #tpu.memory_space<smem>>
      %broadcast_in_dim3A_914 = vector.broadcast %get3A_913 : i32 to vector<16xi32>
      %select_n3A_915 = arith.select %eq3A_910, %broadcast_in_dim3A_914, %select_n3A_907 : vector<16xi1>, vector<16xi32>
      %eq3A_916 = arith.constant 14 : i32
      %eq3A_917 = vector.broadcast %eq3A_916 : i32 to vector<16xi32>
      %eq3A_918 = arith.cmpi eq, %iota3A, %eq3A_917 : vector<16xi32>
      %get3A_919 = arith.constant 46 : i32
      %get3A_920 = arith.index_cast %get3A_919 : i32 to index
      %get3A_921 = memref.load %arg28[%get3A_920] : memref<64xi32, #tpu.memory_space<smem>>
      %broadcast_in_dim3A_922 = vector.broadcast %get3A_921 : i32 to vector<16xi32>
      %select_n3A_923 = arith.select %eq3A_918, %broadcast_in_dim3A_922, %select_n3A_915 : vector<16xi1>, vector<16xi32>
      %eq3A_924 = arith.constant 15 : i32
      %eq3A_925 = vector.broadcast %eq3A_924 : i32 to vector<16xi32>
      %eq3A_926 = arith.cmpi eq, %iota3A, %eq3A_925 : vector<16xi32>
      %get3A_927 = arith.constant 47 : i32
      %get3A_928 = arith.index_cast %get3A_927 : i32 to index
      %get3A_929 = memref.load %arg28[%get3A_928] : memref<64xi32, #tpu.memory_space<smem>>
      %broadcast_in_dim3A_930 = vector.broadcast %get3A_929 : i32 to vector<16xi32>
      %select_n3A_931 = arith.select %eq3A_926, %broadcast_in_dim3A_930, %select_n3A_923 : vector<16xi1>, vector<16xi32>
      %swap3A_932 = arith.constant 32 : index
      %swap3A_933 = tpu.vector_load %arg17[%swap3A_932] {strides = array<i32>} : memref<64xi32, #tpu.memory_space<vmem>>, vector<16xi32>,
      %swap3A_934 = vector.shape_cast %swap3A_933 : vector<16xi32> to vector<16xi32>
      %swap3A_935 = vector.shape_cast %select_n3A_931 : vector<16xi32> to vector<16xi32>
      tpu.vector_store %arg17[%swap3A_932], %swap3A_935 {strides = array<i32>} : memref<64xi32, #tpu.memory_space<vmem>>, vector<16xi32>,
      %broadcast_in_dim3A_936 = arith.constant 0 : i32
      %broadcast_in_dim3A_937 = vector.broadcast %broadcast_in_dim3A_936 : i32 to vector<16xi32>
      %eq3A_938 = arith.constant 0 : i32
      %eq3A_939 = vector.broadcast %eq3A_938 : i32 to vector<16xi32>
      %eq3A_940 = arith.cmpi eq, %iota3A, %eq3A_939 : vector<16xi32>
      %get3A_941 = arith.constant 48 : i32
      %get3A_942 = arith.index_cast %get3A_941 : i32 to index
      %get3A_943 = memref.load %arg28[%get3A_942] : memref<64xi32, #tpu.memory_space<smem>>
      %broadcast_in_dim3A_944 = vector.broadcast %get3A_943 : i32 to vector<16xi32>
      %select_n3A_945 = arith.select %eq3A_940, %broadcast_in_dim3A_944, %broadcast_in_dim3A_937 : vector<16xi1>, vector<16xi32>
      %eq3A_946 = arith.constant 1 : i32
      %eq3A_947 = vector.broadcast %eq3A_946 : i32 to vector<16xi32>
      %eq3A_948 = arith.cmpi eq, %iota3A, %eq3A_947 : vector<16xi32>
      %get3A_949 = arith.constant 49 : i32
      %get3A_950 = arith.index_cast %get3A_949 : i32 to index
      %get3A_951 = memref.load %arg28[%get3A_950] : memref<64xi32, #tpu.memory_space<smem>>
      %broadcast_in_dim3A_952 = vector.broadcast %get3A_951 : i32 to vector<16xi32>
      %select_n3A_953 = arith.select %eq3A_948, %broadcast_in_dim3A_952, %select_n3A_945 : vector<16xi1>, vector<16xi32>
      %eq3A_954 = arith.constant 2 : i32
      %eq3A_955 = vector.broadcast %eq3A_954 : i32 to vector<16xi32>
      %eq3A_956 = arith.cmpi eq, %iota3A, %eq3A_955 : vector<16xi32>
      %get3A_957 = arith.constant 50 : i32
      %get3A_958 = arith.index_cast %get3A_957 : i32 to index
      %get3A_959 = memref.load %arg28[%get3A_958] : memref<64xi32, #tpu.memory_space<smem>>
      %broadcast_in_dim3A_960 = vector.broadcast %get3A_959 : i32 to vector<16xi32>
      %select_n3A_961 = arith.select %eq3A_956, %broadcast_in_dim3A_960, %select_n3A_953 : vector<16xi1>, vector<16xi32>
      %eq3A_962 = arith.constant 3 : i32
      %eq3A_963 = vector.broadcast %eq3A_962 : i32 to vector<16xi32>
      %eq3A_964 = arith.cmpi eq, %iota3A, %eq3A_963 : vector<16xi32>
      %get3A_965 = arith.constant 51 : i32
      %get3A_966 = arith.index_cast %get3A_965 : i32 to index
      %get3A_967 = memref.load %arg28[%get3A_966] : memref<64xi32, #tpu.memory_space<smem>>
      %broadcast_in_dim3A_968 = vector.broadcast %get3A_967 : i32 to vector<16xi32>
      %select_n3A_969 = arith.select %eq3A_964, %broadcast_in_dim3A_968, %select_n3A_961 : vector<16xi1>, vector<16xi32>
      %eq3A_970 = arith.constant 4 : i32
      %eq3A_971 = vector.broadcast %eq3A_970 : i32 to vector<16xi32>
      %eq3A_972 = arith.cmpi eq, %iota3A, %eq3A_971 : vector<16xi32>
      %get3A_973 = arith.constant 52 : i32
      %get3A_974 = arith.index_cast %get3A_973 : i32 to index
      %get3A_975 = memref.load %arg28[%get3A_974] : memref<64xi32, #tpu.memory_space<smem>>
      %broadcast_in_dim3A_976 = vector.broadcast %get3A_975 : i32 to vector<16xi32>
      %select_n3A_977 = arith.select %eq3A_972, %broadcast_in_dim3A_976, %select_n3A_969 : vector<16xi1>, vector<16xi32>
      %eq3A_978 = arith.constant 5 : i32
      %eq3A_979 = vector.broadcast %eq3A_978 : i32 to vector<16xi32>
      %eq3A_980 = arith.cmpi eq, %iota3A, %eq3A_979 : vector<16xi32>
      %get3A_981 = arith.constant 53 : i32
      %get3A_982 = arith.index_cast %get3A_981 : i32 to index
      %get3A_983 = memref.load %arg28[%get3A_982] : memref<64xi32, #tpu.memory_space<smem>>
      %broadcast_in_dim3A_984 = vector.broadcast %get3A_983 : i32 to vector<16xi32>
      %select_n3A_985 = arith.select %eq3A_980, %broadcast_in_dim3A_984, %select_n3A_977 : vector<16xi1>, vector<16xi32>
      %eq3A_986 = arith.constant 6 : i32
      %eq3A_987 = vector.broadcast %eq3A_986 : i32 to vector<16xi32>
      %eq3A_988 = arith.cmpi eq, %iota3A, %eq3A_987 : vector<16xi32>
      %get3A_989 = arith.constant 54 : i32
      %get3A_990 = arith.index_cast %get3A_989 : i32 to index
      %get3A_991 = memref.load %arg28[%get3A_990] : memref<64xi32, #tpu.memory_space<smem>>
      %broadcast_in_dim3A_992 = vector.broadcast %get3A_991 : i32 to vector<16xi32>
      %select_n3A_993 = arith.select %eq3A_988, %broadcast_in_dim3A_992, %select_n3A_985 : vector<16xi1>, vector<16xi32>
      %eq3A_994 = arith.constant 7 : i32
      %eq3A_995 = vector.broadcast %eq3A_994 : i32 to vector<16xi32>
      %eq3A_996 = arith.cmpi eq, %iota3A, %eq3A_995 : vector<16xi32>
      %get3A_997 = arith.constant 55 : i32
      %get3A_998 = arith.index_cast %get3A_997 : i32 to index
      %get3A_999 = memref.load %arg28[%get3A_998] : memref<64xi32, #tpu.memory_space<smem>>
      %broadcast_in_dim3A_1000 = vector.broadcast %get3A_999 : i32 to vector<16xi32>
      %select_n3A_1001 = arith.select %eq3A_996, %broadcast_in_dim3A_1000, %select_n3A_993 : vector<16xi1>, vector<16xi32>
      %eq3A_1002 = arith.constant 8 : i32
      %eq3A_1003 = vector.broadcast %eq3A_1002 : i32 to vector<16xi32>
      %eq3A_1004 = arith.cmpi eq, %iota3A, %eq3A_1003 : vector<16xi32>
      %get3A_1005 = arith.constant 56 : i32
      %get3A_1006 = arith.index_cast %get3A_1005 : i32 to index
      %get3A_1007 = memref.load %arg28[%get3A_1006] : memref<64xi32, #tpu.memory_space<smem>>
      %broadcast_in_dim3A_1008 = vector.broadcast %get3A_1007 : i32 to vector<16xi32>
      %select_n3A_1009 = arith.select %eq3A_1004, %broadcast_in_dim3A_1008, %select_n3A_1001 : vector<16xi1>, vector<16xi32>
      %eq3A_1010 = arith.constant 9 : i32
      %eq3A_1011 = vector.broadcast %eq3A_1010 : i32 to vector<16xi32>
      %eq3A_1012 = arith.cmpi eq, %iota3A, %eq3A_1011 : vector<16xi32>
      %get3A_1013 = arith.constant 57 : i32
      %get3A_1014 = arith.index_cast %get3A_1013 : i32 to index
      %get3A_1015 = memref.load %arg28[%get3A_1014] : memref<64xi32, #tpu.memory_space<smem>>
      %broadcast_in_dim3A_1016 = vector.broadcast %get3A_1015 : i32 to vector<16xi32>
      %select_n3A_1017 = arith.select %eq3A_1012, %broadcast_in_dim3A_1016, %select_n3A_1009 : vector<16xi1>, vector<16xi32>
      %eq3A_1018 = arith.constant 10 : i32
      %eq3A_1019 = vector.broadcast %eq3A_1018 : i32 to vector<16xi32>
      %eq3A_1020 = arith.cmpi eq, %iota3A, %eq3A_1019 : vector<16xi32>
      %get3A_1021 = arith.constant 58 : i32
      %get3A_1022 = arith.index_cast %get3A_1021 : i32 to index
      %get3A_1023 = memref.load %arg28[%get3A_1022] : memref<64xi32, #tpu.memory_space<smem>>
      %broadcast_in_dim3A_1024 = vector.broadcast %get3A_1023 : i32 to vector<16xi32>
      %select_n3A_1025 = arith.select %eq3A_1020, %broadcast_in_dim3A_1024, %select_n3A_1017 : vector<16xi1>, vector<16xi32>
      %eq3A_1026 = arith.constant 11 : i32
      %eq3A_1027 = vector.broadcast %eq3A_1026 : i32 to vector<16xi32>
      %eq3A_1028 = arith.cmpi eq, %iota3A, %eq3A_1027 : vector<16xi32>
      %get3A_1029 = arith.constant 59 : i32
      %get3A_1030 = arith.index_cast %get3A_1029 : i32 to index
      %get3A_1031 = memref.load %arg28[%get3A_1030] : memref<64xi32, #tpu.memory_space<smem>>
      %broadcast_in_dim3A_1032 = vector.broadcast %get3A_1031 : i32 to vector<16xi32>
      %select_n3A_1033 = arith.select %eq3A_1028, %broadcast_in_dim3A_1032, %select_n3A_1025 : vector<16xi1>, vector<16xi32>
      %eq3A_1034 = arith.constant 12 : i32
      %eq3A_1035 = vector.broadcast %eq3A_1034 : i32 to vector<16xi32>
      %eq3A_1036 = arith.cmpi eq, %iota3A, %eq3A_1035 : vector<16xi32>
      %get3A_1037 = arith.constant 60 : i32
      %get3A_1038 = arith.index_cast %get3A_1037 : i32 to index
      %get3A_1039 = memref.load %arg28[%get3A_1038] : memref<64xi32, #tpu.memory_space<smem>>
      %broadcast_in_dim3A_1040 = vector.broadcast %get3A_1039 : i32 to vector<16xi32>
      %select_n3A_1041 = arith.select %eq3A_1036, %broadcast_in_dim3A_1040, %select_n3A_1033 : vector<16xi1>, vector<16xi32>
      %eq3A_1042 = arith.constant 13 : i32
      %eq3A_1043 = vector.broadcast %eq3A_1042 : i32 to vector<16xi32>
      %eq3A_1044 = arith.cmpi eq, %iota3A, %eq3A_1043 : vector<16xi32>
      %get3A_1045 = arith.constant 61 : i32
      %get3A_1046 = arith.index_cast %get3A_1045 : i32 to index
      %get3A_1047 = memref.load %arg28[%get3A_1046] : memref<64xi32, #tpu.memory_space<smem>>
      %broadcast_in_dim3A_1048 = vector.broadcast %get3A_1047 : i32 to vector<16xi32>
      %select_n3A_1049 = arith.select %eq3A_1044, %broadcast_in_dim3A_1048, %select_n3A_1041 : vector<16xi1>, vector<16xi32>
      %eq3A_1050 = arith.constant 14 : i32
      %eq3A_1051 = vector.broadcast %eq3A_1050 : i32 to vector<16xi32>
      %eq3A_1052 = arith.cmpi eq, %iota3A, %eq3A_1051 : vector<16xi32>
      %get3A_1053 = arith.constant 62 : i32
      %get3A_1054 = arith.index_cast %get3A_1053 : i32 to index
      %get3A_1055 = memref.load %arg28[%get3A_1054] : memref<64xi32, #tpu.memory_space<smem>>
      %broadcast_in_dim3A_1056 = vector.broadcast %get3A_1055 : i32 to vector<16xi32>
      %select_n3A_1057 = arith.select %eq3A_1052, %broadcast_in_dim3A_1056, %select_n3A_1049 : vector<16xi1>, vector<16xi32>
      %eq3A_1058 = arith.constant 15 : i32
      %eq3A_1059 = vector.broadcast %eq3A_1058 : i32 to vector<16xi32>
      %eq3A_1060 = arith.cmpi eq, %iota3A, %eq3A_1059 : vector<16xi32>
      %get3A_1061 = arith.constant 63 : i32
      %get3A_1062 = arith.index_cast %get3A_1061 : i32 to index
      %get3A_1063 = memref.load %arg28[%get3A_1062] : memref<64xi32, #tpu.memory_space<smem>>
      %broadcast_in_dim3A_1064 = vector.broadcast %get3A_1063 : i32 to vector<16xi32>
      %select_n3A_1065 = arith.select %eq3A_1060, %broadcast_in_dim3A_1064, %select_n3A_1057 : vector<16xi1>, vector<16xi32>
      %swap3A_1066 = arith.constant 48 : index
      %swap3A_1067 = tpu.vector_load %arg17[%swap3A_1066] {strides = array<i32>} : memref<64xi32, #tpu.memory_space<vmem>>, vector<16xi32>,
      %swap3A_1068 = vector.shape_cast %swap3A_1067 : vector<16xi32> to vector<16xi32>
      %swap3A_1069 = vector.shape_cast %select_n3A_1065 : vector<16xi32> to vector<16xi32>
      tpu.vector_store %arg17[%swap3A_1066], %swap3A_1069 {strides = array<i32>} : memref<64xi32, #tpu.memory_space<vmem>>, vector<16xi32>,
      "tpu.region"() ({
        %run_scoped3A = tpu.sem_alloc : memref<!tpu.dma_semaphore, #tpu.memory_space<semaphore_mem>>
        tpu.enqueue_dma source(%arg17 : memref<64xi32, #tpu.memory_space<vmem>>) target(%arg5 : memref<64xi32, #tpu.memory_space<hbm>>) target_semaphore(%run_scoped3A : memref<!tpu.dma_semaphore, #tpu.memory_space<semaphore_mem>>)
        tpu.wait_dma2 semaphore(%run_scoped3A : memref<!tpu.dma_semaphore, #tpu.memory_space<semaphore_mem>>) src(%arg17 : memref<64xi32, #tpu.memory_space<vmem>>) dst(%arg5 : memref<64xi32, #tpu.memory_space<hbm>>)
        tpu.yield
      }) : () -> ()
      "tpu.region"() ({
        %run_scoped3A = tpu.sem_alloc : memref<!tpu.dma_semaphore, #tpu.memory_space<semaphore_mem>>
        %dma_start3A = arith.constant 0 : i32
        %dma_start3A_1070 = tpu.memref_slice %arg24[%dma_start3A] : memref<80xi32, #tpu.memory_space<vmem_shared>> -> memref<64xi32, #tpu.memory_space<vmem_shared>>
        %dma_start3A_1071 = arith.constant 0 : i32
        %dma_start3A_1072 = tpu.memref_slice %arg24[%dma_start3A_1071] : memref<80xi32, #tpu.memory_space<vmem_shared>> -> memref<64xi32, #tpu.memory_space<vmem_shared>>
        tpu.enqueue_dma source(%arg17 : memref<64xi32, #tpu.memory_space<vmem>>) target(%dma_start3A_1072 : memref<64xi32, #tpu.memory_space<vmem_shared>>) target_semaphore(%run_scoped3A : memref<!tpu.dma_semaphore, #tpu.memory_space<semaphore_mem>>)
        %dma_wait3A = arith.constant 0 : i32
        %dma_wait3A_1073 = tpu.memref_slice %arg24[%dma_wait3A] : memref<80xi32, #tpu.memory_space<vmem_shared>> -> memref<64xi32, #tpu.memory_space<vmem_shared>>
        %dma_wait3A_1074 = arith.constant 0 : i32
        %dma_wait3A_1075 = tpu.memref_slice %arg24[%dma_wait3A_1074] : memref<80xi32, #tpu.memory_space<vmem_shared>> -> memref<64xi32, #tpu.memory_space<vmem_shared>>
        tpu.wait_dma2 semaphore(%run_scoped3A : memref<!tpu.dma_semaphore, #tpu.memory_space<semaphore_mem>>) src(%arg17 : memref<64xi32, #tpu.memory_space<vmem>>) dst(%dma_wait3A_1075 : memref<64xi32, #tpu.memory_space<vmem_shared>>)
        tpu.yield
      }) : () -> ()
    } else {
    }
    %barrier3A_9 = arith.constant 0 : index
    tpu.barrier barrier_id(%barrier3A_9)
    %eq3A_10 = arith.constant 0 : i32
    %eq3A_11 = arith.cmpi eq, %arg0, %eq3A_10 : i32
    %convert_element_type3A_12 = arith.extui %eq3A_11 : i1 to i32
    %cond3A_13 = arith.constant 0 : i32
    %cond3A_14 = arith.cmpi ne, %convert_element_type3A_12, %cond3A_13 : i32
    scf.if %cond3A_14 {
      "tpu.region"() ({
        %run_scoped3A = tpu.sem_alloc : memref<!tpu.dma_semaphore, #tpu.memory_space<semaphore_mem>>
        tpu.enqueue_dma source(%arg24 : memref<80xi32, #tpu.memory_space<vmem_shared>>) target(%arg18 : memref<80xi32, #tpu.memory_space<vmem>>) target_semaphore(%run_scoped3A : memref<!tpu.dma_semaphore, #tpu.memory_space<semaphore_mem>>)
        tpu.wait_dma2 semaphore(%run_scoped3A : memref<!tpu.dma_semaphore, #tpu.memory_space<semaphore_mem>>) src(%arg24 : memref<80xi32, #tpu.memory_space<vmem_shared>>) dst(%arg18 : memref<80xi32, #tpu.memory_space<vmem>>)
        tpu.yield
      }) : () -> ()
      %mul3A = arith.constant 1024 : i32
      %mul3A_15 = arith.muli %arg1, %mul3A : i32
      %scan3A = arith.constant 0 : i32
      %scan3A_16 = arith.constant 0 : i32
      %scan3A_17 = arith.constant 64 : i32
      %scan3A_18 = arith.addi %scan3A_16, %scan3A_17 : i32
      %scan3A_19 = arith.constant 1 : i32
      %scan3A_20 = scf.for %scan3A_22 = %scan3A_16 to %scan3A_18 step %scan3A_19 iter_args(%scan3A_23 = %scan3A) -> (i32)  : i32 {
        %get3A = arith.index_cast %scan3A_22 : i32 to index
        %get3A_24 = tpu.vector_load %arg18[%get3A] {strides = array<i32>} : memref<80xi32, #tpu.memory_space<vmem>>, vector<16xi32>,
        %get3A_25 = vector.shape_cast %get3A_24 : vector<16xi32> to vector<16xi32>
        %slice3A = vector.extract_strided_slice %get3A_25 {offsets = [0], sizes = [1], strides = [1]} : vector<16xi32> to vector<1xi32>
        %squeeze3A = vector.extract %slice3A[0] : i32 from vector<1xi32>
        %sub3A = arith.subi %squeeze3A, %mul3A_15 : i32
        %ge3A = arith.constant 0 : i32
        %ge3A_26 = arith.cmpi sge, %sub3A, %ge3A : i32
        %lt3A = arith.constant 1024 : i32
        %lt3A_27 = arith.cmpi slt, %sub3A, %lt3A : i32
        %and3A_28 = arith.andi %ge3A_26, %lt3A_27 : i1
        %convert_element_type3A_29 = arith.extui %and3A_28 : i1 to i32
        %cond3A_30 = arith.constant 0 : i32
        %cond3A_31 = arith.cmpi ne, %convert_element_type3A_29, %cond3A_30 : i32
        scf.if %cond3A_31 {
          %jit3A = arith.constant 16 : i32
          %div3A = arith.divsi %sub3A, %jit3A : i32
          %sign3A = arith.constant 0 : i32
          %sign3A_33 = arith.cmpi sgt, %sub3A, %sign3A : i32
          %sign3A_34 = arith.extui %sign3A_33 : i1 to i32
          %sign3A_35 = arith.constant 0 : i32
          %sign3A_36 = arith.cmpi slt, %sub3A, %sign3A_35 : i32
          %sign3A_37 = arith.extui %sign3A_36 : i1 to i32
          %sign3A_38 = arith.subi %sign3A_34, %sign3A_37 : i32
          %sign3A_39 = arith.constant 0 : i32
          %sign3A_40 = arith.cmpi sgt, %jit3A, %sign3A_39 : i32
          %sign3A_41 = arith.extui %sign3A_40 : i1 to i32
          %sign3A_42 = arith.constant 0 : i32
          %sign3A_43 = arith.cmpi slt, %jit3A, %sign3A_42 : i32
          %sign3A_44 = arith.extui %sign3A_43 : i1 to i32
          %sign3A_45 = arith.subi %sign3A_41, %sign3A_44 : i32
          %ne3A = arith.cmpi ne, %sign3A_38, %sign3A_45 : i32
          %rem3A = arith.remsi %sub3A, %jit3A : i32
          %ne3A_46 = arith.constant 0 : i32
          %ne3A_47 = arith.cmpi ne, %rem3A, %ne3A_46 : i32
          %and3A_48 = arith.andi %ne3A, %ne3A_47 : i1
          %sub3A_49 = arith.constant 1 : i32
          %sub3A_50 = arith.subi %div3A, %sub3A_49 : i32
          %select_n3A = arith.select %and3A_48, %sub3A_50, %div3A : i32
          %mul3A_51 = arith.constant 16 : i32
          %mul3A_52 = arith.muli %select_n3A, %mul3A_51 : i32
          %get3A_53 = arith.index_cast %mul3A_52 : i32 to index
          %get3A_54 = tpu.vector_load %arg12[%get3A_53] {strides = array<i32>} : memref<1024xf32, #tpu.memory_space<vmem>>, vector<16xf32>,
          %get3A_55 = vector.shape_cast %get3A_54 : vector<16xf32> to vector<16xf32>
          %sub3A_56 = arith.subi %sub3A, %mul3A_52 : i32
          %eq3A_57 = vector.broadcast %sub3A_56 : i32 to vector<16xi32>
          %eq3A_58 = arith.cmpi eq, %iota3A, %eq3A_57 : vector<16xi32>
          %jit3A_59 = arith.constant 9.800000e-01 : f32
          %broadcast_in_dim3A = vector.broadcast %jit3A_59 : f32 to vector<16xf32>
          %select_n3A_60 = arith.select %eq3A_58, %broadcast_in_dim3A, %get3A_55 : vector<16xi1>, vector<16xf32>
          %swap3A = arith.index_cast %mul3A_52 : i32 to index
          %swap3A_61 = tpu.vector_load %arg12[%swap3A] {strides = array<i32>} : memref<1024xf32, #tpu.memory_space<vmem>>, vector<16xf32>,
          %swap3A_62 = vector.shape_cast %swap3A_61 : vector<16xf32> to vector<16xf32>
          %swap3A_63 = vector.shape_cast %select_n3A_60 : vector<16xf32> to vector<16xf32>
          tpu.vector_store %arg12[%swap3A], %swap3A_63 {strides = array<i32>} : memref<1024xf32, #tpu.memory_space<vmem>>, vector<16xf32>,
        } else {
        }
        %scan3A_32 = arith.constant 0 : i32
        scf.yield %scan3A_32 : i32
      }
      %scan3A_21 = arith.constant 64 : i32
      "tpu.region"() ({
        %run_scoped3A = tpu.sem_alloc : memref<!tpu.dma_semaphore, #tpu.memory_space<semaphore_mem>>
        %dma_start3A = tpu.memref_slice %arg6[%mul3A_15] : memref<16384xf32, #tpu.memory_space<hbm>> -> memref<1024xf32, #tpu.memory_space<hbm>>
        %dma_start3A_22 = tpu.memref_slice %arg6[%mul3A_15] : memref<16384xf32, #tpu.memory_space<hbm>> -> memref<1024xf32, #tpu.memory_space<hbm>>
        tpu.enqueue_dma source(%arg12 : memref<1024xf32, #tpu.memory_space<vmem>>) target(%dma_start3A_22 : memref<1024xf32, #tpu.memory_space<hbm>>) target_semaphore(%run_scoped3A : memref<!tpu.dma_semaphore, #tpu.memory_space<semaphore_mem>>)
        %dma_wait3A = tpu.memref_slice %arg6[%mul3A_15] : memref<16384xf32, #tpu.memory_space<hbm>> -> memref<1024xf32, #tpu.memory_space<hbm>>
        %dma_wait3A_23 = tpu.memref_slice %arg6[%mul3A_15] : memref<16384xf32, #tpu.memory_space<hbm>> -> memref<1024xf32, #tpu.memory_space<hbm>>
        tpu.wait_dma2 semaphore(%run_scoped3A : memref<!tpu.dma_semaphore, #tpu.memory_space<semaphore_mem>>) src(%arg12 : memref<1024xf32, #tpu.memory_space<vmem>>) dst(%dma_wait3A_23 : memref<1024xf32, #tpu.memory_space<hbm>>)
        tpu.yield
      }) : () -> ()
    } else {
    }
    return
  }
}

</mosaic_0001>

<sc_bundles>
// kernel: _run_sc.3.cloned.1.call-start
scs
__scs_entry_jumppad:
0x0: {  	(pc) =	sbr.rel $0x88, $3  }
0x1: {  	(tag) =	ssettag $0x0;
	lr =	simm.s32 $0x1  }
0x2: {  	[smem:$0x3F9F] =	sst lr;
	_ =	strace $0xD0000000  }
0x3: {  	_ = 	snop  }
0x4: {  	_ = 	snop  }
0x5: {  	_ = 	snop  }
0x6: {  	_ = 	snop  }
0x7: {  	_ = 	snop  }
__scs_overlays_trampoline_lowered:
0x8: {  	[smem:$0x3FAE] =	sst s0  }
0x9: {  	[smem:$0x3FAF] =	sst s1  }
0xa: {  	[smem:$0x3FB0] =	sst s2  }
0xb: {  	[smem:$0x3FB1] =	sst s3  }
0xc: {  	[smem:$0x3FB2] =	sst s4  }
0xd: {  	[smem:$0x3FB3] =	sst s5  }
0xe: {  	[smem:$0x3FB4] =	sst s6  }
0xf: {  	[smem:$0x3FB5] =	sst s7  }
0x10: {  	[smem:$0x3FB6] =	sst s8  }
0x11: {  	[smem:$0x3FB7] =	sst s9;
	s0 =	simm.s32 @!p0 $0x0  }
0x12: {  	s1 =	sld [smem:$0x3F9D];
	s0 =	simm.s32 @p0 $0x1  }
0x13: {  	[smem:$0x3FB8] =	sst s0;
	s0 =	simm.s32 @!p1 $0x0  }
0x14: {  	s2 =	sld [smem:$0x3F9C];
	s0 =	simm.s32 @p1 $0x1  }
0x15: {  	[smem:$0x3FB9] =	sst s0;
	s0 =	simm.s32 @!p2 $0x0  }
0x16: {  	s3 =	sld [smem:$0x3FDB];
	s0 =	simm.s32 @p2 $0x1  }
0x17: {  	s4 =	simm.s32 $0x1BF5;
	[smem:$0x3FBB] =	sst s0  }
0x18: {  	s0 =	sld [smem:$0x3F9E];
	_ =	swait.ge [sflag:s4], $0x0  }
0x19: {  	s7 =	sld [smem:$0x3F9F]  }
0x1a: {  	s8 =	sadd.s32 $0xFFFFE003, lr  }
0x1b: {  	s9 =	sadd.s32 $0xFFFFFEF7, lr;
	s5 =	simm.s32 $0xFFFFFFFF;
	p2 =	slt.u32 s8, $0xFFFFF086  }
0x1c: {  	p1 =	slt.u32 s9, $0xF7A;
	s5 =	simm.s32 @!p2 $0x0  }
0x1d: {  	s5 =	simm.s32 @p1 $0x1;
	p0 =	seq.s32 s7, s2  }
0x1e: {  	s7 =	smul.u32 @!p0 $0xF7A, s2;
	p2 =	seq.s32 @!p0 s5, $0x0  }
0x1f: {  	s9 =	smul.u32 $0xF7A, s1;
	s8 =	simm.s32 @!p0 $0x1BF5;
	p2 =	por !p2, p0  }
0x20: {  	[sflag:s8] =	ssyncset.s32 @!p0 $0xFFFFF086;
	s6 =	sadd.s32 @!p0 s3, s7;
	s7 =	simm.s32 @!p0 $0x108  }
0x21: {  	s3 =	sadd.s32 s3, s9;
	s6 =	sadd.s32 @!p0 $0x88, s6;
	s7 =	simm.s32 @p2 $0x1082  }
0x22: {  	[simem:s7], [sflag:s8] =	dma.local @!p0 [hbm:s6], $0xF7A  }
0x23: {  	s9 =	sor.u32 $0xD0000000, s2;
	s6 =	simm.s32 $0x108;
	_ =	swait.ge @!p0 [sflag:s8], $0x0  }
0x24: {  	s3 =	sadd.s32 $0x88, s3;
	s6 =	simm.s32 @!p1 $0x1082;
	[sflag:s4] =	ssyncset.s32 $0xFFFFF086  }
0x25: {  	[simem:s6], [sflag:s4] =	dma.local [hbm:s3], $0xF7A  }
0x26: {  	[smem:$0x3F9F] =	sst s1;
	(tag) =	ssettag s2;
	_ =	strace s9  }
0x27: {  	s1 =	sld [smem:$0x3FAF]  }
0x28: {  	s2 =	sld [smem:$0x3FB0]  }
0x29: {  	s4 =	sld [smem:$0x3FB2]  }
0x2a: {  	p0 =	seq.s32 s5, $0x0;
	s5 =	sld [smem:$0x3FB3]  }
0x2b: {  	s6 =	sld [smem:$0x3FB4]  }
0x2c: {  	s7 =	sld [smem:$0x3FB5]  }
0x2d: {  	s3 =	simm.s32 $0x108;
	s8 =	sld [smem:$0x3FB6]  }
0x2e: {  	s3 =	simm.s32 @!p0 $0x1082;
	s9 =	sld [smem:$0x3FB7]  }
0x2f: {  	lr =	sadd.s32 s0, s3;
	s0 =	sld [smem:$0x3FAE]  }
0x30: {  	s3 =	sld [smem:$0x3FB1]  }
0x31: {  	[smem:$0x3FBA] =	sst s10  }
0x32: {  	s10 =	sld [smem:$0x3FB8];
	_ =	sdelay $0x3  }
0x33: {  	p0 =	seq.s32 s10, $0x1;
	s10 =	sld [smem:$0x3FBA];
	_ =	sdelay $0x3  }
0x34: {  	[smem:$0x3FBA] =	sst s10  }
0x35: {  	s10 =	sld [smem:$0x3FB9];
	_ =	sdelay $0x3  }
0x36: {  	p1 =	seq.s32 s10, $0x1;
	s10 =	sld [smem:$0x3FBA];
	_ =	sdelay $0x3  }
0x37: {  	[smem:$0x3FBA] =	sst s10  }
0x38: {  	s10 =	sld [smem:$0x3FBB]  }
0x39: {  	_ = 	snop;
	(pc) =	sbr.ind lr, $3  }
0x3a: {  	_ = 	snop  }
0x3b: {  	_ = 	snop  }
0x3c: {  	p2 =	seq.s32 s10, $0x1;
	s10 =	sld [smem:$0x3FBA]  }
0x3d: {  	_ =	shalt  }
0x3e: {  	_ =	shalt  }
0x3f: {  	_ =	shalt  }
0x40: {  	_ =	shalt  }
0x41: {  	_ =	shalt  }
0x42: {  	_ =	shalt  }
0x43: {  	_ =	shalt  }
0x44: {  	_ =	shalt  }
0x45: {  	_ =	shalt  }
0x46: {  	_ =	shalt  }
0x47: {  	_ =	shalt  }
0x48: {  	_ =	shalt  }
0x49: {  	_ =	shalt  }
0x4a: {  	_ =	shalt  }
0x4b: {  	_ =	shalt  }
0x4c: {  	_ =	shalt  }
0x4d: {  	_ =	shalt  }
0x4e: {  	_ =	shalt  }
0x4f: {  	_ =	shalt  }
0x50: {  	_ =	shalt  }
0x51: {  	_ =	shalt  }
0x52: {  	_ =	shalt  }
0x53: {  	_ =	shalt  }
0x54: {  	_ =	shalt  }
0x55: {  	_ =	shalt  }
0x56: {  	_ =	shalt  }
0x57: {  	_ =	shalt  }
0x58: {  	_ =	shalt  }
0x59: {  	_ =	shalt  }
0x5a: {  	_ =	shalt  }
0x5b: {  	_ =	shalt  }
0x5c: {  	_ =	shalt  }
0x5d: {  	_ =	shalt  }
0x5e: {  	_ =	shalt  }
0x5f: {  	_ =	shalt  }
0x60: {  	_ =	shalt  }
0x61: {  	_ =	shalt  }
0x62: {  	_ =	shalt  }
0x63: {  	_ =	shalt  }
0x64: {  	_ =	shalt  }
0x65: {  	_ =	shalt  }
0x66: {  	_ =	shalt  }
0x67: {  	_ =	shalt  }
0x68: {  	_ =	shalt  }
0x69: {  	_ =	shalt  }
0x6a: {  	_ =	shalt  }
0x6b: {  	_ =	shalt  }
0x6c: {  	_ =	shalt  }
0x6d: {  	_ =	shalt  }
0x6e: {  	_ =	shalt  }
0x6f: {  	_ =	shalt  }
0x70: {  	_ =	shalt  }
0x71: {  	_ =	shalt  }
0x72: {  	_ =	shalt  }
0x73: {  	_ =	shalt  }
0x74: {  	_ =	shalt  }
0x75: {  	_ =	shalt  }
0x76: {  	_ =	shalt  }
0x77: {  	_ =	shalt  }
0x78: {  	_ =	shalt  }
0x79: {  	_ =	shalt  }
0x7a: {  	_ =	shalt  }
0x7b: {  	_ =	shalt  }
0x7c: {  	_ =	shalt  }
0x7d: {  	_ =	shalt  }
0x7e: {  	_ =	shalt  }
0x7f: {  	_ =	shalt  }
0x80: {  	_ =	shalt  }
0x81: {  	_ =	shalt  }
0x82: {  	_ =	shalt  }
0x83: {  	_ =	shalt  }
0x84: {  	_ =	shalt  }
0x85: {  	_ =	shalt  }
0x86: {  	_ =	shalt  }
0x87: {  	_ =	shalt  }
.Lfunc_end0:
.L_simem_size_0:
called_computation_lowered:
.L_overlay_start_0:
0x88: {  	s2 =	sld [smem:$0x3FD9]  }
0x89: {  	s3 =	sld [smem:$0x3FFE];
	_ =	sdelay $0x1  }
0x8a: {  	s1 =	srdreg.scid  }
0x8b: {  	s0 =	sand.u32 $0x1, s1  }
0x8c: {  	s14 =	sshll.u32 s0, $0xA;
	s2 =	sadd.s32 s3, s2  }
0x8d: {  	s2 =	sadd.s32 s2, s14  }
0x8e: {  	[smem:$0x3FC6] =	sst s2  }
0x8f: {  	_ = 	snop  }
0x90: {  	s2 =	sld [smem:$0x3FD0];
	_ =	sdelay $0x1  }
0x91: {  	s15 =	sld [smem:$0x3FC9]  }
0x92: {  	s5 =	simm.s32 $0xA;
	s6 =	simm.s32 $0x10;
	s4 =	sld [smem:$0x3FC8]  }
0x93: {  	[smem:s6], [sflag:s5] =	dma.local [hbm:s2], $0x1  }
0x94: {  	_ =	swait.eq [sflag:s5], $0x1  }
0x95: {  	[sflag:s5] =	ssyncset.done $0x0  }
0x96: {  	s16 =	sld [smem:$0x10];
	[sflag:s5] =	ssyncadd.s32 $0xFFFFFFFF  }
0x97: {  	s17 =	sld [smem:$0x11];
	(tm) =	ssettm $0x1  }
0x98: {  	s18 =	sld [smem:$0x3FFB];
	_ =	sdelay $0x3  }
0x99: {  	_ =	strace s18  }
0x9a: {  	s6 =	sld [smem:$0x3FFC];
	_ =	sdelay $0x3  }
0x9b: {  	_ =	strace s6  }
0x9c: {  	s6 =	sld [smem:$0x3FFD];
	_ =	sdelay $0x3  }
0x9d: {  	_ =	strace s6  }
0x9e: {  	_ =	strace $0x8FFFFFFF  }
0x9f: {  	s19 =	sld [smem:$0x3FDB];
	_ =	sdelay $0x1  }
0xa0: {  	s7 =	simm.s32 $_scs_section_size  }
0xa1: {  	s8 =	simm.s32 $_size__tile_overlayer_lowered;
	s9 =	simm.s32 $_tile_overlayer_lowered  }
0xa2: {  	s22 =	simm.s32 $0x1BFF;
	s21 =	sshll.u32 s9, $0x1;
	s6 =	sadd.s32 s7, s19  }
0xa3: {  	s10 =	simm.s32 $0x0;
	s20 =	sshll.u32 s8, $0x1;
	s8 =	sadd.s32 s21, s6  }
0xa4: {  	[timem:s10], [sflag:s22] =	dma.local [hbm:s8], s20  }
0xa5: {  	_ =	swait.ge [sflag:s22], s20  }
0xa6: {  	s7 =	ssub.s32 $0x0, s20;
	[sflag:s22] =	ssyncset.done $0x0  }
0xa7: {  	[sflag:s22] =	ssyncadd.s32 s7;
	_ =	sdelay $0x1  }
0xa8: {  	s23 =	simm.s32 $0x1B8B  }
0xa9: {  	_ =	swait.ge [sflag:s23], $0x1  }
0xaa: {  	[sflag:s23] =	ssyncset.done $0x0  }
0xab: {  	s25 =	simm.s32 $0x1B8E;
	s24 =	sld [smem:$0x3FFE];
	[sflag:s23] =	ssyncadd.s32 $0xFFFFFFFF  }
0xac: {  	s26 =	simm.s32 $execute0_lowered;
	[smem:$0x3FD2] =	sst s25  }
0xad: {  	s8 =	sshll.u32 s26, $0x1;
	_ =	strace $0x80000046;
	[dreg:$0x1] =	wrdreg $0xFFFFFFFF  }
0xae: {  	s28 =	simm.s32 $_size_execute0_lowered;
	s6 =	sadd.s32 s6, s8;
	[dreg:$0x0] =	wrdreg $0x0  }
0xaf: {  	s8 =	sshll.u32 s28, $0x1;
	[dreg:$0x2] =	wrdreg s6  }
0xb0: {  	[dreg:$0x3] =	wrdreg s8  }
0xb1: {  	[dreg:$0x4] =	wrdreg $0xC0  }
0xb2: {  	_ =	task [dreg:s10], $0x5FFFF  }
0xb3: {  	[dreg:$0x1] =	wrdreg $0xFFFFFFFF  }
0xb4: {  	[dreg:$0x0] =	wrdreg $0x60  }
0xb5: {  	[dreg:$0x2] =	wrdreg s15  }
0xb6: {  	[dreg:$0x3] =	wrdreg s24  }
0xb7: {  	[dreg:$0x4] =	wrdreg s4  }
0xb8: {  	[dreg:$0x5] =	wrdreg s16  }
0xb9: {  	[dreg:$0x6] =	wrdreg s17  }
0xba: {  	[dreg:$0x7] =	wrdreg $0x11D180  }
0xbb: {  	[dreg:$0x8] =	wrdreg $0x11D000  }
0xbc: {  	[dreg:$0x9] =	wrdreg $0x11E200  }
0xbd: {  	[dreg:$0xa] =	wrdreg $0x9  }
0xbe: {  	_ =	task.clear_ibuf [dreg:s10], $0xBFFFF;
	_ =	strace $0x90000046  }
0xbf: {  	s29 =	simm.s32 $0x9;
	_ =	strace $0x80000048  }
0xc0: {  	_ =	swait.ge [sflag:s29], $0x1  }
0xc1: {  	[sflag:s29] =	ssyncadd.s32 $0xFFFFFFFF  }
0xc2: {  	_ =	strace $0x90000048  }
0xc3: {  	_ =	sfence  }
0xc4: {  	s30 =	sld [smem:$0x0];
	_ =	sdelay $0x2  }
0xc5: {  	s31 =	sshll.u32 s1, $0xD;
	s1 =	sshrl.u32 s1, $0x2  }
0xc6: {  	s3 =	sand.u32 $0x4000, s31;
	s1 =	sadd.s32 s1, s30  }
0xc7: {  	s0 =	sor.u32 s3, s0;
	s1 =	sshll.u32 s1, $0x11  }
0xc8: {  	s0 =	sor.u32 s1, s0  }
0xc9: {  	s0 =	sadd.s32 $0x8F2B, s0  }
0xca: {  	[sflag:s0] =	ssyncadd.remote.s32 $0x1  }
0xcb: {  	_ =	sfence.sel $0xFFFF  }
0xcc: {  	[dreg:$0x0] =	wrdreg $0xFFFFFFFF;
	(pc) =	sbr.abs _section_cstart, $3  }
0xcd: {  	[dreg:$0x1] =	wrdreg $0xFFFFFFFF  }
0xce: {  	_ =	task.clear_ibuf [dreg:s10], $0x2FFFF;
	_ =	strace $0x9FFFFFFF  }
0xcf: {  	(tm) =	ssettm $0x7FFFFFFF  }
tec
execute0_lowered:
.L_overlay_start_1:
0x0: {  	(tag) =	ssettag $0x1  }
0x1: {  	s8 =	rddreg [dreg:$0x0]  }
0x2: {  	s1 =	rddreg [dreg:$0x1]  }
0x3: {  	s2 =	rddreg [dreg:$0x2]  }
0x4: {  	s3 =	rddreg [dreg:$0x4]  }
0x5: {  	s0 =	rddreg [dreg:$0x5]  }
0x6: {  	s12 =	rddreg [dreg:$0x6]  }
0x7: {  	s14 =	rddreg [dreg:$0x7]  }
0x8: {  	s16 =	simm.s32 $0x0;
	s4 =	srdreg.scid;
	s15 =	stileid.u32  }
0x9: {  	[smem:$0x7FF] =	sst s16;
	s17 =	sadd.s32 $0x800, s1;
	s29 =	sand.u32 $0x1, s4  }
0xa: {  	s30 =	sshll.u32 s15, $0x2;
	s5 =	sshll.u32 s15, $0x10;
	s6 =	sshll.u32 s15, $0x9  }
0xb: {  	s20 =	sshllo.u32 s15, $0x2;
	s23 =	sshll.u32 s15, $0x7;
	_ =	strace $0x80000047  }
0xc: {  	s7 =	sor.u32 $0x1, s30;
	s9 =	ssub.s32 $0x2, s29;
	s6 =	sor.u32 s6, s5  }
0xd: {  	s4 =	sor.u32 $0x2, s30;
	s21 =	sshll.u32 s20, $0x7;
	s2 =	sadd.s32 s2, s23  }
0xe: {  	s24 =	sadd.s32 s3, s23;
	p0 =	sne.s32 s29, $0x0;
	s1 =	sor.u32 s15, s29  }
0xf: {  	s29 =	sshll.u32 s20, $0x6;
	s30 =	sshll.u32 s15, $0x4;
	s20 =	simm.s32 $0x4000  }
0x10: {  	s23 =	simm.s32 $0x10880;
	s10 =	sshll.u32 s7, $0x7;
	s11 =	sshrl.u32 s9, $0x1  }
0x11: {  	s6 =	sand.u32 $0xE0200, s6;
	s18 =	sshll.u32 s4, $0x7;
	[dreg:$0x11] =	wrdreg s2  }
0x12: {  	s22 =	sshll.u32 s7, $0x6;
	[dreg:$0x12] =	wrdreg s24;
	s28 =	sshll.u32 s4, $0x6  }
0x13: {  	p1 =	sne.s32 s1, $0x0;
	s4 =	simm.s32 $0x3F800000;
	s24 =	simm.s32 $0x0  }
0x14: {  	s10 =	sor.u32 s5, s10;
	s6 =	sshrl.u32 s6, $0x3;
	s2 =	sadd.s32 s28, s0  }
0x15: {  	s9 =	ssub.s32 s9, s11;
	s31 =	sadd.s32 s8, s6;
	[dreg:$0x15] =	wrdreg s2  }
0x16: {  	s10 =	sand.u32 $0xE0280, s10;
	s6 =	sadd.s32 s17, s6;
	[dreg:$0x9] =	wrdreg s31  }
0x17: {  	s2 =	simm.s32 $0x2;
	s10 =	sshrl.u32 s10, $0x3;
	[dreg:$0xa] =	wrdreg s6  }
0x18: {  	s6 =	sor.u32 s5, s18;
	s5 =	sor.u32 s5, s21;
	s31 =	sadd.s32 s30, s12  }
0x19: {  	s13 =	sadd.s32 s8, s10;
	s6 =	sand.u32 $0xE0300, s6;
	[dreg:$0x17] =	wrdreg s31  }
0x1a: {  	s10 =	sadd.s32 s17, s10;
	[dreg:$0xb] =	wrdreg s13;
	s6 =	sshrl.u32 s6, $0x3  }
0x1b: {  	s5 =	sand.u32 $0xE0380, s5;
	[dreg:$0xc] =	wrdreg s10;
	s18 =	sadd.s32 s8, s6  }
0x1c: {  	s5 =	sshrl.u32 s5, $0x3;
	s6 =	sadd.s32 s17, s6;
	[dreg:$0xe] =	wrdreg s18  }
0x1d: {  	s13 =	sshll.u32 s15, $0xA;
	s25 =	sadd.s32 s8, s5;
	[dreg:$0xf] =	wrdreg s6  }
0x1e: {  	s19 =	sshrl.u32 s13, $0x2;
	s26 =	sadd.s32 s17, s5;
	[dreg:$0x13] =	wrdreg s25  }
.Ltmp0:
0x1f: {  	v0 =	vlaneseq.u32;
	vm5 =	vcmask $0xB08;
	s10 =	sadd.s32 s19, s0;
	[dreg:$0x14] =	wrdreg s26;
	(pc) =	sbr.rel .LBB2_1-.Ltmp0, $4  }
0x20: {  	vm6 =	vcmask $0xF0C;
	vm7 =	vcmask $0x1310;
	vm8 =	vcmask $0x1714;
	s21 =	simm.s32 $0x8000;
	s6 =	sadd.s32 s22, s0;
	[dreg:$0xd] =	wrdreg s10  }
0x21: {  	vm9 =	vcmask $0x1B18;
	vm10 =	vcmask $0x1F1C;
	vm11 =	vcmask $0x2320;
	s15 =	simm.s32 $0x1;
	s0 =	sadd.s32 s29, s0;
	[dreg:$0x10] =	wrdreg s6  }
0x22: {  	vm12 =	vcmask $0x2724;
	vm13 =	vcmask $0x2B28;
	vm14 =	vcmask $0x2F2C;
	s18 =	simm.s32 $0x80;
	[dreg:$0x16] =	wrdreg s0;
	s6 =	smax.u32 s9, $0x1  }
0x23: {  	vm15 =	vcmask $0x3330;
	vm0 =	vcmask $0x3734;
	vm1 =	vcmask $0x3B38;
	s19 =	simm.s32 $0x400;
	s22 =	simm.s32 $0xC000;
	[dreg:$0x18] =	wrdreg s6  }
.LBB2_29:
0x24: {  	s24 =	sadd.s32 $0x1, s24  }
0x25: {  	p2 =	sne.s32 s24, s6  }
.Ltmp1:
0x26: {  	_ = 	snop;
	(pc) =	sbr.rel @!p2 .LBB2_30-.Ltmp1, $1  }
0x27: {  	_ =	sdelay $0x3  }
.LBB2_1:
.Ltmp2:
0x28: {  	(pc) =	sbr.rel @p0 .LBB2_13-.Ltmp2, $1  }
0x29: {  	_ =	sdelay $0x3  }
0x2a: {  	s1 =	simm.s32 $0x0;
	s0 =	rddreg [dreg:$0x9]  }
0x2b: {  	[tilespmem:s1], [sflag:$0x1] =	stream.strided.gather [hbm4b:s0+s18], $0x4000, s19, s18, $0x38;
	[tilespmem:$0x11E28] =	vst v63  }
0x2c: {  	s25 =	rddreg [dreg:$0xa]  }
0x2d: {  	[tilespmem:s20], [sflag:$0x1] =	stream.strided.gather [hbm4b:s25+s18], $0x4000, s19, s18, $0x38;
	[tilespmem:$0x11E28] =	vst v63  }
0x2e: {  	_ =	swait.ge [sflag:s15], $0x4000  }
0x2f: {  	[sflag:s15] =	ssyncset.done $0x0  }
0x30: {  	[sflag:s15] =	ssyncadd.s32 $0xFFFFC000  }
0x31: {  	_ =	swait.ge [sflag:s15], $0x4000  }
0x32: {  	[sflag:s15] =	ssyncset.done $0x0  }
0x33: {  	s26 =	rddreg [dreg:$0xb];
	[sflag:s15] =	ssyncadd.s32 $0xFFFFC000  }
0x34: {  	[tilespmem:s21], [sflag:$0x1] =	stream.strided.gather [hbm4b:s26+s18], $0x4000, s19, s18, $0x38;
	[tilespmem:$0x11E28] =	vst v63  }
0x35: {  	s28 =	rddreg [dreg:$0xc]  }
0x36: {  	[tilespmem:s22], [sflag:$0x1] =	stream.strided.gather [hbm4b:s28+s18], $0x4000, s19, s18, $0x38;
	[tilespmem:$0x11E28] =	vst v63  }
0x37: {  	v1 =	vld [tilespmem:$0x0]  }
0x38: {  	v2 =	vld [tilespmem:$0x10]  }
0x39: {  	v3 =	vld [tilespmem:$0x20]  }
0x3a: {  	v4 =	vld [tilespmem:$0x30];
	_ =	sdelay $0x1  }
0x3b: {  	[tilespmem:$0x10880] =	vst v1  }
0x3c: {  	[tilespmem:$0x10890] =	vst v2  }
0x3d: {  	[tilespmem:$0x108A0] =	vst v3  }
0x3e: {  	s29 =	rddreg [dreg:$0xd];
	[tilespmem:$0x108B0] =	vst v4  }
0x3f: {  	[spmem:s29] =	stream.linear.scatter [tilespmem:s23], [sflag:$0x2], $0x40, $0x38;
	[tilespmem:$0x11E28] =	vst v63  }
0x40: {  	_ =	swait.ge [sflag:s2], $0x40  }
0x41: {  	[sflag:s2] =	ssyncset.done $0x0  }
0x42: {  	s5 =	simm.s32 $0x4020;
	[sflag:s2] =	ssyncadd.s32 $0xFFFFFFC0  }
0x43: {  	s7 =	simm.s32 $0x20;
	v3 =	vld [tilespmem:s5+$0xFFFFFFE0]  }
0x44: {  	v1 =	vld [tilespmem:s7+$0xFFFFFFE0]  }
0x45: {  	v2 =	vld [tilespmem:s7+$0xFFFFFFF0]  }
0x46: {  	v4 =	vld [tilespmem:s7+$0x0]  }
0x47: {  	v5 =	vld [tilespmem:s7+$0x10]  }
0x48: {  	v6 =	vld [tilespmem:s5+$0xFFFFFFF0]  }
0x49: {  	s30 =	simm.s32 $0x10;
	s9 =	simm.s32 $0x20;
	v11 =	vor.u32 s1, v0;
	v8 =	vld [tilespmem:s5+$0x0]  }
0x4a: {  	v12 =	vor.u32 s30, v0;
	v13 =	vor.u32 s9, v0;
	v9 =	vld [tilespmem:s5+$0x10];
	v7 =	vmax.f32 v1, $0.0e+00  }
0x4b: {  	v10 =	vmax.f32 v2, $0.0e+00;
	v4 =	vmax.f32 v4, $0.0e+00;
	v7 =	vadd.f32 $9.999999970e-07, v7  }
0x4c: {  	v5 =	vmax.f32 v5, $0.0e+00;
	v10 =	vadd.f32 $9.999999970e-07, v10;
	v4 =	vadd.f32 $9.999999970e-07, v4  }
0x4d: {  	s1 =	simm.s32 $0x60;
	v1 =	vimm.f32 $-1.000000000e+00;
	v5 =	vadd.f32 $9.999999970e-07, v5;
	v3 =	vmul.f32 v7, v3  }
0x4e: {  	s31 =	simm.s32 $0x30;
	v14 =	vld [tilespmem:s1+$0xFFFFFFE0];
	v2 =	vimm.s32 $0x0;
	v15 =	vmul.f32 v10, v6;
	v19 =	vmul.f32 v4, v8  }
0x4f: {  	v17 =	vld [tilespmem:s1+$0xFFFFFFF0];
	v10 =	vmul.f32 v5, v9;
	v8 =	vor.u32 s31, v0;
	v9 =	vimm.f32 $-1.000000000e+00  }
0x50: {  	v16 =	vld [tilespmem:s1+$0x0];
	v6 =	vimm.f32 $-1.000000000e+00;
	vm2 =	vgt.f32 v3, v1;
	vm3 =	vgt.f32 v15, v1  }
0x51: {  	s7 =	simm.s32 $0x4060;
	v18 =	vld [tilespmem:s1+$0x10];
	vm4 =	vgt.f32 v19, v1;
	v4 =	vsel vm2, v3, v1;
	v5 =	vsel vm2, v11, v2  }
0x52: {  	s9 =	simm.s32 $0x80;
	s5 =	simm.s32 $0x40;
	v7 =	vld [tilespmem:s7+$0xFFFFFFE0];
	vm2 =	vgt.f32 v10, v1;
	v11 =	vimm.s32 $0x0;
	v3 =	vimm.s32 $0x0  }
.LBB2_3:
0x53: {  	p2 =	sne.s32 s9, $0x3FC0;
	v20 =	vld [tilespmem:s7+$0xFFFFFFF0];
	v1 =	vsel vm3, v15, v1;
	v9 =	vsel vm4, v19, v9;
	v6 =	vsel vm2, v10, v6  }
0x54: {  	v2 =	vsel vm3, v12, v2;
	v11 =	vsel vm4, v13, v11;
	v3 =	vsel vm2, v8, v3;
	v10 =	vld [tilespmem:s7+$0x0]  }
0x55: {  	v8 =	vmax.f32 v14, $0.0e+00;
	v21 =	vld [tilespmem:s7+$0x10]  }
0x56: {  	v22 =	vor.u32 s5, v0;
	v8 =	vadd.f32 $9.999999970e-07, v8;
	v12 =	vmax.f32 v17, $0.0e+00  }
0x57: {  	s10 =	sadd.s32 $0x10, s5;
	s7 =	sadd.s32 $0x40, s7;
	v12 =	vadd.f32 $9.999999970e-07, v12;
	v13 =	vmax.f32 v16, $0.0e+00;
	v14 =	vmax.f32 v18, $0.0e+00  }
.Ltmp3:
0x58: {  	s11 =	sadd.s32 $0x20, s5;
	s1 =	sadd.s32 $0x40, s1;
	v8 =	vmul.f32 v8, v7;
	v16 =	vadd.f32 $9.999999970e-07, v13;
	v7 =	vld [tilespmem:s7+$0xFFFFFFE0];
	v18 =	vadd.f32 $9.999999970e-07, v14;
	(pc) =	sbr.rel @p2 .LBB2_3-.Ltmp3, $4  }
0x59: {  	v13 =	vor.u32 s11, v0;
	v15 =	vmul.f32 v12, v20;
	v12 =	vor.u32 s10, v0;
	v14 =	vld [tilespmem:s1+$0xFFFFFFE0]  }
0x5a: {  	s10 =	sadd.s32 $0x30, s5;
	s5 =	smov.u32 s9;
	vm2 =	vgt.f32 v8, v4;
	v19 =	vmul.f32 v16, v10;
	v17 =	vld [tilespmem:s1+$0xFFFFFFF0];
	v10 =	vmul.f32 v18, v21  }
0x5b: {  	v4 =	vsel vm2, v8, v4;
	v5 =	vsel vm2, v22, v5;
	v8 =	vor.u32 s10, v0;
	v16 =	vld [tilespmem:s1+$0x0]  }
0x5c: {  	s9 =	sadd.s32 $0x40, s9;
	vm3 =	vgt.f32 v15, v1;
	vm4 =	vgt.f32 v19, v9;
	v18 =	vld [tilespmem:s1+$0x10];
	vm2 =	vgt.f32 v10, v6  }
0x5d: {  	v20 =	vld [tilespmem:s7+$0xFFFFFFF0]  }
0x5e: {  	v14 =	vmax.f32 v14, $0.0e+00  }
0x5f: {  	v14 =	vadd.f32 $9.999999970e-07, v14;
	v17 =	vmax.f32 v17, $0.0e+00  }
0x60: {  	v1 =	vsel vm3, v15, v1;
	v9 =	vsel vm4, v19, v9;
	v15 =	vadd.f32 $9.999999970e-07, v17  }
0x61: {  	v2 =	vsel vm3, v12, v2;
	v11 =	vsel vm4, v13, v11;
	v17 =	vld [tilespmem:s7+$0x0];
	v7 =	vmul.f32 v14, v7  }
0x62: {  	v12 =	vor.u32 s5, v0;
	v13 =	vmax.f32 v16, $0.0e+00;
	v14 =	vmul.f32 v15, v20  }
0x63: {  	s1 =	sadd.s32 $0x10, s5;
	v13 =	vadd.f32 $9.999999970e-07, v13;
	v15 =	vmax.f32 v18, $0.0e+00;
	vm3 =	vgt.f32 v7, v4  }
0x64: {  	v16 =	vld [tilespmem:s7+$0x10];
	v18 =	vor.u32 s1, v0;
	v4 =	vsel vm3, v7, v4;
	vm4 =	vgt.f32 v14, v1  }
0x65: {  	v5 =	vsel vm3, v12, v5;
	v1 =	vsel vm4, v14, v1;
	v2 =	vsel vm4, v18, v2  }
0x66: {  	v7 =	vmul.f32 v13, v17;
	vm3 =	veq.f32 v1, v4;
	vm4 =	vlt.s32 v2, v5  }
0x67: {  	v12 =	vadd.f32 $9.999999970e-07, v15;
	vm3 =	vmand vm3, vm4;
	vm4 =	vgt.f32 v1, v4  }
0x68: {  	v6 =	vsel vm2, v10, v6;
	s10 =	sadd.s32 $0x20, s5;
	vm3 =	vmor vm4, vm3;
	vm4 =	vgt.f32 v7, v9  }
0x69: {  	v10 =	vor.u32 s10, v0;
	v12 =	vmul.f32 v12, v16;
	v7 =	vsel vm4, v7, v9  }
0x6a: {  	v9 =	vsel vm4, v10, v11;
	v1 =	vsel vm3, v1, v4;
	v2 =	vsel vm3, v2, v5  }
0x6b: {  	v3 =	vsel vm2, v8, v3;
	vm2 =	veq.f32 v7, v1;
	vm3 =	vlt.s32 v9, v2  }
0x6c: {  	s11 =	sadd.s32 $0x30, s5;
	vm4 =	vgt.f32 v12, v6;
	vm2 =	vmand vm2, vm3;
	vm3 =	vgt.f32 v7, v1  }
0x6d: {  	v4 =	vor.u32 s11, v0;
	v5 =	vsel vm4, v12, v6;
	vm2 =	vmor vm3, vm2  }
0x6e: {  	v3 =	vsel vm4, v4, v3;
	v1 =	vsel vm2, v7, v1;
	v2 =	vsel vm2, v9, v2  }
0x6f: {  	vm2 =	veq.f32 v5, v1;
	vm3 =	vlt.s32 v3, v2  }
0x70: {  	vm4 =	vgt.f32 v5, v1;
	vm2 =	vmand vm2, vm3  }
0x71: {  	vm2 =	vmor vm4, vm2  }
0x72: {  	v1 =	vsel vm2, v5, v1  }
0x73: {  	[tilespmem:$0x11C00] =	vst v1  }
0x74: {  	[tilespmem:$0x11C10] =	vst v1  }
0x75: {  	v4 =	vld [tilespmem:$0x11C08];
	_ =	sdelay $0x4  }
0x76: {  	v4 =	vmax.f32 v1, v4  }
0x77: {  	[tilespmem:$0x11C00] =	vst v4  }
0x78: {  	[tilespmem:$0x11C10] =	vst v4  }
0x79: {  	v5 =	vld [tilespmem:$0x11C04];
	_ =	sdelay $0x4  }
0x7a: {  	v4 =	vmax.f32 v4, v5  }
0x7b: {  	[tilespmem:$0x11C00] =	vst v4  }
0x7c: {  	[tilespmem:$0x11C10] =	vst v4  }
0x7d: {  	v5 =	vld [tilespmem:$0x11C02];
	_ =	sdelay $0x4  }
0x7e: {  	v4 =	vmax.f32 v4, v5  }
0x7f: {  	[tilespmem:$0x11C00] =	vst v4  }
0x80: {  	[tilespmem:$0x11C10] =	vst v4  }
0x81: {  	v5 =	vld [tilespmem:$0x11C01];
	_ =	sdelay $0x4  }
0x82: {  	v4 =	vmax.f32 v4, v5  }
0x83: {  	v2 =	vsel vm2, v3, v2;
	vm2 =	veq.f32 v1, v4  }
0x84: {  	v1 =	vnsel vm2, $0x4000, v2  }
0x85: {  	[tilespmem:$0x11C80] =	vst v1  }
0x86: {  	[tilespmem:$0x11C90] =	vst v1  }
0x87: {  	v2 =	vld [tilespmem:$0x11C88];
	_ =	sdelay $0x4  }
0x88: {  	vm2 =	vlt.s32 v1, v2  }
0x89: {  	v1 =	vsel vm2, v1, v2  }
0x8a: {  	[tilespmem:$0x11C80] =	vst v1  }
0x8b: {  	[tilespmem:$0x11C90] =	vst v1  }
0x8c: {  	v2 =	vld [tilespmem:$0x11C84];
	_ =	sdelay $0x4  }
0x8d: {  	vm2 =	vlt.s32 v1, v2  }
0x8e: {  	v1 =	vsel vm2, v1, v2  }
0x8f: {  	[tilespmem:$0x11C80] =	vst v1  }
0x90: {  	[tilespmem:$0x11C90] =	vst v1  }
0x91: {  	v2 =	vld [tilespmem:$0x11C82];
	_ =	sdelay $0x4  }
0x92: {  	vm2 =	vlt.s32 v1, v2  }
0x93: {  	v1 =	vsel vm2, v1, v2  }
0x94: {  	[tilespmem:$0x11C80] =	vst v1  }
0x95: {  	[tilespmem:$0x11C90] =	vst v1  }
0x96: {  	v2 =	vld [tilespmem:$0x11C81];
	_ =	swait.ge [sflag:s15], $0x4000  }
0x97: {  	[sflag:s15] =	ssyncset.done $0x0  }
0x98: {  	[sflag:s15] =	ssyncadd.s32 $0xFFFFC000  }
0x99: {  	_ =	swait.ge [sflag:s15], $0x4000  }
0x9a: {  	[sflag:s15] =	ssyncset.done $0x0  }
0x9b: {  	s12 =	simm.s32 $0x0;
	s0 =	rddreg [dreg:$0xe];
	[sflag:s15] =	ssyncadd.s32 $0xFFFFC000  }
0x9c: {  	[tilespmem:s12], [sflag:$0x1] =	stream.strided.gather [hbm4b:s0+s18], $0x4000, s19, s18, $0x38;
	[tilespmem:$0x11E28] =	vst v63  }
0x9d: {  	s25 =	rddreg [dreg:$0xf]  }
0x9e: {  	[tilespmem:s20], [sflag:$0x1] =	stream.strided.gather [hbm4b:s25+s18], $0x4000, s19, s18, $0x38;
	[tilespmem:$0x11E28] =	vst v63  }
0x9f: {  	v3 =	vld [tilespmem:$0x8000]  }
0xa0: {  	v4 =	vld [tilespmem:$0x8010]  }
0xa1: {  	v5 =	vld [tilespmem:$0x8020]  }
0xa2: {  	v6 =	vld [tilespmem:$0x8030];
	_ =	sdelay $0x1  }
0xa3: {  	[tilespmem:$0x10880] =	vst v3  }
0xa4: {  	[tilespmem:$0x10890] =	vst v4  }
0xa5: {  	[tilespmem:$0x108A0] =	vst v5  }
0xa6: {  	s26 =	rddreg [dreg:$0x10];
	[tilespmem:$0x108B0] =	vst v6  }
0xa7: {  	[spmem:s26] =	stream.linear.scatter [tilespmem:s23], [sflag:$0x2], $0x40, $0x38;
	[tilespmem:$0x11E28] =	vst v63  }
0xa8: {  	_ =	swait.ge [sflag:s2], $0x40  }
0xa9: {  	[sflag:s2] =	ssyncset.done $0x0  }
0xaa: {  	s28 =	simm.s32 $0xC020;
	[sflag:s2] =	ssyncadd.s32 $0xFFFFFFC0  }
0xab: {  	s29 =	simm.s32 $0x8020;
	v5 =	vld [tilespmem:s28+$0xFFFFFFE0]  }
0xac: {  	v3 =	vld [tilespmem:s29+$0xFFFFFFE0]  }
0xad: {  	v4 =	vld [tilespmem:s29+$0xFFFFFFF0]  }
0xae: {  	v6 =	vld [tilespmem:s29+$0x0]  }
0xaf: {  	v7 =	vld [tilespmem:s29+$0x10]  }
0xb0: {  	s9 =	simm.s32 $0x20;
	v8 =	vld [tilespmem:s28+$0xFFFFFFF0]  }
0xb1: {  	s30 =	simm.s32 $0x10;
	v15 =	vor.u32 s9, v0;
	v10 =	vld [tilespmem:s28+$0x0]  }
0xb2: {  	v13 =	vor.u32 s12, v0;
	v14 =	vor.u32 s30, v0;
	v11 =	vld [tilespmem:s28+$0x10];
	v9 =	vmax.f32 v3, $0.0e+00  }
0xb3: {  	v12 =	vmax.f32 v4, $0.0e+00;
	v6 =	vmax.f32 v6, $0.0e+00;
	v9 =	vadd.f32 $9.999999970e-07, v9  }
0xb4: {  	v7 =	vmax.f32 v7, $0.0e+00;
	v12 =	vadd.f32 $9.999999970e-07, v12;
	v6 =	vadd.f32 $9.999999970e-07, v6  }
0xb5: {  	s1 =	simm.s32 $0x8060;
	v3 =	vimm.f32 $-1.000000000e+00;
	v7 =	vadd.f32 $9.999999970e-07, v7;
	v5 =	vmul.f32 v9, v5  }
0xb6: {  	s31 =	simm.s32 $0x30;
	v16 =	vld [tilespmem:s1+$0xFFFFFFE0];
	v4 =	vimm.s32 $0x0;
	v17 =	vmul.f32 v12, v8;
	v21 =	vmul.f32 v6, v10  }
0xb7: {  	v19 =	vld [tilespmem:s1+$0xFFFFFFF0];
	v12 =	vmul.f32 v7, v11;
	v10 =	vor.u32 s31, v0;
	v11 =	vimm.f32 $-1.000000000e+00  }
0xb8: {  	v18 =	vld [tilespmem:s1+$0x0];
	v8 =	vimm.f32 $-1.000000000e+00;
	vm2 =	vgt.f32 v5, v3;
	vm3 =	vgt.f32 v17, v3  }
0xb9: {  	s7 =	simm.s32 $0xC060;
	v20 =	vld [tilespmem:s1+$0x10];
	vm4 =	vgt.f32 v21, v3;
	v6 =	vsel vm2, v5, v3;
	v7 =	vsel vm2, v13, v4  }
0xba: {  	s5 =	simm.s32 $0x40;
	s9 =	simm.s32 $0x80;
	v9 =	vld [tilespmem:s7+$0xFFFFFFE0];
	vm2 =	vgt.f32 v12, v3;
	v13 =	vimm.s32 $0x0;
	v5 =	vimm.s32 $0x0  }
.LBB2_5:
0xbb: {  	p2 =	sne.s32 s9, $0x3FC0;
	v22 =	vld [tilespmem:s7+$0xFFFFFFF0];
	v3 =	vsel vm3, v17, v3;
	v11 =	vsel vm4, v21, v11;
	v8 =	vsel vm2, v12, v8  }
0xbc: {  	v4 =	vsel vm3, v14, v4;
	v13 =	vsel vm4, v15, v13;
	v5 =	vsel vm2, v10, v5;
	v12 =	vld [tilespmem:s7+$0x0]  }
0xbd: {  	v10 =	vmax.f32 v16, $0.0e+00;
	v23 =	vld [tilespmem:s7+$0x10]  }
0xbe: {  	v24 =	vor.u32 s5, v0;
	v10 =	vadd.f32 $9.999999970e-07, v10;
	v14 =	vmax.f32 v19, $0.0e+00  }
0xbf: {  	s10 =	sadd.s32 $0x10, s5;
	s7 =	sadd.s32 $0x40, s7;
	v14 =	vadd.f32 $9.999999970e-07, v14;
	v15 =	vmax.f32 v18, $0.0e+00;
	v16 =	vmax.f32 v20, $0.0e+00  }
.Ltmp4:
0xc0: {  	s11 =	sadd.s32 $0x20, s5;
	s1 =	sadd.s32 $0x40, s1;
	v10 =	vmul.f32 v10, v9;
	v18 =	vadd.f32 $9.999999970e-07, v15;
	v9 =	vld [tilespmem:s7+$0xFFFFFFE0];
	v20 =	vadd.f32 $9.999999970e-07, v16;
	(pc) =	sbr.rel @p2 .LBB2_5-.Ltmp4, $4  }
0xc1: {  	v15 =	vor.u32 s11, v0;
	v17 =	vmul.f32 v14, v22;
	v14 =	vor.u32 s10, v0;
	v16 =	vld [tilespmem:s1+$0xFFFFFFE0]  }
0xc2: {  	s10 =	sadd.s32 $0x30, s5;
	s5 =	smov.u32 s9;
	vm2 =	vgt.f32 v10, v6;
	v21 =	vmul.f32 v18, v12;
	v19 =	vld [tilespmem:s1+$0xFFFFFFF0];
	v12 =	vmul.f32 v20, v23  }
0xc3: {  	v6 =	vsel vm2, v10, v6;
	v7 =	vsel vm2, v24, v7;
	v10 =	vor.u32 s10, v0;
	v18 =	vld [tilespmem:s1+$0x0]  }
0xc4: {  	s9 =	sadd.s32 $0x40, s9;
	vm3 =	vgt.f32 v17, v3;
	vm4 =	vgt.f32 v21, v11;
	v20 =	vld [tilespmem:s1+$0x10];
	vm2 =	vgt.f32 v12, v8  }
0xc5: {  	v22 =	vld [tilespmem:s7+$0xFFFFFFF0]  }
0xc6: {  	v16 =	vmax.f32 v16, $0.0e+00  }
0xc7: {  	v16 =	vadd.f32 $9.999999970e-07, v16;
	v19 =	vmax.f32 v19, $0.0e+00  }
0xc8: {  	v3 =	vsel vm3, v17, v3;
	v11 =	vsel vm4, v21, v11;
	v17 =	vadd.f32 $9.999999970e-07, v19  }
0xc9: {  	v4 =	vsel vm3, v14, v4;
	v13 =	vsel vm4, v15, v13;
	v19 =	vld [tilespmem:s7+$0x0];
	v9 =	vmul.f32 v16, v9  }
0xca: {  	v14 =	vor.u32 s5, v0;
	v15 =	vmax.f32 v18, $0.0e+00;
	v16 =	vmul.f32 v17, v22  }
0xcb: {  	s1 =	sadd.s32 $0x10, s5;
	v15 =	vadd.f32 $9.999999970e-07, v15;
	v17 =	vmax.f32 v20, $0.0e+00;
	vm3 =	vgt.f32 v9, v6  }
0xcc: {  	v18 =	vld [tilespmem:s7+$0x10];
	v20 =	vor.u32 s1, v0;
	v6 =	vsel vm3, v9, v6;
	vm4 =	vgt.f32 v16, v3  }
0xcd: {  	v7 =	vsel vm3, v14, v7;
	v3 =	vsel vm4, v16, v3;
	v4 =	vsel vm4, v20, v4  }
0xce: {  	v9 =	vmul.f32 v15, v19;
	vm3 =	veq.f32 v3, v6;
	vm4 =	vlt.s32 v4, v7  }
0xcf: {  	v14 =	vadd.f32 $9.999999970e-07, v17;
	vm3 =	vmand vm3, vm4;
	vm4 =	vgt.f32 v3, v6  }
0xd0: {  	v8 =	vsel vm2, v12, v8;
	s10 =	sadd.s32 $0x20, s5;
	vm3 =	vmor vm4, vm3;
	vm4 =	vgt.f32 v9, v11  }
0xd1: {  	v12 =	vor.u32 s10, v0;
	v14 =	vmul.f32 v14, v18;
	v9 =	vsel vm4, v9, v11  }
0xd2: {  	v11 =	vsel vm4, v12, v13;
	v3 =	vsel vm3, v3, v6;
	v4 =	vsel vm3, v4, v7  }
0xd3: {  	v5 =	vsel vm2, v10, v5;
	vm2 =	veq.f32 v9, v3;
	vm3 =	vlt.s32 v11, v4  }
0xd4: {  	s11 =	sadd.s32 $0x30, s5;
	vm4 =	vgt.f32 v14, v8;
	vm2 =	vmand vm2, vm3;
	vm3 =	vgt.f32 v9, v3  }
0xd5: {  	v6 =	vor.u32 s11, v0;
	v7 =	vsel vm4, v14, v8;
	vm2 =	vmor vm3, vm2  }
0xd6: {  	v5 =	vsel vm4, v6, v5;
	v3 =	vsel vm2, v9, v3;
	v4 =	vsel vm2, v11, v4  }
0xd7: {  	vm2 =	veq.f32 v7, v3;
	vm3 =	vlt.s32 v5, v4  }
0xd8: {  	vm4 =	vgt.f32 v7, v3;
	vm2 =	vmand vm2, vm3  }
0xd9: {  	vm2 =	vmor vm4, vm2  }
0xda: {  	v3 =	vsel vm2, v7, v3  }
0xdb: {  	[tilespmem:$0x11C00] =	vst v3  }
0xdc: {  	[tilespmem:$0x11C10] =	vst v3  }
0xdd: {  	v6 =	vld [tilespmem:$0x11C08];
	_ =	sdelay $0x4  }
0xde: {  	v6 =	vmax.f32 v3, v6  }
0xdf: {  	[tilespmem:$0x11C00] =	vst v6  }
0xe0: {  	[tilespmem:$0x11C10] =	vst v6  }
0xe1: {  	v7 =	vld [tilespmem:$0x11C04];
	_ =	sdelay $0x4  }
0xe2: {  	v6 =	vmax.f32 v6, v7  }
0xe3: {  	[tilespmem:$0x11C00] =	vst v6  }
0xe4: {  	[tilespmem:$0x11C10] =	vst v6  }
0xe5: {  	v7 =	vld [tilespmem:$0x11C02];
	_ =	sdelay $0x4  }
0xe6: {  	v6 =	vmax.f32 v6, v7  }
0xe7: {  	[tilespmem:$0x11C00] =	vst v6  }
0xe8: {  	[tilespmem:$0x11C10] =	vst v6  }
0xe9: {  	v7 =	vld [tilespmem:$0x11C01];
	_ =	sdelay $0x4  }
0xea: {  	v6 =	vmax.f32 v6, v7  }
0xeb: {  	v4 =	vsel vm2, v5, v4;
	vm2 =	veq.f32 v3, v6  }
0xec: {  	v3 =	vnsel vm2, $0x4000, v4  }
0xed: {  	[tilespmem:$0x11C80] =	vst v3  }
0xee: {  	[tilespmem:$0x11C90] =	vst v3  }
0xef: {  	v4 =	vld [tilespmem:$0x11C88];
	_ =	sdelay $0x4  }
0xf0: {  	vm2 =	vlt.s32 v3, v4  }
0xf1: {  	v3 =	vsel vm2, v3, v4  }
0xf2: {  	[tilespmem:$0x11C80] =	vst v3  }
0xf3: {  	[tilespmem:$0x11C90] =	vst v3  }
0xf4: {  	v4 =	vld [tilespmem:$0x11C84];
	_ =	sdelay $0x4  }
0xf5: {  	vm2 =	vlt.s32 v3, v4  }
0xf6: {  	v3 =	vsel vm2, v3, v4  }
0xf7: {  	[tilespmem:$0x11C80] =	vst v3  }
0xf8: {  	[tilespmem:$0x11C90] =	vst v3  }
0xf9: {  	v4 =	vld [tilespmem:$0x11C82];
	_ =	sdelay $0x4  }
0xfa: {  	vm2 =	vlt.s32 v3, v4  }
0xfb: {  	v3 =	vsel vm2, v3, v4  }
0xfc: {  	[tilespmem:$0x11C80] =	vst v3  }
0xfd: {  	[tilespmem:$0x11C90] =	vst v3  }
0xfe: {  	v4 =	vld [tilespmem:$0x11C81];
	_ =	swait.ge [sflag:s15], $0x4000  }
0xff: {  	[sflag:s15] =	ssyncset.done $0x0  }
0x100: {  	[sflag:s15] =	ssyncadd.s32 $0xFFFFC000  }
0x101: {  	_ =	swait.ge [sflag:s15], $0x4000  }
0x102: {  	[sflag:s15] =	ssyncset.done $0x0  }
0x103: {  	s0 =	rddreg [dreg:$0x13];
	[sflag:s15] =	ssyncadd.s32 $0xFFFFC000  }
0x104: {  	[tilespmem:s21], [sflag:$0x1] =	stream.strided.gather [hbm4b:s0+s18], $0x4000, s19, s18, $0x38;
	[tilespmem:$0x11E28] =	vst v63  }
0x105: {  	s12 =	rddreg [dreg:$0x14]  }
0x106: {  	[tilespmem:s22], [sflag:$0x1] =	stream.strided.gather [hbm4b:s12+s18], $0x4000, s19, s18, $0x38;
	[tilespmem:$0x11E28] =	vst v63  }
0x107: {  	v5 =	vld [tilespmem:$0x0]  }
0x108: {  	v6 =	vld [tilespmem:$0x10]  }
0x109: {  	v7 =	vld [tilespmem:$0x20]  }
0x10a: {  	v8 =	vld [tilespmem:$0x30];
	_ =	sdelay $0x1  }
0x10b: {  	[tilespmem:$0x10880] =	vst v5  }
0x10c: {  	[tilespmem:$0x10890] =	vst v6  }
0x10d: {  	[tilespmem:$0x108A0] =	vst v7  }
0x10e: {  	s25 =	rddreg [dreg:$0x15];
	[tilespmem:$0x108B0] =	vst v8  }
0x10f: {  	[spmem:s25] =	stream.linear.scatter [tilespmem:s23], [sflag:$0x2], $0x40, $0x38;
	[tilespmem:$0x11E28] =	vst v63  }
0x110: {  	_ =	swait.ge [sflag:s2], $0x40  }
0x111: {  	[sflag:s2] =	ssyncset.done $0x0  }
0x112: {  	s26 =	simm.s32 $0x4020;
	[sflag:s2] =	ssyncadd.s32 $0xFFFFFFC0  }
0x113: {  	s28 =	simm.s32 $0x20;
	v7 =	vld [tilespmem:s26+$0xFFFFFFE0]  }
0x114: {  	v5 =	vld [tilespmem:s28+$0xFFFFFFE0]  }
0x115: {  	v6 =	vld [tilespmem:s28+$0xFFFFFFF0]  }
0x116: {  	v8 =	vld [tilespmem:s28+$0x0]  }
0x117: {  	v9 =	vld [tilespmem:s28+$0x10]  }
0x118: {  	s9 =	simm.s32 $0x20;
	v10 =	vld [tilespmem:s26+$0xFFFFFFF0]  }
0x119: {  	s29 =	simm.s32 $0x0;
	s30 =	simm.s32 $0x10;
	v17 =	vor.u32 s9, v0;
	v12 =	vld [tilespmem:s26+$0x0]  }
0x11a: {  	v15 =	vor.u32 s29, v0;
	v16 =	vor.u32 s30, v0;
	v13 =	vld [tilespmem:s26+$0x10];
	v11 =	vmax.f32 v5, $0.0e+00  }
0x11b: {  	v14 =	vmax.f32 v6, $0.0e+00;
	v8 =	vmax.f32 v8, $0.0e+00;
	v11 =	vadd.f32 $9.999999970e-07, v11  }
0x11c: {  	v9 =	vmax.f32 v9, $0.0e+00;
	v14 =	vadd.f32 $9.999999970e-07, v14;
	v8 =	vadd.f32 $9.999999970e-07, v8  }
0x11d: {  	s1 =	simm.s32 $0x60;
	v5 =	vimm.f32 $-1.000000000e+00;
	v9 =	vadd.f32 $9.999999970e-07, v9;
	v7 =	vmul.f32 v11, v7  }
0x11e: {  	s31 =	simm.s32 $0x30;
	v18 =	vld [tilespmem:s1+$0xFFFFFFE0];
	v6 =	vimm.s32 $0x0;
	v19 =	vmul.f32 v14, v10;
	v23 =	vmul.f32 v8, v12  }
0x11f: {  	v21 =	vld [tilespmem:s1+$0xFFFFFFF0];
	v14 =	vmul.f32 v9, v13;
	v12 =	vor.u32 s31, v0;
	v13 =	vimm.f32 $-1.000000000e+00  }
0x120: {  	v20 =	vld [tilespmem:s1+$0x0];
	v10 =	vimm.f32 $-1.000000000e+00;
	vm2 =	vgt.f32 v7, v5;
	vm3 =	vgt.f32 v19, v5  }
0x121: {  	s7 =	simm.s32 $0x4060;
	v22 =	vld [tilespmem:s1+$0x10];
	vm4 =	vgt.f32 v23, v5;
	v8 =	vsel vm2, v7, v5;
	v9 =	vsel vm2, v15, v6  }
0x122: {  	s5 =	simm.s32 $0x40;
	s9 =	simm.s32 $0x80;
	v11 =	vld [tilespmem:s7+$0xFFFFFFE0];
	vm2 =	vgt.f32 v14, v5;
	v15 =	vimm.s32 $0x0;
	v7 =	vimm.s32 $0x0  }
.LBB2_7:
0x123: {  	p2 =	sne.s32 s9, $0x3FC0;
	v24 =	vld [tilespmem:s7+$0xFFFFFFF0];
	v5 =	vsel vm3, v19, v5;
	v13 =	vsel vm4, v23, v13;
	v10 =	vsel vm2, v14, v10  }
0x124: {  	v6 =	vsel vm3, v16, v6;
	v15 =	vsel vm4, v17, v15;
	v7 =	vsel vm2, v12, v7;
	v14 =	vld [tilespmem:s7+$0x0]  }
0x125: {  	v12 =	vmax.f32 v18, $0.0e+00;
	v25 =	vld [tilespmem:s7+$0x10]  }
0x126: {  	v26 =	vor.u32 s5, v0;
	v12 =	vadd.f32 $9.999999970e-07, v12;
	v16 =	vmax.f32 v21, $0.0e+00  }
0x127: {  	s10 =	sadd.s32 $0x10, s5;
	s7 =	sadd.s32 $0x40, s7;
	v16 =	vadd.f32 $9.999999970e-07, v16;
	v17 =	vmax.f32 v20, $0.0e+00;
	v18 =	vmax.f32 v22, $0.0e+00  }
.Ltmp5:
0x128: {  	s11 =	sadd.s32 $0x20, s5;
	s1 =	sadd.s32 $0x40, s1;
	v12 =	vmul.f32 v12, v11;
	v20 =	vadd.f32 $9.999999970e-07, v17;
	v11 =	vld [tilespmem:s7+$0xFFFFFFE0];
	v22 =	vadd.f32 $9.999999970e-07, v18;
	(pc) =	sbr.rel @p2 .LBB2_7-.Ltmp5, $4  }
0x129: {  	v17 =	vor.u32 s11, v0;
	v19 =	vmul.f32 v16, v24;
	v16 =	vor.u32 s10, v0;
	v18 =	vld [tilespmem:s1+$0xFFFFFFE0]  }
0x12a: {  	s10 =	sadd.s32 $0x30, s5;
	s5 =	smov.u32 s9;
	vm2 =	vgt.f32 v12, v8;
	v23 =	vmul.f32 v20, v14;
	v21 =	vld [tilespmem:s1+$0xFFFFFFF0];
	v14 =	vmul.f32 v22, v25  }
0x12b: {  	v8 =	vsel vm2, v12, v8;
	v9 =	vsel vm2, v26, v9;
	v12 =	vor.u32 s10, v0;
	v20 =	vld [tilespmem:s1+$0x0]  }
0x12c: {  	s9 =	sadd.s32 $0x40, s9;
	vm3 =	vgt.f32 v19, v5;
	vm4 =	vgt.f32 v23, v13;
	v22 =	vld [tilespmem:s1+$0x10];
	vm2 =	vgt.f32 v14, v10  }
0x12d: {  	v24 =	vld [tilespmem:s7+$0xFFFFFFF0]  }
0x12e: {  	v18 =	vmax.f32 v18, $0.0e+00  }
0x12f: {  	v18 =	vadd.f32 $9.999999970e-07, v18;
	v21 =	vmax.f32 v21, $0.0e+00  }
0x130: {  	v5 =	vsel vm3, v19, v5;
	v13 =	vsel vm4, v23, v13;
	v19 =	vadd.f32 $9.999999970e-07, v21  }
0x131: {  	v6 =	vsel vm3, v16, v6;
	v15 =	vsel vm4, v17, v15;
	v21 =	vld [tilespmem:s7+$0x0];
	v11 =	vmul.f32 v18, v11  }
0x132: {  	v16 =	vor.u32 s5, v0;
	v17 =	vmax.f32 v20, $0.0e+00;
	v18 =	vmul.f32 v19, v24  }
0x133: {  	s1 =	sadd.s32 $0x10, s5;
	v17 =	vadd.f32 $9.999999970e-07, v17;
	v19 =	vmax.f32 v22, $0.0e+00;
	vm3 =	vgt.f32 v11, v8  }
0x134: {  	v20 =	vld [tilespmem:s7+$0x10];
	v22 =	vor.u32 s1, v0;
	v8 =	vsel vm3, v11, v8;
	vm4 =	vgt.f32 v18, v5  }
0x135: {  	v9 =	vsel vm3, v16, v9;
	v5 =	vsel vm4, v18, v5;
	v6 =	vsel vm4, v22, v6  }
0x136: {  	v11 =	vmul.f32 v17, v21;
	vm3 =	veq.f32 v5, v8;
	vm4 =	vlt.s32 v6, v9  }
0x137: {  	v16 =	vadd.f32 $9.999999970e-07, v19;
	vm3 =	vmand vm3, vm4;
	vm4 =	vgt.f32 v5, v8  }
0x138: {  	v10 =	vsel vm2, v14, v10;
	s12 =	sadd.s32 $0x20, s5;
	vm3 =	vmor vm4, vm3;
	vm4 =	vgt.f32 v11, v13  }
0x139: {  	v14 =	vor.u32 s12, v0;
	v16 =	vmul.f32 v16, v20;
	v11 =	vsel vm4, v11, v13  }
0x13a: {  	v13 =	vsel vm4, v14, v15;
	v5 =	vsel vm3, v5, v8;
	v6 =	vsel vm3, v6, v9  }
0x13b: {  	v7 =	vsel vm2, v12, v7;
	vm2 =	veq.f32 v11, v5;
	vm3 =	vlt.s32 v13, v6  }
0x13c: {  	s25 =	sadd.s32 $0x30, s5;
	vm4 =	vgt.f32 v16, v10;
	vm2 =	vmand vm2, vm3;
	vm3 =	vgt.f32 v11, v5  }
0x13d: {  	v8 =	vor.u32 s25, v0;
	v9 =	vsel vm4, v16, v10;
	vm2 =	vmor vm3, vm2  }
0x13e: {  	v7 =	vsel vm4, v8, v7;
	v5 =	vsel vm2, v11, v5;
	v6 =	vsel vm2, v13, v6  }
0x13f: {  	vm2 =	veq.f32 v9, v5;
	vm3 =	vlt.s32 v7, v6  }
0x140: {  	vm4 =	vgt.f32 v9, v5;
	vm2 =	vmand vm2, vm3  }
0x141: {  	vm2 =	vmor vm4, vm2  }
0x142: {  	v5 =	vsel vm2, v9, v5  }
0x143: {  	[tilespmem:$0x11C00] =	vst v5  }
0x144: {  	[tilespmem:$0x11C10] =	vst v5  }
0x145: {  	v8 =	vld [tilespmem:$0x11C08];
	_ =	sdelay $0x4  }
0x146: {  	v8 =	vmax.f32 v5, v8  }
0x147: {  	[tilespmem:$0x11C00] =	vst v8  }
0x148: {  	[tilespmem:$0x11C10] =	vst v8  }
0x149: {  	v9 =	vld [tilespmem:$0x11C04];
	_ =	sdelay $0x4  }
0x14a: {  	v8 =	vmax.f32 v8, v9  }
0x14b: {  	[tilespmem:$0x11C00] =	vst v8  }
0x14c: {  	[tilespmem:$0x11C10] =	vst v8  }
0x14d: {  	v9 =	vld [tilespmem:$0x11C02];
	_ =	sdelay $0x4  }
0x14e: {  	v8 =	vmax.f32 v8, v9  }
0x14f: {  	[tilespmem:$0x11C00] =	vst v8  }
0x150: {  	[tilespmem:$0x11C10] =	vst v8  }
0x151: {  	v9 =	vld [tilespmem:$0x11C01];
	_ =	sdelay $0x4  }
0x152: {  	v8 =	vmax.f32 v8, v9  }
0x153: {  	v6 =	vsel vm2, v7, v6;
	vm2 =	veq.f32 v5, v8  }
0x154: {  	v5 =	vnsel vm2, $0x4000, v6  }
0x155: {  	[tilespmem:$0x11C80] =	vst v5  }
0x156: {  	[tilespmem:$0x11C90] =	vst v5  }
0x157: {  	v6 =	vld [tilespmem:$0x11C88];
	_ =	sdelay $0x4  }
0x158: {  	vm2 =	vlt.s32 v5, v6  }
0x159: {  	v5 =	vsel vm2, v5, v6  }
0x15a: {  	[tilespmem:$0x11C80] =	vst v5  }
0x15b: {  	[tilespmem:$0x11C90] =	vst v5  }
0x15c: {  	v6 =	vld [tilespmem:$0x11C84];
	_ =	sdelay $0x4  }
0x15d: {  	vm2 =	vlt.s32 v5, v6  }
0x15e: {  	v5 =	vsel vm2, v5, v6  }
0x15f: {  	[tilespmem:$0x11C80] =	vst v5  }
0x160: {  	[tilespmem:$0x11C90] =	vst v5  }
0x161: {  	v6 =	vld [tilespmem:$0x11C82];
	_ =	sdelay $0x4  }
0x162: {  	vm2 =	vlt.s32 v5, v6  }
0x163: {  	v5 =	vsel vm2, v5, v6  }
0x164: {  	[tilespmem:$0x11C80] =	vst v5  }
0x165: {  	[tilespmem:$0x11C90] =	vst v5  }
0x166: {  	v6 =	vld [tilespmem:$0x11C81];
	_ =	swait.ge [sflag:s15], $0x4000  }
0x167: {  	[sflag:s15] =	ssyncset.done $0x0  }
0x168: {  	[sflag:s15] =	ssyncadd.s32 $0xFFFFC000  }
0x169: {  	_ =	swait.ge [sflag:s15], $0x4000  }
0x16a: {  	[sflag:s15] =	ssyncset.done $0x0  }
0x16b: {  	[sflag:s15] =	ssyncadd.s32 $0xFFFFC000  }
0x16c: {  	v7 =	vld [tilespmem:$0x8000]  }
0x16d: {  	v8 =	vld [tilespmem:$0x8010]  }
0x16e: {  	v9 =	vld [tilespmem:$0x8020]  }
0x16f: {  	v10 =	vld [tilespmem:$0x8030];
	_ =	sdelay $0x1  }
0x170: {  	[tilespmem:$0x10880] =	vst v7  }
0x171: {  	[tilespmem:$0x10890] =	vst v8  }
0x172: {  	[tilespmem:$0x108A0] =	vst v9  }
0x173: {  	s0 =	rddreg [dreg:$0x16];
	[tilespmem:$0x108B0] =	vst v10  }
0x174: {  	[spmem:s0] =	stream.linear.scatter [tilespmem:s23], [sflag:$0x2], $0x40, $0x38;
	[tilespmem:$0x11E28] =	vst v63  }
0x175: {  	_ =	swait.ge [sflag:s2], $0x40  }
0x176: {  	[sflag:s2] =	ssyncset.done $0x0  }
0x177: {  	s26 =	simm.s32 $0xC020;
	[sflag:s2] =	ssyncadd.s32 $0xFFFFFFC0  }
0x178: {  	s28 =	simm.s32 $0x8020;
	v9 =	vld [tilespmem:s26+$0xFFFFFFE0]  }
0x179: {  	v7 =	vld [tilespmem:s28+$0xFFFFFFE0]  }
0x17a: {  	v8 =	vld [tilespmem:s28+$0xFFFFFFF0]  }
0x17b: {  	v10 =	vld [tilespmem:s28+$0x0]  }
0x17c: {  	v11 =	vld [tilespmem:s28+$0x10]  }
0x17d: {  	s9 =	simm.s32 $0x20;
	v12 =	vld [tilespmem:s26+$0xFFFFFFF0]  }
0x17e: {  	s29 =	simm.s32 $0x0;
	s30 =	simm.s32 $0x10;
	v19 =	vor.u32 s9, v0;
	v14 =	vld [tilespmem:s26+$0x0]  }
0x17f: {  	v17 =	vor.u32 s29, v0;
	v18 =	vor.u32 s30, v0;
	v15 =	vld [tilespmem:s26+$0x10];
	v13 =	vmax.f32 v7, $0.0e+00  }
0x180: {  	v16 =	vmax.f32 v8, $0.0e+00;
	v10 =	vmax.f32 v10, $0.0e+00;
	v13 =	vadd.f32 $9.999999970e-07, v13  }
0x181: {  	v11 =	vmax.f32 v11, $0.0e+00;
	v16 =	vadd.f32 $9.999999970e-07, v16;
	v10 =	vadd.f32 $9.999999970e-07, v10  }
0x182: {  	s1 =	simm.s32 $0x8060;
	v7 =	vimm.f32 $-1.000000000e+00;
	v11 =	vadd.f32 $9.999999970e-07, v11;
	v9 =	vmul.f32 v13, v9  }
0x183: {  	s31 =	simm.s32 $0x30;
	v20 =	vld [tilespmem:s1+$0xFFFFFFE0];
	v8 =	vimm.s32 $0x0;
	v21 =	vmul.f32 v16, v12;
	v25 =	vmul.f32 v10, v14  }
0x184: {  	v23 =	vld [tilespmem:s1+$0xFFFFFFF0];
	v16 =	vmul.f32 v11, v15;
	v14 =	vor.u32 s31, v0;
	v15 =	vimm.f32 $-1.000000000e+00  }
0x185: {  	v22 =	vld [tilespmem:s1+$0x0];
	v12 =	vimm.f32 $-1.000000000e+00;
	vm2 =	vgt.f32 v9, v7;
	vm3 =	vgt.f32 v21, v7  }
0x186: {  	s7 =	simm.s32 $0xC060;
	v24 =	vld [tilespmem:s1+$0x10];
	vm4 =	vgt.f32 v25, v7;
	v10 =	vsel vm2, v9, v7;
	v11 =	vsel vm2, v17, v8  }
0x187: {  	s5 =	simm.s32 $0x40;
	s9 =	simm.s32 $0x80;
	v13 =	vld [tilespmem:s7+$0xFFFFFFE0];
	vm2 =	vgt.f32 v16, v7;
	v17 =	vimm.s32 $0x0;
	v9 =	vimm.s32 $0x0  }
.LBB2_9:
0x188: {  	p2 =	sne.s32 s9, $0x3FC0;
	v26 =	vld [tilespmem:s7+$0xFFFFFFF0];
	v7 =	vsel vm3, v21, v7;
	v15 =	vsel vm4, v25, v15;
	v12 =	vsel vm2, v16, v12  }
0x189: {  	v8 =	vsel vm3, v18, v8;
	v17 =	vsel vm4, v19, v17;
	v9 =	vsel vm2, v14, v9;
	v16 =	vld [tilespmem:s7+$0x0]  }
0x18a: {  	v14 =	vmax.f32 v20, $0.0e+00;
	v27 =	vld [tilespmem:s7+$0x10]  }
0x18b: {  	v28 =	vor.u32 s5, v0;
	v14 =	vadd.f32 $9.999999970e-07, v14;
	v18 =	vmax.f32 v23, $0.0e+00  }
0x18c: {  	s10 =	sadd.s32 $0x10, s5;
	s7 =	sadd.s32 $0x40, s7;
	v18 =	vadd.f32 $9.999999970e-07, v18;
	v19 =	vmax.f32 v22, $0.0e+00;
	v20 =	vmax.f32 v24, $0.0e+00  }
.Ltmp6:
0x18d: {  	s11 =	sadd.s32 $0x20, s5;
	s1 =	sadd.s32 $0x40, s1;
	v14 =	vmul.f32 v14, v13;
	v22 =	vadd.f32 $9.999999970e-07, v19;
	v13 =	vld [tilespmem:s7+$0xFFFFFFE0];
	v24 =	vadd.f32 $9.999999970e-07, v20;
	(pc) =	sbr.rel @p2 .LBB2_9-.Ltmp6, $4  }
0x18e: {  	v19 =	vor.u32 s11, v0;
	v21 =	vmul.f32 v18, v26;
	v18 =	vor.u32 s10, v0;
	v20 =	vld [tilespmem:s1+$0xFFFFFFE0]  }
0x18f: {  	s10 =	sadd.s32 $0x30, s5;
	s5 =	smov.u32 s9;
	vm2 =	vgt.f32 v14, v10;
	v25 =	vmul.f32 v22, v16;
	v23 =	vld [tilespmem:s1+$0xFFFFFFF0];
	v16 =	vmul.f32 v24, v27  }
0x190: {  	v10 =	vsel vm2, v14, v10;
	v11 =	vsel vm2, v28, v11;
	v14 =	vor.u32 s10, v0;
	v22 =	vld [tilespmem:s1+$0x0]  }
0x191: {  	s9 =	sadd.s32 $0x40, s9;
	vm3 =	vgt.f32 v21, v7;
	vm4 =	vgt.f32 v25, v15;
	v24 =	vld [tilespmem:s1+$0x10];
	vm2 =	vgt.f32 v16, v12  }
0x192: {  	v26 =	vld [tilespmem:s7+$0xFFFFFFF0]  }
0x193: {  	v20 =	vmax.f32 v20, $0.0e+00  }
0x194: {  	v20 =	vadd.f32 $9.999999970e-07, v20;
	v23 =	vmax.f32 v23, $0.0e+00  }
0x195: {  	v7 =	vsel vm3, v21, v7;
	v15 =	vsel vm4, v25, v15;
	v40 =	vadd.f32 $9.999999970e-07, v23  }
0x196: {  	v41 =	vld [tilespmem:s7+$0x0];
	v8 =	vsel vm3, v18, v8;
	v17 =	vsel vm4, v19, v17;
	s1 =	sadd.s32 $0x10, s5;
	v13 =	vmul.f32 v20, v13  }
0x197: {  	v42 =	vor.u32 s5, v0;
	v47 =	vor.u32 s1, v0;
	v44 =	vmul.f32 v40, v26  }
0x198: {  	v43 =	vmax.f32 v22, $0.0e+00;
	v45 =	vmax.f32 v24, $0.0e+00;
	vm3 =	vgt.f32 v13, v10  }
0x199: {  	v46 =	vld [tilespmem:s7+$0x10];
	v19 =	vadd.f32 $9.999999970e-07, v43;
	v10 =	vsel vm3, v13, v10;
	vm4 =	vgt.f32 v44, v7  }
0x19a: {  	v11 =	vsel vm3, v42, v11;
	v7 =	vsel vm4, v44, v7;
	v8 =	vsel vm4, v47, v8  }
0x19b: {  	v48 =	vmul.f32 v19, v41;
	vm3 =	veq.f32 v7, v10;
	vm4 =	vlt.s32 v8, v11  }
0x19c: {  	v49 =	vadd.f32 $9.999999970e-07, v45;
	vm3 =	vmand vm3, vm4;
	vm4 =	vgt.f32 v7, v10  }
0x19d: {  	v12 =	vsel vm2, v16, v12;
	s25 =	sadd.s32 $0x20, s5;
	vm3 =	vmor vm4, vm3;
	vm4 =	vgt.f32 v48, v15  }
0x19e: {  	v50 =	vor.u32 s25, v0;
	v18 =	vmul.f32 v49, v46;
	v13 =	vsel vm4, v48, v15  }
0x19f: {  	v51 =	vsel vm4, v50, v17;
	v7 =	vsel vm3, v7, v10;
	v8 =	vsel vm3, v8, v11  }
0x1a0: {  	v9 =	vsel vm2, v14, v9;
	vm2 =	veq.f32 v13, v7;
	vm3 =	vlt.s32 v51, v8  }
0x1a1: {  	s26 =	sadd.s32 $0x30, s5;
	vm4 =	vgt.f32 v18, v12;
	vm2 =	vmand vm2, vm3;
	vm3 =	vgt.f32 v13, v7  }
0x1a2: {  	v52 =	vor.u32 s26, v0;
	v53 =	vsel vm4, v18, v12;
	vm2 =	vmor vm3, vm2  }
0x1a3: {  	v9 =	vsel vm4, v52, v9;
	v7 =	vsel vm2, v13, v7;
	v8 =	vsel vm2, v51, v8  }
0x1a4: {  	vm2 =	veq.f32 v53, v7;
	vm3 =	vlt.s32 v9, v8  }
0x1a5: {  	vm4 =	vgt.f32 v53, v7;
	vm2 =	vmand vm2, vm3  }
0x1a6: {  	vm2 =	vmor vm4, vm2  }
0x1a7: {  	v7 =	vsel vm2, v53, v7  }
0x1a8: {  	[tilespmem:$0x11C00] =	vst v7  }
0x1a9: {  	[tilespmem:$0x11C10] =	vst v7  }
0x1aa: {  	v54 =	vld [tilespmem:$0x11C08];
	_ =	sdelay $0x4  }
0x1ab: {  	v10 =	vmax.f32 v7, v54  }
0x1ac: {  	[tilespmem:$0x11C00] =	vst v10  }
0x1ad: {  	[tilespmem:$0x11C10] =	vst v10  }
0x1ae: {  	v55 =	vld [tilespmem:$0x11C04];
	_ =	sdelay $0x4  }
0x1af: {  	v10 =	vmax.f32 v10, v55  }
0x1b0: {  	[tilespmem:$0x11C00] =	vst v10  }
0x1b1: {  	[tilespmem:$0x11C10] =	vst v10  }
0x1b2: {  	v56 =	vld [tilespmem:$0x11C02];
	_ =	sdelay $0x4  }
0x1b3: {  	v10 =	vmax.f32 v10, v56  }
0x1b4: {  	[tilespmem:$0x11C00] =	vst v10  }
0x1b5: {  	[tilespmem:$0x11C10] =	vst v10  }
0x1b6: {  	v57 =	vld [tilespmem:$0x11C01];
	_ =	sdelay $0x4  }
0x1b7: {  	v10 =	vmax.f32 v10, v57  }
0x1b8: {  	v8 =	vsel vm2, v9, v8;
	vm2 =	veq.f32 v7, v10  }
0x1b9: {  	v7 =	vnsel vm2, $0x4000, v8  }
0x1ba: {  	[tilespmem:$0x11C80] =	vst v7  }
0x1bb: {  	[tilespmem:$0x11C90] =	vst v7  }
0x1bc: {  	v58 =	vld [tilespmem:$0x11C88];
	_ =	sdelay $0x4  }
0x1bd: {  	vm2 =	vlt.s32 v7, v58  }
0x1be: {  	v7 =	vsel vm2, v7, v58  }
0x1bf: {  	[tilespmem:$0x11C80] =	vst v7  }
0x1c0: {  	[tilespmem:$0x11C90] =	vst v7  }
0x1c1: {  	v59 =	vld [tilespmem:$0x11C84];
	_ =	sdelay $0x4  }
0x1c2: {  	vm2 =	vlt.s32 v7, v59  }
0x1c3: {  	v7 =	vsel vm2, v7, v59  }
0x1c4: {  	[tilespmem:$0x11C80] =	vst v7  }
0x1c5: {  	[tilespmem:$0x11C90] =	vst v7  }
0x1c6: {  	v60 =	vld [tilespmem:$0x11C82];
	_ =	sdelay $0x4  }
0x1c7: {  	vm2 =	vlt.s32 v7, v60  }
0x1c8: {  	v7 =	vsel vm2, v7, v60  }
0x1c9: {  	[tilespmem:$0x11C80] =	vst v7  }
0x1ca: {  	[tilespmem:$0x11C90] =	vst v7  }
0x1cb: {  	v61 =	vld [tilespmem:$0x11C81];
	_ =	sdelay $0x1  }
0x1cc: {  	vm2 =	vlt.s32 v1, v2  }
0x1cd: {  	vm3 =	vlt.s32 v3, v4;
	vm4 =	vlt.s32 v5, v6;
	v1 =	vsel vm2, v1, v2  }
0x1ce: {  	v2 =	vsel vm3, v3, v4;
	v3 =	vsel vm4, v5, v6;
	vm3 =	vmmov $0x1  }
0x1cf: {  	v2 =	vbroadcast v2, $0x0;
	v1 =	vnsel vm3, $0x0, v1;
	vm2 =	vlt.s32 v7, v61  }
0x1d0: {  	v3 =	vbroadcast v3, $0x0;
	v62 =	vsel vm2, v7, v61;
	vm2 =	vcmask $0x310  }
0x1d1: {  	v1 =	vsel vm2, v1, v2;
	v2 =	vbroadcast v62, $0x0;
	vm2 =	vcmask $0x710  }
0x1d2: {  	v1 =	vsel vm2, v1, v3;
	vm2 =	vcmask $0xB10  }
0x1d3: {  	v1 =	vsel vm2, v1, v2  }
0x1d4: {  	s0 =	rddreg [dreg:$0x17];
	s28 =	simm.s32 $0x10800;
	[tilespmem:$0x10800] =	vst v1  }
0x1d5: {  	[spmem:s0] =	stream.linear.scatter [tilespmem:s28], [sflag:$0x2], $0x10, $0x38;
	[tilespmem:$0x11E28] =	vst v63  }
0x1d6: {  	_ =	swait.ge [sflag:s2], $0x10  }
0x1d7: {  	s29 =	simm.s32 $0x0;
	[sflag:s2] =	ssyncset.done $0x0  }
0x1d8: {  	s3 =	simm.s32 $0x10000;
	s30 =	rddreg [dreg:$0x11];
	[sflag:s2] =	ssyncadd.s32 $0xFFFFFFF0  }
0x1d9: {  	[tilespmem:s3], [sflag:$0x2] =	stream.linear.gather [hbm4b:s30+s29], $0x400, $0x38;
	[tilespmem:$0x11E28] =	vst v63  }
0x1da: {  	_ =	swait.ge [sflag:s2], $0x400  }
0x1db: {  	[sflag:s2] =	ssyncset.done $0x0  }
0x1dc: {  	s10 =	simm.s32 $0x0;
	[sflag:s2] =	ssyncadd.s32 $0xFFFFFC00  }
0x1dd: {  	v1 =	vld [tilespmem:s10+$0x10000];
	_ =	sdelay $0x4  }
0x1de: {  	s7 =	simm.s32 $0x10;
	v1 =	vsub.f32 $0.0e+00, v1  }
0x1df: {  	v2 =	vld [tilespmem:s7+$0x10000]  }
0x1e0: {  	v1 =	vmul.f32 $1.442695020e+00, v1  }
0x1e1: {  	s5 =	simm.s32 $0x20  }
0x1e2: {  	(erf) = vpow2.f32 v1;
	v1 =	vld [tilespmem:s5+$0x10000];
	_ =	sdelay $0x1  }
0x1e3: {  	v2 =	vsub.f32 $0.0e+00, v2;
	_ =	sdelay $0x1  }
0x1e4: {  	v2 =	vmul.f32 $1.442695020e+00, v2  }
0x1e5: {  	v1 =	vsub.f32 $0.0e+00, v1  }
0x1e6: {  	s31 =	simm.s32 $0x30;
	(erf) = vpow2.f32 v2  }
0x1e7: {  	v3 =	vld [tilespmem:s31+$0x10000];
	v1 =	vmul.f32 $1.442695020e+00, v1;
	_ =	sdelay $0x1  }
0x1e8: {  	v2 =	vpop (erf);
	(erf) = vpow2.f32 v1  }
0x1e9: {  	s1 =	simm.s32 $0x40;
	v2 =	vadd.f32 $1.000000000e+00, v2  }
0x1ea: {  	v1 =	vld [tilespmem:s1+$0x10000]  }
0x1eb: {  	(erf) = vrcp.f32 v2;
	v2 =	vsub.f32 $0.0e+00, v3;
	_ =	sdelay $0x1  }
0x1ec: {  	v2 =	vmul.f32 $1.442695020e+00, v2  }
0x1ed: {  	v3 =	vpop (erf)  }
0x1ee: {  	v3 =	vadd.f32 $1.000000000e+00, v3;
	v1 =	vsub.f32 $0.0e+00, v1  }
0x1ef: {  	(erf) = vpow2.f32 v2  }
0x1f0: {  	v63 =	vmul.f32 $1.442695020e+00, v1;
	(erf) = vrcp.f32 v3;
	v2 =	vpop (erf)  }
0x1f1: {  	s9 =	simm.s32 $0x50;
	v2 =	vadd.f32 $1.000000000e+00, v2  }
0x1f2: {  	v1 =	vld [tilespmem:s9+$0x10000];
	(erf) = vpow2.f32 v63  }
0x1f3: {  	v3 =	vpop (erf);
	(erf) = vrcp.f32 v2  }
0x1f4: {  	p2 =	slt.u32 s13, $0x40  }
0x1f5: {  	v3 =	vpsel p2, $0x3F800000, v3  }
0x1f6: {  	s11 =	simm.s32 $0x180;
	[tilespmem:s10+$0x10400] =	vst v3;
	s10 =	smov.u32 s13  }
.LBB2_11:
0x1f7: {  	s12 =	sshra.s32 s11, $0x2;
	v2 =	vsub.f32 $0.0e+00, v1;
	p2 =	sne.s32 s11, $0xFC0  }
.Ltmp7:
0x1f8: {  	s11 =	sadd.s32 $0x40, s11;
	s10 =	sadd.s32 $0x10, s10;
	v1 =	vld [tilespmem:s12+$0x10000];
	v3 =	vpop (erf);
	(pc) =	sbr.rel @p2 .LBB2_11-.Ltmp7, $4  }
0x1f9: {  	p3 =	slt.u32 s10, $0x40;
	v2 =	vmul.f32 $1.442695020e+00, v2;
	v4 =	vpop (erf)  }
0x1fa: {  	v3 =	vadd.f32 $1.000000000e+00, v3;
	v4 =	vpsel p3, $0x3F800000, v4  }
0x1fb: {  	(erf) = vpow2.f32 v2;
	[tilespmem:s7+$0x10400] =	vst v4;
	s7 =	smov.u32 s5;
	s5 =	smov.u32 s31;
	s31 =	smov.u32 s1  }
0x1fc: {  	s1 =	smov.u32 s9;
	s9 =	smov.u32 s12;
	(erf) = vrcp.f32 v3  }
0x1fd: {  	v1 =	vsub.f32 $0.0e+00, v1;
	_ =	sdelay $0x1  }
0x1fe: {  	v1 =	vmul.f32 $1.442695020e+00, v1;
	_ =	sdelay $0x1  }
0x1ff: {  	(erf) = vpow2.f32 v1;
	_ =	sdelay $0x4  }
0x200: {  	v1 =	vpop (erf)  }
0x201: {  	v2 =	vpop (erf)  }
0x202: {  	v3 =	vpop (erf)  }
0x203: {  	v1 =	vadd.f32 $1.000000000e+00, v1;
	v4 =	vpop (erf)  }
0x204: {  	v3 =	vadd.f32 $1.000000000e+00, v3;
	v5 =	vpop (erf)  }
0x205: {  	(erf) = vrcp.f32 v1;
	v1 =	vadd.f32 $1.000000000e+00, v5  }
0x206: {  	(erf) = vrcp.f32 v3  }
0x207: {  	(erf) = vrcp.f32 v1;
	_ =	sdelay $0x3  }
0x208: {  	s10 =	sadd.s32 $0x10, s10  }
0x209: {  	p2 =	slt.u32 s10, $0x40;
	s10 =	sadd.s32 $0x10, s10  }
0x20a: {  	p3 =	slt.u32 s10, $0x40;
	s10 =	sadd.s32 $0x10, s10;
	v1 =	vpsel p2, $0x3F800000, v2  }
0x20b: {  	p4 =	slt.u32 s10, $0x40;
	s29 =	sadd.s32 $0x10, s10;
	[tilespmem:s7+$0x10400] =	vst v1;
	v1 =	vpsel p3, $0x3F800000, v4;
	v2 =	vpop (erf)  }
0x20c: {  	p5 =	slt.u32 s29, $0x40;
	s30 =	sadd.s32 $0x10, s29;
	[tilespmem:s5+$0x10400] =	vst v1;
	v1 =	vpsel p4, $0x3F800000, v2;
	v2 =	vpop (erf)  }
0x20d: {  	p6 =	slt.u32 s30, $0x40;
	[tilespmem:s31+$0x10400] =	vst v1;
	v1 =	vpsel p5, $0x3F800000, v2;
	v2 =	vpop (erf)  }
0x20e: {  	[tilespmem:s1+$0x10400] =	vst v1;
	v1 =	vpsel p6, $0x3F800000, v2  }
0x20f: {  	[tilespmem:s9+$0x10400] =	vst v1  }
.LBB2_13:
.Ltmp8:
0x210: {  	(pc) =	sbr.rel @p1 .LBB2_25-.Ltmp8, $2  }
0x211: {  	_ =	sdelay $0x1  }
0x212: {  	[bflag:$0x0] =	sbarrier.arrive $0xFFFF;
	_ =	sdelay $0x1  }
0x213: {  	s0 =	rddreg [dreg:$0x6];
	s1 =	simm.s32 $0x11980  }
0x214: {  	[tilespmem:s1], [sflag:$0x2] =	stream.linear.gather [spmem:s0], $0x180, $0x38;
	[tilespmem:$0x11E28] =	vst v63  }
0x215: {  	_ =	swait.ge [sflag:s2], $0x180  }
0x216: {  	[sflag:s2] =	ssyncset.done $0x0  }
0x217: {  	[sflag:s2] =	ssyncadd.s32 $0xFFFFFE80  }
0x218: {  	s31 =	simm.s32 $0x10900;
	s30 =	rddreg [dreg:$0x5]  }
0x219: {  	[tilespmem:s31], [sflag:$0x2] =	stream.linear.gather [spmem:s30], $0x1080, $0x38;
	[tilespmem:$0x11E28] =	vst v63  }
0x21a: {  	_ =	swait.ge [sflag:s2], $0x1080  }
0x21b: {  	[sflag:s2] =	ssyncset.done $0x0  }
0x21c: {  	[sflag:s2] =	ssyncadd.s32 $0xFFFFEF80  }
0x21d: {  	v1 =	vld [tilespmem:$0x11980]  }
0x21e: {  	v2 =	vld [tilespmem:$0x11981]  }
0x21f: {  	v3 =	vld [tilespmem:$0x11982]  }
0x220: {  	v4 =	vld [tilespmem:$0x11983]  }
0x221: {  	v5 =	vld [tilespmem:$0x11990]  }
0x222: {  	(v2sf) =	vpush v1, $0x0;
	v1 =	vld [tilespmem:$0x11991]  }
0x223: {  	(v2sf) =	vpush v2, $0x0;
	v2 =	vld [tilespmem:$0x11992]  }
0x224: {  	(v2sf) =	vpush v3, $0x0;
	v3 =	vld [tilespmem:$0x11993]  }
0x225: {  	v41 =	vld [tilespmem:$0x119A0];
	(v2sf) =	vpush v4, $0x0  }
0x226: {  	v42 =	vld [tilespmem:$0x119A1];
	(v2sf) =	vpush v5, $0x0  }
0x227: {  	(v2sf) =	vpush v1, $0x0;
	v1 =	vld [tilespmem:$0x119A2]  }
0x228: {  	(v2sf) =	vpush v2, $0x0;
	v2 =	vld [tilespmem:$0x119A3]  }
0x229: {  	(v2sf) =	vpush v3, $0x0;
	v3 =	vld [tilespmem:$0x119B0]  }
0x22a: {  	v43 =	vld [tilespmem:$0x119B1];
	(v2sf) =	vpush v41, $0x0  }
0x22b: {  	v44 =	vld [tilespmem:$0x119B2];
	(v2sf) =	vpush v42, $0x0  }
0x22c: {  	(v2sf) =	vpush v1, $0x0;
	v1 =	vld [tilespmem:$0x119B3]  }
0x22d: {  	(v2sf) =	vpush v2, $0x0;
	v2 =	vld [tilespmem:$0x119C0]  }
0x22e: {  	(v2sf) =	vpush v3, $0x0;
	v3 =	vld [tilespmem:$0x119C1]  }
0x22f: {  	v45 =	vld [tilespmem:$0x119C2];
	(v2sf) =	vpush v43, $0x0  }
0x230: {  	v46 =	vld [tilespmem:$0x119C3];
	(v2sf) =	vpush v44, $0x0  }
0x231: {  	s0 =	spop (v2sf);
	(v2sf) =	vpush v1, $0x0;
	v1 =	vld [tilespmem:$0x119D0]  }
0x232: {  	[smem:$0x200] =	sst s0;
	s3 =	spop (v2sf);
	(v2sf) =	vpush v2, $0x0;
	v2 =	vld [tilespmem:$0x119D1]  }
0x233: {  	[smem:$0x201] =	sst s3;
	s5 =	spop (v2sf);
	(v2sf) =	vpush v3, $0x0;
	v3 =	vld [tilespmem:$0x119D2]  }
0x234: {  	v47 =	vld [tilespmem:$0x119D3];
	[smem:$0x202] =	sst s5;
	s6 =	spop (v2sf);
	(v2sf) =	vpush v45, $0x0  }
0x235: {  	v48 =	vld [tilespmem:$0x119E0];
	[smem:$0x203] =	sst s6;
	s7 =	spop (v2sf);
	(v2sf) =	vpush v46, $0x0  }
0x236: {  	[smem:$0x204] =	sst s7;
	s9 =	spop (v2sf);
	(v2sf) =	vpush v1, $0x0;
	v1 =	vld [tilespmem:$0x119E1]  }
0x237: {  	[smem:$0x205] =	sst s9;
	s10 =	spop (v2sf);
	(v2sf) =	vpush v2, $0x0;
	v2 =	vld [tilespmem:$0x119E2]  }
0x238: {  	[smem:$0x206] =	sst s10;
	s11 =	spop (v2sf);
	(v2sf) =	vpush v3, $0x0;
	v3 =	vld [tilespmem:$0x119E3]  }
0x239: {  	v49 =	vld [tilespmem:$0x119F0];
	[smem:$0x207] =	sst s11;
	s12 =	spop (v2sf);
	(v2sf) =	vpush v47, $0x0  }
0x23a: {  	v50 =	vld [tilespmem:$0x119F1];
	[smem:$0x208] =	sst s12;
	s14 =	spop (v2sf);
	(v2sf) =	vpush v48, $0x0  }
0x23b: {  	[smem:$0x209] =	sst s14;
	s15 =	spop (v2sf);
	(v2sf) =	vpush v1, $0x0;
	v1 =	vld [tilespmem:$0x119F2]  }
0x23c: {  	[smem:$0x20A] =	sst s15;
	s16 =	spop (v2sf);
	(v2sf) =	vpush v2, $0x0;
	v2 =	vld [tilespmem:$0x119F3]  }
0x23d: {  	[smem:$0x20B] =	sst s16;
	s21 =	spop (v2sf);
	(v2sf) =	vpush v3, $0x0;
	v3 =	vld [tilespmem:$0x11A00]  }
0x23e: {  	v51 =	vld [tilespmem:$0x11A01];
	[smem:$0x20C] =	sst s21;
	s22 =	spop (v2sf);
	(v2sf) =	vpush v49, $0x0  }
0x23f: {  	v52 =	vld [tilespmem:$0x11A02];
	[smem:$0x20D] =	sst s22;
	s23 =	spop (v2sf);
	(v2sf) =	vpush v50, $0x0  }
0x240: {  	[smem:$0x20E] =	sst s23;
	s25 =	spop (v2sf);
	(v2sf) =	vpush v1, $0x0;
	v1 =	vld [tilespmem:$0x11A03]  }
0x241: {  	[smem:$0x20F] =	sst s25;
	s26 =	spop (v2sf);
	(v2sf) =	vpush v2, $0x0;
	v2 =	vld [tilespmem:$0x11A10]  }
0x242: {  	[smem:$0x210] =	sst s26;
	s28 =	spop (v2sf);
	(v2sf) =	vpush v3, $0x0;
	v3 =	vld [tilespmem:$0x11A11]  }
0x243: {  	v53 =	vld [tilespmem:$0x11A12];
	[smem:$0x211] =	sst s28;
	s29 =	spop (v2sf);
	(v2sf) =	vpush v51, $0x0  }
0x244: {  	v54 =	vld [tilespmem:$0x11A13];
	[smem:$0x212] =	sst s29;
	s30 =	spop (v2sf);
	(v2sf) =	vpush v52, $0x0  }
0x245: {  	[smem:$0x213] =	sst s30;
	s31 =	spop (v2sf);
	(v2sf) =	vpush v1, $0x0;
	v1 =	vld [tilespmem:$0x11A20]  }
0x246: {  	[smem:$0x214] =	sst s31;
	s0 =	spop (v2sf);
	(v2sf) =	vpush v2, $0x0;
	v2 =	vld [tilespmem:$0x11A21]  }
0x247: {  	[smem:$0x215] =	sst s0;
	s3 =	spop (v2sf);
	(v2sf) =	vpush v3, $0x0;
	v3 =	vld [tilespmem:$0x11A22]  }
0x248: {  	v55 =	vld [tilespmem:$0x11A23];
	[smem:$0x216] =	sst s3;
	s5 =	spop (v2sf);
	(v2sf) =	vpush v53, $0x0  }
0x249: {  	v56 =	vld [tilespmem:$0x11A30];
	[smem:$0x217] =	sst s5;
	s6 =	spop (v2sf);
	(v2sf) =	vpush v54, $0x0  }
0x24a: {  	[smem:$0x218] =	sst s6;
	s7 =	spop (v2sf);
	(v2sf) =	vpush v1, $0x0;
	v1 =	vld [tilespmem:$0x11A31]  }
0x24b: {  	[smem:$0x219] =	sst s7;
	s9 =	spop (v2sf);
	(v2sf) =	vpush v2, $0x0;
	v2 =	vld [tilespmem:$0x11A32]  }
0x24c: {  	[smem:$0x21A] =	sst s9;
	s10 =	spop (v2sf);
	(v2sf) =	vpush v3, $0x0;
	v3 =	vld [tilespmem:$0x11A33]  }
0x24d: {  	v57 =	vld [tilespmem:$0x11A40];
	[smem:$0x21B] =	sst s10;
	s11 =	spop (v2sf);
	(v2sf) =	vpush v55, $0x0  }
0x24e: {  	v58 =	vld [tilespmem:$0x11A41];
	[smem:$0x21C] =	sst s11;
	s12 =	spop (v2sf);
	(v2sf) =	vpush v56, $0x0  }
0x24f: {  	[smem:$0x21D] =	sst s12;
	s14 =	spop (v2sf);
	(v2sf) =	vpush v1, $0x0;
	v1 =	vld [tilespmem:$0x11A42]  }
0x250: {  	[smem:$0x21E] =	sst s14;
	s15 =	spop (v2sf);
	(v2sf) =	vpush v2, $0x0;
	v2 =	vld [tilespmem:$0x11A43]  }
0x251: {  	[smem:$0x21F] =	sst s15;
	s16 =	spop (v2sf);
	(v2sf) =	vpush v3, $0x0;
	v3 =	vld [tilespmem:$0x11A50]  }
0x252: {  	v59 =	vld [tilespmem:$0x11A51];
	[smem:$0x220] =	sst s16;
	s21 =	spop (v2sf);
	(v2sf) =	vpush v57, $0x0  }
0x253: {  	v60 =	vld [tilespmem:$0x11A52];
	[smem:$0x221] =	sst s21;
	s22 =	spop (v2sf);
	(v2sf) =	vpush v58, $0x0  }
0x254: {  	[smem:$0x222] =	sst s22;
	s23 =	spop (v2sf);
	(v2sf) =	vpush v1, $0x0;
	v1 =	vld [tilespmem:$0x11A53]  }
0x255: {  	[smem:$0x223] =	sst s23;
	s25 =	spop (v2sf);
	(v2sf) =	vpush v2, $0x0;
	v2 =	vld [tilespmem:$0x11A60]  }
0x256: {  	[smem:$0x224] =	sst s25;
	s26 =	spop (v2sf);
	(v2sf) =	vpush v3, $0x0;
	v3 =	vld [tilespmem:$0x11A61]  }
0x257: {  	v61 =	vld [tilespmem:$0x11A62];
	[smem:$0x225] =	sst s26;
	s28 =	spop (v2sf);
	(v2sf) =	vpush v59, $0x0  }
0x258: {  	v62 =	vld [tilespmem:$0x11A63];
	[smem:$0x226] =	sst s28;
	s29 =	spop (v2sf);
	(v2sf) =	vpush v60, $0x0  }
0x259: {  	[smem:$0x227] =	sst s29;
	s30 =	spop (v2sf);
	(v2sf) =	vpush v1, $0x0;
	v1 =	vld [tilespmem:$0x11A70]  }
0x25a: {  	[smem:$0x228] =	sst s30;
	s31 =	spop (v2sf);
	(v2sf) =	vpush v2, $0x0;
	v2 =	vld [tilespmem:$0x11A71]  }
0x25b: {  	[smem:$0x229] =	sst s31;
	s0 =	spop (v2sf);
	(v2sf) =	vpush v3, $0x0;
	v3 =	vld [tilespmem:$0x11A72]  }
0x25c: {  	v63 =	vld [tilespmem:$0x11A73];
	[smem:$0x22A] =	sst s0;
	s3 =	spop (v2sf);
	(v2sf) =	vpush v61, $0x0  }
0x25d: {  	(v2sf) =	vpush v62, $0x0;
	[smem:$0x22B] =	sst s3;
	s5 =	spop (v2sf)  }
0x25e: {  	(v2sf) =	vpush v1, $0x0;
	[smem:$0x22C] =	sst s5;
	s6 =	spop (v2sf)  }
0x25f: {  	(v2sf) =	vpush v2, $0x0;
	[smem:$0x22D] =	sst s6;
	s7 =	spop (v2sf)  }
0x260: {  	(v2sf) =	vpush v3, $0x0;
	s5 =	spop (v2sf);
	[smem:$0x22E] =	sst s7  }
0x261: {  	[smem:$0x22F] =	sst s5;
	s9 =	spop (v2sf);
	(v2sf) =	vpush v63, $0x0  }
0x262: {  	s10 =	spop (v2sf);
	[smem:$0x230] =	sst s9  }
0x263: {  	s11 =	spop (v2sf);
	[smem:$0x231] =	sst s10  }
0x264: {  	s12 =	spop (v2sf);
	[smem:$0x232] =	sst s11  }
0x265: {  	s14 =	spop (v2sf);
	[smem:$0x233] =	sst s12  }
0x266: {  	s15 =	spop (v2sf);
	[smem:$0x234] =	sst s14  }
0x267: {  	s16 =	spop (v2sf);
	[smem:$0x235] =	sst s15  }
0x268: {  	s21 =	spop (v2sf);
	[smem:$0x236] =	sst s16  }
0x269: {  	s22 =	spop (v2sf);
	[smem:$0x237] =	sst s21  }
0x26a: {  	s23 =	spop (v2sf);
	[smem:$0x238] =	sst s22  }
0x26b: {  	s25 =	spop (v2sf);
	[smem:$0x239] =	sst s23  }
0x26c: {  	s26 =	spop (v2sf);
	[smem:$0x23A] =	sst s25  }
0x26d: {  	s28 =	spop (v2sf);
	[smem:$0x23B] =	sst s26  }
0x26e: {  	s29 =	spop (v2sf);
	[smem:$0x23C] =	sst s28  }
0x26f: {  	s30 =	spop (v2sf);
	[smem:$0x23D] =	sst s29  }
0x270: {  	[smem:$0x23E] =	sst s30;
	s31 =	spop (v2sf)  }
0x271: {  	s7 =	simm.s32 $0x0;
	s5 =	simm.s32 $0x0;
	[smem:$0x23F] =	sst s31  }
0x272: {  	s1 =	simm.s32 $0x4;
	[smem:s7] =	sst s5  }
.LBB2_15:
0x273: {  	p2 =	sne.s32 s1, $0xFC  }
0x274: {  	[smem:s7+$0x80] =	sst s4;
	s7 =	smov.u32 s1;
	s1 =	sadd.s32 $0x4, s1  }
.Ltmp9:
0x275: {  	(pc) =	sbr.rel @p2 .LBB2_15-.Ltmp9, $3  }
0x276: {  	_ =	sdelay $0x1  }
0x277: {  	s7 =	sshra.s32 s7, $0x2  }
0x278: {  	[smem:s7] =	sst s5  }
.Ltmp10:
0x279: {  	(pc) =	sbr.rel .LBB2_17-.Ltmp10, $3  }
0x27a: {  	_ =	sdelay $0x1  }
0x27b: {  	[dreg:$0x19] =	wrdreg s24  }
0x27c: {  	[smem:s7+$0x80] =	sst s4  }
.LBB2_23:
0x27d: {  	s1 =	sld [smem:s5+$0x200];
	_ =	sdelay $0x2  }
0x27e: {  	p2 =	sgt.s32 s1, $0x3F  }
0x27f: {  	s7 =	sshll.u32 @!p2 s1, $0x8  }
0x280: {  	s7 =	sshra.s32 @!p2 s7, $0x2  }
0x281: {  	s7 =	sadd.s32 @!p2 s5, s7  }
0x282: {  	v1 =	vld @!p2 [tilespmem:s7+$0x10900];
	_ =	sdelay $0x4  }
0x283: {  	(v2sf) =	vpush @!p2 v1, $0x0;
	_ =	sdelay $0xa  }
0x284: {  	[smem:s5+$0x180] =	sst s1  }
0x285: {  	s7 =	sld @!p2 [smem:s5+$0x80];
	_ =	sdelay $0x2  }
0x286: {  	s7 =	smul.f32 @!p2 $5.000000070e-02, s7;
	s9 =	spop @!p2 (v2sf)  }
0x287: {  	s9 =	smul.f32 @!p2 $9.499999880e-01, s9;
	_ =	sdelay $0x1  }
0x288: {  	s7 =	sadd.f32 @!p2 s7, s9  }
0x289: {  	s9 =	sadd.s32 @!p2 $0x100, s5  }
0x28a: {  	s5 =	sadd.s32 $0x1, s5;
	[smem:s9] =	sst @!p2 s7  }
0x28b: {  	p3 =	sne.s32 s5, $0x40;
	s7 =	sld @!p2 [smem:s1+$0x0]  }
.Ltmp11:
0x28c: {  	_ = 	snop;
	(pc) =	sbr.rel @!p3 .LBB2_24-.Ltmp11, $4  }
0x28d: {  	_ = 	snop  }
0x28e: {  	s7 =	sadd.s32 @!p2 $0x1, s7  }
0x28f: {  	[smem:s1] =	sst @!p2 s7;
	s7 =	simm.s32 @!p2 $0x3F7AE148  }
0x290: {  	[smem:s1+$0x80] =	sst @!p2 s7  }
.LBB2_17:
0x291: {  	s1 =	sld [smem:s5+$0x0];
	_ =	sdelay $0x2  }
0x292: {  	p2 =	slt.s32 s1, $0x1  }
.Ltmp12:
0x293: {  	_ = 	snop;
	(pc) =	sbr.rel @p2 .LBB2_23-.Ltmp12, $1  }
0x294: {  	_ =	sdelay $0x3  }
0x295: {  	s1 =	sshll.u32 s5, $0xB;
	s7 =	sshll.u32 s5, $0x4  }
0x296: {  	s1 =	sand.u32 $0x1C000, s1;
	s7 =	sand.u32 $0x70, s7  }
0x297: {  	s1 =	sor.u32 s7, s1  }
0x298: {  	s7 =	simm.s32 $0x0;
	s9 =	sadd.s32 s8, s1  }
0x299: {  	[tilespmem:s7], [sflag:$0x2] =	stream.strided.gather [hbm4b:s9+s18], $0x4000, s19, s18, $0x38;
	[tilespmem:$0x11E28] =	vst v63  }
0x29a: {  	_ =	swait.ge [sflag:s2], $0x4000  }
0x29b: {  	[sflag:s2] =	ssyncset.done $0x0  }
0x29c: {  	s1 =	sadd.s32 s17, s1;
	[sflag:s2] =	ssyncadd.s32 $0xFFFFC000  }
0x29d: {  	[tilespmem:s20], [sflag:$0x2] =	stream.strided.gather [hbm4b:s1+s18], $0x4000, s19, s18, $0x38;
	[tilespmem:$0x11E28] =	vst v63  }
0x29e: {  	_ =	swait.ge [sflag:s2], $0x4000  }
0x29f: {  	[sflag:s2] =	ssyncset.done $0x0  }
0x2a0: {  	[sflag:s2] =	ssyncadd.s32 $0xFFFFC000  }
0x2a1: {  	s1 =	sld [smem:$0x180];
	_ =	sdelay $0x1  }
0x2a2: {  	p2 =	sle.u32 s5, $0x0  }
0x2a3: {  	p3 =	sne.s32 @!p2 s1, s5  }
0x2a4: {  	p2 =	por p3, p2  }
0x2a5: {  	s10 =	sand.u32 @!p2 $0x30, s7;
	p2 =	por p2, p2  }
0x2a6: {  	v1 =	vld @!p2 [tilespmem:s10+$0x0]  }
0x2a7: {  	s1 =	sld [smem:$0x181]  }
0x2a8: {  	s9 =	sand.u32 @!p2 $0xF, s7;
	s11 =	sld @!p2 [smem:$0x100]  }
0x2a9: {  	p3 =	sle.u32 s5, $0x1;
	v3 =	vlaneseq.u32 @!p2;
	v2 =	vmov @!p2 s9  }
0x2aa: {  	vm2 =	veq.s32 @!p2 v2, v3;
	p4 =	sne.s32 @!p3 s1, s5  }
0x2ab: {  	s9 =	simm.s32 $0x1;
	p3 =	por p4, p3;
	v1 =	vsel @!p2 vm2, s11, v1  }
0x2ac: {  	s1 =	sand.u32 @!p3 $0x30, s9;
	[tilespmem:s10+$0x0] =	vst @!p2 v1;
	p2 =	por p3, p3  }
0x2ad: {  	s12 =	simm.s32 $0x182;
	s11 =	simm.s32 $0x2;
	s10 =	simm.s32 $0x100;
	v1 =	vld @!p2 [tilespmem:s1+$0x0]  }
.LBB2_19:
0x2ae: {  	s14 =	sld [smem:s12+$0x0]  }
0x2af: {  	s10 =	sadd.s32 $0x1, s10;
	s15 =	smov.u32 s11;
	s11 =	sadd.s32 $0x1, s11  }
0x2b0: {  	s9 =	sand.u32 @!p2 $0xF, s9;
	p3 =	sne.s32 s11, $0x40;
	s16 =	sld @!p2 [smem:s10+$0x0]  }
.Ltmp13:
0x2b1: {  	v3 =	vlaneseq.u32 @!p2;
	p4 =	sge.u32 s15, s5;
	v2 =	vmov @!p2 s9;
	s9 =	smov.u32 s15;
	(pc) =	sbr.rel @p3 .LBB2_19-.Ltmp13, $4  }
0x2b2: {  	vm2 =	veq.s32 @!p2 v2, v3;
	p5 =	sne.s32 @!p4 s14, s5  }
0x2b3: {  	p4 =	por p5, p4;
	v1 =	vsel @!p2 vm2, s16, v1  }
0x2b4: {  	[tilespmem:s1+$0x0] =	vst @!p2 v1;
	s1 =	sand.u32 @!p4 $0x30, s9;
	p2 =	por p4, p4  }
0x2b5: {  	s12 =	sadd.s32 $0x1, s12;
	v1 =	vld @!p2 [tilespmem:s1+$0x0]  }
0x2b6: {  	s10 =	sadd.s32 $0x1, s10  }
0x2b7: {  	s9 =	sand.u32 @!p2 $0xF, s9;
	s10 =	sld @!p2 [smem:s10+$0x0]  }
0x2b8: {  	v3 =	vlaneseq.u32 @!p2;
	v2 =	vmov @!p2 s9  }
0x2b9: {  	vm2 =	veq.s32 @!p2 v2, v3  }
0x2ba: {  	v1 =	vsel @!p2 vm2, s10, v1  }
0x2bb: {  	s25 =	simm.s32 $0x4020;
	[tilespmem:s1+$0x0] =	vst @!p2 v1  }
0x2bc: {  	s26 =	simm.s32 $0x20;
	v3 =	vld [tilespmem:s25+$0xFFFFFFE0]  }
0x2bd: {  	v1 =	vld [tilespmem:s26+$0xFFFFFFE0]  }
0x2be: {  	v2 =	vld [tilespmem:s26+$0xFFFFFFF0]  }
0x2bf: {  	v4 =	vld [tilespmem:s26+$0x0]  }
0x2c0: {  	v5 =	vld [tilespmem:s26+$0x10]  }
0x2c1: {  	v6 =	vld [tilespmem:s25+$0xFFFFFFF0]  }
0x2c2: {  	v11 =	vor.u32 s7, v0;
	s28 =	simm.s32 $0x10;
	s29 =	simm.s32 $0x20;
	v8 =	vld [tilespmem:s25+$0x0]  }
0x2c3: {  	v12 =	vor.u32 s28, v0;
	v13 =	vor.u32 s29, v0;
	v9 =	vld [tilespmem:s25+$0x10];
	v7 =	vmax.f32 v1, $0.0e+00  }
0x2c4: {  	v10 =	vmax.f32 v2, $0.0e+00;
	v4 =	vmax.f32 v4, $0.0e+00;
	v7 =	vadd.f32 $9.999999970e-07, v7  }
0x2c5: {  	v5 =	vmax.f32 v5, $0.0e+00;
	v10 =	vadd.f32 $9.999999970e-07, v10;
	v4 =	vadd.f32 $9.999999970e-07, v4  }
0x2c6: {  	s1 =	simm.s32 $0x60;
	v1 =	vimm.f32 $-1.000000000e+00;
	v5 =	vadd.f32 $9.999999970e-07, v5;
	v3 =	vmul.f32 v7, v3  }
0x2c7: {  	s30 =	simm.s32 $0x30;
	v14 =	vld [tilespmem:s1+$0xFFFFFFE0];
	v2 =	vimm.s32 $0x0;
	v15 =	vmul.f32 v10, v6;
	v19 =	vmul.f32 v4, v8  }
0x2c8: {  	v17 =	vld [tilespmem:s1+$0xFFFFFFF0];
	v10 =	vmul.f32 v5, v9;
	v8 =	vor.u32 s30, v0;
	v9 =	vimm.f32 $-1.000000000e+00  }
0x2c9: {  	v16 =	vld [tilespmem:s1+$0x0];
	v6 =	vimm.f32 $-1.000000000e+00;
	vm2 =	vgt.f32 v3, v1;
	vm3 =	vgt.f32 v15, v1  }
0x2ca: {  	s31 =	simm.s32 $0x4060;
	v18 =	vld [tilespmem:s1+$0x10];
	vm4 =	vgt.f32 v19, v1;
	v4 =	vsel vm2, v3, v1;
	v5 =	vsel vm2, v11, v2  }
0x2cb: {  	s7 =	simm.s32 $0x40;
	s9 =	simm.s32 $0x80;
	v7 =	vld [tilespmem:s31+$0xFFFFFFE0];
	vm2 =	vgt.f32 v10, v1;
	v11 =	vimm.s32 $0x0;
	v3 =	vimm.s32 $0x0  }
.LBB2_21:
0x2cc: {  	p2 =	sne.s32 s9, $0x3FC0;
	v20 =	vld [tilespmem:s31+$0xFFFFFFF0];
	v1 =	vsel vm3, v15, v1;
	v9 =	vsel vm4, v19, v9;
	v6 =	vsel vm2, v10, v6  }
0x2cd: {  	v2 =	vsel vm3, v12, v2;
	v11 =	vsel vm4, v13, v11;
	v3 =	vsel vm2, v8, v3;
	v10 =	vld [tilespmem:s31+$0x0]  }
0x2ce: {  	v8 =	vmax.f32 v14, $0.0e+00;
	v21 =	vld [tilespmem:s31+$0x10]  }
0x2cf: {  	v22 =	vor.u32 s7, v0;
	v8 =	vadd.f32 $9.999999970e-07, v8;
	v12 =	vmax.f32 v17, $0.0e+00  }
0x2d0: {  	s10 =	sadd.s32 $0x10, s7;
	s31 =	sadd.s32 $0x40, s31;
	v12 =	vadd.f32 $9.999999970e-07, v12;
	v13 =	vmax.f32 v16, $0.0e+00;
	v14 =	vmax.f32 v18, $0.0e+00  }
.Ltmp14:
0x2d1: {  	s11 =	sadd.s32 $0x20, s7;
	s1 =	sadd.s32 $0x40, s1;
	v8 =	vmul.f32 v8, v7;
	v16 =	vadd.f32 $9.999999970e-07, v13;
	v7 =	vld [tilespmem:s31+$0xFFFFFFE0];
	v18 =	vadd.f32 $9.999999970e-07, v14;
	(pc) =	sbr.rel @p2 .LBB2_21-.Ltmp14, $4  }
0x2d2: {  	v13 =	vor.u32 s11, v0;
	v15 =	vmul.f32 v12, v20;
	v12 =	vor.u32 s10, v0;
	v14 =	vld [tilespmem:s1+$0xFFFFFFE0]  }
0x2d3: {  	s10 =	sadd.s32 $0x30, s7;
	s7 =	smov.u32 s9;
	vm2 =	vgt.f32 v8, v4;
	v19 =	vmul.f32 v16, v10;
	v17 =	vld [tilespmem:s1+$0xFFFFFFF0];
	v10 =	vmul.f32 v18, v21  }
0x2d4: {  	v4 =	vsel vm2, v8, v4;
	v5 =	vsel vm2, v22, v5;
	v8 =	vor.u32 s10, v0;
	v16 =	vld [tilespmem:s1+$0x0]  }
0x2d5: {  	s9 =	sadd.s32 $0x40, s9;
	vm3 =	vgt.f32 v15, v1;
	vm4 =	vgt.f32 v19, v9;
	v18 =	vld [tilespmem:s1+$0x10];
	vm2 =	vgt.f32 v10, v6  }
0x2d6: {  	v20 =	vld [tilespmem:s31+$0xFFFFFFF0]  }
0x2d7: {  	v14 =	vmax.f32 v14, $0.0e+00  }
0x2d8: {  	v14 =	vadd.f32 $9.999999970e-07, v14;
	v17 =	vmax.f32 v17, $0.0e+00  }
0x2d9: {  	v1 =	vsel vm3, v15, v1;
	v9 =	vsel vm4, v19, v9;
	v46 =	vadd.f32 $9.999999970e-07, v17  }
0x2da: {  	v47 =	vld [tilespmem:s31+$0x0];
	v2 =	vsel vm3, v12, v2;
	v11 =	vsel vm4, v13, v11;
	s1 =	sadd.s32 $0x10, s7;
	v7 =	vmul.f32 v14, v7  }
0x2db: {  	v48 =	vor.u32 s7, v0;
	v53 =	vor.u32 s1, v0;
	v50 =	vmul.f32 v46, v20  }
0x2dc: {  	v49 =	vmax.f32 v16, $0.0e+00;
	v51 =	vmax.f32 v18, $0.0e+00;
	vm3 =	vgt.f32 v7, v4  }
0x2dd: {  	v52 =	vld [tilespmem:s31+$0x10];
	v13 =	vadd.f32 $9.999999970e-07, v49;
	v4 =	vsel vm3, v7, v4;
	vm4 =	vgt.f32 v50, v1  }
0x2de: {  	v5 =	vsel vm3, v48, v5;
	v1 =	vsel vm4, v50, v1;
	v2 =	vsel vm4, v53, v2  }
0x2df: {  	v54 =	vmul.f32 v13, v47;
	vm3 =	veq.f32 v1, v4;
	vm4 =	vlt.s32 v2, v5  }
0x2e0: {  	v55 =	vadd.f32 $9.999999970e-07, v51;
	vm3 =	vmand vm3, vm4;
	vm4 =	vgt.f32 v1, v4  }
0x2e1: {  	v6 =	vsel vm2, v10, v6;
	s29 =	sadd.s32 $0x20, s7;
	vm3 =	vmor vm4, vm3;
	vm4 =	vgt.f32 v54, v9  }
0x2e2: {  	v56 =	vor.u32 s29, v0;
	v12 =	vmul.f32 v55, v52;
	v7 =	vsel vm4, v54, v9  }
0x2e3: {  	v57 =	vsel vm4, v56, v11;
	v1 =	vsel vm3, v1, v4;
	v2 =	vsel vm3, v2, v5  }
0x2e4: {  	v3 =	vsel vm2, v8, v3;
	vm2 =	veq.f32 v7, v1;
	vm3 =	vlt.s32 v57, v2  }
0x2e5: {  	s30 =	sadd.s32 $0x30, s7;
	vm4 =	vgt.f32 v12, v6;
	vm2 =	vmand vm2, vm3;
	vm3 =	vgt.f32 v7, v1  }
0x2e6: {  	v58 =	vor.u32 s30, v0;
	v59 =	vsel vm4, v12, v6;
	vm2 =	vmor vm3, vm2  }
0x2e7: {  	v3 =	vsel vm4, v58, v3;
	v1 =	vsel vm2, v7, v1;
	v2 =	vsel vm2, v57, v2  }
0x2e8: {  	vm2 =	veq.f32 v59, v1;
	vm3 =	vlt.s32 v3, v2  }
0x2e9: {  	vm4 =	vgt.f32 v59, v1;
	vm2 =	vmand vm2, vm3  }
0x2ea: {  	vm2 =	vmor vm4, vm2  }
0x2eb: {  	v1 =	vsel vm2, v59, v1  }
0x2ec: {  	[tilespmem:$0x11C00] =	vst v1  }
0x2ed: {  	[tilespmem:$0x11C10] =	vst v1  }
0x2ee: {  	v60 =	vld [tilespmem:$0x11C08];
	_ =	sdelay $0x4  }
0x2ef: {  	v4 =	vmax.f32 v1, v60  }
0x2f0: {  	[tilespmem:$0x11C00] =	vst v4  }
0x2f1: {  	[tilespmem:$0x11C10] =	vst v4  }
0x2f2: {  	v61 =	vld [tilespmem:$0x11C04];
	_ =	sdelay $0x4  }
0x2f3: {  	v4 =	vmax.f32 v4, v61  }
0x2f4: {  	[tilespmem:$0x11C00] =	vst v4  }
0x2f5: {  	[tilespmem:$0x11C10] =	vst v4  }
0x2f6: {  	v62 =	vld [tilespmem:$0x11C02];
	_ =	sdelay $0x4  }
0x2f7: {  	v4 =	vmax.f32 v4, v62  }
0x2f8: {  	[tilespmem:$0x11C00] =	vst v4  }
0x2f9: {  	[tilespmem:$0x11C10] =	vst v4  }
0x2fa: {  	v63 =	vld [tilespmem:$0x11C01];
	_ =	sdelay $0x4  }
0x2fb: {  	v4 =	vmax.f32 v4, v63  }
0x2fc: {  	v2 =	vsel vm2, v3, v2;
	vm2 =	veq.f32 v1, v4  }
0x2fd: {  	v1 =	vnsel vm2, $0x4000, v2  }
0x2fe: {  	[tilespmem:$0x11C80] =	vst v1  }
0x2ff: {  	[tilespmem:$0x11C90] =	vst v1  }
0x300: {  	v2 =	vld [tilespmem:$0x11C88];
	_ =	sdelay $0x4  }
0x301: {  	vm2 =	vlt.s32 v1, v2  }
0x302: {  	v1 =	vsel vm2, v1, v2  }
0x303: {  	[tilespmem:$0x11C80] =	vst v1  }
0x304: {  	[tilespmem:$0x11C90] =	vst v1  }
0x305: {  	v2 =	vld [tilespmem:$0x11C84];
	_ =	sdelay $0x4  }
0x306: {  	vm2 =	vlt.s32 v1, v2  }
0x307: {  	v1 =	vsel vm2, v1, v2  }
0x308: {  	[tilespmem:$0x11C80] =	vst v1  }
0x309: {  	[tilespmem:$0x11C90] =	vst v1  }
0x30a: {  	v2 =	vld [tilespmem:$0x11C82];
	_ =	sdelay $0x4  }
0x30b: {  	vm2 =	vlt.s32 v1, v2  }
0x30c: {  	v1 =	vsel vm2, v1, v2  }
0x30d: {  	[tilespmem:$0x11C80] =	vst v1  }
0x30e: {  	[tilespmem:$0x11C90] =	vst v1  }
0x30f: {  	v2 =	vld [tilespmem:$0x11C81];
	_ =	sdelay $0x4  }
0x310: {  	vm2 =	vlt.s32 v1, v2  }
0x311: {  	v1 =	vsel vm2, v1, v2  }
0x312: {  	(v2sf) =	vpush v1, $0x0;
	_ =	sdelay $0xb  }
.Ltmp15:
0x313: {  	_ = 	snop;
	(pc) =	sbr.rel .LBB2_23-.Ltmp15, $3  }
0x314: {  	_ =	sdelay $0x1  }
0x315: {  	s31 =	spop (v2sf)  }
0x316: {  	[smem:s5+$0x200] =	sst s31  }
.LBB2_24:
0x317: {  	s14 =	sld [smem:$0x180]  }
0x318: {  	s16 =	sld [smem:$0x181]  }
0x319: {  	s18 =	sld [smem:$0x182]  }
0x31a: {  	s19 =	sld [smem:$0x183]  }
0x31b: {  	s20 =	sld [smem:$0x184]  }
0x31c: {  	s21 =	sld [smem:$0x185]  }
0x31d: {  	s22 =	sld [smem:$0x186]  }
0x31e: {  	s23 =	sld [smem:$0x187]  }
0x31f: {  	s24 =	sld [smem:$0x188]  }
0x320: {  	s6 =	sld [smem:$0x189]  }
0x321: {  	s25 =	sld [smem:$0x18A]  }
0x322: {  	s7 =	sld [smem:$0x18B]  }
0x323: {  	s29 =	sld [smem:$0x18C]  }
0x324: {  	s30 =	sld [smem:$0x18D]  }
0x325: {  	s9 =	sld [smem:$0x18E]  }
0x326: {  	s8 =	sld [smem:$0x18F]  }
0x327: {  	s26 =	sld [smem:$0x190]  }
0x328: {  	s28 =	sld [smem:$0x191]  }
0x329: {  	s10 =	sld [smem:$0x192]  }
0x32a: {  	s11 =	sld [smem:$0x193]  }
0x32b: {  	s15 =	sld [smem:$0x194]  }
0x32c: {  	s31 =	smov.u32 s17;
	s17 =	sld [smem:$0x195]  }
0x32d: {  	s0 =	sld [smem:$0x196]  }
0x32e: {  	s1 =	sld [smem:$0x197]  }
0x32f: {  	s3 =	sld [smem:$0x198]  }
0x330: {  	s5 =	sld [smem:$0x199]  }
0x331: {  	s12 =	sld [smem:$0x19A]  }
0x332: {  	[smem:$0x7FB] =	sst s0  }
0x333: {  	[smem:$0x7FC] =	sst s1  }
0x334: {  	[smem:$0x7FD] =	sst s3  }
0x335: {  	[dreg:$0x1f] =	wrdreg s5  }
0x336: {  	[dreg:$0x1e] =	wrdreg s12  }
0x337: {  	s1 =	sld [smem:$0x19B]  }
0x338: {  	s3 =	sld [smem:$0x19C]  }
0x339: {  	s5 =	sld [smem:$0x19D]  }
0x33a: {  	s12 =	sld [smem:$0x19E]  }
0x33b: {  	s0 =	sld [smem:$0x19F]  }
0x33c: {  	vm2 =	vcmask $0x300;
	v1 =	vmov s8;
	s8 =	sld [smem:$0x1A3]  }
0x33d: {  	vm3 =	vcmask $0x704;
	v1 =	vsel vm2, s14, v1;
	s14 =	sld [smem:$0x1A4]  }
0x33e: {  	v1 =	vsel vm3, s16, v1;
	s16 =	sld [smem:$0x1A5]  }
0x33f: {  	[dreg:$0x1d] =	wrdreg s1  }
0x340: {  	[dreg:$0x1c] =	wrdreg s3  }
0x341: {  	[dreg:$0x1b] =	wrdreg s5  }
0x342: {  	[dreg:$0x1a] =	wrdreg s12  }
0x343: {  	s1 =	sld [smem:$0x1A0]  }
0x344: {  	s3 =	sld [smem:$0x1A1]  }
0x345: {  	s5 =	sld [smem:$0x1A2]  }
0x346: {  	v1 =	vsel vm5, s18, v1;
	s18 =	sld [smem:$0x1A6]  }
0x347: {  	s12 =	sld [smem:$0x1AA]  }
0x348: {  	v2 =	vmov s0;
	v1 =	vsel vm6, s19, v1;
	s19 =	sld [smem:$0x1A7]  }
0x349: {  	v2 =	vsel vm2, s26, v2;
	s26 =	sld [smem:$0x7FB]  }
0x34a: {  	v1 =	vsel vm7, s20, v1;
	s20 =	sld [smem:$0x1A8]  }
0x34b: {  	v2 =	vsel vm3, s28, v2;
	s28 =	sld [smem:$0x1B7]  }
0x34c: {  	v1 =	vsel vm8, s21, v1;
	s21 =	sld [smem:$0x1A9]  }
0x34d: {  	v2 =	vsel vm5, s10, v2;
	s10 =	sld [smem:$0x1B3]  }
0x34e: {  	v1 =	vsel vm9, s22, v1;
	s22 =	sld [smem:$0x1AB]  }
0x34f: {  	v2 =	vsel vm6, s11, v2;
	s11 =	sld [smem:$0x1B4]  }
0x350: {  	v1 =	vsel vm10, s23, v1;
	s23 =	sld [smem:$0x1AD]  }
0x351: {  	v2 =	vsel vm7, s15, v2;
	s15 =	sld [smem:$0x1B5]  }
0x352: {  	v1 =	vsel vm11, s24, v1;
	s24 =	sld [smem:$0x1AC]  }
0x353: {  	v2 =	vsel vm8, s17, v2;
	s17 =	smov.u32 s31;
	s31 =	sld [smem:$0x7FD]  }
0x354: {  	v1 =	vsel vm12, s6, v1;
	s6 =	sld [smem:$0x1AE]  }
0x355: {  	v2 =	vsel vm9, s26, v2;
	s26 =	rddreg [dreg:$0x1b]  }
0x356: {  	v1 =	vsel vm13, s25, v1;
	s25 =	sld [smem:$0x1BF]  }
0x357: {  	v1 =	vsel vm14, s7, v1;
	s7 =	sld [smem:$0x1AF]  }
0x358: {  	v1 =	vsel vm15, s29, v1;
	s29 =	sld [smem:$0x1B0]  }
0x359: {  	v1 =	vsel vm0, s30, v1;
	s30 =	sld [smem:$0x1B1]  }
0x35a: {  	v4 =	vmov s25;
	s25 =	sld [smem:$0x1B6]  }
0x35b: {  	v1 =	vsel vm1, s9, v1;
	v3 =	vmov s7;
	s9 =	sld [smem:$0x1B2]  }
0x35c: {  	s7 =	sld [smem:$0x1B9];
	v3 =	vsel vm2, s1, v3  }
0x35d: {  	v4 =	vsel vm2, s29, v4;
	s29 =	sld [smem:$0x7FC];
	v3 =	vsel vm3, s3, v3  }
0x35e: {  	v4 =	vsel vm3, s30, v4;
	s30 =	sld [smem:$0x1B8];
	v3 =	vsel vm5, s5, v3  }
0x35f: {  	v4 =	vsel vm5, s9, v4;
	s9 =	rddreg [dreg:$0x1f];
	v3 =	vsel vm6, s8, v3  }
0x360: {  	v4 =	vsel vm6, s10, v4;
	s10 =	sld [smem:$0x1BA];
	v3 =	vsel vm7, s14, v3  }
0x361: {  	v2 =	vsel vm10, s29, v2;
	s29 =	rddreg [dreg:$0x1a];
	v4 =	vsel vm7, s11, v4;
	v3 =	vsel vm8, s16, v3  }
0x362: {  	s11 =	rddreg [dreg:$0x1e];
	v4 =	vsel vm8, s15, v4;
	v3 =	vsel vm9, s18, v3  }
0x363: {  	v2 =	vsel vm11, s31, v2;
	s14 =	sld [smem:$0x1BB];
	v4 =	vsel vm9, s25, v4;
	v3 =	vsel vm10, s19, v3  }
0x364: {  	v2 =	vsel vm12, s9, v2;
	s15 =	rddreg [dreg:$0x1d];
	v4 =	vsel vm10, s28, v4;
	v3 =	vsel vm11, s20, v3  }
0x365: {  	s16 =	sld [smem:$0x1BC];
	v2 =	vsel vm13, s11, v2;
	v4 =	vsel vm11, s30, v4;
	v3 =	vsel vm12, s21, v3  }
0x366: {  	v2 =	vsel vm14, s15, v2;
	v4 =	vsel vm12, s7, v4;
	s21 =	rddreg [dreg:$0x1c];
	v3 =	vsel vm13, s12, v3  }
0x367: {  	s25 =	sld [smem:$0x1BD];
	v2 =	vsel vm15, s21, v2;
	v4 =	vsel vm13, s10, v4;
	v3 =	vsel vm14, s22, v3  }
0x368: {  	s28 =	sld [smem:$0x1BE];
	v2 =	vsel vm0, s26, v2;
	v4 =	vsel vm14, s14, v4;
	v3 =	vsel vm15, s24, v3  }
0x369: {  	[tilespmem:$0x11B00] =	vst v1;
	v1 =	vsel vm1, s29, v2;
	v2 =	vsel vm0, s23, v3;
	v3 =	vsel vm15, s16, v4  }
0x36a: {  	[tilespmem:$0x11B10] =	vst v1;
	v1 =	vsel vm1, s6, v2;
	v2 =	vsel vm0, s25, v3  }
0x36b: {  	[tilespmem:$0x11B20] =	vst v1;
	v1 =	vsel vm1, s28, v2  }
0x36c: {  	s31 =	simm.s32 $0x11B00;
	s30 =	rddreg [dreg:$0x3];
	s16 =	simm.s32 $0x0;
	[tilespmem:$0x11B30] =	vst v1  }
0x36d: {  	[hbm4b:s30+s16] =	stream.linear.scatter [tilespmem:s31], [sflag:$0x2], $0x80, $0x38;
	[tilespmem:$0x11E28] =	vst v63  }
0x36e: {  	s8 =	rddreg [dreg:$0x0];
	_ =	swait.ge [sflag:s2], $0x80  }
0x36f: {  	[sflag:s2] =	ssyncset.done $0x0  }
0x370: {  	s18 =	simm.s32 $0x80;
	[sflag:s2] =	ssyncadd.s32 $0xFFFFFF80  }
0x371: {  	s19 =	simm.s32 $0x400;
	s15 =	simm.s32 $0x1;
	s14 =	rddreg [dreg:$0x7]  }
0x372: {  	[spmem:s14] =	stream.linear.scatter [tilespmem:s31], [sflag:$0x2], $0x40, $0x38;
	[tilespmem:$0x11E28] =	vst v63  }
0x373: {  	s20 =	simm.s32 $0x4000;
	s21 =	simm.s32 $0x8000;
	_ =	swait.ge [sflag:s2], $0x40  }
0x374: {  	s22 =	simm.s32 $0xC000;
	[sflag:s2] =	ssyncset.done $0x0;
	s6 =	rddreg [dreg:$0x18]  }
0x375: {  	s23 =	simm.s32 $0x10880;
	s24 =	rddreg [dreg:$0x19];
	[sflag:s2] =	ssyncadd.s32 $0xFFFFFFC0  }
.LBB2_25:
.Ltmp16:
0x376: {  	(pc) =	sbr.rel @p0 .LBB2_29-.Ltmp16, $2  }
0x377: {  	_ =	sdelay $0x1  }
0x378: {  	[bflag:$0x0] =	sbarrier.arrive $0xFFFF;
	_ =	sdelay $0x1  }
0x379: {  	s0 =	simm.s32 $0x11B80  }
0x37a: {  	[tilespmem:s0], [sflag:$0x2] =	stream.linear.gather [spmem:s14], $0x80, $0x38;
	[tilespmem:$0x11E28] =	vst v63  }
0x37b: {  	_ =	swait.ge [sflag:s2], $0x80  }
0x37c: {  	[sflag:s2] =	ssyncset.done $0x0  }
0x37d: {  	s31 =	simm.s32 $0x0;
	[sflag:s2] =	ssyncadd.s32 $0xFFFFFF80  }
0x37e: {  	v1 =	vld [tilespmem:s31+$0x11B80];
	_ =	sdelay $0x4  }
0x37f: {  	(v2sf) =	vpush v1, $0x0;
	_ =	sdelay $0xe  }
0x380: {  	s0 =	spop (v2sf)  }
0x381: {  	s1 =	ssub.s32 s0, s13  }
0x382: {  	p3 =	sgt.u32 s1, $0x3FF  }
0x383: {  	s3 =	sand.u32 @!p3 $0xF, s0  }
0x384: {  	p2 =	seq.s32 @!p3 s0, s13;
	p4 =	sne.s32 @!p3 s3, $0x0  }
0x385: {  	p2 =	por @!p3 !p2, !p4  }
0x386: {  	p2 =	por @!p3 !p2, !p2  }
0x387: {  	s0 =	simm.s32 @!p3 $0xFFFFFFFF;
	p2 =	por !p2, p3  }
0x388: {  	s0 =	simm.s32 @p2 $0x0  }
0x389: {  	s0 =	sshll.u32 @!p3 s0, $0x4  }
0x38a: {  	s0 =	sadd.s32 @!p3 s1, s0  }
0x38b: {  	s5 =	sand.u32 @!p3 $0xFFFFFFF0, s0  }
0x38c: {  	v1 =	vld @!p3 [tilespmem:s5+$0x10400];
	_ =	sdelay $0x1  }
0x38d: {  	s0 =	ssub.s32 @!p3 s1, s5  }
0x38e: {  	v3 =	vlaneseq.u32 @!p3;
	v2 =	vmov @!p3 s0  }
0x38f: {  	vm2 =	veq.s32 @!p3 v2, v3  }
0x390: {  	s1 =	simm.s32 $0x4;
	v1 =	vsel @!p3 vm2, $0x3F7AE148, v1  }
.LBB2_27:
0x391: {  	s0 =	sshra.s32 s1, $0x2;
	s1 =	sadd.s32 $0x4, s1;
	[tilespmem:s5+$0x10400] =	vst @!p3 v1  }
0x392: {  	v1 =	vld [tilespmem:s0+$0x11B80];
	p2 =	sne.s32 s1, $0x100;
	_ =	sdelay $0x4  }
0x393: {  	(v2sf) =	vpush v1, $0x0;
	_ =	sdelay $0xe  }
0x394: {  	s0 =	spop (v2sf)  }
0x395: {  	s3 =	ssub.s32 s0, s13  }
0x396: {  	p3 =	sgt.u32 s3, $0x3FF  }
0x397: {  	s5 =	sand.u32 @!p3 $0xF, s0  }
0x398: {  	p4 =	seq.s32 @!p3 s0, s13;
	p5 =	sne.s32 @!p3 s5, $0x0  }
0x399: {  	p4 =	por @!p3 !p4, !p5  }
0x39a: {  	p4 =	por @!p3 !p4, !p4  }
0x39b: {  	s0 =	simm.s32 @!p3 $0xFFFFFFFF;
	p4 =	por !p4, p3  }
0x39c: {  	s0 =	simm.s32 @p4 $0x0  }
0x39d: {  	s0 =	sshll.u32 @!p3 s0, $0x4  }
0x39e: {  	s0 =	sadd.s32 @!p3 s3, s0  }
0x39f: {  	s5 =	sand.u32 @!p3 $0xFFFFFFF0, s0  }
0x3a0: {  	v1 =	vld @!p3 [tilespmem:s5+$0x10400]  }
.Ltmp17:
0x3a1: {  	(pc) =	sbr.rel @p2 .LBB2_27-.Ltmp17, $4  }
0x3a2: {  	s0 =	ssub.s32 @!p3 s3, s5  }
0x3a3: {  	v3 =	vlaneseq.u32 @!p3;
	v2 =	vmov @!p3 s0  }
0x3a4: {  	vm2 =	veq.s32 @!p3 v2, v3  }
0x3a5: {  	v1 =	vsel @!p3 vm2, $0x3F7AE148, v1  }
.Ltmp18:
0x3a6: {  	[tilespmem:s5+$0x10400] =	vst @!p3 v1;
	s0 =	rddreg [dreg:$0x12];
	s1 =	simm.s32 $0x10400;
	(pc) =	sbr.rel .LBB2_29-.Ltmp18, $4  }
0x3a7: {  	[hbm4b:s0+s16] =	stream.linear.scatter [tilespmem:s1], [sflag:$0x2], $0x400, $0x38;
	[tilespmem:$0x11E28] =	vst v63  }
0x3a8: {  	_ =	swait.ge [sflag:s2], $0x400  }
0x3a9: {  	[sflag:s2] =	ssyncset.done $0x0  }
0x3aa: {  	[sflag:s2] =	ssyncadd.s32 $0xFFFFFC00  }
.LBB2_30:
0x3ab: {  	_ =	sfence.sel $0x180000  }
0x3ac: {  	[bflag:$0x0] =	sbarrier.arrive $0xFFFF  }
0x3ad: {  	_ =	strace $0x90000047  }
0x3ae: {  	s0 =	stileid.u32;
	[bflag:$0x2] =	sbarrier.arrive $0xFFFF  }
0x3af: {  	p0 =	sne.s32 s0, $0x0;
	s0 =	rddreg [dreg:$0x8]  }
0x3b0: {  	s0 =	sadd.s32 @!p0 $0x100000, s0  }
0x3b1: {  	[sflag:s0] =	ssyncadd.tile.s32 @!p0 $0x1;
	_ =	shalt  }
.Lfunc_end2:
_tile_overlayer_lowered:
.L_overlay_start_2:
0x3b2: {  	(tag) =	ssettag $0x2  }
0x3b3: {  	s0 =	rddreg [dreg:$0x0];
	s2 =	stileid.u32  }
0x3b4: {  	s1 =	rddreg [dreg:$0x1];
	p0 =	sne.s32 s2, $0x0  }
0x3b5: {  	s3 =	rddreg [dreg:$0x2];
	[bflag:$0x3] =	sbarrier.arrive $0xFFFF;
	s2 =	simm.s32 @!p0 $0x1C02  }
0x3b6: {  	[timem:s3], [sflag:s2] =	dma.local @!p0 [hbm:s0], s1  }
0x3b7: {  	s0 =	simm.s32 @!p0 $0x2  }
0x3b8: {  	_ =	swait.ge @!p0 [sflag:s0], s1  }
0x3b9: {  	s1 =	ssub.s32 @!p0 $0x0, s1;
	[sflag:s0] =	ssyncset.done @!p0 $0x0  }
0x3ba: {  	[sflag:s0] =	ssyncadd.s32 @!p0 s1  }
0x3bb: {  	[bflag:$0x3] =	sbarrier.arrive $0xFFFF  }
0x3bc: {  	_ =	shalt  }

</sc_bundles>
